<compile_context>
chip_gen: v7x
topology: tpu7x:2x2x1
jax: 0.10.2.dev20260603
libtpu: 0.0.44.dev20260713+nightly
codegen_flags: <defaults>
</compile_context>

<pallas_src>
import functools

import jax
import jax.numpy as jnp
from jax import lax
from jax.experimental import pallas as pl
from jax.experimental.pallas import tpu as pltpu
from jax.experimental.pallas import tpu_sc as plsc

N = 10000
E = 160000
IN_C = 256
HID = 256
NCLS = 8

NP = 10240
DUMMY = N
ROWS_PT = NP // 16
EB = 128
EP = 163840
NBLK = EP // EB
QW = 64
CW = 16

_mesh = plsc.VectorSubcoreMesh(core_axis_name="c", subcore_axis_name="s")


@functools.partial(
    pl.kernel,
    out_type=jax.ShapeDtypeStruct((2, NP, CW), jnp.float32),
    mesh=_mesh,
    scratch_types=[
        pltpu.VMEM((NBLK // 32, EB), jnp.int32),
        pltpu.VMEM((EB, CW), jnp.float32),
        pltpu.VMEM((EB, CW), jnp.float32),
        pltpu.VMEM_SHARED((NP, CW), jnp.float32),
    ],
)
def _deg_kernel(dst_hbm, out_hbm, dst_buf, ones_buf, zero_buf, acc):
    c = lax.axis_index("c")
    s = lax.axis_index("s")
    blocks_per_tile = NBLK // 32

    onehot = jnp.where(lax.iota(jnp.int32, 16) == 0, 1.0, 0.0).astype(jnp.float32)
    zeros16 = jnp.zeros((16,), jnp.float32)
    for r in range(EB):
        ones_buf[r] = onehot
        zero_buf[r] = zeros16

    for k in range(ROWS_PT // EB):
        pltpu.sync_copy(zero_buf, acc.at[pl.ds(s * ROWS_PT + k * EB, EB)])

    base_blk = c * (NBLK // 2) + s * blocks_per_tile
    pltpu.sync_copy(dst_hbm.at[pl.ds(base_blk, blocks_per_tile)], dst_buf)
    plsc.subcore_barrier()

    def body(j, carry):
        pltpu.sync_copy(ones_buf, acc.at[dst_buf.at[j]], add=True)
        return carry

    lax.fori_loop(0, blocks_per_tile, body, 0)
    plsc.subcore_barrier()
    pltpu.sync_copy(acc.at[pl.ds(s * ROWS_PT, ROWS_PT)],
                    out_hbm.at[c, pl.ds(s * ROWS_PT, ROWS_PT)])


@functools.partial(
    pl.kernel,
    out_type=jax.ShapeDtypeStruct((4, NP, QW), jnp.float32),
    mesh=_mesh,
    scratch_types=[
        pltpu.VMEM((NBLK // 16, EB), jnp.int32),
        pltpu.VMEM((NBLK // 16, EB), jnp.int32),
        [pltpu.VMEM((EB, QW), jnp.float32)] * 4,
        [pltpu.SemaphoreType.DMA] * 4,
        [pltpu.SemaphoreType.DMA] * 4,
        pltpu.VMEM_SHARED((NP, QW), jnp.float32),
    ],
    compiler_params=pltpu.CompilerParams(use_tc_tiling_on_sc=False),
)
def _agg1_kernel(hs4_hbm, src_hbm, dst_hbm, out_hbm,
                 src_buf, dst_buf, rows, gsem, ssem, acc):
    c = lax.axis_index("c")
    s = lax.axis_index("s")
    bpt = NBLK // 16
    NR = 4

    pltpu.sync_copy(src_hbm.at[pl.ds(s * bpt, bpt)], src_buf)
    pltpu.sync_copy(dst_hbm.at[pl.ds(s * bpt, bpt)], dst_buf)

    for p in range(2):
        q = 2 * p + c
        table = hs4_hbm.at[q]
        pltpu.sync_copy(table.at[pl.ds(s * ROWS_PT, ROWS_PT)],
                        acc.at[pl.ds(s * ROWS_PT, ROWS_PT)])
        plsc.subcore_barrier()

        pltpu.async_copy(table.at[src_buf.at[0]], rows[0], gsem[0])

        def body(j, carry):
            cur = jax.lax.rem(j, NR)
            for k in range(NR):
                k1 = (k + 1) % NR

                @pl.when(cur == k)
                def _():
                    pltpu.make_async_copy(table.at[src_buf.at[j]], rows[k],
                                          gsem[k]).wait()

                    @pl.when(j + 1 < bpt)
                    def _():
                        pltpu.async_copy(table.at[src_buf.at[j + 1]],
                                         rows[k1], gsem[k1])
            return carry

        lax.fori_loop(0, bpt, body, 0)
        plsc.subcore_barrier()
        pltpu.sync_copy(acc.at[pl.ds(s * ROWS_PT, ROWS_PT)],
                        out_hbm.at[q, pl.ds(s * ROWS_PT, ROWS_PT)])


@functools.partial(
    pl.kernel,
    out_type=jax.ShapeDtypeStruct((2, NP, CW), jnp.float32),
    mesh=_mesh,
    scratch_types=[
        pltpu.VMEM((NBLK // 32, EB), jnp.int32),
        pltpu.VMEM((NBLK // 32, EB), jnp.int32),
        pltpu.VMEM((EB, CW), jnp.float32),
        pltpu.VMEM((EB, CW), jnp.float32),
        pltpu.VMEM((EB, CW), jnp.float32),
        pltpu.SemaphoreType.DMA,
        pltpu.SemaphoreType.DMA,
        pltpu.VMEM_SHARED((NP, CW), jnp.float32),
    ],
    compiler_params=pltpu.CompilerParams(use_tc_tiling_on_sc=False),
)
def _agg2_kernel(h2s_hbm, src_hbm, dst_hbm, out_hbm,
                 src_buf, dst_buf, rows_a, rows_b, zero_buf, sem_a, sem_b, acc):
    c = lax.axis_index("c")
    s = lax.axis_index("s")
    bpt = NBLK // 32

    zeros16 = jnp.zeros((16,), jnp.float32)
    for r in range(EB):
        zero_buf[r] = zeros16

    @pl.when(c == 0)
    def _():
        pltpu.sync_copy(h2s_hbm.at[pl.ds(s * ROWS_PT, ROWS_PT)],
                        acc.at[pl.ds(s * ROWS_PT, ROWS_PT)])

    @pl.when(c == 1)
    def _():
        for k in range(ROWS_PT // EB):
            pltpu.sync_copy(zero_buf, acc.at[pl.ds(s * ROWS_PT + k * EB, EB)])

    base_blk = c * (NBLK // 2) + s * bpt
    pltpu.sync_copy(src_hbm.at[pl.ds(base_blk, bpt)], src_buf)
    pltpu.sync_copy(dst_hbm.at[pl.ds(base_blk, bpt)], dst_buf)
    plsc.subcore_barrier()

    rows = (rows_a, rows_b)
    sems = (sem_a, sem_b)
    pltpu.async_copy(h2s_hbm.at[src_buf.at[0]], rows_a, sem_a)

    def body(j, carry):
        cur = jax.lax.rem(j, 2)
        for k in range(2):
            @pl.when(cur == k)
            def _():
                pltpu.make_async_copy(h2s_hbm.at[src_buf.at[j]], rows[k],
                                      sems[k]).wait()
                @pl.when(j + 1 < bpt)
                def _():
                    pltpu.async_copy(h2s_hbm.at[src_buf.at[j + 1]],
                                     rows[1 - k], sems[1 - k])
                pltpu.sync_copy(rows[k], acc.at[dst_buf.at[j]], add=True)
        return carry

    lax.fori_loop(0, bpt, body, 0)
    plsc.subcore_barrier()
    pltpu.sync_copy(acc.at[pl.ds(s * ROWS_PT, ROWS_PT)],
                    out_hbm.at[c, pl.ds(s * ROWS_PT, ROWS_PT)])


def _dinv_from(deg2_blk):
    deg = deg2_blk[0, :, 0] + deg2_blk[1, :, 0] + 1.0
    return lax.rsqrt(deg)


def _mm1_body(x_blk, w1_blk, deg2_blk, out_blk):
    dinv = _dinv_from(deg2_blk)
    h = jnp.dot(x_blk[...], w1_blk[...], preferred_element_type=jnp.float32)
    hs = h * dinv[:, None]
    out_blk[...] = jnp.stack(
        [hs[:, q * QW:(q + 1) * QW] for q in range(4)], axis=0)


def _mm2_body(agg_blk, deg2_blk, w2_blk, b1_blk, out_blk):
    dinv = _dinv_from(deg2_blk)
    aggf = jnp.concatenate([agg_blk[q] for q in range(4)], axis=1)
    out1 = jnp.maximum(aggf * dinv[:, None] + b1_blk[0], 0.0)
    h2 = jnp.dot(out1, w2_blk[...], preferred_element_type=jnp.float32)
    out_blk[...] = h2 * dinv[:, None]


def _fin_body(agg2_blk, deg2_blk, b2_blk, out_blk):
    dinv = _dinv_from(deg2_blk)
    out_blk[...] = (agg2_blk[0] + agg2_blk[1]) * dinv[:, None] + b2_blk[0]


_RB = 512
_GRID = NP // _RB

_deg2_spec = pl.BlockSpec((2, _RB, CW), lambda i: (0, i, 0))

_mm1_call = pl.pallas_call(
    _mm1_body,
    grid=(_GRID,),
    in_specs=[
        pl.BlockSpec((_RB, IN_C), lambda i: (i, 0)),
        pl.BlockSpec((IN_C, HID), lambda i: (0, 0)),
        _deg2_spec,
    ],
    out_specs=pl.BlockSpec((4, _RB, QW), lambda i: (0, i, 0)),
    out_shape=jax.ShapeDtypeStruct((4, NP, QW), jnp.float32),
)

_mm2_call = pl.pallas_call(
    _mm2_body,
    grid=(_GRID,),
    in_specs=[
        pl.BlockSpec((4, _RB, QW), lambda i: (0, i, 0)),
        _deg2_spec,
        pl.BlockSpec((HID, CW), lambda i: (0, 0)),
        pl.BlockSpec((1, HID), lambda i: (0, 0)),
    ],
    out_specs=pl.BlockSpec((_RB, CW), lambda i: (i, 0)),
    out_shape=jax.ShapeDtypeStruct((NP, CW), jnp.float32),
)

_fin_call = pl.pallas_call(
    _fin_body,
    grid=(_GRID,),
    in_specs=[
        pl.BlockSpec((2, _RB, CW), lambda i: (0, i, 0)),
        _deg2_spec,
        pl.BlockSpec((1, CW), lambda i: (0, 0)),
    ],
    out_specs=pl.BlockSpec((_RB, CW), lambda i: (i, 0)),
    out_shape=jax.ShapeDtypeStruct((NP, CW), jnp.float32),
)


def kernel(x, edge_index, W1, b1, W2, b2):
    x_p = jnp.zeros((NP, IN_C), x.dtype).at[:N].set(x)
    pad = jnp.full((2, EP - E), DUMMY, edge_index.dtype)
    ei = jnp.concatenate([edge_index, pad], axis=1)
    src_r = ei[0].reshape(NBLK, EB)
    dst_r = ei[1].reshape(NBLK, EB)
    w2_p = jnp.zeros((HID, CW), W2.dtype).at[:, :NCLS].set(W2)
    b1_r = b1.reshape(1, HID)
    b2_p = jnp.zeros((1, CW), b2.dtype).at[0, :NCLS].set(b2)

    deg2 = _deg_kernel(dst_r)
    hs4 = _mm1_call(x_p, W1, deg2)
    agg = _agg1_kernel(hs4, src_r, dst_r)
    h2s = _mm2_call(agg, deg2, w2_p, b1_r)
    agg2 = _agg2_kernel(h2s, src_r, dst_r)
    out = _fin_call(agg2, deg2, b2_p)
    return out[:N, :NCLS]

# --- scband reference (transcript-rebuilt; emitter-appended) ---
"""Pipeline reference for scband-gcnclassifier-12008728560014 (READ-ONLY COPY).

The authoritative reference and input builder live on the scoring server;
editing this copy changes nothing except your own understanding.
"""

import jax, jax.numpy as jnp
import numpy as np

N = 10000
E = 160000
IN_C = 256
HID = 256
NUM_CLASSES = 8


def gcn_conv(x, edge_index, W, b):
    # Faithful PyG GCNConv: linear transform, add self-loops, symmetric normalization,
    # scatter-add aggregation over dst nodes, then bias.
    num_nodes = x.shape[0]
    src = edge_index[0]
    dst = edge_index[1]
    loop = jnp.arange(num_nodes, dtype=src.dtype)
    src = jnp.concatenate([src, loop])
    dst = jnp.concatenate([dst, loop])
    deg = jnp.zeros((num_nodes,), dtype=x.dtype).at[dst].add(1.0)
    deg_inv_sqrt = jnp.where(deg > 0, jax.lax.rsqrt(jnp.maximum(deg, 1e-12)), 0.0)
    norm = deg_inv_sqrt[src] * deg_inv_sqrt[dst]
    h = x @ W
    msg = h[src] * norm[:, None]
    out = jnp.zeros((num_nodes, W.shape[1]), dtype=x.dtype).at[dst].add(msg)
    return out + b


def setup_inputs(seed: int = 0) -> dict:
    key = jax.random.key(seed)
    k1, k2, k3, k4 = jax.random.split(key, 4)
    x = jax.random.normal(k1, (N, IN_C), dtype=jnp.float32)
    edge_index = jax.random.randint(k2, (2, E), 0, N, dtype=jnp.int32)
    W1 = jax.random.normal(k3, (IN_C, HID), dtype=jnp.float32) * (1.0 / np.sqrt(IN_C))
    b1 = jnp.zeros((HID,), dtype=jnp.float32)
    W2 = jax.random.normal(k4, (HID, NUM_CLASSES), dtype=jnp.float32) * (1.0 / np.sqrt(HID))
    b2 = jnp.zeros((NUM_CLASSES,), dtype=jnp.float32)
    return {"x": x, "edge_index": edge_index, "W1": W1, "b1": b1, "W2": W2, "b2": b2}


def reference(x, edge_index, W1, b1, W2, b2):
    h = gcn_conv(x, edge_index, W1, b1)
    h = jax.nn.relu(h)
    # F.dropout(p=0.5, training=self.training) is identity in eval mode
    out = gcn_conv(h, edge_index, W2, b2)
    return out

if __name__ == "__main__":
    import jax
    _d = setup_inputs()
    print(jax.jit(kernel)(*tuple(_d.values())))

</pallas_src>

<mosaic_0001>
#map = affine_map<(d0, d1) -> (0, 0)>
#map1 = affine_map<(d0, d1) -> (0, 0, 0)>
module attributes {stable_mosaic.version = 14 : i64} {
  func.func @_agg2_kernel(%arg0: i32, %arg1: i32, %arg2: memref<10240x16xf32, #tpu.memory_space<hbm>>, %arg3: memref<1280x128xi32, #tpu.memory_space<hbm>>, %arg4: memref<1280x128xi32, #tpu.memory_space<hbm>>, %arg5: memref<2x10240x16xf32, #tpu.memory_space<hbm>>, %arg6: memref<40x128xi32, #tpu.memory_space<vmem>>, %arg7: memref<40x128xi32, #tpu.memory_space<vmem>>, %arg8: memref<128x16xf32, #tpu.memory_space<vmem>>, %arg9: memref<128x16xf32, #tpu.memory_space<vmem>>, %arg10: memref<128x16xf32, #tpu.memory_space<vmem>>, %arg11: memref<!tpu.dma_semaphore, #tpu.memory_space<semaphore_mem>>, %arg12: memref<!tpu.dma_semaphore, #tpu.memory_space<semaphore_mem>>, %arg13: memref<10240x16xf32, #tpu.memory_space<vmem_shared>>) attributes {dimension_semantics = [#tpu.dimension_semantics<core_parallel>, #tpu.dimension_semantics<subcore_parallel>], iteration_bounds = array<i64: 2, 16>, scalar_prefetch = 0 : i64, scratch_operands = 8 : i64, tpu.core_type = #tpu.core_type<sc_vector_subcore>, window_params = [{transform_indices = #map}, {transform_indices = #map}, {transform_indices = #map}, {transform_indices = #map1}]} {
    %broadcast_in_dim3A = arith.constant 0.000000e+00 : f32
    %broadcast_in_dim3A_0 = vector.broadcast %broadcast_in_dim3A : f32 to vector<16xf32>
    %swap3A = arith.constant 0 : i32
    %swap3A_1 = arith.index_cast %swap3A : i32 to index
    %swap3A_2 = arith.constant 0 : index
    %swap3A_3 = tpu.vector_load %arg10[%swap3A_1, %swap3A_2] {strides = array<i32>} : memref<128x16xf32, #tpu.memory_space<vmem>>, vector<1x16xf32>,
    %swap3A_4 = vector.shape_cast %swap3A_3 : vector<1x16xf32> to vector<16xf32>
    %swap3A_5 = vector.shape_cast %broadcast_in_dim3A_0 : vector<16xf32> to vector<1x16xf32>
    tpu.vector_store %arg10[%swap3A_1, %swap3A_2], %swap3A_5 {strides = array<i32>} : memref<128x16xf32, #tpu.memory_space<vmem>>, vector<1x16xf32>,
    %swap3A_6 = arith.constant 1 : i32
    %swap3A_7 = arith.index_cast %swap3A_6 : i32 to index
    %swap3A_8 = arith.constant 0 : index
    %swap3A_9 = tpu.vector_load %arg10[%swap3A_7, %swap3A_8] {strides = array<i32>} : memref<128x16xf32, #tpu.memory_space<vmem>>, vector<1x16xf32>,
    %swap3A_10 = vector.shape_cast %swap3A_9 : vector<1x16xf32> to vector<16xf32>
    %swap3A_11 = vector.shape_cast %broadcast_in_dim3A_0 : vector<16xf32> to vector<1x16xf32>
    tpu.vector_store %arg10[%swap3A_7, %swap3A_8], %swap3A_11 {strides = array<i32>} : memref<128x16xf32, #tpu.memory_space<vmem>>, vector<1x16xf32>,
    %swap3A_12 = arith.constant 2 : i32
    %swap3A_13 = arith.index_cast %swap3A_12 : i32 to index
    %swap3A_14 = arith.constant 0 : index
    %swap3A_15 = tpu.vector_load %arg10[%swap3A_13, %swap3A_14] {strides = array<i32>} : memref<128x16xf32, #tpu.memory_space<vmem>>, vector<1x16xf32>,
    %swap3A_16 = vector.shape_cast %swap3A_15 : vector<1x16xf32> to vector<16xf32>
    %swap3A_17 = vector.shape_cast %broadcast_in_dim3A_0 : vector<16xf32> to vector<1x16xf32>
    tpu.vector_store %arg10[%swap3A_13, %swap3A_14], %swap3A_17 {strides = array<i32>} : memref<128x16xf32, #tpu.memory_space<vmem>>, vector<1x16xf32>,
    %swap3A_18 = arith.constant 3 : i32
    %swap3A_19 = arith.index_cast %swap3A_18 : i32 to index
    %swap3A_20 = arith.constant 0 : index
    %swap3A_21 = tpu.vector_load %arg10[%swap3A_19, %swap3A_20] {strides = array<i32>} : memref<128x16xf32, #tpu.memory_space<vmem>>, vector<1x16xf32>,
    %swap3A_22 = vector.shape_cast %swap3A_21 : vector<1x16xf32> to vector<16xf32>
    %swap3A_23 = vector.shape_cast %broadcast_in_dim3A_0 : vector<16xf32> to vector<1x16xf32>
    tpu.vector_store %arg10[%swap3A_19, %swap3A_20], %swap3A_23 {strides = array<i32>} : memref<128x16xf32, #tpu.memory_space<vmem>>, vector<1x16xf32>,
    %swap3A_24 = arith.constant 4 : i32
    %swap3A_25 = arith.index_cast %swap3A_24 : i32 to index
    %swap3A_26 = arith.constant 0 : index
    %swap3A_27 = tpu.vector_load %arg10[%swap3A_25, %swap3A_26] {strides = array<i32>} : memref<128x16xf32, #tpu.memory_space<vmem>>, vector<1x16xf32>,
    %swap3A_28 = vector.shape_cast %swap3A_27 : vector<1x16xf32> to vector<16xf32>
    %swap3A_29 = vector.shape_cast %broadcast_in_dim3A_0 : vector<16xf32> to vector<1x16xf32>
    tpu.vector_store %arg10[%swap3A_25, %swap3A_26], %swap3A_29 {strides = array<i32>} : memref<128x16xf32, #tpu.memory_space<vmem>>, vector<1x16xf32>,
    %swap3A_30 = arith.constant 5 : i32
    %swap3A_31 = arith.index_cast %swap3A_30 : i32 to index
    %swap3A_32 = arith.constant 0 : index
    %swap3A_33 = tpu.vector_load %arg10[%swap3A_31, %swap3A_32] {strides = array<i32>} : memref<128x16xf32, #tpu.memory_space<vmem>>, vector<1x16xf32>,
    %swap3A_34 = vector.shape_cast %swap3A_33 : vector<1x16xf32> to vector<16xf32>
    %swap3A_35 = vector.shape_cast %broadcast_in_dim3A_0 : vector<16xf32> to vector<1x16xf32>
    tpu.vector_store %arg10[%swap3A_31, %swap3A_32], %swap3A_35 {strides = array<i32>} : memref<128x16xf32, #tpu.memory_space<vmem>>, vector<1x16xf32>,
    %swap3A_36 = arith.constant 6 : i32
    %swap3A_37 = arith.index_cast %swap3A_36 : i32 to index
    %swap3A_38 = arith.constant 0 : index
    %swap3A_39 = tpu.vector_load %arg10[%swap3A_37, %swap3A_38] {strides = array<i32>} : memref<128x16xf32, #tpu.memory_space<vmem>>, vector<1x16xf32>,
    %swap3A_40 = vector.shape_cast %swap3A_39 : vector<1x16xf32> to vector<16xf32>
    %swap3A_41 = vector.shape_cast %broadcast_in_dim3A_0 : vector<16xf32> to vector<1x16xf32>
    tpu.vector_store %arg10[%swap3A_37, %swap3A_38], %swap3A_41 {strides = array<i32>} : memref<128x16xf32, #tpu.memory_space<vmem>>, vector<1x16xf32>,
    %swap3A_42 = arith.constant 7 : i32
    %swap3A_43 = arith.index_cast %swap3A_42 : i32 to index
    %swap3A_44 = arith.constant 0 : index
    %swap3A_45 = tpu.vector_load %arg10[%swap3A_43, %swap3A_44] {strides = array<i32>} : memref<128x16xf32, #tpu.memory_space<vmem>>, vector<1x16xf32>,
    %swap3A_46 = vector.shape_cast %swap3A_45 : vector<1x16xf32> to vector<16xf32>
    %swap3A_47 = vector.shape_cast %broadcast_in_dim3A_0 : vector<16xf32> to vector<1x16xf32>
    tpu.vector_store %arg10[%swap3A_43, %swap3A_44], %swap3A_47 {strides = array<i32>} : memref<128x16xf32, #tpu.memory_space<vmem>>, vector<1x16xf32>,
    %swap3A_48 = arith.constant 8 : i32
    %swap3A_49 = arith.index_cast %swap3A_48 : i32 to index
    %swap3A_50 = arith.constant 0 : index
    %swap3A_51 = tpu.vector_load %arg10[%swap3A_49, %swap3A_50] {strides = array<i32>} : memref<128x16xf32, #tpu.memory_space<vmem>>, vector<1x16xf32>,
    %swap3A_52 = vector.shape_cast %swap3A_51 : vector<1x16xf32> to vector<16xf32>
    %swap3A_53 = vector.shape_cast %broadcast_in_dim3A_0 : vector<16xf32> to vector<1x16xf32>
    tpu.vector_store %arg10[%swap3A_49, %swap3A_50], %swap3A_53 {strides = array<i32>} : memref<128x16xf32, #tpu.memory_space<vmem>>, vector<1x16xf32>,
    %swap3A_54 = arith.constant 9 : i32
    %swap3A_55 = arith.index_cast %swap3A_54 : i32 to index
    %swap3A_56 = arith.constant 0 : index
    %swap3A_57 = tpu.vector_load %arg10[%swap3A_55, %swap3A_56] {strides = array<i32>} : memref<128x16xf32, #tpu.memory_space<vmem>>, vector<1x16xf32>,
    %swap3A_58 = vector.shape_cast %swap3A_57 : vector<1x16xf32> to vector<16xf32>
    %swap3A_59 = vector.shape_cast %broadcast_in_dim3A_0 : vector<16xf32> to vector<1x16xf32>
    tpu.vector_store %arg10[%swap3A_55, %swap3A_56], %swap3A_59 {strides = array<i32>} : memref<128x16xf32, #tpu.memory_space<vmem>>, vector<1x16xf32>,
    %swap3A_60 = arith.constant 10 : i32
    %swap3A_61 = arith.index_cast %swap3A_60 : i32 to index
    %swap3A_62 = arith.constant 0 : index
    %swap3A_63 = tpu.vector_load %arg10[%swap3A_61, %swap3A_62] {strides = array<i32>} : memref<128x16xf32, #tpu.memory_space<vmem>>, vector<1x16xf32>,
    %swap3A_64 = vector.shape_cast %swap3A_63 : vector<1x16xf32> to vector<16xf32>
    %swap3A_65 = vector.shape_cast %broadcast_in_dim3A_0 : vector<16xf32> to vector<1x16xf32>
    tpu.vector_store %arg10[%swap3A_61, %swap3A_62], %swap3A_65 {strides = array<i32>} : memref<128x16xf32, #tpu.memory_space<vmem>>, vector<1x16xf32>,
    %swap3A_66 = arith.constant 11 : i32
    %swap3A_67 = arith.index_cast %swap3A_66 : i32 to index
    %swap3A_68 = arith.constant 0 : index
    %swap3A_69 = tpu.vector_load %arg10[%swap3A_67, %swap3A_68] {strides = array<i32>} : memref<128x16xf32, #tpu.memory_space<vmem>>, vector<1x16xf32>,
    %swap3A_70 = vector.shape_cast %swap3A_69 : vector<1x16xf32> to vector<16xf32>
    %swap3A_71 = vector.shape_cast %broadcast_in_dim3A_0 : vector<16xf32> to vector<1x16xf32>
    tpu.vector_store %arg10[%swap3A_67, %swap3A_68], %swap3A_71 {strides = array<i32>} : memref<128x16xf32, #tpu.memory_space<vmem>>, vector<1x16xf32>,
    %swap3A_72 = arith.constant 12 : i32
    %swap3A_73 = arith.index_cast %swap3A_72 : i32 to index
    %swap3A_74 = arith.constant 0 : index
    %swap3A_75 = tpu.vector_load %arg10[%swap3A_73, %swap3A_74] {strides = array<i32>} : memref<128x16xf32, #tpu.memory_space<vmem>>, vector<1x16xf32>,
    %swap3A_76 = vector.shape_cast %swap3A_75 : vector<1x16xf32> to vector<16xf32>
    %swap3A_77 = vector.shape_cast %broadcast_in_dim3A_0 : vector<16xf32> to vector<1x16xf32>
    tpu.vector_store %arg10[%swap3A_73, %swap3A_74], %swap3A_77 {strides = array<i32>} : memref<128x16xf32, #tpu.memory_space<vmem>>, vector<1x16xf32>,
    %swap3A_78 = arith.constant 13 : i32
    %swap3A_79 = arith.index_cast %swap3A_78 : i32 to index
    %swap3A_80 = arith.constant 0 : index
    %swap3A_81 = tpu.vector_load %arg10[%swap3A_79, %swap3A_80] {strides = array<i32>} : memref<128x16xf32, #tpu.memory_space<vmem>>, vector<1x16xf32>,
    %swap3A_82 = vector.shape_cast %swap3A_81 : vector<1x16xf32> to vector<16xf32>
    %swap3A_83 = vector.shape_cast %broadcast_in_dim3A_0 : vector<16xf32> to vector<1x16xf32>
    tpu.vector_store %arg10[%swap3A_79, %swap3A_80], %swap3A_83 {strides = array<i32>} : memref<128x16xf32, #tpu.memory_space<vmem>>, vector<1x16xf32>,
    %swap3A_84 = arith.constant 14 : i32
    %swap3A_85 = arith.index_cast %swap3A_84 : i32 to index
    %swap3A_86 = arith.constant 0 : index
    %swap3A_87 = tpu.vector_load %arg10[%swap3A_85, %swap3A_86] {strides = array<i32>} : memref<128x16xf32, #tpu.memory_space<vmem>>, vector<1x16xf32>,
    %swap3A_88 = vector.shape_cast %swap3A_87 : vector<1x16xf32> to vector<16xf32>
    %swap3A_89 = vector.shape_cast %broadcast_in_dim3A_0 : vector<16xf32> to vector<1x16xf32>
    tpu.vector_store %arg10[%swap3A_85, %swap3A_86], %swap3A_89 {strides = array<i32>} : memref<128x16xf32, #tpu.memory_space<vmem>>, vector<1x16xf32>,
    %swap3A_90 = arith.constant 15 : i32
    %swap3A_91 = arith.index_cast %swap3A_90 : i32 to index
    %swap3A_92 = arith.constant 0 : index
    %swap3A_93 = tpu.vector_load %arg10[%swap3A_91, %swap3A_92] {strides = array<i32>} : memref<128x16xf32, #tpu.memory_space<vmem>>, vector<1x16xf32>,
    %swap3A_94 = vector.shape_cast %swap3A_93 : vector<1x16xf32> to vector<16xf32>
    %swap3A_95 = vector.shape_cast %broadcast_in_dim3A_0 : vector<16xf32> to vector<1x16xf32>
    tpu.vector_store %arg10[%swap3A_91, %swap3A_92], %swap3A_95 {strides = array<i32>} : memref<128x16xf32, #tpu.memory_space<vmem>>, vector<1x16xf32>,
    %swap3A_96 = arith.constant 16 : i32
    %swap3A_97 = arith.index_cast %swap3A_96 : i32 to index
    %swap3A_98 = arith.constant 0 : index
    %swap3A_99 = tpu.vector_load %arg10[%swap3A_97, %swap3A_98] {strides = array<i32>} : memref<128x16xf32, #tpu.memory_space<vmem>>, vector<1x16xf32>,
    %swap3A_100 = vector.shape_cast %swap3A_99 : vector<1x16xf32> to vector<16xf32>
    %swap3A_101 = vector.shape_cast %broadcast_in_dim3A_0 : vector<16xf32> to vector<1x16xf32>
    tpu.vector_store %arg10[%swap3A_97, %swap3A_98], %swap3A_101 {strides = array<i32>} : memref<128x16xf32, #tpu.memory_space<vmem>>, vector<1x16xf32>,
    %swap3A_102 = arith.constant 17 : i32
    %swap3A_103 = arith.index_cast %swap3A_102 : i32 to index
    %swap3A_104 = arith.constant 0 : index
    %swap3A_105 = tpu.vector_load %arg10[%swap3A_103, %swap3A_104] {strides = array<i32>} : memref<128x16xf32, #tpu.memory_space<vmem>>, vector<1x16xf32>,
    %swap3A_106 = vector.shape_cast %swap3A_105 : vector<1x16xf32> to vector<16xf32>
    %swap3A_107 = vector.shape_cast %broadcast_in_dim3A_0 : vector<16xf32> to vector<1x16xf32>
    tpu.vector_store %arg10[%swap3A_103, %swap3A_104], %swap3A_107 {strides = array<i32>} : memref<128x16xf32, #tpu.memory_space<vmem>>, vector<1x16xf32>,
    %swap3A_108 = arith.constant 18 : i32
    %swap3A_109 = arith.index_cast %swap3A_108 : i32 to index
    %swap3A_110 = arith.constant 0 : index
    %swap3A_111 = tpu.vector_load %arg10[%swap3A_109, %swap3A_110] {strides = array<i32>} : memref<128x16xf32, #tpu.memory_space<vmem>>, vector<1x16xf32>,
    %swap3A_112 = vector.shape_cast %swap3A_111 : vector<1x16xf32> to vector<16xf32>
    %swap3A_113 = vector.shape_cast %broadcast_in_dim3A_0 : vector<16xf32> to vector<1x16xf32>
    tpu.vector_store %arg10[%swap3A_109, %swap3A_110], %swap3A_113 {strides = array<i32>} : memref<128x16xf32, #tpu.memory_space<vmem>>, vector<1x16xf32>,
    %swap3A_114 = arith.constant 19 : i32
    %swap3A_115 = arith.index_cast %swap3A_114 : i32 to index
    %swap3A_116 = arith.constant 0 : index
    %swap3A_117 = tpu.vector_load %arg10[%swap3A_115, %swap3A_116] {strides = array<i32>} : memref<128x16xf32, #tpu.memory_space<vmem>>, vector<1x16xf32>,
    %swap3A_118 = vector.shape_cast %swap3A_117 : vector<1x16xf32> to vector<16xf32>
    %swap3A_119 = vector.shape_cast %broadcast_in_dim3A_0 : vector<16xf32> to vector<1x16xf32>
    tpu.vector_store %arg10[%swap3A_115, %swap3A_116], %swap3A_119 {strides = array<i32>} : memref<128x16xf32, #tpu.memory_space<vmem>>, vector<1x16xf32>,
    %swap3A_120 = arith.constant 20 : i32
    %swap3A_121 = arith.index_cast %swap3A_120 : i32 to index
    %swap3A_122 = arith.constant 0 : index
    %swap3A_123 = tpu.vector_load %arg10[%swap3A_121, %swap3A_122] {strides = array<i32>} : memref<128x16xf32, #tpu.memory_space<vmem>>, vector<1x16xf32>,
    %swap3A_124 = vector.shape_cast %swap3A_123 : vector<1x16xf32> to vector<16xf32>
    %swap3A_125 = vector.shape_cast %broadcast_in_dim3A_0 : vector<16xf32> to vector<1x16xf32>
    tpu.vector_store %arg10[%swap3A_121, %swap3A_122], %swap3A_125 {strides = array<i32>} : memref<128x16xf32, #tpu.memory_space<vmem>>, vector<1x16xf32>,
    %swap3A_126 = arith.constant 21 : i32
    %swap3A_127 = arith.index_cast %swap3A_126 : i32 to index
    %swap3A_128 = arith.constant 0 : index
    %swap3A_129 = tpu.vector_load %arg10[%swap3A_127, %swap3A_128] {strides = array<i32>} : memref<128x16xf32, #tpu.memory_space<vmem>>, vector<1x16xf32>,
    %swap3A_130 = vector.shape_cast %swap3A_129 : vector<1x16xf32> to vector<16xf32>
    %swap3A_131 = vector.shape_cast %broadcast_in_dim3A_0 : vector<16xf32> to vector<1x16xf32>
    tpu.vector_store %arg10[%swap3A_127, %swap3A_128], %swap3A_131 {strides = array<i32>} : memref<128x16xf32, #tpu.memory_space<vmem>>, vector<1x16xf32>,
    %swap3A_132 = arith.constant 22 : i32
    %swap3A_133 = arith.index_cast %swap3A_132 : i32 to index
    %swap3A_134 = arith.constant 0 : index
    %swap3A_135 = tpu.vector_load %arg10[%swap3A_133, %swap3A_134] {strides = array<i32>} : memref<128x16xf32, #tpu.memory_space<vmem>>, vector<1x16xf32>,
    %swap3A_136 = vector.shape_cast %swap3A_135 : vector<1x16xf32> to vector<16xf32>
    %swap3A_137 = vector.shape_cast %broadcast_in_dim3A_0 : vector<16xf32> to vector<1x16xf32>
    tpu.vector_store %arg10[%swap3A_133, %swap3A_134], %swap3A_137 {strides = array<i32>} : memref<128x16xf32, #tpu.memory_space<vmem>>, vector<1x16xf32>,
    %swap3A_138 = arith.constant 23 : i32
    %swap3A_139 = arith.index_cast %swap3A_138 : i32 to index
    %swap3A_140 = arith.constant 0 : index
    %swap3A_141 = tpu.vector_load %arg10[%swap3A_139, %swap3A_140] {strides = array<i32>} : memref<128x16xf32, #tpu.memory_space<vmem>>, vector<1x16xf32>,
    %swap3A_142 = vector.shape_cast %swap3A_141 : vector<1x16xf32> to vector<16xf32>
    %swap3A_143 = vector.shape_cast %broadcast_in_dim3A_0 : vector<16xf32> to vector<1x16xf32>
    tpu.vector_store %arg10[%swap3A_139, %swap3A_140], %swap3A_143 {strides = array<i32>} : memref<128x16xf32, #tpu.memory_space<vmem>>, vector<1x16xf32>,
    %swap3A_144 = arith.constant 24 : i32
    %swap3A_145 = arith.index_cast %swap3A_144 : i32 to index
    %swap3A_146 = arith.constant 0 : index
    %swap3A_147 = tpu.vector_load %arg10[%swap3A_145, %swap3A_146] {strides = array<i32>} : memref<128x16xf32, #tpu.memory_space<vmem>>, vector<1x16xf32>,
    %swap3A_148 = vector.shape_cast %swap3A_147 : vector<1x16xf32> to vector<16xf32>
    %swap3A_149 = vector.shape_cast %broadcast_in_dim3A_0 : vector<16xf32> to vector<1x16xf32>
    tpu.vector_store %arg10[%swap3A_145, %swap3A_146], %swap3A_149 {strides = array<i32>} : memref<128x16xf32, #tpu.memory_space<vmem>>, vector<1x16xf32>,
    %swap3A_150 = arith.constant 25 : i32
    %swap3A_151 = arith.index_cast %swap3A_150 : i32 to index
    %swap3A_152 = arith.constant 0 : index
    %swap3A_153 = tpu.vector_load %arg10[%swap3A_151, %swap3A_152] {strides = array<i32>} : memref<128x16xf32, #tpu.memory_space<vmem>>, vector<1x16xf32>,
    %swap3A_154 = vector.shape_cast %swap3A_153 : vector<1x16xf32> to vector<16xf32>
    %swap3A_155 = vector.shape_cast %broadcast_in_dim3A_0 : vector<16xf32> to vector<1x16xf32>
    tpu.vector_store %arg10[%swap3A_151, %swap3A_152], %swap3A_155 {strides = array<i32>} : memref<128x16xf32, #tpu.memory_space<vmem>>, vector<1x16xf32>,
    %swap3A_156 = arith.constant 26 : i32
    %swap3A_157 = arith.index_cast %swap3A_156 : i32 to index
    %swap3A_158 = arith.constant 0 : index
    %swap3A_159 = tpu.vector_load %arg10[%swap3A_157, %swap3A_158] {strides = array<i32>} : memref<128x16xf32, #tpu.memory_space<vmem>>, vector<1x16xf32>,
    %swap3A_160 = vector.shape_cast %swap3A_159 : vector<1x16xf32> to vector<16xf32>
    %swap3A_161 = vector.shape_cast %broadcast_in_dim3A_0 : vector<16xf32> to vector<1x16xf32>
    tpu.vector_store %arg10[%swap3A_157, %swap3A_158], %swap3A_161 {strides = array<i32>} : memref<128x16xf32, #tpu.memory_space<vmem>>, vector<1x16xf32>,
    %swap3A_162 = arith.constant 27 : i32
    %swap3A_163 = arith.index_cast %swap3A_162 : i32 to index
    %swap3A_164 = arith.constant 0 : index
    %swap3A_165 = tpu.vector_load %arg10[%swap3A_163, %swap3A_164] {strides = array<i32>} : memref<128x16xf32, #tpu.memory_space<vmem>>, vector<1x16xf32>,
    %swap3A_166 = vector.shape_cast %swap3A_165 : vector<1x16xf32> to vector<16xf32>
    %swap3A_167 = vector.shape_cast %broadcast_in_dim3A_0 : vector<16xf32> to vector<1x16xf32>
    tpu.vector_store %arg10[%swap3A_163, %swap3A_164], %swap3A_167 {strides = array<i32>} : memref<128x16xf32, #tpu.memory_space<vmem>>, vector<1x16xf32>,
    %swap3A_168 = arith.constant 28 : i32
    %swap3A_169 = arith.index_cast %swap3A_168 : i32 to index
    %swap3A_170 = arith.constant 0 : index
    %swap3A_171 = tpu.vector_load %arg10[%swap3A_169, %swap3A_170] {strides = array<i32>} : memref<128x16xf32, #tpu.memory_space<vmem>>, vector<1x16xf32>,
    %swap3A_172 = vector.shape_cast %swap3A_171 : vector<1x16xf32> to vector<16xf32>
    %swap3A_173 = vector.shape_cast %broadcast_in_dim3A_0 : vector<16xf32> to vector<1x16xf32>
    tpu.vector_store %arg10[%swap3A_169, %swap3A_170], %swap3A_173 {strides = array<i32>} : memref<128x16xf32, #tpu.memory_space<vmem>>, vector<1x16xf32>,
    %swap3A_174 = arith.constant 29 : i32
    %swap3A_175 = arith.index_cast %swap3A_174 : i32 to index
    %swap3A_176 = arith.constant 0 : index
    %swap3A_177 = tpu.vector_load %arg10[%swap3A_175, %swap3A_176] {strides = array<i32>} : memref<128x16xf32, #tpu.memory_space<vmem>>, vector<1x16xf32>,
    %swap3A_178 = vector.shape_cast %swap3A_177 : vector<1x16xf32> to vector<16xf32>
    %swap3A_179 = vector.shape_cast %broadcast_in_dim3A_0 : vector<16xf32> to vector<1x16xf32>
    tpu.vector_store %arg10[%swap3A_175, %swap3A_176], %swap3A_179 {strides = array<i32>} : memref<128x16xf32, #tpu.memory_space<vmem>>, vector<1x16xf32>,
    %swap3A_180 = arith.constant 30 : i32
    %swap3A_181 = arith.index_cast %swap3A_180 : i32 to index
    %swap3A_182 = arith.constant 0 : index
    %swap3A_183 = tpu.vector_load %arg10[%swap3A_181, %swap3A_182] {strides = array<i32>} : memref<128x16xf32, #tpu.memory_space<vmem>>, vector<1x16xf32>,
    %swap3A_184 = vector.shape_cast %swap3A_183 : vector<1x16xf32> to vector<16xf32>
    %swap3A_185 = vector.shape_cast %broadcast_in_dim3A_0 : vector<16xf32> to vector<1x16xf32>
    tpu.vector_store %arg10[%swap3A_181, %swap3A_182], %swap3A_185 {strides = array<i32>} : memref<128x16xf32, #tpu.memory_space<vmem>>, vector<1x16xf32>,
    %swap3A_186 = arith.constant 31 : i32
    %swap3A_187 = arith.index_cast %swap3A_186 : i32 to index
    %swap3A_188 = arith.constant 0 : index
    %swap3A_189 = tpu.vector_load %arg10[%swap3A_187, %swap3A_188] {strides = array<i32>} : memref<128x16xf32, #tpu.memory_space<vmem>>, vector<1x16xf32>,
    %swap3A_190 = vector.shape_cast %swap3A_189 : vector<1x16xf32> to vector<16xf32>
    %swap3A_191 = vector.shape_cast %broadcast_in_dim3A_0 : vector<16xf32> to vector<1x16xf32>
    tpu.vector_store %arg10[%swap3A_187, %swap3A_188], %swap3A_191 {strides = array<i32>} : memref<128x16xf32, #tpu.memory_space<vmem>>, vector<1x16xf32>,
    %swap3A_192 = arith.constant 32 : i32
    %swap3A_193 = arith.index_cast %swap3A_192 : i32 to index
    %swap3A_194 = arith.constant 0 : index
    %swap3A_195 = tpu.vector_load %arg10[%swap3A_193, %swap3A_194] {strides = array<i32>} : memref<128x16xf32, #tpu.memory_space<vmem>>, vector<1x16xf32>,
    %swap3A_196 = vector.shape_cast %swap3A_195 : vector<1x16xf32> to vector<16xf32>
    %swap3A_197 = vector.shape_cast %broadcast_in_dim3A_0 : vector<16xf32> to vector<1x16xf32>
    tpu.vector_store %arg10[%swap3A_193, %swap3A_194], %swap3A_197 {strides = array<i32>} : memref<128x16xf32, #tpu.memory_space<vmem>>, vector<1x16xf32>,
    %swap3A_198 = arith.constant 33 : i32
    %swap3A_199 = arith.index_cast %swap3A_198 : i32 to index
    %swap3A_200 = arith.constant 0 : index
    %swap3A_201 = tpu.vector_load %arg10[%swap3A_199, %swap3A_200] {strides = array<i32>} : memref<128x16xf32, #tpu.memory_space<vmem>>, vector<1x16xf32>,
    %swap3A_202 = vector.shape_cast %swap3A_201 : vector<1x16xf32> to vector<16xf32>
    %swap3A_203 = vector.shape_cast %broadcast_in_dim3A_0 : vector<16xf32> to vector<1x16xf32>
    tpu.vector_store %arg10[%swap3A_199, %swap3A_200], %swap3A_203 {strides = array<i32>} : memref<128x16xf32, #tpu.memory_space<vmem>>, vector<1x16xf32>,
    %swap3A_204 = arith.constant 34 : i32
    %swap3A_205 = arith.index_cast %swap3A_204 : i32 to index
    %swap3A_206 = arith.constant 0 : index
    %swap3A_207 = tpu.vector_load %arg10[%swap3A_205, %swap3A_206] {strides = array<i32>} : memref<128x16xf32, #tpu.memory_space<vmem>>, vector<1x16xf32>,
    %swap3A_208 = vector.shape_cast %swap3A_207 : vector<1x16xf32> to vector<16xf32>
    %swap3A_209 = vector.shape_cast %broadcast_in_dim3A_0 : vector<16xf32> to vector<1x16xf32>
    tpu.vector_store %arg10[%swap3A_205, %swap3A_206], %swap3A_209 {strides = array<i32>} : memref<128x16xf32, #tpu.memory_space<vmem>>, vector<1x16xf32>,
    %swap3A_210 = arith.constant 35 : i32
    %swap3A_211 = arith.index_cast %swap3A_210 : i32 to index
    %swap3A_212 = arith.constant 0 : index
    %swap3A_213 = tpu.vector_load %arg10[%swap3A_211, %swap3A_212] {strides = array<i32>} : memref<128x16xf32, #tpu.memory_space<vmem>>, vector<1x16xf32>,
    %swap3A_214 = vector.shape_cast %swap3A_213 : vector<1x16xf32> to vector<16xf32>
    %swap3A_215 = vector.shape_cast %broadcast_in_dim3A_0 : vector<16xf32> to vector<1x16xf32>
    tpu.vector_store %arg10[%swap3A_211, %swap3A_212], %swap3A_215 {strides = array<i32>} : memref<128x16xf32, #tpu.memory_space<vmem>>, vector<1x16xf32>,
    %swap3A_216 = arith.constant 36 : i32
    %swap3A_217 = arith.index_cast %swap3A_216 : i32 to index
    %swap3A_218 = arith.constant 0 : index
    %swap3A_219 = tpu.vector_load %arg10[%swap3A_217, %swap3A_218] {strides = array<i32>} : memref<128x16xf32, #tpu.memory_space<vmem>>, vector<1x16xf32>,
    %swap3A_220 = vector.shape_cast %swap3A_219 : vector<1x16xf32> to vector<16xf32>
    %swap3A_221 = vector.shape_cast %broadcast_in_dim3A_0 : vector<16xf32> to vector<1x16xf32>
    tpu.vector_store %arg10[%swap3A_217, %swap3A_218], %swap3A_221 {strides = array<i32>} : memref<128x16xf32, #tpu.memory_space<vmem>>, vector<1x16xf32>,
    %swap3A_222 = arith.constant 37 : i32
    %swap3A_223 = arith.index_cast %swap3A_222 : i32 to index
    %swap3A_224 = arith.constant 0 : index
    %swap3A_225 = tpu.vector_load %arg10[%swap3A_223, %swap3A_224] {strides = array<i32>} : memref<128x16xf32, #tpu.memory_space<vmem>>, vector<1x16xf32>,
    %swap3A_226 = vector.shape_cast %swap3A_225 : vector<1x16xf32> to vector<16xf32>
    %swap3A_227 = vector.shape_cast %broadcast_in_dim3A_0 : vector<16xf32> to vector<1x16xf32>
    tpu.vector_store %arg10[%swap3A_223, %swap3A_224], %swap3A_227 {strides = array<i32>} : memref<128x16xf32, #tpu.memory_space<vmem>>, vector<1x16xf32>,
    %swap3A_228 = arith.constant 38 : i32
    %swap3A_229 = arith.index_cast %swap3A_228 : i32 to index
    %swap3A_230 = arith.constant 0 : index
    %swap3A_231 = tpu.vector_load %arg10[%swap3A_229, %swap3A_230] {strides = array<i32>} : memref<128x16xf32, #tpu.memory_space<vmem>>, vector<1x16xf32>,
    %swap3A_232 = vector.shape_cast %swap3A_231 : vector<1x16xf32> to vector<16xf32>
    %swap3A_233 = vector.shape_cast %broadcast_in_dim3A_0 : vector<16xf32> to vector<1x16xf32>
    tpu.vector_store %arg10[%swap3A_229, %swap3A_230], %swap3A_233 {strides = array<i32>} : memref<128x16xf32, #tpu.memory_space<vmem>>, vector<1x16xf32>,
    %swap3A_234 = arith.constant 39 : i32
    %swap3A_235 = arith.index_cast %swap3A_234 : i32 to index
    %swap3A_236 = arith.constant 0 : index
    %swap3A_237 = tpu.vector_load %arg10[%swap3A_235, %swap3A_236] {strides = array<i32>} : memref<128x16xf32, #tpu.memory_space<vmem>>, vector<1x16xf32>,
    %swap3A_238 = vector.shape_cast %swap3A_237 : vector<1x16xf32> to vector<16xf32>
    %swap3A_239 = vector.shape_cast %broadcast_in_dim3A_0 : vector<16xf32> to vector<1x16xf32>
    tpu.vector_store %arg10[%swap3A_235, %swap3A_236], %swap3A_239 {strides = array<i32>} : memref<128x16xf32, #tpu.memory_space<vmem>>, vector<1x16xf32>,
    %swap3A_240 = arith.constant 40 : i32
    %swap3A_241 = arith.index_cast %swap3A_240 : i32 to index
    %swap3A_242 = arith.constant 0 : index
    %swap3A_243 = tpu.vector_load %arg10[%swap3A_241, %swap3A_242] {strides = array<i32>} : memref<128x16xf32, #tpu.memory_space<vmem>>, vector<1x16xf32>,
    %swap3A_244 = vector.shape_cast %swap3A_243 : vector<1x16xf32> to vector<16xf32>
    %swap3A_245 = vector.shape_cast %broadcast_in_dim3A_0 : vector<16xf32> to vector<1x16xf32>
    tpu.vector_store %arg10[%swap3A_241, %swap3A_242], %swap3A_245 {strides = array<i32>} : memref<128x16xf32, #tpu.memory_space<vmem>>, vector<1x16xf32>,
    %swap3A_246 = arith.constant 41 : i32
    %swap3A_247 = arith.index_cast %swap3A_246 : i32 to index
    %swap3A_248 = arith.constant 0 : index
    %swap3A_249 = tpu.vector_load %arg10[%swap3A_247, %swap3A_248] {strides = array<i32>} : memref<128x16xf32, #tpu.memory_space<vmem>>, vector<1x16xf32>,
    %swap3A_250 = vector.shape_cast %swap3A_249 : vector<1x16xf32> to vector<16xf32>
    %swap3A_251 = vector.shape_cast %broadcast_in_dim3A_0 : vector<16xf32> to vector<1x16xf32>
    tpu.vector_store %arg10[%swap3A_247, %swap3A_248], %swap3A_251 {strides = array<i32>} : memref<128x16xf32, #tpu.memory_space<vmem>>, vector<1x16xf32>,
    %swap3A_252 = arith.constant 42 : i32
    %swap3A_253 = arith.index_cast %swap3A_252 : i32 to index
    %swap3A_254 = arith.constant 0 : index
    %swap3A_255 = tpu.vector_load %arg10[%swap3A_253, %swap3A_254] {strides = array<i32>} : memref<128x16xf32, #tpu.memory_space<vmem>>, vector<1x16xf32>,
    %swap3A_256 = vector.shape_cast %swap3A_255 : vector<1x16xf32> to vector<16xf32>
    %swap3A_257 = vector.shape_cast %broadcast_in_dim3A_0 : vector<16xf32> to vector<1x16xf32>
    tpu.vector_store %arg10[%swap3A_253, %swap3A_254], %swap3A_257 {strides = array<i32>} : memref<128x16xf32, #tpu.memory_space<vmem>>, vector<1x16xf32>,
    %swap3A_258 = arith.constant 43 : i32
    %swap3A_259 = arith.index_cast %swap3A_258 : i32 to index
    %swap3A_260 = arith.constant 0 : index
    %swap3A_261 = tpu.vector_load %arg10[%swap3A_259, %swap3A_260] {strides = array<i32>} : memref<128x16xf32, #tpu.memory_space<vmem>>, vector<1x16xf32>,
    %swap3A_262 = vector.shape_cast %swap3A_261 : vector<1x16xf32> to vector<16xf32>
    %swap3A_263 = vector.shape_cast %broadcast_in_dim3A_0 : vector<16xf32> to vector<1x16xf32>
    tpu.vector_store %arg10[%swap3A_259, %swap3A_260], %swap3A_263 {strides = array<i32>} : memref<128x16xf32, #tpu.memory_space<vmem>>, vector<1x16xf32>,
    %swap3A_264 = arith.constant 44 : i32
    %swap3A_265 = arith.index_cast %swap3A_264 : i32 to index
    %swap3A_266 = arith.constant 0 : index
    %swap3A_267 = tpu.vector_load %arg10[%swap3A_265, %swap3A_266] {strides = array<i32>} : memref<128x16xf32, #tpu.memory_space<vmem>>, vector<1x16xf32>,
    %swap3A_268 = vector.shape_cast %swap3A_267 : vector<1x16xf32> to vector<16xf32>
    %swap3A_269 = vector.shape_cast %broadcast_in_dim3A_0 : vector<16xf32> to vector<1x16xf32>
    tpu.vector_store %arg10[%swap3A_265, %swap3A_266], %swap3A_269 {strides = array<i32>} : memref<128x16xf32, #tpu.memory_space<vmem>>, vector<1x16xf32>,
    %swap3A_270 = arith.constant 45 : i32
    %swap3A_271 = arith.index_cast %swap3A_270 : i32 to index
    %swap3A_272 = arith.constant 0 : index
    %swap3A_273 = tpu.vector_load %arg10[%swap3A_271, %swap3A_272] {strides = array<i32>} : memref<128x16xf32, #tpu.memory_space<vmem>>, vector<1x16xf32>,
    %swap3A_274 = vector.shape_cast %swap3A_273 : vector<1x16xf32> to vector<16xf32>
    %swap3A_275 = vector.shape_cast %broadcast_in_dim3A_0 : vector<16xf32> to vector<1x16xf32>
    tpu.vector_store %arg10[%swap3A_271, %swap3A_272], %swap3A_275 {strides = array<i32>} : memref<128x16xf32, #tpu.memory_space<vmem>>, vector<1x16xf32>,
    %swap3A_276 = arith.constant 46 : i32
    %swap3A_277 = arith.index_cast %swap3A_276 : i32 to index
    %swap3A_278 = arith.constant 0 : index
    %swap3A_279 = tpu.vector_load %arg10[%swap3A_277, %swap3A_278] {strides = array<i32>} : memref<128x16xf32, #tpu.memory_space<vmem>>, vector<1x16xf32>,
    %swap3A_280 = vector.shape_cast %swap3A_279 : vector<1x16xf32> to vector<16xf32>
    %swap3A_281 = vector.shape_cast %broadcast_in_dim3A_0 : vector<16xf32> to vector<1x16xf32>
    tpu.vector_store %arg10[%swap3A_277, %swap3A_278], %swap3A_281 {strides = array<i32>} : memref<128x16xf32, #tpu.memory_space<vmem>>, vector<1x16xf32>,
    %swap3A_282 = arith.constant 47 : i32
    %swap3A_283 = arith.index_cast %swap3A_282 : i32 to index
    %swap3A_284 = arith.constant 0 : index
    %swap3A_285 = tpu.vector_load %arg10[%swap3A_283, %swap3A_284] {strides = array<i32>} : memref<128x16xf32, #tpu.memory_space<vmem>>, vector<1x16xf32>,
    %swap3A_286 = vector.shape_cast %swap3A_285 : vector<1x16xf32> to vector<16xf32>
    %swap3A_287 = vector.shape_cast %broadcast_in_dim3A_0 : vector<16xf32> to vector<1x16xf32>
    tpu.vector_store %arg10[%swap3A_283, %swap3A_284], %swap3A_287 {strides = array<i32>} : memref<128x16xf32, #tpu.memory_space<vmem>>, vector<1x16xf32>,
    %swap3A_288 = arith.constant 48 : i32
    %swap3A_289 = arith.index_cast %swap3A_288 : i32 to index
    %swap3A_290 = arith.constant 0 : index
    %swap3A_291 = tpu.vector_load %arg10[%swap3A_289, %swap3A_290] {strides = array<i32>} : memref<128x16xf32, #tpu.memory_space<vmem>>, vector<1x16xf32>,
    %swap3A_292 = vector.shape_cast %swap3A_291 : vector<1x16xf32> to vector<16xf32>
    %swap3A_293 = vector.shape_cast %broadcast_in_dim3A_0 : vector<16xf32> to vector<1x16xf32>
    tpu.vector_store %arg10[%swap3A_289, %swap3A_290], %swap3A_293 {strides = array<i32>} : memref<128x16xf32, #tpu.memory_space<vmem>>, vector<1x16xf32>,
    %swap3A_294 = arith.constant 49 : i32
    %swap3A_295 = arith.index_cast %swap3A_294 : i32 to index
    %swap3A_296 = arith.constant 0 : index
    %swap3A_297 = tpu.vector_load %arg10[%swap3A_295, %swap3A_296] {strides = array<i32>} : memref<128x16xf32, #tpu.memory_space<vmem>>, vector<1x16xf32>,
    %swap3A_298 = vector.shape_cast %swap3A_297 : vector<1x16xf32> to vector<16xf32>
    %swap3A_299 = vector.shape_cast %broadcast_in_dim3A_0 : vector<16xf32> to vector<1x16xf32>
    tpu.vector_store %arg10[%swap3A_295, %swap3A_296], %swap3A_299 {strides = array<i32>} : memref<128x16xf32, #tpu.memory_space<vmem>>, vector<1x16xf32>,
    %swap3A_300 = arith.constant 50 : i32
    %swap3A_301 = arith.index_cast %swap3A_300 : i32 to index
    %swap3A_302 = arith.constant 0 : index
    %swap3A_303 = tpu.vector_load %arg10[%swap3A_301, %swap3A_302] {strides = array<i32>} : memref<128x16xf32, #tpu.memory_space<vmem>>, vector<1x16xf32>,
    %swap3A_304 = vector.shape_cast %swap3A_303 : vector<1x16xf32> to vector<16xf32>
    %swap3A_305 = vector.shape_cast %broadcast_in_dim3A_0 : vector<16xf32> to vector<1x16xf32>
    tpu.vector_store %arg10[%swap3A_301, %swap3A_302], %swap3A_305 {strides = array<i32>} : memref<128x16xf32, #tpu.memory_space<vmem>>, vector<1x16xf32>,
    %swap3A_306 = arith.constant 51 : i32
    %swap3A_307 = arith.index_cast %swap3A_306 : i32 to index
    %swap3A_308 = arith.constant 0 : index
    %swap3A_309 = tpu.vector_load %arg10[%swap3A_307, %swap3A_308] {strides = array<i32>} : memref<128x16xf32, #tpu.memory_space<vmem>>, vector<1x16xf32>,
    %swap3A_310 = vector.shape_cast %swap3A_309 : vector<1x16xf32> to vector<16xf32>
    %swap3A_311 = vector.shape_cast %broadcast_in_dim3A_0 : vector<16xf32> to vector<1x16xf32>
    tpu.vector_store %arg10[%swap3A_307, %swap3A_308], %swap3A_311 {strides = array<i32>} : memref<128x16xf32, #tpu.memory_space<vmem>>, vector<1x16xf32>,
    %swap3A_312 = arith.constant 52 : i32
    %swap3A_313 = arith.index_cast %swap3A_312 : i32 to index
    %swap3A_314 = arith.constant 0 : index
    %swap3A_315 = tpu.vector_load %arg10[%swap3A_313, %swap3A_314] {strides = array<i32>} : memref<128x16xf32, #tpu.memory_space<vmem>>, vector<1x16xf32>,
    %swap3A_316 = vector.shape_cast %swap3A_315 : vector<1x16xf32> to vector<16xf32>
    %swap3A_317 = vector.shape_cast %broadcast_in_dim3A_0 : vector<16xf32> to vector<1x16xf32>
    tpu.vector_store %arg10[%swap3A_313, %swap3A_314], %swap3A_317 {strides = array<i32>} : memref<128x16xf32, #tpu.memory_space<vmem>>, vector<1x16xf32>,
    %swap3A_318 = arith.constant 53 : i32
    %swap3A_319 = arith.index_cast %swap3A_318 : i32 to index
    %swap3A_320 = arith.constant 0 : index
    %swap3A_321 = tpu.vector_load %arg10[%swap3A_319, %swap3A_320] {strides = array<i32>} : memref<128x16xf32, #tpu.memory_space<vmem>>, vector<1x16xf32>,
    %swap3A_322 = vector.shape_cast %swap3A_321 : vector<1x16xf32> to vector<16xf32>
    %swap3A_323 = vector.shape_cast %broadcast_in_dim3A_0 : vector<16xf32> to vector<1x16xf32>
    tpu.vector_store %arg10[%swap3A_319, %swap3A_320], %swap3A_323 {strides = array<i32>} : memref<128x16xf32, #tpu.memory_space<vmem>>, vector<1x16xf32>,
    %swap3A_324 = arith.constant 54 : i32
    %swap3A_325 = arith.index_cast %swap3A_324 : i32 to index
    %swap3A_326 = arith.constant 0 : index
    %swap3A_327 = tpu.vector_load %arg10[%swap3A_325, %swap3A_326] {strides = array<i32>} : memref<128x16xf32, #tpu.memory_space<vmem>>, vector<1x16xf32>,
    %swap3A_328 = vector.shape_cast %swap3A_327 : vector<1x16xf32> to vector<16xf32>
    %swap3A_329 = vector.shape_cast %broadcast_in_dim3A_0 : vector<16xf32> to vector<1x16xf32>
    tpu.vector_store %arg10[%swap3A_325, %swap3A_326], %swap3A_329 {strides = array<i32>} : memref<128x16xf32, #tpu.memory_space<vmem>>, vector<1x16xf32>,
    %swap3A_330 = arith.constant 55 : i32
    %swap3A_331 = arith.index_cast %swap3A_330 : i32 to index
    %swap3A_332 = arith.constant 0 : index
    %swap3A_333 = tpu.vector_load %arg10[%swap3A_331, %swap3A_332] {strides = array<i32>} : memref<128x16xf32, #tpu.memory_space<vmem>>, vector<1x16xf32>,
    %swap3A_334 = vector.shape_cast %swap3A_333 : vector<1x16xf32> to vector<16xf32>
    %swap3A_335 = vector.shape_cast %broadcast_in_dim3A_0 : vector<16xf32> to vector<1x16xf32>
    tpu.vector_store %arg10[%swap3A_331, %swap3A_332], %swap3A_335 {strides = array<i32>} : memref<128x16xf32, #tpu.memory_space<vmem>>, vector<1x16xf32>,
    %swap3A_336 = arith.constant 56 : i32
    %swap3A_337 = arith.index_cast %swap3A_336 : i32 to index
    %swap3A_338 = arith.constant 0 : index
    %swap3A_339 = tpu.vector_load %arg10[%swap3A_337, %swap3A_338] {strides = array<i32>} : memref<128x16xf32, #tpu.memory_space<vmem>>, vector<1x16xf32>,
    %swap3A_340 = vector.shape_cast %swap3A_339 : vector<1x16xf32> to vector<16xf32>
    %swap3A_341 = vector.shape_cast %broadcast_in_dim3A_0 : vector<16xf32> to vector<1x16xf32>
    tpu.vector_store %arg10[%swap3A_337, %swap3A_338], %swap3A_341 {strides = array<i32>} : memref<128x16xf32, #tpu.memory_space<vmem>>, vector<1x16xf32>,
    %swap3A_342 = arith.constant 57 : i32
    %swap3A_343 = arith.index_cast %swap3A_342 : i32 to index
    %swap3A_344 = arith.constant 0 : index
    %swap3A_345 = tpu.vector_load %arg10[%swap3A_343, %swap3A_344] {strides = array<i32>} : memref<128x16xf32, #tpu.memory_space<vmem>>, vector<1x16xf32>,
    %swap3A_346 = vector.shape_cast %swap3A_345 : vector<1x16xf32> to vector<16xf32>
    %swap3A_347 = vector.shape_cast %broadcast_in_dim3A_0 : vector<16xf32> to vector<1x16xf32>
    tpu.vector_store %arg10[%swap3A_343, %swap3A_344], %swap3A_347 {strides = array<i32>} : memref<128x16xf32, #tpu.memory_space<vmem>>, vector<1x16xf32>,
    %swap3A_348 = arith.constant 58 : i32
    %swap3A_349 = arith.index_cast %swap3A_348 : i32 to index
    %swap3A_350 = arith.constant 0 : index
    %swap3A_351 = tpu.vector_load %arg10[%swap3A_349, %swap3A_350] {strides = array<i32>} : memref<128x16xf32, #tpu.memory_space<vmem>>, vector<1x16xf32>,
    %swap3A_352 = vector.shape_cast %swap3A_351 : vector<1x16xf32> to vector<16xf32>
    %swap3A_353 = vector.shape_cast %broadcast_in_dim3A_0 : vector<16xf32> to vector<1x16xf32>
    tpu.vector_store %arg10[%swap3A_349, %swap3A_350], %swap3A_353 {strides = array<i32>} : memref<128x16xf32, #tpu.memory_space<vmem>>, vector<1x16xf32>,
    %swap3A_354 = arith.constant 59 : i32
    %swap3A_355 = arith.index_cast %swap3A_354 : i32 to index
    %swap3A_356 = arith.constant 0 : index
    %swap3A_357 = tpu.vector_load %arg10[%swap3A_355, %swap3A_356] {strides = array<i32>} : memref<128x16xf32, #tpu.memory_space<vmem>>, vector<1x16xf32>,
    %swap3A_358 = vector.shape_cast %swap3A_357 : vector<1x16xf32> to vector<16xf32>
    %swap3A_359 = vector.shape_cast %broadcast_in_dim3A_0 : vector<16xf32> to vector<1x16xf32>
    tpu.vector_store %arg10[%swap3A_355, %swap3A_356], %swap3A_359 {strides = array<i32>} : memref<128x16xf32, #tpu.memory_space<vmem>>, vector<1x16xf32>,
    %swap3A_360 = arith.constant 60 : i32
    %swap3A_361 = arith.index_cast %swap3A_360 : i32 to index
    %swap3A_362 = arith.constant 0 : index
    %swap3A_363 = tpu.vector_load %arg10[%swap3A_361, %swap3A_362] {strides = array<i32>} : memref<128x16xf32, #tpu.memory_space<vmem>>, vector<1x16xf32>,
    %swap3A_364 = vector.shape_cast %swap3A_363 : vector<1x16xf32> to vector<16xf32>
    %swap3A_365 = vector.shape_cast %broadcast_in_dim3A_0 : vector<16xf32> to vector<1x16xf32>
    tpu.vector_store %arg10[%swap3A_361, %swap3A_362], %swap3A_365 {strides = array<i32>} : memref<128x16xf32, #tpu.memory_space<vmem>>, vector<1x16xf32>,
    %swap3A_366 = arith.constant 61 : i32
    %swap3A_367 = arith.index_cast %swap3A_366 : i32 to index
    %swap3A_368 = arith.constant 0 : index
    %swap3A_369 = tpu.vector_load %arg10[%swap3A_367, %swap3A_368] {strides = array<i32>} : memref<128x16xf32, #tpu.memory_space<vmem>>, vector<1x16xf32>,
    %swap3A_370 = vector.shape_cast %swap3A_369 : vector<1x16xf32> to vector<16xf32>
    %swap3A_371 = vector.shape_cast %broadcast_in_dim3A_0 : vector<16xf32> to vector<1x16xf32>
    tpu.vector_store %arg10[%swap3A_367, %swap3A_368], %swap3A_371 {strides = array<i32>} : memref<128x16xf32, #tpu.memory_space<vmem>>, vector<1x16xf32>,
    %swap3A_372 = arith.constant 62 : i32
    %swap3A_373 = arith.index_cast %swap3A_372 : i32 to index
    %swap3A_374 = arith.constant 0 : index
    %swap3A_375 = tpu.vector_load %arg10[%swap3A_373, %swap3A_374] {strides = array<i32>} : memref<128x16xf32, #tpu.memory_space<vmem>>, vector<1x16xf32>,
    %swap3A_376 = vector.shape_cast %swap3A_375 : vector<1x16xf32> to vector<16xf32>
    %swap3A_377 = vector.shape_cast %broadcast_in_dim3A_0 : vector<16xf32> to vector<1x16xf32>
    tpu.vector_store %arg10[%swap3A_373, %swap3A_374], %swap3A_377 {strides = array<i32>} : memref<128x16xf32, #tpu.memory_space<vmem>>, vector<1x16xf32>,
    %swap3A_378 = arith.constant 63 : i32
    %swap3A_379 = arith.index_cast %swap3A_378 : i32 to index
    %swap3A_380 = arith.constant 0 : index
    %swap3A_381 = tpu.vector_load %arg10[%swap3A_379, %swap3A_380] {strides = array<i32>} : memref<128x16xf32, #tpu.memory_space<vmem>>, vector<1x16xf32>,
    %swap3A_382 = vector.shape_cast %swap3A_381 : vector<1x16xf32> to vector<16xf32>
    %swap3A_383 = vector.shape_cast %broadcast_in_dim3A_0 : vector<16xf32> to vector<1x16xf32>
    tpu.vector_store %arg10[%swap3A_379, %swap3A_380], %swap3A_383 {strides = array<i32>} : memref<128x16xf32, #tpu.memory_space<vmem>>, vector<1x16xf32>,
    %swap3A_384 = arith.constant 64 : i32
    %swap3A_385 = arith.index_cast %swap3A_384 : i32 to index
    %swap3A_386 = arith.constant 0 : index
    %swap3A_387 = tpu.vector_load %arg10[%swap3A_385, %swap3A_386] {strides = array<i32>} : memref<128x16xf32, #tpu.memory_space<vmem>>, vector<1x16xf32>,
    %swap3A_388 = vector.shape_cast %swap3A_387 : vector<1x16xf32> to vector<16xf32>
    %swap3A_389 = vector.shape_cast %broadcast_in_dim3A_0 : vector<16xf32> to vector<1x16xf32>
    tpu.vector_store %arg10[%swap3A_385, %swap3A_386], %swap3A_389 {strides = array<i32>} : memref<128x16xf32, #tpu.memory_space<vmem>>, vector<1x16xf32>,
    %swap3A_390 = arith.constant 65 : i32
    %swap3A_391 = arith.index_cast %swap3A_390 : i32 to index
    %swap3A_392 = arith.constant 0 : index
    %swap3A_393 = tpu.vector_load %arg10[%swap3A_391, %swap3A_392] {strides = array<i32>} : memref<128x16xf32, #tpu.memory_space<vmem>>, vector<1x16xf32>,
    %swap3A_394 = vector.shape_cast %swap3A_393 : vector<1x16xf32> to vector<16xf32>
    %swap3A_395 = vector.shape_cast %broadcast_in_dim3A_0 : vector<16xf32> to vector<1x16xf32>
    tpu.vector_store %arg10[%swap3A_391, %swap3A_392], %swap3A_395 {strides = array<i32>} : memref<128x16xf32, #tpu.memory_space<vmem>>, vector<1x16xf32>,
    %swap3A_396 = arith.constant 66 : i32
    %swap3A_397 = arith.index_cast %swap3A_396 : i32 to index
    %swap3A_398 = arith.constant 0 : index
    %swap3A_399 = tpu.vector_load %arg10[%swap3A_397, %swap3A_398] {strides = array<i32>} : memref<128x16xf32, #tpu.memory_space<vmem>>, vector<1x16xf32>,
    %swap3A_400 = vector.shape_cast %swap3A_399 : vector<1x16xf32> to vector<16xf32>
    %swap3A_401 = vector.shape_cast %broadcast_in_dim3A_0 : vector<16xf32> to vector<1x16xf32>
    tpu.vector_store %arg10[%swap3A_397, %swap3A_398], %swap3A_401 {strides = array<i32>} : memref<128x16xf32, #tpu.memory_space<vmem>>, vector<1x16xf32>,
    %swap3A_402 = arith.constant 67 : i32
    %swap3A_403 = arith.index_cast %swap3A_402 : i32 to index
    %swap3A_404 = arith.constant 0 : index
    %swap3A_405 = tpu.vector_load %arg10[%swap3A_403, %swap3A_404] {strides = array<i32>} : memref<128x16xf32, #tpu.memory_space<vmem>>, vector<1x16xf32>,
    %swap3A_406 = vector.shape_cast %swap3A_405 : vector<1x16xf32> to vector<16xf32>
    %swap3A_407 = vector.shape_cast %broadcast_in_dim3A_0 : vector<16xf32> to vector<1x16xf32>
    tpu.vector_store %arg10[%swap3A_403, %swap3A_404], %swap3A_407 {strides = array<i32>} : memref<128x16xf32, #tpu.memory_space<vmem>>, vector<1x16xf32>,
    %swap3A_408 = arith.constant 68 : i32
    %swap3A_409 = arith.index_cast %swap3A_408 : i32 to index
    %swap3A_410 = arith.constant 0 : index
    %swap3A_411 = tpu.vector_load %arg10[%swap3A_409, %swap3A_410] {strides = array<i32>} : memref<128x16xf32, #tpu.memory_space<vmem>>, vector<1x16xf32>,
    %swap3A_412 = vector.shape_cast %swap3A_411 : vector<1x16xf32> to vector<16xf32>
    %swap3A_413 = vector.shape_cast %broadcast_in_dim3A_0 : vector<16xf32> to vector<1x16xf32>
    tpu.vector_store %arg10[%swap3A_409, %swap3A_410], %swap3A_413 {strides = array<i32>} : memref<128x16xf32, #tpu.memory_space<vmem>>, vector<1x16xf32>,
    %swap3A_414 = arith.constant 69 : i32
    %swap3A_415 = arith.index_cast %swap3A_414 : i32 to index
    %swap3A_416 = arith.constant 0 : index
    %swap3A_417 = tpu.vector_load %arg10[%swap3A_415, %swap3A_416] {strides = array<i32>} : memref<128x16xf32, #tpu.memory_space<vmem>>, vector<1x16xf32>,
    %swap3A_418 = vector.shape_cast %swap3A_417 : vector<1x16xf32> to vector<16xf32>
    %swap3A_419 = vector.shape_cast %broadcast_in_dim3A_0 : vector<16xf32> to vector<1x16xf32>
    tpu.vector_store %arg10[%swap3A_415, %swap3A_416], %swap3A_419 {strides = array<i32>} : memref<128x16xf32, #tpu.memory_space<vmem>>, vector<1x16xf32>,
    %swap3A_420 = arith.constant 70 : i32
    %swap3A_421 = arith.index_cast %swap3A_420 : i32 to index
    %swap3A_422 = arith.constant 0 : index
    %swap3A_423 = tpu.vector_load %arg10[%swap3A_421, %swap3A_422] {strides = array<i32>} : memref<128x16xf32, #tpu.memory_space<vmem>>, vector<1x16xf32>,
    %swap3A_424 = vector.shape_cast %swap3A_423 : vector<1x16xf32> to vector<16xf32>
    %swap3A_425 = vector.shape_cast %broadcast_in_dim3A_0 : vector<16xf32> to vector<1x16xf32>
    tpu.vector_store %arg10[%swap3A_421, %swap3A_422], %swap3A_425 {strides = array<i32>} : memref<128x16xf32, #tpu.memory_space<vmem>>, vector<1x16xf32>,
    %swap3A_426 = arith.constant 71 : i32
    %swap3A_427 = arith.index_cast %swap3A_426 : i32 to index
    %swap3A_428 = arith.constant 0 : index
    %swap3A_429 = tpu.vector_load %arg10[%swap3A_427, %swap3A_428] {strides = array<i32>} : memref<128x16xf32, #tpu.memory_space<vmem>>, vector<1x16xf32>,
    %swap3A_430 = vector.shape_cast %swap3A_429 : vector<1x16xf32> to vector<16xf32>
    %swap3A_431 = vector.shape_cast %broadcast_in_dim3A_0 : vector<16xf32> to vector<1x16xf32>
    tpu.vector_store %arg10[%swap3A_427, %swap3A_428], %swap3A_431 {strides = array<i32>} : memref<128x16xf32, #tpu.memory_space<vmem>>, vector<1x16xf32>,
    %swap3A_432 = arith.constant 72 : i32
    %swap3A_433 = arith.index_cast %swap3A_432 : i32 to index
    %swap3A_434 = arith.constant 0 : index
    %swap3A_435 = tpu.vector_load %arg10[%swap3A_433, %swap3A_434] {strides = array<i32>} : memref<128x16xf32, #tpu.memory_space<vmem>>, vector<1x16xf32>,
    %swap3A_436 = vector.shape_cast %swap3A_435 : vector<1x16xf32> to vector<16xf32>
    %swap3A_437 = vector.shape_cast %broadcast_in_dim3A_0 : vector<16xf32> to vector<1x16xf32>
    tpu.vector_store %arg10[%swap3A_433, %swap3A_434], %swap3A_437 {strides = array<i32>} : memref<128x16xf32, #tpu.memory_space<vmem>>, vector<1x16xf32>,
    %swap3A_438 = arith.constant 73 : i32
    %swap3A_439 = arith.index_cast %swap3A_438 : i32 to index
    %swap3A_440 = arith.constant 0 : index
    %swap3A_441 = tpu.vector_load %arg10[%swap3A_439, %swap3A_440] {strides = array<i32>} : memref<128x16xf32, #tpu.memory_space<vmem>>, vector<1x16xf32>,
    %swap3A_442 = vector.shape_cast %swap3A_441 : vector<1x16xf32> to vector<16xf32>
    %swap3A_443 = vector.shape_cast %broadcast_in_dim3A_0 : vector<16xf32> to vector<1x16xf32>
    tpu.vector_store %arg10[%swap3A_439, %swap3A_440], %swap3A_443 {strides = array<i32>} : memref<128x16xf32, #tpu.memory_space<vmem>>, vector<1x16xf32>,
    %swap3A_444 = arith.constant 74 : i32
    %swap3A_445 = arith.index_cast %swap3A_444 : i32 to index
    %swap3A_446 = arith.constant 0 : index
    %swap3A_447 = tpu.vector_load %arg10[%swap3A_445, %swap3A_446] {strides = array<i32>} : memref<128x16xf32, #tpu.memory_space<vmem>>, vector<1x16xf32>,
    %swap3A_448 = vector.shape_cast %swap3A_447 : vector<1x16xf32> to vector<16xf32>
    %swap3A_449 = vector.shape_cast %broadcast_in_dim3A_0 : vector<16xf32> to vector<1x16xf32>
    tpu.vector_store %arg10[%swap3A_445, %swap3A_446], %swap3A_449 {strides = array<i32>} : memref<128x16xf32, #tpu.memory_space<vmem>>, vector<1x16xf32>,
    %swap3A_450 = arith.constant 75 : i32
    %swap3A_451 = arith.index_cast %swap3A_450 : i32 to index
    %swap3A_452 = arith.constant 0 : index
    %swap3A_453 = tpu.vector_load %arg10[%swap3A_451, %swap3A_452] {strides = array<i32>} : memref<128x16xf32, #tpu.memory_space<vmem>>, vector<1x16xf32>,
    %swap3A_454 = vector.shape_cast %swap3A_453 : vector<1x16xf32> to vector<16xf32>
    %swap3A_455 = vector.shape_cast %broadcast_in_dim3A_0 : vector<16xf32> to vector<1x16xf32>
    tpu.vector_store %arg10[%swap3A_451, %swap3A_452], %swap3A_455 {strides = array<i32>} : memref<128x16xf32, #tpu.memory_space<vmem>>, vector<1x16xf32>,
    %swap3A_456 = arith.constant 76 : i32
    %swap3A_457 = arith.index_cast %swap3A_456 : i32 to index
    %swap3A_458 = arith.constant 0 : index
    %swap3A_459 = tpu.vector_load %arg10[%swap3A_457, %swap3A_458] {strides = array<i32>} : memref<128x16xf32, #tpu.memory_space<vmem>>, vector<1x16xf32>,
    %swap3A_460 = vector.shape_cast %swap3A_459 : vector<1x16xf32> to vector<16xf32>
    %swap3A_461 = vector.shape_cast %broadcast_in_dim3A_0 : vector<16xf32> to vector<1x16xf32>
    tpu.vector_store %arg10[%swap3A_457, %swap3A_458], %swap3A_461 {strides = array<i32>} : memref<128x16xf32, #tpu.memory_space<vmem>>, vector<1x16xf32>,
    %swap3A_462 = arith.constant 77 : i32
    %swap3A_463 = arith.index_cast %swap3A_462 : i32 to index
    %swap3A_464 = arith.constant 0 : index
    %swap3A_465 = tpu.vector_load %arg10[%swap3A_463, %swap3A_464] {strides = array<i32>} : memref<128x16xf32, #tpu.memory_space<vmem>>, vector<1x16xf32>,
    %swap3A_466 = vector.shape_cast %swap3A_465 : vector<1x16xf32> to vector<16xf32>
    %swap3A_467 = vector.shape_cast %broadcast_in_dim3A_0 : vector<16xf32> to vector<1x16xf32>
    tpu.vector_store %arg10[%swap3A_463, %swap3A_464], %swap3A_467 {strides = array<i32>} : memref<128x16xf32, #tpu.memory_space<vmem>>, vector<1x16xf32>,
    %swap3A_468 = arith.constant 78 : i32
    %swap3A_469 = arith.index_cast %swap3A_468 : i32 to index
    %swap3A_470 = arith.constant 0 : index
    %swap3A_471 = tpu.vector_load %arg10[%swap3A_469, %swap3A_470] {strides = array<i32>} : memref<128x16xf32, #tpu.memory_space<vmem>>, vector<1x16xf32>,
    %swap3A_472 = vector.shape_cast %swap3A_471 : vector<1x16xf32> to vector<16xf32>
    %swap3A_473 = vector.shape_cast %broadcast_in_dim3A_0 : vector<16xf32> to vector<1x16xf32>
    tpu.vector_store %arg10[%swap3A_469, %swap3A_470], %swap3A_473 {strides = array<i32>} : memref<128x16xf32, #tpu.memory_space<vmem>>, vector<1x16xf32>,
    %swap3A_474 = arith.constant 79 : i32
    %swap3A_475 = arith.index_cast %swap3A_474 : i32 to index
    %swap3A_476 = arith.constant 0 : index
    %swap3A_477 = tpu.vector_load %arg10[%swap3A_475, %swap3A_476] {strides = array<i32>} : memref<128x16xf32, #tpu.memory_space<vmem>>, vector<1x16xf32>,
    %swap3A_478 = vector.shape_cast %swap3A_477 : vector<1x16xf32> to vector<16xf32>
    %swap3A_479 = vector.shape_cast %broadcast_in_dim3A_0 : vector<16xf32> to vector<1x16xf32>
    tpu.vector_store %arg10[%swap3A_475, %swap3A_476], %swap3A_479 {strides = array<i32>} : memref<128x16xf32, #tpu.memory_space<vmem>>, vector<1x16xf32>,
    %swap3A_480 = arith.constant 80 : i32
    %swap3A_481 = arith.index_cast %swap3A_480 : i32 to index
    %swap3A_482 = arith.constant 0 : index
    %swap3A_483 = tpu.vector_load %arg10[%swap3A_481, %swap3A_482] {strides = array<i32>} : memref<128x16xf32, #tpu.memory_space<vmem>>, vector<1x16xf32>,
    %swap3A_484 = vector.shape_cast %swap3A_483 : vector<1x16xf32> to vector<16xf32>
    %swap3A_485 = vector.shape_cast %broadcast_in_dim3A_0 : vector<16xf32> to vector<1x16xf32>
    tpu.vector_store %arg10[%swap3A_481, %swap3A_482], %swap3A_485 {strides = array<i32>} : memref<128x16xf32, #tpu.memory_space<vmem>>, vector<1x16xf32>,
    %swap3A_486 = arith.constant 81 : i32
    %swap3A_487 = arith.index_cast %swap3A_486 : i32 to index
    %swap3A_488 = arith.constant 0 : index
    %swap3A_489 = tpu.vector_load %arg10[%swap3A_487, %swap3A_488] {strides = array<i32>} : memref<128x16xf32, #tpu.memory_space<vmem>>, vector<1x16xf32>,
    %swap3A_490 = vector.shape_cast %swap3A_489 : vector<1x16xf32> to vector<16xf32>
    %swap3A_491 = vector.shape_cast %broadcast_in_dim3A_0 : vector<16xf32> to vector<1x16xf32>
    tpu.vector_store %arg10[%swap3A_487, %swap3A_488], %swap3A_491 {strides = array<i32>} : memref<128x16xf32, #tpu.memory_space<vmem>>, vector<1x16xf32>,
    %swap3A_492 = arith.constant 82 : i32
    %swap3A_493 = arith.index_cast %swap3A_492 : i32 to index
    %swap3A_494 = arith.constant 0 : index
    %swap3A_495 = tpu.vector_load %arg10[%swap3A_493, %swap3A_494] {strides = array<i32>} : memref<128x16xf32, #tpu.memory_space<vmem>>, vector<1x16xf32>,
    %swap3A_496 = vector.shape_cast %swap3A_495 : vector<1x16xf32> to vector<16xf32>
    %swap3A_497 = vector.shape_cast %broadcast_in_dim3A_0 : vector<16xf32> to vector<1x16xf32>
    tpu.vector_store %arg10[%swap3A_493, %swap3A_494], %swap3A_497 {strides = array<i32>} : memref<128x16xf32, #tpu.memory_space<vmem>>, vector<1x16xf32>,
    %swap3A_498 = arith.constant 83 : i32
    %swap3A_499 = arith.index_cast %swap3A_498 : i32 to index
    %swap3A_500 = arith.constant 0 : index
    %swap3A_501 = tpu.vector_load %arg10[%swap3A_499, %swap3A_500] {strides = array<i32>} : memref<128x16xf32, #tpu.memory_space<vmem>>, vector<1x16xf32>,
    %swap3A_502 = vector.shape_cast %swap3A_501 : vector<1x16xf32> to vector<16xf32>
    %swap3A_503 = vector.shape_cast %broadcast_in_dim3A_0 : vector<16xf32> to vector<1x16xf32>
    tpu.vector_store %arg10[%swap3A_499, %swap3A_500], %swap3A_503 {strides = array<i32>} : memref<128x16xf32, #tpu.memory_space<vmem>>, vector<1x16xf32>,
    %swap3A_504 = arith.constant 84 : i32
    %swap3A_505 = arith.index_cast %swap3A_504 : i32 to index
    %swap3A_506 = arith.constant 0 : index
    %swap3A_507 = tpu.vector_load %arg10[%swap3A_505, %swap3A_506] {strides = array<i32>} : memref<128x16xf32, #tpu.memory_space<vmem>>, vector<1x16xf32>,
    %swap3A_508 = vector.shape_cast %swap3A_507 : vector<1x16xf32> to vector<16xf32>
    %swap3A_509 = vector.shape_cast %broadcast_in_dim3A_0 : vector<16xf32> to vector<1x16xf32>
    tpu.vector_store %arg10[%swap3A_505, %swap3A_506], %swap3A_509 {strides = array<i32>} : memref<128x16xf32, #tpu.memory_space<vmem>>, vector<1x16xf32>,
    %swap3A_510 = arith.constant 85 : i32
    %swap3A_511 = arith.index_cast %swap3A_510 : i32 to index
    %swap3A_512 = arith.constant 0 : index
    %swap3A_513 = tpu.vector_load %arg10[%swap3A_511, %swap3A_512] {strides = array<i32>} : memref<128x16xf32, #tpu.memory_space<vmem>>, vector<1x16xf32>,
    %swap3A_514 = vector.shape_cast %swap3A_513 : vector<1x16xf32> to vector<16xf32>
    %swap3A_515 = vector.shape_cast %broadcast_in_dim3A_0 : vector<16xf32> to vector<1x16xf32>
    tpu.vector_store %arg10[%swap3A_511, %swap3A_512], %swap3A_515 {strides = array<i32>} : memref<128x16xf32, #tpu.memory_space<vmem>>, vector<1x16xf32>,
    %swap3A_516 = arith.constant 86 : i32
    %swap3A_517 = arith.index_cast %swap3A_516 : i32 to index
    %swap3A_518 = arith.constant 0 : index
    %swap3A_519 = tpu.vector_load %arg10[%swap3A_517, %swap3A_518] {strides = array<i32>} : memref<128x16xf32, #tpu.memory_space<vmem>>, vector<1x16xf32>,
    %swap3A_520 = vector.shape_cast %swap3A_519 : vector<1x16xf32> to vector<16xf32>
    %swap3A_521 = vector.shape_cast %broadcast_in_dim3A_0 : vector<16xf32> to vector<1x16xf32>
    tpu.vector_store %arg10[%swap3A_517, %swap3A_518], %swap3A_521 {strides = array<i32>} : memref<128x16xf32, #tpu.memory_space<vmem>>, vector<1x16xf32>,
    %swap3A_522 = arith.constant 87 : i32
    %swap3A_523 = arith.index_cast %swap3A_522 : i32 to index
    %swap3A_524 = arith.constant 0 : index
    %swap3A_525 = tpu.vector_load %arg10[%swap3A_523, %swap3A_524] {strides = array<i32>} : memref<128x16xf32, #tpu.memory_space<vmem>>, vector<1x16xf32>,
    %swap3A_526 = vector.shape_cast %swap3A_525 : vector<1x16xf32> to vector<16xf32>
    %swap3A_527 = vector.shape_cast %broadcast_in_dim3A_0 : vector<16xf32> to vector<1x16xf32>
    tpu.vector_store %arg10[%swap3A_523, %swap3A_524], %swap3A_527 {strides = array<i32>} : memref<128x16xf32, #tpu.memory_space<vmem>>, vector<1x16xf32>,
    %swap3A_528 = arith.constant 88 : i32
    %swap3A_529 = arith.index_cast %swap3A_528 : i32 to index
    %swap3A_530 = arith.constant 0 : index
    %swap3A_531 = tpu.vector_load %arg10[%swap3A_529, %swap3A_530] {strides = array<i32>} : memref<128x16xf32, #tpu.memory_space<vmem>>, vector<1x16xf32>,
    %swap3A_532 = vector.shape_cast %swap3A_531 : vector<1x16xf32> to vector<16xf32>
    %swap3A_533 = vector.shape_cast %broadcast_in_dim3A_0 : vector<16xf32> to vector<1x16xf32>
    tpu.vector_store %arg10[%swap3A_529, %swap3A_530], %swap3A_533 {strides = array<i32>} : memref<128x16xf32, #tpu.memory_space<vmem>>, vector<1x16xf32>,
    %swap3A_534 = arith.constant 89 : i32
    %swap3A_535 = arith.index_cast %swap3A_534 : i32 to index
    %swap3A_536 = arith.constant 0 : index
    %swap3A_537 = tpu.vector_load %arg10[%swap3A_535, %swap3A_536] {strides = array<i32>} : memref<128x16xf32, #tpu.memory_space<vmem>>, vector<1x16xf32>,
    %swap3A_538 = vector.shape_cast %swap3A_537 : vector<1x16xf32> to vector<16xf32>
    %swap3A_539 = vector.shape_cast %broadcast_in_dim3A_0 : vector<16xf32> to vector<1x16xf32>
    tpu.vector_store %arg10[%swap3A_535, %swap3A_536], %swap3A_539 {strides = array<i32>} : memref<128x16xf32, #tpu.memory_space<vmem>>, vector<1x16xf32>,
    %swap3A_540 = arith.constant 90 : i32
    %swap3A_541 = arith.index_cast %swap3A_540 : i32 to index
    %swap3A_542 = arith.constant 0 : index
    %swap3A_543 = tpu.vector_load %arg10[%swap3A_541, %swap3A_542] {strides = array<i32>} : memref<128x16xf32, #tpu.memory_space<vmem>>, vector<1x16xf32>,
    %swap3A_544 = vector.shape_cast %swap3A_543 : vector<1x16xf32> to vector<16xf32>
    %swap3A_545 = vector.shape_cast %broadcast_in_dim3A_0 : vector<16xf32> to vector<1x16xf32>
    tpu.vector_store %arg10[%swap3A_541, %swap3A_542], %swap3A_545 {strides = array<i32>} : memref<128x16xf32, #tpu.memory_space<vmem>>, vector<1x16xf32>,
    %swap3A_546 = arith.constant 91 : i32
    %swap3A_547 = arith.index_cast %swap3A_546 : i32 to index
    %swap3A_548 = arith.constant 0 : index
    %swap3A_549 = tpu.vector_load %arg10[%swap3A_547, %swap3A_548] {strides = array<i32>} : memref<128x16xf32, #tpu.memory_space<vmem>>, vector<1x16xf32>,
    %swap3A_550 = vector.shape_cast %swap3A_549 : vector<1x16xf32> to vector<16xf32>
    %swap3A_551 = vector.shape_cast %broadcast_in_dim3A_0 : vector<16xf32> to vector<1x16xf32>
    tpu.vector_store %arg10[%swap3A_547, %swap3A_548], %swap3A_551 {strides = array<i32>} : memref<128x16xf32, #tpu.memory_space<vmem>>, vector<1x16xf32>,
    %swap3A_552 = arith.constant 92 : i32
    %swap3A_553 = arith.index_cast %swap3A_552 : i32 to index
    %swap3A_554 = arith.constant 0 : index
    %swap3A_555 = tpu.vector_load %arg10[%swap3A_553, %swap3A_554] {strides = array<i32>} : memref<128x16xf32, #tpu.memory_space<vmem>>, vector<1x16xf32>,
    %swap3A_556 = vector.shape_cast %swap3A_555 : vector<1x16xf32> to vector<16xf32>
    %swap3A_557 = vector.shape_cast %broadcast_in_dim3A_0 : vector<16xf32> to vector<1x16xf32>
    tpu.vector_store %arg10[%swap3A_553, %swap3A_554], %swap3A_557 {strides = array<i32>} : memref<128x16xf32, #tpu.memory_space<vmem>>, vector<1x16xf32>,
    %swap3A_558 = arith.constant 93 : i32
    %swap3A_559 = arith.index_cast %swap3A_558 : i32 to index
    %swap3A_560 = arith.constant 0 : index
    %swap3A_561 = tpu.vector_load %arg10[%swap3A_559, %swap3A_560] {strides = array<i32>} : memref<128x16xf32, #tpu.memory_space<vmem>>, vector<1x16xf32>,
    %swap3A_562 = vector.shape_cast %swap3A_561 : vector<1x16xf32> to vector<16xf32>
    %swap3A_563 = vector.shape_cast %broadcast_in_dim3A_0 : vector<16xf32> to vector<1x16xf32>
    tpu.vector_store %arg10[%swap3A_559, %swap3A_560], %swap3A_563 {strides = array<i32>} : memref<128x16xf32, #tpu.memory_space<vmem>>, vector<1x16xf32>,
    %swap3A_564 = arith.constant 94 : i32
    %swap3A_565 = arith.index_cast %swap3A_564 : i32 to index
    %swap3A_566 = arith.constant 0 : index
    %swap3A_567 = tpu.vector_load %arg10[%swap3A_565, %swap3A_566] {strides = array<i32>} : memref<128x16xf32, #tpu.memory_space<vmem>>, vector<1x16xf32>,
    %swap3A_568 = vector.shape_cast %swap3A_567 : vector<1x16xf32> to vector<16xf32>
    %swap3A_569 = vector.shape_cast %broadcast_in_dim3A_0 : vector<16xf32> to vector<1x16xf32>
    tpu.vector_store %arg10[%swap3A_565, %swap3A_566], %swap3A_569 {strides = array<i32>} : memref<128x16xf32, #tpu.memory_space<vmem>>, vector<1x16xf32>,
    %swap3A_570 = arith.constant 95 : i32
    %swap3A_571 = arith.index_cast %swap3A_570 : i32 to index
    %swap3A_572 = arith.constant 0 : index
    %swap3A_573 = tpu.vector_load %arg10[%swap3A_571, %swap3A_572] {strides = array<i32>} : memref<128x16xf32, #tpu.memory_space<vmem>>, vector<1x16xf32>,
    %swap3A_574 = vector.shape_cast %swap3A_573 : vector<1x16xf32> to vector<16xf32>
    %swap3A_575 = vector.shape_cast %broadcast_in_dim3A_0 : vector<16xf32> to vector<1x16xf32>
    tpu.vector_store %arg10[%swap3A_571, %swap3A_572], %swap3A_575 {strides = array<i32>} : memref<128x16xf32, #tpu.memory_space<vmem>>, vector<1x16xf32>,
    %swap3A_576 = arith.constant 96 : i32
    %swap3A_577 = arith.index_cast %swap3A_576 : i32 to index
    %swap3A_578 = arith.constant 0 : index
    %swap3A_579 = tpu.vector_load %arg10[%swap3A_577, %swap3A_578] {strides = array<i32>} : memref<128x16xf32, #tpu.memory_space<vmem>>, vector<1x16xf32>,
    %swap3A_580 = vector.shape_cast %swap3A_579 : vector<1x16xf32> to vector<16xf32>
    %swap3A_581 = vector.shape_cast %broadcast_in_dim3A_0 : vector<16xf32> to vector<1x16xf32>
    tpu.vector_store %arg10[%swap3A_577, %swap3A_578], %swap3A_581 {strides = array<i32>} : memref<128x16xf32, #tpu.memory_space<vmem>>, vector<1x16xf32>,
    %swap3A_582 = arith.constant 97 : i32
    %swap3A_583 = arith.index_cast %swap3A_582 : i32 to index
    %swap3A_584 = arith.constant 0 : index
    %swap3A_585 = tpu.vector_load %arg10[%swap3A_583, %swap3A_584] {strides = array<i32>} : memref<128x16xf32, #tpu.memory_space<vmem>>, vector<1x16xf32>,
    %swap3A_586 = vector.shape_cast %swap3A_585 : vector<1x16xf32> to vector<16xf32>
    %swap3A_587 = vector.shape_cast %broadcast_in_dim3A_0 : vector<16xf32> to vector<1x16xf32>
    tpu.vector_store %arg10[%swap3A_583, %swap3A_584], %swap3A_587 {strides = array<i32>} : memref<128x16xf32, #tpu.memory_space<vmem>>, vector<1x16xf32>,
    %swap3A_588 = arith.constant 98 : i32
    %swap3A_589 = arith.index_cast %swap3A_588 : i32 to index
    %swap3A_590 = arith.constant 0 : index
    %swap3A_591 = tpu.vector_load %arg10[%swap3A_589, %swap3A_590] {strides = array<i32>} : memref<128x16xf32, #tpu.memory_space<vmem>>, vector<1x16xf32>,
    %swap3A_592 = vector.shape_cast %swap3A_591 : vector<1x16xf32> to vector<16xf32>
    %swap3A_593 = vector.shape_cast %broadcast_in_dim3A_0 : vector<16xf32> to vector<1x16xf32>
    tpu.vector_store %arg10[%swap3A_589, %swap3A_590], %swap3A_593 {strides = array<i32>} : memref<128x16xf32, #tpu.memory_space<vmem>>, vector<1x16xf32>,
    %swap3A_594 = arith.constant 99 : i32
    %swap3A_595 = arith.index_cast %swap3A_594 : i32 to index
    %swap3A_596 = arith.constant 0 : index
    %swap3A_597 = tpu.vector_load %arg10[%swap3A_595, %swap3A_596] {strides = array<i32>} : memref<128x16xf32, #tpu.memory_space<vmem>>, vector<1x16xf32>,
    %swap3A_598 = vector.shape_cast %swap3A_597 : vector<1x16xf32> to vector<16xf32>
    %swap3A_599 = vector.shape_cast %broadcast_in_dim3A_0 : vector<16xf32> to vector<1x16xf32>
    tpu.vector_store %arg10[%swap3A_595, %swap3A_596], %swap3A_599 {strides = array<i32>} : memref<128x16xf32, #tpu.memory_space<vmem>>, vector<1x16xf32>,
    %swap3A_600 = arith.constant 100 : i32
    %swap3A_601 = arith.index_cast %swap3A_600 : i32 to index
    %swap3A_602 = arith.constant 0 : index
    %swap3A_603 = tpu.vector_load %arg10[%swap3A_601, %swap3A_602] {strides = array<i32>} : memref<128x16xf32, #tpu.memory_space<vmem>>, vector<1x16xf32>,
    %swap3A_604 = vector.shape_cast %swap3A_603 : vector<1x16xf32> to vector<16xf32>
    %swap3A_605 = vector.shape_cast %broadcast_in_dim3A_0 : vector<16xf32> to vector<1x16xf32>
    tpu.vector_store %arg10[%swap3A_601, %swap3A_602], %swap3A_605 {strides = array<i32>} : memref<128x16xf32, #tpu.memory_space<vmem>>, vector<1x16xf32>,
    %swap3A_606 = arith.constant 101 : i32
    %swap3A_607 = arith.index_cast %swap3A_606 : i32 to index
    %swap3A_608 = arith.constant 0 : index
    %swap3A_609 = tpu.vector_load %arg10[%swap3A_607, %swap3A_608] {strides = array<i32>} : memref<128x16xf32, #tpu.memory_space<vmem>>, vector<1x16xf32>,
    %swap3A_610 = vector.shape_cast %swap3A_609 : vector<1x16xf32> to vector<16xf32>
    %swap3A_611 = vector.shape_cast %broadcast_in_dim3A_0 : vector<16xf32> to vector<1x16xf32>
    tpu.vector_store %arg10[%swap3A_607, %swap3A_608], %swap3A_611 {strides = array<i32>} : memref<128x16xf32, #tpu.memory_space<vmem>>, vector<1x16xf32>,
    %swap3A_612 = arith.constant 102 : i32
    %swap3A_613 = arith.index_cast %swap3A_612 : i32 to index
    %swap3A_614 = arith.constant 0 : index
    %swap3A_615 = tpu.vector_load %arg10[%swap3A_613, %swap3A_614] {strides = array<i32>} : memref<128x16xf32, #tpu.memory_space<vmem>>, vector<1x16xf32>,
    %swap3A_616 = vector.shape_cast %swap3A_615 : vector<1x16xf32> to vector<16xf32>
    %swap3A_617 = vector.shape_cast %broadcast_in_dim3A_0 : vector<16xf32> to vector<1x16xf32>
    tpu.vector_store %arg10[%swap3A_613, %swap3A_614], %swap3A_617 {strides = array<i32>} : memref<128x16xf32, #tpu.memory_space<vmem>>, vector<1x16xf32>,
    %swap3A_618 = arith.constant 103 : i32
    %swap3A_619 = arith.index_cast %swap3A_618 : i32 to index
    %swap3A_620 = arith.constant 0 : index
    %swap3A_621 = tpu.vector_load %arg10[%swap3A_619, %swap3A_620] {strides = array<i32>} : memref<128x16xf32, #tpu.memory_space<vmem>>, vector<1x16xf32>,
    %swap3A_622 = vector.shape_cast %swap3A_621 : vector<1x16xf32> to vector<16xf32>
    %swap3A_623 = vector.shape_cast %broadcast_in_dim3A_0 : vector<16xf32> to vector<1x16xf32>
    tpu.vector_store %arg10[%swap3A_619, %swap3A_620], %swap3A_623 {strides = array<i32>} : memref<128x16xf32, #tpu.memory_space<vmem>>, vector<1x16xf32>,
    %swap3A_624 = arith.constant 104 : i32
    %swap3A_625 = arith.index_cast %swap3A_624 : i32 to index
    %swap3A_626 = arith.constant 0 : index
    %swap3A_627 = tpu.vector_load %arg10[%swap3A_625, %swap3A_626] {strides = array<i32>} : memref<128x16xf32, #tpu.memory_space<vmem>>, vector<1x16xf32>,
    %swap3A_628 = vector.shape_cast %swap3A_627 : vector<1x16xf32> to vector<16xf32>
    %swap3A_629 = vector.shape_cast %broadcast_in_dim3A_0 : vector<16xf32> to vector<1x16xf32>
    tpu.vector_store %arg10[%swap3A_625, %swap3A_626], %swap3A_629 {strides = array<i32>} : memref<128x16xf32, #tpu.memory_space<vmem>>, vector<1x16xf32>,
    %swap3A_630 = arith.constant 105 : i32
    %swap3A_631 = arith.index_cast %swap3A_630 : i32 to index
    %swap3A_632 = arith.constant 0 : index
    %swap3A_633 = tpu.vector_load %arg10[%swap3A_631, %swap3A_632] {strides = array<i32>} : memref<128x16xf32, #tpu.memory_space<vmem>>, vector<1x16xf32>,
    %swap3A_634 = vector.shape_cast %swap3A_633 : vector<1x16xf32> to vector<16xf32>
    %swap3A_635 = vector.shape_cast %broadcast_in_dim3A_0 : vector<16xf32> to vector<1x16xf32>
    tpu.vector_store %arg10[%swap3A_631, %swap3A_632], %swap3A_635 {strides = array<i32>} : memref<128x16xf32, #tpu.memory_space<vmem>>, vector<1x16xf32>,
    %swap3A_636 = arith.constant 106 : i32
    %swap3A_637 = arith.index_cast %swap3A_636 : i32 to index
    %swap3A_638 = arith.constant 0 : index
    %swap3A_639 = tpu.vector_load %arg10[%swap3A_637, %swap3A_638] {strides = array<i32>} : memref<128x16xf32, #tpu.memory_space<vmem>>, vector<1x16xf32>,
    %swap3A_640 = vector.shape_cast %swap3A_639 : vector<1x16xf32> to vector<16xf32>
    %swap3A_641 = vector.shape_cast %broadcast_in_dim3A_0 : vector<16xf32> to vector<1x16xf32>
    tpu.vector_store %arg10[%swap3A_637, %swap3A_638], %swap3A_641 {strides = array<i32>} : memref<128x16xf32, #tpu.memory_space<vmem>>, vector<1x16xf32>,
    %swap3A_642 = arith.constant 107 : i32
    %swap3A_643 = arith.index_cast %swap3A_642 : i32 to index
    %swap3A_644 = arith.constant 0 : index
    %swap3A_645 = tpu.vector_load %arg10[%swap3A_643, %swap3A_644] {strides = array<i32>} : memref<128x16xf32, #tpu.memory_space<vmem>>, vector<1x16xf32>,
    %swap3A_646 = vector.shape_cast %swap3A_645 : vector<1x16xf32> to vector<16xf32>
    %swap3A_647 = vector.shape_cast %broadcast_in_dim3A_0 : vector<16xf32> to vector<1x16xf32>
    tpu.vector_store %arg10[%swap3A_643, %swap3A_644], %swap3A_647 {strides = array<i32>} : memref<128x16xf32, #tpu.memory_space<vmem>>, vector<1x16xf32>,
    %swap3A_648 = arith.constant 108 : i32
    %swap3A_649 = arith.index_cast %swap3A_648 : i32 to index
    %swap3A_650 = arith.constant 0 : index
    %swap3A_651 = tpu.vector_load %arg10[%swap3A_649, %swap3A_650] {strides = array<i32>} : memref<128x16xf32, #tpu.memory_space<vmem>>, vector<1x16xf32>,
    %swap3A_652 = vector.shape_cast %swap3A_651 : vector<1x16xf32> to vector<16xf32>
    %swap3A_653 = vector.shape_cast %broadcast_in_dim3A_0 : vector<16xf32> to vector<1x16xf32>
    tpu.vector_store %arg10[%swap3A_649, %swap3A_650], %swap3A_653 {strides = array<i32>} : memref<128x16xf32, #tpu.memory_space<vmem>>, vector<1x16xf32>,
    %swap3A_654 = arith.constant 109 : i32
    %swap3A_655 = arith.index_cast %swap3A_654 : i32 to index
    %swap3A_656 = arith.constant 0 : index
    %swap3A_657 = tpu.vector_load %arg10[%swap3A_655, %swap3A_656] {strides = array<i32>} : memref<128x16xf32, #tpu.memory_space<vmem>>, vector<1x16xf32>,
    %swap3A_658 = vector.shape_cast %swap3A_657 : vector<1x16xf32> to vector<16xf32>
    %swap3A_659 = vector.shape_cast %broadcast_in_dim3A_0 : vector<16xf32> to vector<1x16xf32>
    tpu.vector_store %arg10[%swap3A_655, %swap3A_656], %swap3A_659 {strides = array<i32>} : memref<128x16xf32, #tpu.memory_space<vmem>>, vector<1x16xf32>,
    %swap3A_660 = arith.constant 110 : i32
    %swap3A_661 = arith.index_cast %swap3A_660 : i32 to index
    %swap3A_662 = arith.constant 0 : index
    %swap3A_663 = tpu.vector_load %arg10[%swap3A_661, %swap3A_662] {strides = array<i32>} : memref<128x16xf32, #tpu.memory_space<vmem>>, vector<1x16xf32>,
    %swap3A_664 = vector.shape_cast %swap3A_663 : vector<1x16xf32> to vector<16xf32>
    %swap3A_665 = vector.shape_cast %broadcast_in_dim3A_0 : vector<16xf32> to vector<1x16xf32>
    tpu.vector_store %arg10[%swap3A_661, %swap3A_662], %swap3A_665 {strides = array<i32>} : memref<128x16xf32, #tpu.memory_space<vmem>>, vector<1x16xf32>,
    %swap3A_666 = arith.constant 111 : i32
    %swap3A_667 = arith.index_cast %swap3A_666 : i32 to index
    %swap3A_668 = arith.constant 0 : index
    %swap3A_669 = tpu.vector_load %arg10[%swap3A_667, %swap3A_668] {strides = array<i32>} : memref<128x16xf32, #tpu.memory_space<vmem>>, vector<1x16xf32>,
    %swap3A_670 = vector.shape_cast %swap3A_669 : vector<1x16xf32> to vector<16xf32>
    %swap3A_671 = vector.shape_cast %broadcast_in_dim3A_0 : vector<16xf32> to vector<1x16xf32>
    tpu.vector_store %arg10[%swap3A_667, %swap3A_668], %swap3A_671 {strides = array<i32>} : memref<128x16xf32, #tpu.memory_space<vmem>>, vector<1x16xf32>,
    %swap3A_672 = arith.constant 112 : i32
    %swap3A_673 = arith.index_cast %swap3A_672 : i32 to index
    %swap3A_674 = arith.constant 0 : index
    %swap3A_675 = tpu.vector_load %arg10[%swap3A_673, %swap3A_674] {strides = array<i32>} : memref<128x16xf32, #tpu.memory_space<vmem>>, vector<1x16xf32>,
    %swap3A_676 = vector.shape_cast %swap3A_675 : vector<1x16xf32> to vector<16xf32>
    %swap3A_677 = vector.shape_cast %broadcast_in_dim3A_0 : vector<16xf32> to vector<1x16xf32>
    tpu.vector_store %arg10[%swap3A_673, %swap3A_674], %swap3A_677 {strides = array<i32>} : memref<128x16xf32, #tpu.memory_space<vmem>>, vector<1x16xf32>,
    %swap3A_678 = arith.constant 113 : i32
    %swap3A_679 = arith.index_cast %swap3A_678 : i32 to index
    %swap3A_680 = arith.constant 0 : index
    %swap3A_681 = tpu.vector_load %arg10[%swap3A_679, %swap3A_680] {strides = array<i32>} : memref<128x16xf32, #tpu.memory_space<vmem>>, vector<1x16xf32>,
    %swap3A_682 = vector.shape_cast %swap3A_681 : vector<1x16xf32> to vector<16xf32>
    %swap3A_683 = vector.shape_cast %broadcast_in_dim3A_0 : vector<16xf32> to vector<1x16xf32>
    tpu.vector_store %arg10[%swap3A_679, %swap3A_680], %swap3A_683 {strides = array<i32>} : memref<128x16xf32, #tpu.memory_space<vmem>>, vector<1x16xf32>,
    %swap3A_684 = arith.constant 114 : i32
    %swap3A_685 = arith.index_cast %swap3A_684 : i32 to index
    %swap3A_686 = arith.constant 0 : index
    %swap3A_687 = tpu.vector_load %arg10[%swap3A_685, %swap3A_686] {strides = array<i32>} : memref<128x16xf32, #tpu.memory_space<vmem>>, vector<1x16xf32>,
    %swap3A_688 = vector.shape_cast %swap3A_687 : vector<1x16xf32> to vector<16xf32>
    %swap3A_689 = vector.shape_cast %broadcast_in_dim3A_0 : vector<16xf32> to vector<1x16xf32>
    tpu.vector_store %arg10[%swap3A_685, %swap3A_686], %swap3A_689 {strides = array<i32>} : memref<128x16xf32, #tpu.memory_space<vmem>>, vector<1x16xf32>,
    %swap3A_690 = arith.constant 115 : i32
    %swap3A_691 = arith.index_cast %swap3A_690 : i32 to index
    %swap3A_692 = arith.constant 0 : index
    %swap3A_693 = tpu.vector_load %arg10[%swap3A_691, %swap3A_692] {strides = array<i32>} : memref<128x16xf32, #tpu.memory_space<vmem>>, vector<1x16xf32>,
    %swap3A_694 = vector.shape_cast %swap3A_693 : vector<1x16xf32> to vector<16xf32>
    %swap3A_695 = vector.shape_cast %broadcast_in_dim3A_0 : vector<16xf32> to vector<1x16xf32>
    tpu.vector_store %arg10[%swap3A_691, %swap3A_692], %swap3A_695 {strides = array<i32>} : memref<128x16xf32, #tpu.memory_space<vmem>>, vector<1x16xf32>,
    %swap3A_696 = arith.constant 116 : i32
    %swap3A_697 = arith.index_cast %swap3A_696 : i32 to index
    %swap3A_698 = arith.constant 0 : index
    %swap3A_699 = tpu.vector_load %arg10[%swap3A_697, %swap3A_698] {strides = array<i32>} : memref<128x16xf32, #tpu.memory_space<vmem>>, vector<1x16xf32>,
    %swap3A_700 = vector.shape_cast %swap3A_699 : vector<1x16xf32> to vector<16xf32>
    %swap3A_701 = vector.shape_cast %broadcast_in_dim3A_0 : vector<16xf32> to vector<1x16xf32>
    tpu.vector_store %arg10[%swap3A_697, %swap3A_698], %swap3A_701 {strides = array<i32>} : memref<128x16xf32, #tpu.memory_space<vmem>>, vector<1x16xf32>,
    %swap3A_702 = arith.constant 117 : i32
    %swap3A_703 = arith.index_cast %swap3A_702 : i32 to index
    %swap3A_704 = arith.constant 0 : index
    %swap3A_705 = tpu.vector_load %arg10[%swap3A_703, %swap3A_704] {strides = array<i32>} : memref<128x16xf32, #tpu.memory_space<vmem>>, vector<1x16xf32>,
    %swap3A_706 = vector.shape_cast %swap3A_705 : vector<1x16xf32> to vector<16xf32>
    %swap3A_707 = vector.shape_cast %broadcast_in_dim3A_0 : vector<16xf32> to vector<1x16xf32>
    tpu.vector_store %arg10[%swap3A_703, %swap3A_704], %swap3A_707 {strides = array<i32>} : memref<128x16xf32, #tpu.memory_space<vmem>>, vector<1x16xf32>,
    %swap3A_708 = arith.constant 118 : i32
    %swap3A_709 = arith.index_cast %swap3A_708 : i32 to index
    %swap3A_710 = arith.constant 0 : index
    %swap3A_711 = tpu.vector_load %arg10[%swap3A_709, %swap3A_710] {strides = array<i32>} : memref<128x16xf32, #tpu.memory_space<vmem>>, vector<1x16xf32>,
    %swap3A_712 = vector.shape_cast %swap3A_711 : vector<1x16xf32> to vector<16xf32>
    %swap3A_713 = vector.shape_cast %broadcast_in_dim3A_0 : vector<16xf32> to vector<1x16xf32>
    tpu.vector_store %arg10[%swap3A_709, %swap3A_710], %swap3A_713 {strides = array<i32>} : memref<128x16xf32, #tpu.memory_space<vmem>>, vector<1x16xf32>,
    %swap3A_714 = arith.constant 119 : i32
    %swap3A_715 = arith.index_cast %swap3A_714 : i32 to index
    %swap3A_716 = arith.constant 0 : index
    %swap3A_717 = tpu.vector_load %arg10[%swap3A_715, %swap3A_716] {strides = array<i32>} : memref<128x16xf32, #tpu.memory_space<vmem>>, vector<1x16xf32>,
    %swap3A_718 = vector.shape_cast %swap3A_717 : vector<1x16xf32> to vector<16xf32>
    %swap3A_719 = vector.shape_cast %broadcast_in_dim3A_0 : vector<16xf32> to vector<1x16xf32>
    tpu.vector_store %arg10[%swap3A_715, %swap3A_716], %swap3A_719 {strides = array<i32>} : memref<128x16xf32, #tpu.memory_space<vmem>>, vector<1x16xf32>,
    %swap3A_720 = arith.constant 120 : i32
    %swap3A_721 = arith.index_cast %swap3A_720 : i32 to index
    %swap3A_722 = arith.constant 0 : index
    %swap3A_723 = tpu.vector_load %arg10[%swap3A_721, %swap3A_722] {strides = array<i32>} : memref<128x16xf32, #tpu.memory_space<vmem>>, vector<1x16xf32>,
    %swap3A_724 = vector.shape_cast %swap3A_723 : vector<1x16xf32> to vector<16xf32>
    %swap3A_725 = vector.shape_cast %broadcast_in_dim3A_0 : vector<16xf32> to vector<1x16xf32>
    tpu.vector_store %arg10[%swap3A_721, %swap3A_722], %swap3A_725 {strides = array<i32>} : memref<128x16xf32, #tpu.memory_space<vmem>>, vector<1x16xf32>,
    %swap3A_726 = arith.constant 121 : i32
    %swap3A_727 = arith.index_cast %swap3A_726 : i32 to index
    %swap3A_728 = arith.constant 0 : index
    %swap3A_729 = tpu.vector_load %arg10[%swap3A_727, %swap3A_728] {strides = array<i32>} : memref<128x16xf32, #tpu.memory_space<vmem>>, vector<1x16xf32>,
    %swap3A_730 = vector.shape_cast %swap3A_729 : vector<1x16xf32> to vector<16xf32>
    %swap3A_731 = vector.shape_cast %broadcast_in_dim3A_0 : vector<16xf32> to vector<1x16xf32>
    tpu.vector_store %arg10[%swap3A_727, %swap3A_728], %swap3A_731 {strides = array<i32>} : memref<128x16xf32, #tpu.memory_space<vmem>>, vector<1x16xf32>,
    %swap3A_732 = arith.constant 122 : i32
    %swap3A_733 = arith.index_cast %swap3A_732 : i32 to index
    %swap3A_734 = arith.constant 0 : index
    %swap3A_735 = tpu.vector_load %arg10[%swap3A_733, %swap3A_734] {strides = array<i32>} : memref<128x16xf32, #tpu.memory_space<vmem>>, vector<1x16xf32>,
    %swap3A_736 = vector.shape_cast %swap3A_735 : vector<1x16xf32> to vector<16xf32>
    %swap3A_737 = vector.shape_cast %broadcast_in_dim3A_0 : vector<16xf32> to vector<1x16xf32>
    tpu.vector_store %arg10[%swap3A_733, %swap3A_734], %swap3A_737 {strides = array<i32>} : memref<128x16xf32, #tpu.memory_space<vmem>>, vector<1x16xf32>,
    %swap3A_738 = arith.constant 123 : i32
    %swap3A_739 = arith.index_cast %swap3A_738 : i32 to index
    %swap3A_740 = arith.constant 0 : index
    %swap3A_741 = tpu.vector_load %arg10[%swap3A_739, %swap3A_740] {strides = array<i32>} : memref<128x16xf32, #tpu.memory_space<vmem>>, vector<1x16xf32>,
    %swap3A_742 = vector.shape_cast %swap3A_741 : vector<1x16xf32> to vector<16xf32>
    %swap3A_743 = vector.shape_cast %broadcast_in_dim3A_0 : vector<16xf32> to vector<1x16xf32>
    tpu.vector_store %arg10[%swap3A_739, %swap3A_740], %swap3A_743 {strides = array<i32>} : memref<128x16xf32, #tpu.memory_space<vmem>>, vector<1x16xf32>,
    %swap3A_744 = arith.constant 124 : i32
    %swap3A_745 = arith.index_cast %swap3A_744 : i32 to index
    %swap3A_746 = arith.constant 0 : index
    %swap3A_747 = tpu.vector_load %arg10[%swap3A_745, %swap3A_746] {strides = array<i32>} : memref<128x16xf32, #tpu.memory_space<vmem>>, vector<1x16xf32>,
    %swap3A_748 = vector.shape_cast %swap3A_747 : vector<1x16xf32> to vector<16xf32>
    %swap3A_749 = vector.shape_cast %broadcast_in_dim3A_0 : vector<16xf32> to vector<1x16xf32>
    tpu.vector_store %arg10[%swap3A_745, %swap3A_746], %swap3A_749 {strides = array<i32>} : memref<128x16xf32, #tpu.memory_space<vmem>>, vector<1x16xf32>,
    %swap3A_750 = arith.constant 125 : i32
    %swap3A_751 = arith.index_cast %swap3A_750 : i32 to index
    %swap3A_752 = arith.constant 0 : index
    %swap3A_753 = tpu.vector_load %arg10[%swap3A_751, %swap3A_752] {strides = array<i32>} : memref<128x16xf32, #tpu.memory_space<vmem>>, vector<1x16xf32>,
    %swap3A_754 = vector.shape_cast %swap3A_753 : vector<1x16xf32> to vector<16xf32>
    %swap3A_755 = vector.shape_cast %broadcast_in_dim3A_0 : vector<16xf32> to vector<1x16xf32>
    tpu.vector_store %arg10[%swap3A_751, %swap3A_752], %swap3A_755 {strides = array<i32>} : memref<128x16xf32, #tpu.memory_space<vmem>>, vector<1x16xf32>,
    %swap3A_756 = arith.constant 126 : i32
    %swap3A_757 = arith.index_cast %swap3A_756 : i32 to index
    %swap3A_758 = arith.constant 0 : index
    %swap3A_759 = tpu.vector_load %arg10[%swap3A_757, %swap3A_758] {strides = array<i32>} : memref<128x16xf32, #tpu.memory_space<vmem>>, vector<1x16xf32>,
    %swap3A_760 = vector.shape_cast %swap3A_759 : vector<1x16xf32> to vector<16xf32>
    %swap3A_761 = vector.shape_cast %broadcast_in_dim3A_0 : vector<16xf32> to vector<1x16xf32>
    tpu.vector_store %arg10[%swap3A_757, %swap3A_758], %swap3A_761 {strides = array<i32>} : memref<128x16xf32, #tpu.memory_space<vmem>>, vector<1x16xf32>,
    %swap3A_762 = arith.constant 127 : i32
    %swap3A_763 = arith.index_cast %swap3A_762 : i32 to index
    %swap3A_764 = arith.constant 0 : index
    %swap3A_765 = tpu.vector_load %arg10[%swap3A_763, %swap3A_764] {strides = array<i32>} : memref<128x16xf32, #tpu.memory_space<vmem>>, vector<1x16xf32>,
    %swap3A_766 = vector.shape_cast %swap3A_765 : vector<1x16xf32> to vector<16xf32>
    %swap3A_767 = vector.shape_cast %broadcast_in_dim3A_0 : vector<16xf32> to vector<1x16xf32>
    tpu.vector_store %arg10[%swap3A_763, %swap3A_764], %swap3A_767 {strides = array<i32>} : memref<128x16xf32, #tpu.memory_space<vmem>>, vector<1x16xf32>,
    %eq3A = arith.constant 0 : i32
    %eq3A_768 = arith.cmpi eq, %arg0, %eq3A : i32
    %convert_element_type3A = arith.extui %eq3A_768 : i1 to i32
    %cond3A = arith.constant 0 : i32
    %cond3A_769 = arith.cmpi ne, %convert_element_type3A, %cond3A : i32
    scf.if %cond3A_769 {
      %mul3A_794 = arith.constant 640 : i32
      %mul3A_795 = arith.muli %arg1, %mul3A_794 : i32
      %mul3A_796 = arith.constant 640 : i32
      %mul3A_797 = arith.muli %arg1, %mul3A_796 : i32
      "tpu.region"() ({
        %run_scoped3A = tpu.sem_alloc : memref<!tpu.dma_semaphore, #tpu.memory_space<semaphore_mem>>
        %dma_start3A_798 = arith.constant 0 : i32
        %dma_start3A_799 = tpu.memref_slice %arg13[%mul3A_797, %dma_start3A_798] : memref<10240x16xf32, #tpu.memory_space<vmem_shared>> -> memref<640x16xf32, #tpu.memory_space<vmem_shared>>
        %dma_start3A_800 = arith.constant 0 : i32
        %dma_start3A_801 = tpu.memref_slice %arg2[%mul3A_795, %dma_start3A_800] : memref<10240x16xf32, #tpu.memory_space<hbm>> -> memref<640x16xf32, #tpu.memory_space<hbm>>
        tpu.enqueue_dma source(%dma_start3A_801 : memref<640x16xf32, #tpu.memory_space<hbm>>) target(%dma_start3A_799 : memref<640x16xf32, #tpu.memory_space<vmem_shared>>) target_semaphore(%run_scoped3A : memref<!tpu.dma_semaphore, #tpu.memory_space<semaphore_mem>>)
        %dma_wait3A = arith.constant 0 : i32
        %dma_wait3A_802 = tpu.memref_slice %arg13[%mul3A_797, %dma_wait3A] : memref<10240x16xf32, #tpu.memory_space<vmem_shared>> -> memref<640x16xf32, #tpu.memory_space<vmem_shared>>
        %dma_wait3A_803 = arith.constant 0 : i32
        %dma_wait3A_804 = tpu.memref_slice %arg2[%mul3A_795, %dma_wait3A_803] : memref<10240x16xf32, #tpu.memory_space<hbm>> -> memref<640x16xf32, #tpu.memory_space<hbm>>
        tpu.wait_dma2 semaphore(%run_scoped3A : memref<!tpu.dma_semaphore, #tpu.memory_space<semaphore_mem>>) src(%dma_wait3A_804 : memref<640x16xf32, #tpu.memory_space<hbm>>) dst(%dma_wait3A_802 : memref<640x16xf32, #tpu.memory_space<vmem_shared>>)
        tpu.yield
      }) : () -> ()
    } else {
    }
    %eq3A_770 = arith.constant 1 : i32
    %eq3A_771 = arith.cmpi eq, %arg0, %eq3A_770 : i32
    %convert_element_type3A_772 = arith.extui %eq3A_771 : i1 to i32
    %cond3A_773 = arith.constant 0 : i32
    %cond3A_774 = arith.cmpi ne, %convert_element_type3A_772, %cond3A_773 : i32
    scf.if %cond3A_774 {
      %mul3A_794 = arith.constant 640 : i32
      %mul3A_795 = arith.muli %arg1, %mul3A_794 : i32
      %add3A_796 = arith.constant 0 : i32
      %add3A_797 = arith.addi %mul3A_795, %add3A_796 : i32
      "tpu.region"() ({
        %run_scoped3A = tpu.sem_alloc : memref<!tpu.dma_semaphore, #tpu.memory_space<semaphore_mem>>
        %dma_start3A_814 = arith.constant 0 : i32
        %dma_start3A_815 = tpu.memref_slice %arg13[%add3A_797, %dma_start3A_814] : memref<10240x16xf32, #tpu.memory_space<vmem_shared>> -> memref<128x16xf32, #tpu.memory_space<vmem_shared>>
        %dma_start3A_816 = arith.constant 0 : i32
        %dma_start3A_817 = tpu.memref_slice %arg13[%add3A_797, %dma_start3A_816] : memref<10240x16xf32, #tpu.memory_space<vmem_shared>> -> memref<128x16xf32, #tpu.memory_space<vmem_shared>>
        tpu.enqueue_dma source(%arg10 : memref<128x16xf32, #tpu.memory_space<vmem>>) target(%dma_start3A_817 : memref<128x16xf32, #tpu.memory_space<vmem_shared>>) target_semaphore(%run_scoped3A : memref<!tpu.dma_semaphore, #tpu.memory_space<semaphore_mem>>)
        %dma_wait3A = arith.constant 0 : i32
        %dma_wait3A_818 = tpu.memref_slice %arg13[%add3A_797, %dma_wait3A] : memref<10240x16xf32, #tpu.memory_space<vmem_shared>> -> memref<128x16xf32, #tpu.memory_space<vmem_shared>>
        %dma_wait3A_819 = arith.constant 0 : i32
        %dma_wait3A_820 = tpu.memref_slice %arg13[%add3A_797, %dma_wait3A_819] : memref<10240x16xf32, #tpu.memory_space<vmem_shared>> -> memref<128x16xf32, #tpu.memory_space<vmem_shared>>
        tpu.wait_dma2 semaphore(%run_scoped3A : memref<!tpu.dma_semaphore, #tpu.memory_space<semaphore_mem>>) src(%arg10 : memref<128x16xf32, #tpu.memory_space<vmem>>) dst(%dma_wait3A_820 : memref<128x16xf32, #tpu.memory_space<vmem_shared>>)
        tpu.yield
      }) : () -> ()
      %mul3A_798 = arith.constant 640 : i32
      %mul3A_799 = arith.muli %arg1, %mul3A_798 : i32
      %add3A_800 = arith.constant 128 : i32
      %add3A_801 = arith.addi %mul3A_799, %add3A_800 : i32
      "tpu.region"() ({
        %run_scoped3A = tpu.sem_alloc : memref<!tpu.dma_semaphore, #tpu.memory_space<semaphore_mem>>
        %dma_start3A_814 = arith.constant 0 : i32
        %dma_start3A_815 = tpu.memref_slice %arg13[%add3A_801, %dma_start3A_814] : memref<10240x16xf32, #tpu.memory_space<vmem_shared>> -> memref<128x16xf32, #tpu.memory_space<vmem_shared>>
        %dma_start3A_816 = arith.constant 0 : i32
        %dma_start3A_817 = tpu.memref_slice %arg13[%add3A_801, %dma_start3A_816] : memref<10240x16xf32, #tpu.memory_space<vmem_shared>> -> memref<128x16xf32, #tpu.memory_space<vmem_shared>>
        tpu.enqueue_dma source(%arg10 : memref<128x16xf32, #tpu.memory_space<vmem>>) target(%dma_start3A_817 : memref<128x16xf32, #tpu.memory_space<vmem_shared>>) target_semaphore(%run_scoped3A : memref<!tpu.dma_semaphore, #tpu.memory_space<semaphore_mem>>)
        %dma_wait3A = arith.constant 0 : i32
        %dma_wait3A_818 = tpu.memref_slice %arg13[%add3A_801, %dma_wait3A] : memref<10240x16xf32, #tpu.memory_space<vmem_shared>> -> memref<128x16xf32, #tpu.memory_space<vmem_shared>>
        %dma_wait3A_819 = arith.constant 0 : i32
        %dma_wait3A_820 = tpu.memref_slice %arg13[%add3A_801, %dma_wait3A_819] : memref<10240x16xf32, #tpu.memory_space<vmem_shared>> -> memref<128x16xf32, #tpu.memory_space<vmem_shared>>
        tpu.wait_dma2 semaphore(%run_scoped3A : memref<!tpu.dma_semaphore, #tpu.memory_space<semaphore_mem>>) src(%arg10 : memref<128x16xf32, #tpu.memory_space<vmem>>) dst(%dma_wait3A_820 : memref<128x16xf32, #tpu.memory_space<vmem_shared>>)
        tpu.yield
      }) : () -> ()
      %mul3A_802 = arith.constant 640 : i32
      %mul3A_803 = arith.muli %arg1, %mul3A_802 : i32
      %add3A_804 = arith.constant 256 : i32
      %add3A_805 = arith.addi %mul3A_803, %add3A_804 : i32
      "tpu.region"() ({
        %run_scoped3A = tpu.sem_alloc : memref<!tpu.dma_semaphore, #tpu.memory_space<semaphore_mem>>
        %dma_start3A_814 = arith.constant 0 : i32
        %dma_start3A_815 = tpu.memref_slice %arg13[%add3A_805, %dma_start3A_814] : memref<10240x16xf32, #tpu.memory_space<vmem_shared>> -> memref<128x16xf32, #tpu.memory_space<vmem_shared>>
        %dma_start3A_816 = arith.constant 0 : i32
        %dma_start3A_817 = tpu.memref_slice %arg13[%add3A_805, %dma_start3A_816] : memref<10240x16xf32, #tpu.memory_space<vmem_shared>> -> memref<128x16xf32, #tpu.memory_space<vmem_shared>>
        tpu.enqueue_dma source(%arg10 : memref<128x16xf32, #tpu.memory_space<vmem>>) target(%dma_start3A_817 : memref<128x16xf32, #tpu.memory_space<vmem_shared>>) target_semaphore(%run_scoped3A : memref<!tpu.dma_semaphore, #tpu.memory_space<semaphore_mem>>)
        %dma_wait3A = arith.constant 0 : i32
        %dma_wait3A_818 = tpu.memref_slice %arg13[%add3A_805, %dma_wait3A] : memref<10240x16xf32, #tpu.memory_space<vmem_shared>> -> memref<128x16xf32, #tpu.memory_space<vmem_shared>>
        %dma_wait3A_819 = arith.constant 0 : i32
        %dma_wait3A_820 = tpu.memref_slice %arg13[%add3A_805, %dma_wait3A_819] : memref<10240x16xf32, #tpu.memory_space<vmem_shared>> -> memref<128x16xf32, #tpu.memory_space<vmem_shared>>
        tpu.wait_dma2 semaphore(%run_scoped3A : memref<!tpu.dma_semaphore, #tpu.memory_space<semaphore_mem>>) src(%arg10 : memref<128x16xf32, #tpu.memory_space<vmem>>) dst(%dma_wait3A_820 : memref<128x16xf32, #tpu.memory_space<vmem_shared>>)
        tpu.yield
      }) : () -> ()
      %mul3A_806 = arith.constant 640 : i32
      %mul3A_807 = arith.muli %arg1, %mul3A_806 : i32
      %add3A_808 = arith.constant 384 : i32
      %add3A_809 = arith.addi %mul3A_807, %add3A_808 : i32
      "tpu.region"() ({
        %run_scoped3A = tpu.sem_alloc : memref<!tpu.dma_semaphore, #tpu.memory_space<semaphore_mem>>
        %dma_start3A_814 = arith.constant 0 : i32
        %dma_start3A_815 = tpu.memref_slice %arg13[%add3A_809, %dma_start3A_814] : memref<10240x16xf32, #tpu.memory_space<vmem_shared>> -> memref<128x16xf32, #tpu.memory_space<vmem_shared>>
        %dma_start3A_816 = arith.constant 0 : i32
        %dma_start3A_817 = tpu.memref_slice %arg13[%add3A_809, %dma_start3A_816] : memref<10240x16xf32, #tpu.memory_space<vmem_shared>> -> memref<128x16xf32, #tpu.memory_space<vmem_shared>>
        tpu.enqueue_dma source(%arg10 : memref<128x16xf32, #tpu.memory_space<vmem>>) target(%dma_start3A_817 : memref<128x16xf32, #tpu.memory_space<vmem_shared>>) target_semaphore(%run_scoped3A : memref<!tpu.dma_semaphore, #tpu.memory_space<semaphore_mem>>)
        %dma_wait3A = arith.constant 0 : i32
        %dma_wait3A_818 = tpu.memref_slice %arg13[%add3A_809, %dma_wait3A] : memref<10240x16xf32, #tpu.memory_space<vmem_shared>> -> memref<128x16xf32, #tpu.memory_space<vmem_shared>>
        %dma_wait3A_819 = arith.constant 0 : i32
        %dma_wait3A_820 = tpu.memref_slice %arg13[%add3A_809, %dma_wait3A_819] : memref<10240x16xf32, #tpu.memory_space<vmem_shared>> -> memref<128x16xf32, #tpu.memory_space<vmem_shared>>
        tpu.wait_dma2 semaphore(%run_scoped3A : memref<!tpu.dma_semaphore, #tpu.memory_space<semaphore_mem>>) src(%arg10 : memref<128x16xf32, #tpu.memory_space<vmem>>) dst(%dma_wait3A_820 : memref<128x16xf32, #tpu.memory_space<vmem_shared>>)
        tpu.yield
      }) : () -> ()
      %mul3A_810 = arith.constant 640 : i32
      %mul3A_811 = arith.muli %arg1, %mul3A_810 : i32
      %add3A_812 = arith.constant 512 : i32
      %add3A_813 = arith.addi %mul3A_811, %add3A_812 : i32
      "tpu.region"() ({
        %run_scoped3A = tpu.sem_alloc : memref<!tpu.dma_semaphore, #tpu.memory_space<semaphore_mem>>
        %dma_start3A_814 = arith.constant 0 : i32
        %dma_start3A_815 = tpu.memref_slice %arg13[%add3A_813, %dma_start3A_814] : memref<10240x16xf32, #tpu.memory_space<vmem_shared>> -> memref<128x16xf32, #tpu.memory_space<vmem_shared>>
        %dma_start3A_816 = arith.constant 0 : i32
        %dma_start3A_817 = tpu.memref_slice %arg13[%add3A_813, %dma_start3A_816] : memref<10240x16xf32, #tpu.memory_space<vmem_shared>> -> memref<128x16xf32, #tpu.memory_space<vmem_shared>>
        tpu.enqueue_dma source(%arg10 : memref<128x16xf32, #tpu.memory_space<vmem>>) target(%dma_start3A_817 : memref<128x16xf32, #tpu.memory_space<vmem_shared>>) target_semaphore(%run_scoped3A : memref<!tpu.dma_semaphore, #tpu.memory_space<semaphore_mem>>)
        %dma_wait3A = arith.constant 0 : i32
        %dma_wait3A_818 = tpu.memref_slice %arg13[%add3A_813, %dma_wait3A] : memref<10240x16xf32, #tpu.memory_space<vmem_shared>> -> memref<128x16xf32, #tpu.memory_space<vmem_shared>>
        %dma_wait3A_819 = arith.constant 0 : i32
        %dma_wait3A_820 = tpu.memref_slice %arg13[%add3A_813, %dma_wait3A_819] : memref<10240x16xf32, #tpu.memory_space<vmem_shared>> -> memref<128x16xf32, #tpu.memory_space<vmem_shared>>
        tpu.wait_dma2 semaphore(%run_scoped3A : memref<!tpu.dma_semaphore, #tpu.memory_space<semaphore_mem>>) src(%arg10 : memref<128x16xf32, #tpu.memory_space<vmem>>) dst(%dma_wait3A_820 : memref<128x16xf32, #tpu.memory_space<vmem_shared>>)
        tpu.yield
      }) : () -> ()
    } else {
    }
    %mul3A = arith.constant 640 : i32
    %mul3A_775 = arith.muli %arg0, %mul3A : i32
    %mul3A_776 = arith.constant 40 : i32
    %mul3A_777 = arith.muli %arg1, %mul3A_776 : i32
    %add3A = arith.addi %mul3A_775, %mul3A_777 : i32
    "tpu.region"() ({
      %run_scoped3A = tpu.sem_alloc : memref<!tpu.dma_semaphore, #tpu.memory_space<semaphore_mem>>
      %dma_start3A_794 = arith.constant 0 : i32
      %dma_start3A_795 = tpu.memref_slice %arg3[%add3A, %dma_start3A_794] : memref<1280x128xi32, #tpu.memory_space<hbm>> -> memref<40x128xi32, #tpu.memory_space<hbm>>
      %dma_start3A_796 = arith.constant 0 : i32
      %dma_start3A_797 = tpu.memref_slice %arg3[%add3A, %dma_start3A_796] : memref<1280x128xi32, #tpu.memory_space<hbm>> -> memref<40x128xi32, #tpu.memory_space<hbm>>
      tpu.enqueue_dma source(%dma_start3A_797 : memref<40x128xi32, #tpu.memory_space<hbm>>) target(%arg6 : memref<40x128xi32, #tpu.memory_space<vmem>>) target_semaphore(%run_scoped3A : memref<!tpu.dma_semaphore, #tpu.memory_space<semaphore_mem>>)
      %dma_wait3A = arith.constant 0 : i32
      %dma_wait3A_798 = tpu.memref_slice %arg3[%add3A, %dma_wait3A] : memref<1280x128xi32, #tpu.memory_space<hbm>> -> memref<40x128xi32, #tpu.memory_space<hbm>>
      %dma_wait3A_799 = arith.constant 0 : i32
      %dma_wait3A_800 = tpu.memref_slice %arg3[%add3A, %dma_wait3A_799] : memref<1280x128xi32, #tpu.memory_space<hbm>> -> memref<40x128xi32, #tpu.memory_space<hbm>>
      tpu.wait_dma2 semaphore(%run_scoped3A : memref<!tpu.dma_semaphore, #tpu.memory_space<semaphore_mem>>) src(%dma_wait3A_800 : memref<40x128xi32, #tpu.memory_space<hbm>>) dst(%arg6 : memref<40x128xi32, #tpu.memory_space<vmem>>)
      tpu.yield
    }) : () -> ()
    "tpu.region"() ({
      %run_scoped3A = tpu.sem_alloc : memref<!tpu.dma_semaphore, #tpu.memory_space<semaphore_mem>>
      %dma_start3A_794 = arith.constant 0 : i32
      %dma_start3A_795 = tpu.memref_slice %arg4[%add3A, %dma_start3A_794] : memref<1280x128xi32, #tpu.memory_space<hbm>> -> memref<40x128xi32, #tpu.memory_space<hbm>>
      %dma_start3A_796 = arith.constant 0 : i32
      %dma_start3A_797 = tpu.memref_slice %arg4[%add3A, %dma_start3A_796] : memref<1280x128xi32, #tpu.memory_space<hbm>> -> memref<40x128xi32, #tpu.memory_space<hbm>>
      tpu.enqueue_dma source(%dma_start3A_797 : memref<40x128xi32, #tpu.memory_space<hbm>>) target(%arg7 : memref<40x128xi32, #tpu.memory_space<vmem>>) target_semaphore(%run_scoped3A : memref<!tpu.dma_semaphore, #tpu.memory_space<semaphore_mem>>)
      %dma_wait3A = arith.constant 0 : i32
      %dma_wait3A_798 = tpu.memref_slice %arg4[%add3A, %dma_wait3A] : memref<1280x128xi32, #tpu.memory_space<hbm>> -> memref<40x128xi32, #tpu.memory_space<hbm>>
      %dma_wait3A_799 = arith.constant 0 : i32
      %dma_wait3A_800 = tpu.memref_slice %arg4[%add3A, %dma_wait3A_799] : memref<1280x128xi32, #tpu.memory_space<hbm>> -> memref<40x128xi32, #tpu.memory_space<hbm>>
      tpu.wait_dma2 semaphore(%run_scoped3A : memref<!tpu.dma_semaphore, #tpu.memory_space<semaphore_mem>>) src(%dma_wait3A_800 : memref<40x128xi32, #tpu.memory_space<hbm>>) dst(%arg7 : memref<40x128xi32, #tpu.memory_space<vmem>>)
      tpu.yield
    }) : () -> ()
    %barrier3A = arith.constant 0 : index
    tpu.barrier barrier_id(%barrier3A)
    %dma_start3A = arith.constant 0 : i32
    %dma_start3A_778 = arith.constant 0 : i32
    %dma_start3A_779 = tpu.memref_slice %arg6[%dma_start3A, %dma_start3A_778] : memref<40x128xi32, #tpu.memory_space<vmem>> -> memref<1x128xi32, #tpu.memory_space<vmem>>
    %dma_start3A_780 = tpu.memref_squeeze %dma_start3A_779 : memref<1x128xi32, #tpu.memory_space<vmem>> -> memref<128xi32, #tpu.memory_space<vmem>>
    %dma_start3A_781 = arith.constant 0 : i32
    %dma_start3A_782 = arith.constant 0 : i32
    %dma_start3A_783 = tpu.memref_slice %arg2[%dma_start3A_781, %dma_start3A_782] : memref<10240x16xf32, #tpu.memory_space<hbm>> -> memref<10240x16xf32, #tpu.memory_space<hbm>>
    tpu.enqueue_indirect_dma source(%dma_start3A_783 : memref<10240x16xf32, #tpu.memory_space<hbm>>) target(%arg8 : memref<128x16xf32, #tpu.memory_space<vmem>>) offsets(%dma_start3A_780 : memref<128xi32, #tpu.memory_space<vmem>>) semaphore(%arg11 : memref<!tpu.dma_semaphore, #tpu.memory_space<semaphore_mem>>)
    %scan3A = arith.constant 0 : i32
    %scan3A_784 = arith.constant 0 : i32
    %scan3A_785 = arith.constant 40 : i32
    %scan3A_786 = arith.addi %scan3A_784, %scan3A_785 : i32
    %scan3A_787 = arith.constant 1 : i32
    scf.for %scan3A_794 = %scan3A_784 to %scan3A_786 step %scan3A_787  : i32 {
      %rem3A = arith.constant 2 : i32
      %rem3A_795 = arith.remsi %scan3A_794, %rem3A : i32
      %eq3A_796 = arith.constant 0 : i32
      %eq3A_797 = arith.cmpi eq, %rem3A_795, %eq3A_796 : i32
      %convert_element_type3A_798 = arith.extui %eq3A_797 : i1 to i32
      %cond3A_799 = arith.constant 0 : i32
      %cond3A_800 = arith.cmpi ne, %convert_element_type3A_798, %cond3A_799 : i32
      scf.if %cond3A_800 {
        %dma_wait3A = arith.constant 0 : i32
        %dma_wait3A_806 = tpu.memref_slice %arg6[%scan3A_794, %dma_wait3A] : memref<40x128xi32, #tpu.memory_space<vmem>> -> memref<1x128xi32, #tpu.memory_space<vmem>>
        %dma_wait3A_807 = tpu.memref_squeeze %dma_wait3A_806 : memref<1x128xi32, #tpu.memory_space<vmem>> -> memref<128xi32, #tpu.memory_space<vmem>>
        %dma_wait3A_808 = arith.constant 0 : i32
        %dma_wait3A_809 = arith.constant 0 : i32
        %dma_wait3A_810 = tpu.memref_slice %arg2[%dma_wait3A_808, %dma_wait3A_809] : memref<10240x16xf32, #tpu.memory_space<hbm>> -> memref<10240x16xf32, #tpu.memory_space<hbm>>
        tpu.wait_indirect_dma semaphore(%arg11 : memref<!tpu.dma_semaphore, #tpu.memory_space<semaphore_mem>>) src(%dma_wait3A_810 : memref<10240x16xf32, #tpu.memory_space<hbm>>) dst(%arg8 : memref<128x16xf32, #tpu.memory_space<vmem>>)
        %add3A_811 = arith.constant 1 : i32
        %add3A_812 = arith.addi %scan3A_794, %add3A_811 : i32
        %lt3A = arith.constant 40 : i32
        %lt3A_813 = arith.cmpi slt, %add3A_812, %lt3A : i32
        %convert_element_type3A_814 = arith.extui %lt3A_813 : i1 to i32
        %cond3A_815 = arith.constant 0 : i32
        %cond3A_816 = arith.cmpi ne, %convert_element_type3A_814, %cond3A_815 : i32
        scf.if %cond3A_816 {
          %add3A_817 = arith.constant 1 : i32
          %add3A_818 = arith.addi %scan3A_794, %add3A_817 : i32
          %dma_start3A_819 = arith.constant 0 : i32
          %dma_start3A_820 = tpu.memref_slice %arg6[%add3A_818, %dma_start3A_819] : memref<40x128xi32, #tpu.memory_space<vmem>> -> memref<1x128xi32, #tpu.memory_space<vmem>>
          %dma_start3A_821 = tpu.memref_squeeze %dma_start3A_820 : memref<1x128xi32, #tpu.memory_space<vmem>> -> memref<128xi32, #tpu.memory_space<vmem>>
          %dma_start3A_822 = arith.constant 0 : i32
          %dma_start3A_823 = arith.constant 0 : i32
          %dma_start3A_824 = tpu.memref_slice %arg2[%dma_start3A_822, %dma_start3A_823] : memref<10240x16xf32, #tpu.memory_space<hbm>> -> memref<10240x16xf32, #tpu.memory_space<hbm>>
          tpu.enqueue_indirect_dma source(%dma_start3A_824 : memref<10240x16xf32, #tpu.memory_space<hbm>>) target(%arg9 : memref<128x16xf32, #tpu.memory_space<vmem>>) offsets(%dma_start3A_821 : memref<128xi32, #tpu.memory_space<vmem>>) semaphore(%arg12 : memref<!tpu.dma_semaphore, #tpu.memory_space<semaphore_mem>>)
        } else {
        }
        "tpu.region"() ({
          %run_scoped3A = tpu.sem_alloc : memref<!tpu.dma_semaphore, #tpu.memory_space<semaphore_mem>>
          %dma_start3A_817 = arith.constant 0 : i32
          %dma_start3A_818 = tpu.memref_slice %arg7[%scan3A_794, %dma_start3A_817] : memref<40x128xi32, #tpu.memory_space<vmem>> -> memref<1x128xi32, #tpu.memory_space<vmem>>
          %dma_start3A_819 = tpu.memref_squeeze %dma_start3A_818 : memref<1x128xi32, #tpu.memory_space<vmem>> -> memref<128xi32, #tpu.memory_space<vmem>>
          %dma_start3A_820 = arith.constant 0 : i32
          %dma_start3A_821 = arith.constant 0 : i32
          %dma_start3A_822 = tpu.memref_slice %arg13[%dma_start3A_820, %dma_start3A_821] : memref<10240x16xf32, #tpu.memory_space<vmem_shared>> -> memref<10240x16xf32, #tpu.memory_space<vmem_shared>>
          tpu.enqueue_indirect_dma source(%arg8 : memref<128x16xf32, #tpu.memory_space<vmem>>) target(%dma_start3A_822 : memref<10240x16xf32, #tpu.memory_space<vmem_shared>>) offsets(%dma_start3A_819 : memref<128xi32, #tpu.memory_space<vmem>>) semaphore(%run_scoped3A : memref<!tpu.dma_semaphore, #tpu.memory_space<semaphore_mem>>) {add = true}
          %dma_wait3A_823 = arith.constant 0 : i32
          %dma_wait3A_824 = tpu.memref_slice %arg7[%scan3A_794, %dma_wait3A_823] : memref<40x128xi32, #tpu.memory_space<vmem>> -> memref<1x128xi32, #tpu.memory_space<vmem>>
          %dma_wait3A_825 = tpu.memref_squeeze %dma_wait3A_824 : memref<1x128xi32, #tpu.memory_space<vmem>> -> memref<128xi32, #tpu.memory_space<vmem>>
          %dma_wait3A_826 = arith.constant 0 : i32
          %dma_wait3A_827 = arith.constant 0 : i32
          %dma_wait3A_828 = tpu.memref_slice %arg13[%dma_wait3A_826, %dma_wait3A_827] : memref<10240x16xf32, #tpu.memory_space<vmem_shared>> -> memref<10240x16xf32, #tpu.memory_space<vmem_shared>>
          tpu.wait_indirect_dma semaphore(%run_scoped3A : memref<!tpu.dma_semaphore, #tpu.memory_space<semaphore_mem>>) src(%arg8 : memref<128x16xf32, #tpu.memory_space<vmem>>) dst(%dma_wait3A_828 : memref<10240x16xf32, #tpu.memory_space<vmem_shared>>)
          tpu.yield
        }) : () -> ()
      } else {
      }
      %eq3A_801 = arith.constant 1 : i32
      %eq3A_802 = arith.cmpi eq, %rem3A_795, %eq3A_801 : i32
      %convert_element_type3A_803 = arith.extui %eq3A_802 : i1 to i32
      %cond3A_804 = arith.constant 0 : i32
      %cond3A_805 = arith.cmpi ne, %convert_element_type3A_803, %cond3A_804 : i32
      scf.if %cond3A_805 {
        %dma_wait3A = arith.constant 0 : i32
        %dma_wait3A_806 = tpu.memref_slice %arg6[%scan3A_794, %dma_wait3A] : memref<40x128xi32, #tpu.memory_space<vmem>> -> memref<1x128xi32, #tpu.memory_space<vmem>>
        %dma_wait3A_807 = tpu.memref_squeeze %dma_wait3A_806 : memref<1x128xi32, #tpu.memory_space<vmem>> -> memref<128xi32, #tpu.memory_space<vmem>>
        %dma_wait3A_808 = arith.constant 0 : i32
        %dma_wait3A_809 = arith.constant 0 : i32
        %dma_wait3A_810 = tpu.memref_slice %arg2[%dma_wait3A_808, %dma_wait3A_809] : memref<10240x16xf32, #tpu.memory_space<hbm>> -> memref<10240x16xf32, #tpu.memory_space<hbm>>
        tpu.wait_indirect_dma semaphore(%arg12 : memref<!tpu.dma_semaphore, #tpu.memory_space<semaphore_mem>>) src(%dma_wait3A_810 : memref<10240x16xf32, #tpu.memory_space<hbm>>) dst(%arg9 : memref<128x16xf32, #tpu.memory_space<vmem>>)
        %add3A_811 = arith.constant 1 : i32
        %add3A_812 = arith.addi %scan3A_794, %add3A_811 : i32
        %lt3A = arith.constant 40 : i32
        %lt3A_813 = arith.cmpi slt, %add3A_812, %lt3A : i32
        %convert_element_type3A_814 = arith.extui %lt3A_813 : i1 to i32
        %cond3A_815 = arith.constant 0 : i32
        %cond3A_816 = arith.cmpi ne, %convert_element_type3A_814, %cond3A_815 : i32
        scf.if %cond3A_816 {
          %add3A_817 = arith.constant 1 : i32
          %add3A_818 = arith.addi %scan3A_794, %add3A_817 : i32
          %dma_start3A_819 = arith.constant 0 : i32
          %dma_start3A_820 = tpu.memref_slice %arg6[%add3A_818, %dma_start3A_819] : memref<40x128xi32, #tpu.memory_space<vmem>> -> memref<1x128xi32, #tpu.memory_space<vmem>>
          %dma_start3A_821 = tpu.memref_squeeze %dma_start3A_820 : memref<1x128xi32, #tpu.memory_space<vmem>> -> memref<128xi32, #tpu.memory_space<vmem>>
          %dma_start3A_822 = arith.constant 0 : i32
          %dma_start3A_823 = arith.constant 0 : i32
          %dma_start3A_824 = tpu.memref_slice %arg2[%dma_start3A_822, %dma_start3A_823] : memref<10240x16xf32, #tpu.memory_space<hbm>> -> memref<10240x16xf32, #tpu.memory_space<hbm>>
          tpu.enqueue_indirect_dma source(%dma_start3A_824 : memref<10240x16xf32, #tpu.memory_space<hbm>>) target(%arg8 : memref<128x16xf32, #tpu.memory_space<vmem>>) offsets(%dma_start3A_821 : memref<128xi32, #tpu.memory_space<vmem>>) semaphore(%arg11 : memref<!tpu.dma_semaphore, #tpu.memory_space<semaphore_mem>>)
        } else {
        }
        "tpu.region"() ({
          %run_scoped3A = tpu.sem_alloc : memref<!tpu.dma_semaphore, #tpu.memory_space<semaphore_mem>>
          %dma_start3A_817 = arith.constant 0 : i32
          %dma_start3A_818 = tpu.memref_slice %arg7[%scan3A_794, %dma_start3A_817] : memref<40x128xi32, #tpu.memory_space<vmem>> -> memref<1x128xi32, #tpu.memory_space<vmem>>
          %dma_start3A_819 = tpu.memref_squeeze %dma_start3A_818 : memref<1x128xi32, #tpu.memory_space<vmem>> -> memref<128xi32, #tpu.memory_space<vmem>>
          %dma_start3A_820 = arith.constant 0 : i32
          %dma_start3A_821 = arith.constant 0 : i32
          %dma_start3A_822 = tpu.memref_slice %arg13[%dma_start3A_820, %dma_start3A_821] : memref<10240x16xf32, #tpu.memory_space<vmem_shared>> -> memref<10240x16xf32, #tpu.memory_space<vmem_shared>>
          tpu.enqueue_indirect_dma source(%arg9 : memref<128x16xf32, #tpu.memory_space<vmem>>) target(%dma_start3A_822 : memref<10240x16xf32, #tpu.memory_space<vmem_shared>>) offsets(%dma_start3A_819 : memref<128xi32, #tpu.memory_space<vmem>>) semaphore(%run_scoped3A : memref<!tpu.dma_semaphore, #tpu.memory_space<semaphore_mem>>) {add = true}
          %dma_wait3A_823 = arith.constant 0 : i32
          %dma_wait3A_824 = tpu.memref_slice %arg7[%scan3A_794, %dma_wait3A_823] : memref<40x128xi32, #tpu.memory_space<vmem>> -> memref<1x128xi32, #tpu.memory_space<vmem>>
          %dma_wait3A_825 = tpu.memref_squeeze %dma_wait3A_824 : memref<1x128xi32, #tpu.memory_space<vmem>> -> memref<128xi32, #tpu.memory_space<vmem>>
          %dma_wait3A_826 = arith.constant 0 : i32
          %dma_wait3A_827 = arith.constant 0 : i32
          %dma_wait3A_828 = tpu.memref_slice %arg13[%dma_wait3A_826, %dma_wait3A_827] : memref<10240x16xf32, #tpu.memory_space<vmem_shared>> -> memref<10240x16xf32, #tpu.memory_space<vmem_shared>>
          tpu.wait_indirect_dma semaphore(%run_scoped3A : memref<!tpu.dma_semaphore, #tpu.memory_space<semaphore_mem>>) src(%arg9 : memref<128x16xf32, #tpu.memory_space<vmem>>) dst(%dma_wait3A_828 : memref<10240x16xf32, #tpu.memory_space<vmem_shared>>)
          tpu.yield
        }) : () -> ()
      } else {
      }
    }
    %scan3A_788 = arith.constant 40 : i32
    %barrier3A_789 = arith.constant 0 : index
    tpu.barrier barrier_id(%barrier3A_789)
    %mul3A_790 = arith.constant 640 : i32
    %mul3A_791 = arith.muli %arg1, %mul3A_790 : i32
    %mul3A_792 = arith.constant 640 : i32
    %mul3A_793 = arith.muli %arg1, %mul3A_792 : i32
    "tpu.region"() ({
      %run_scoped3A = tpu.sem_alloc : memref<!tpu.dma_semaphore, #tpu.memory_space<semaphore_mem>>
      %dma_start3A_794 = arith.constant 0 : i32
      %dma_start3A_795 = tpu.memref_slice %arg5[%arg0, %mul3A_793, %dma_start3A_794] : memref<2x10240x16xf32, #tpu.memory_space<hbm>> -> memref<1x640x16xf32, #tpu.memory_space<hbm>>
      %dma_start3A_796 = tpu.memref_squeeze %dma_start3A_795 : memref<1x640x16xf32, #tpu.memory_space<hbm>> -> memref<640x16xf32, #tpu.memory_space<hbm>>
      %dma_start3A_797 = arith.constant 0 : i32
      %dma_start3A_798 = tpu.memref_slice %arg13[%mul3A_791, %dma_start3A_797] : memref<10240x16xf32, #tpu.memory_space<vmem_shared>> -> memref<640x16xf32, #tpu.memory_space<vmem_shared>>
      tpu.enqueue_dma source(%dma_start3A_798 : memref<640x16xf32, #tpu.memory_space<vmem_shared>>) target(%dma_start3A_796 : memref<640x16xf32, #tpu.memory_space<hbm>>) target_semaphore(%run_scoped3A : memref<!tpu.dma_semaphore, #tpu.memory_space<semaphore_mem>>)
      %dma_wait3A = arith.constant 0 : i32
      %dma_wait3A_799 = tpu.memref_slice %arg5[%arg0, %mul3A_793, %dma_wait3A] : memref<2x10240x16xf32, #tpu.memory_space<hbm>> -> memref<1x640x16xf32, #tpu.memory_space<hbm>>
      %dma_wait3A_800 = tpu.memref_squeeze %dma_wait3A_799 : memref<1x640x16xf32, #tpu.memory_space<hbm>> -> memref<640x16xf32, #tpu.memory_space<hbm>>
      %dma_wait3A_801 = arith.constant 0 : i32
      %dma_wait3A_802 = tpu.memref_slice %arg13[%mul3A_791, %dma_wait3A_801] : memref<10240x16xf32, #tpu.memory_space<vmem_shared>> -> memref<640x16xf32, #tpu.memory_space<vmem_shared>>
      tpu.wait_dma2 semaphore(%run_scoped3A : memref<!tpu.dma_semaphore, #tpu.memory_space<semaphore_mem>>) src(%dma_wait3A_802 : memref<640x16xf32, #tpu.memory_space<vmem_shared>>) dst(%dma_wait3A_800 : memref<640x16xf32, #tpu.memory_space<hbm>>)
      tpu.yield
    }) : () -> ()
    return
  }
}

#map = affine_map<(d0, d1) -> (0, 0)>
#map1 = affine_map<(d0, d1) -> (0, 0, 0)>
module attributes {stable_mosaic.version = 14 : i64} {
  func.func @_deg_kernel(%arg0: i32, %arg1: i32, %arg2: memref<1280x128xi32, #tpu.memory_space<hbm>>, %arg3: memref<2x10240x16xf32, #tpu.memory_space<hbm>>, %arg4: memref<40x128xi32, #tpu.memory_space<vmem>>, %arg5: memref<128x16xf32, #tpu.memory_space<vmem>>, %arg6: memref<128x16xf32, #tpu.memory_space<vmem>>, %arg7: memref<10240x16xf32, #tpu.memory_space<vmem_shared>>) attributes {dimension_semantics = [#tpu.dimension_semantics<core_parallel>, #tpu.dimension_semantics<subcore_parallel>], iteration_bounds = array<i64: 2, 16>, scalar_prefetch = 0 : i64, scratch_operands = 4 : i64, tpu.core_type = #tpu.core_type<sc_vector_subcore>, window_params = [{transform_indices = #map}, {transform_indices = #map1}]} {
    %iota3A = tpu.iota {dimensions = array<i32: 0>} : vector<16xi32>
    %eq3A = arith.constant 0 : i32
    %eq3A_0 = vector.broadcast %eq3A : i32 to vector<16xi32>
    %eq3A_1 = arith.cmpi eq, %iota3A, %eq3A_0 : vector<16xi32>
    %jit3A = arith.constant 1.000000e+00 : f32
    %jit3A_2 = arith.constant 0.000000e+00 : f32
    %broadcast_in_dim3A = vector.broadcast %jit3A : f32 to vector<16xf32>
    %broadcast_in_dim3A_3 = vector.broadcast %jit3A_2 : f32 to vector<16xf32>
    %select_n3A = arith.select %eq3A_1, %broadcast_in_dim3A, %broadcast_in_dim3A_3 : vector<16xi1>, vector<16xf32>
    %broadcast_in_dim3A_4 = arith.constant 0.000000e+00 : f32
    %broadcast_in_dim3A_5 = vector.broadcast %broadcast_in_dim3A_4 : f32 to vector<16xf32>
    %swap3A = arith.constant 0 : i32
    %swap3A_6 = arith.index_cast %swap3A : i32 to index
    %swap3A_7 = arith.constant 0 : index
    %swap3A_8 = tpu.vector_load %arg5[%swap3A_6, %swap3A_7] {strides = array<i32>} : memref<128x16xf32, #tpu.memory_space<vmem>>, vector<1x16xf32>,
    %swap3A_9 = vector.shape_cast %swap3A_8 : vector<1x16xf32> to vector<16xf32>
    %swap3A_10 = vector.shape_cast %select_n3A : vector<16xf32> to vector<1x16xf32>
    tpu.vector_store %arg5[%swap3A_6, %swap3A_7], %swap3A_10 {strides = array<i32>} : memref<128x16xf32, #tpu.memory_space<vmem>>, vector<1x16xf32>,
    %swap3A_11 = arith.constant 0 : i32
    %swap3A_12 = arith.index_cast %swap3A_11 : i32 to index
    %swap3A_13 = arith.constant 0 : index
    %swap3A_14 = tpu.vector_load %arg6[%swap3A_12, %swap3A_13] {strides = array<i32>} : memref<128x16xf32, #tpu.memory_space<vmem>>, vector<1x16xf32>,
    %swap3A_15 = vector.shape_cast %swap3A_14 : vector<1x16xf32> to vector<16xf32>
    %swap3A_16 = vector.shape_cast %broadcast_in_dim3A_5 : vector<16xf32> to vector<1x16xf32>
    tpu.vector_store %arg6[%swap3A_12, %swap3A_13], %swap3A_16 {strides = array<i32>} : memref<128x16xf32, #tpu.memory_space<vmem>>, vector<1x16xf32>,
    %swap3A_17 = arith.constant 1 : i32
    %swap3A_18 = arith.index_cast %swap3A_17 : i32 to index
    %swap3A_19 = arith.constant 0 : index
    %swap3A_20 = tpu.vector_load %arg5[%swap3A_18, %swap3A_19] {strides = array<i32>} : memref<128x16xf32, #tpu.memory_space<vmem>>, vector<1x16xf32>,
    %swap3A_21 = vector.shape_cast %swap3A_20 : vector<1x16xf32> to vector<16xf32>
    %swap3A_22 = vector.shape_cast %select_n3A : vector<16xf32> to vector<1x16xf32>
    tpu.vector_store %arg5[%swap3A_18, %swap3A_19], %swap3A_22 {strides = array<i32>} : memref<128x16xf32, #tpu.memory_space<vmem>>, vector<1x16xf32>,
    %swap3A_23 = arith.constant 1 : i32
    %swap3A_24 = arith.index_cast %swap3A_23 : i32 to index
    %swap3A_25 = arith.constant 0 : index
    %swap3A_26 = tpu.vector_load %arg6[%swap3A_24, %swap3A_25] {strides = array<i32>} : memref<128x16xf32, #tpu.memory_space<vmem>>, vector<1x16xf32>,
    %swap3A_27 = vector.shape_cast %swap3A_26 : vector<1x16xf32> to vector<16xf32>
    %swap3A_28 = vector.shape_cast %broadcast_in_dim3A_5 : vector<16xf32> to vector<1x16xf32>
    tpu.vector_store %arg6[%swap3A_24, %swap3A_25], %swap3A_28 {strides = array<i32>} : memref<128x16xf32, #tpu.memory_space<vmem>>, vector<1x16xf32>,
    %swap3A_29 = arith.constant 2 : i32
    %swap3A_30 = arith.index_cast %swap3A_29 : i32 to index
    %swap3A_31 = arith.constant 0 : index
    %swap3A_32 = tpu.vector_load %arg5[%swap3A_30, %swap3A_31] {strides = array<i32>} : memref<128x16xf32, #tpu.memory_space<vmem>>, vector<1x16xf32>,
    %swap3A_33 = vector.shape_cast %swap3A_32 : vector<1x16xf32> to vector<16xf32>
    %swap3A_34 = vector.shape_cast %select_n3A : vector<16xf32> to vector<1x16xf32>
    tpu.vector_store %arg5[%swap3A_30, %swap3A_31], %swap3A_34 {strides = array<i32>} : memref<128x16xf32, #tpu.memory_space<vmem>>, vector<1x16xf32>,
    %swap3A_35 = arith.constant 2 : i32
    %swap3A_36 = arith.index_cast %swap3A_35 : i32 to index
    %swap3A_37 = arith.constant 0 : index
    %swap3A_38 = tpu.vector_load %arg6[%swap3A_36, %swap3A_37] {strides = array<i32>} : memref<128x16xf32, #tpu.memory_space<vmem>>, vector<1x16xf32>,
    %swap3A_39 = vector.shape_cast %swap3A_38 : vector<1x16xf32> to vector<16xf32>
    %swap3A_40 = vector.shape_cast %broadcast_in_dim3A_5 : vector<16xf32> to vector<1x16xf32>
    tpu.vector_store %arg6[%swap3A_36, %swap3A_37], %swap3A_40 {strides = array<i32>} : memref<128x16xf32, #tpu.memory_space<vmem>>, vector<1x16xf32>,
    %swap3A_41 = arith.constant 3 : i32
    %swap3A_42 = arith.index_cast %swap3A_41 : i32 to index
    %swap3A_43 = arith.constant 0 : index
    %swap3A_44 = tpu.vector_load %arg5[%swap3A_42, %swap3A_43] {strides = array<i32>} : memref<128x16xf32, #tpu.memory_space<vmem>>, vector<1x16xf32>,
    %swap3A_45 = vector.shape_cast %swap3A_44 : vector<1x16xf32> to vector<16xf32>
    %swap3A_46 = vector.shape_cast %select_n3A : vector<16xf32> to vector<1x16xf32>
    tpu.vector_store %arg5[%swap3A_42, %swap3A_43], %swap3A_46 {strides = array<i32>} : memref<128x16xf32, #tpu.memory_space<vmem>>, vector<1x16xf32>,
    %swap3A_47 = arith.constant 3 : i32
    %swap3A_48 = arith.index_cast %swap3A_47 : i32 to index
    %swap3A_49 = arith.constant 0 : index
    %swap3A_50 = tpu.vector_load %arg6[%swap3A_48, %swap3A_49] {strides = array<i32>} : memref<128x16xf32, #tpu.memory_space<vmem>>, vector<1x16xf32>,
    %swap3A_51 = vector.shape_cast %swap3A_50 : vector<1x16xf32> to vector<16xf32>
    %swap3A_52 = vector.shape_cast %broadcast_in_dim3A_5 : vector<16xf32> to vector<1x16xf32>
    tpu.vector_store %arg6[%swap3A_48, %swap3A_49], %swap3A_52 {strides = array<i32>} : memref<128x16xf32, #tpu.memory_space<vmem>>, vector<1x16xf32>,
    %swap3A_53 = arith.constant 4 : i32
    %swap3A_54 = arith.index_cast %swap3A_53 : i32 to index
    %swap3A_55 = arith.constant 0 : index
    %swap3A_56 = tpu.vector_load %arg5[%swap3A_54, %swap3A_55] {strides = array<i32>} : memref<128x16xf32, #tpu.memory_space<vmem>>, vector<1x16xf32>,
    %swap3A_57 = vector.shape_cast %swap3A_56 : vector<1x16xf32> to vector<16xf32>
    %swap3A_58 = vector.shape_cast %select_n3A : vector<16xf32> to vector<1x16xf32>
    tpu.vector_store %arg5[%swap3A_54, %swap3A_55], %swap3A_58 {strides = array<i32>} : memref<128x16xf32, #tpu.memory_space<vmem>>, vector<1x16xf32>,
    %swap3A_59 = arith.constant 4 : i32
    %swap3A_60 = arith.index_cast %swap3A_59 : i32 to index
    %swap3A_61 = arith.constant 0 : index
    %swap3A_62 = tpu.vector_load %arg6[%swap3A_60, %swap3A_61] {strides = array<i32>} : memref<128x16xf32, #tpu.memory_space<vmem>>, vector<1x16xf32>,
    %swap3A_63 = vector.shape_cast %swap3A_62 : vector<1x16xf32> to vector<16xf32>
    %swap3A_64 = vector.shape_cast %broadcast_in_dim3A_5 : vector<16xf32> to vector<1x16xf32>
    tpu.vector_store %arg6[%swap3A_60, %swap3A_61], %swap3A_64 {strides = array<i32>} : memref<128x16xf32, #tpu.memory_space<vmem>>, vector<1x16xf32>,
    %swap3A_65 = arith.constant 5 : i32
    %swap3A_66 = arith.index_cast %swap3A_65 : i32 to index
    %swap3A_67 = arith.constant 0 : index
    %swap3A_68 = tpu.vector_load %arg5[%swap3A_66, %swap3A_67] {strides = array<i32>} : memref<128x16xf32, #tpu.memory_space<vmem>>, vector<1x16xf32>,
    %swap3A_69 = vector.shape_cast %swap3A_68 : vector<1x16xf32> to vector<16xf32>
    %swap3A_70 = vector.shape_cast %select_n3A : vector<16xf32> to vector<1x16xf32>
    tpu.vector_store %arg5[%swap3A_66, %swap3A_67], %swap3A_70 {strides = array<i32>} : memref<128x16xf32, #tpu.memory_space<vmem>>, vector<1x16xf32>,
    %swap3A_71 = arith.constant 5 : i32
    %swap3A_72 = arith.index_cast %swap3A_71 : i32 to index
    %swap3A_73 = arith.constant 0 : index
    %swap3A_74 = tpu.vector_load %arg6[%swap3A_72, %swap3A_73] {strides = array<i32>} : memref<128x16xf32, #tpu.memory_space<vmem>>, vector<1x16xf32>,
    %swap3A_75 = vector.shape_cast %swap3A_74 : vector<1x16xf32> to vector<16xf32>
    %swap3A_76 = vector.shape_cast %broadcast_in_dim3A_5 : vector<16xf32> to vector<1x16xf32>
    tpu.vector_store %arg6[%swap3A_72, %swap3A_73], %swap3A_76 {strides = array<i32>} : memref<128x16xf32, #tpu.memory_space<vmem>>, vector<1x16xf32>,
    %swap3A_77 = arith.constant 6 : i32
    %swap3A_78 = arith.index_cast %swap3A_77 : i32 to index
    %swap3A_79 = arith.constant 0 : index
    %swap3A_80 = tpu.vector_load %arg5[%swap3A_78, %swap3A_79] {strides = array<i32>} : memref<128x16xf32, #tpu.memory_space<vmem>>, vector<1x16xf32>,
    %swap3A_81 = vector.shape_cast %swap3A_80 : vector<1x16xf32> to vector<16xf32>
    %swap3A_82 = vector.shape_cast %select_n3A : vector<16xf32> to vector<1x16xf32>
    tpu.vector_store %arg5[%swap3A_78, %swap3A_79], %swap3A_82 {strides = array<i32>} : memref<128x16xf32, #tpu.memory_space<vmem>>, vector<1x16xf32>,
    %swap3A_83 = arith.constant 6 : i32
    %swap3A_84 = arith.index_cast %swap3A_83 : i32 to index
    %swap3A_85 = arith.constant 0 : index
    %swap3A_86 = tpu.vector_load %arg6[%swap3A_84, %swap3A_85] {strides = array<i32>} : memref<128x16xf32, #tpu.memory_space<vmem>>, vector<1x16xf32>,
    %swap3A_87 = vector.shape_cast %swap3A_86 : vector<1x16xf32> to vector<16xf32>
    %swap3A_88 = vector.shape_cast %broadcast_in_dim3A_5 : vector<16xf32> to vector<1x16xf32>
    tpu.vector_store %arg6[%swap3A_84, %swap3A_85], %swap3A_88 {strides = array<i32>} : memref<128x16xf32, #tpu.memory_space<vmem>>, vector<1x16xf32>,
    %swap3A_89 = arith.constant 7 : i32
    %swap3A_90 = arith.index_cast %swap3A_89 : i32 to index
    %swap3A_91 = arith.constant 0 : index
    %swap3A_92 = tpu.vector_load %arg5[%swap3A_90, %swap3A_91] {strides = array<i32>} : memref<128x16xf32, #tpu.memory_space<vmem>>, vector<1x16xf32>,
    %swap3A_93 = vector.shape_cast %swap3A_92 : vector<1x16xf32> to vector<16xf32>
    %swap3A_94 = vector.shape_cast %select_n3A : vector<16xf32> to vector<1x16xf32>
    tpu.vector_store %arg5[%swap3A_90, %swap3A_91], %swap3A_94 {strides = array<i32>} : memref<128x16xf32, #tpu.memory_space<vmem>>, vector<1x16xf32>,
    %swap3A_95 = arith.constant 7 : i32
    %swap3A_96 = arith.index_cast %swap3A_95 : i32 to index
    %swap3A_97 = arith.constant 0 : index
    %swap3A_98 = tpu.vector_load %arg6[%swap3A_96, %swap3A_97] {strides = array<i32>} : memref<128x16xf32, #tpu.memory_space<vmem>>, vector<1x16xf32>,
    %swap3A_99 = vector.shape_cast %swap3A_98 : vector<1x16xf32> to vector<16xf32>
    %swap3A_100 = vector.shape_cast %broadcast_in_dim3A_5 : vector<16xf32> to vector<1x16xf32>
    tpu.vector_store %arg6[%swap3A_96, %swap3A_97], %swap3A_100 {strides = array<i32>} : memref<128x16xf32, #tpu.memory_space<vmem>>, vector<1x16xf32>,
    %swap3A_101 = arith.constant 8 : i32
    %swap3A_102 = arith.index_cast %swap3A_101 : i32 to index
    %swap3A_103 = arith.constant 0 : index
    %swap3A_104 = tpu.vector_load %arg5[%swap3A_102, %swap3A_103] {strides = array<i32>} : memref<128x16xf32, #tpu.memory_space<vmem>>, vector<1x16xf32>,
    %swap3A_105 = vector.shape_cast %swap3A_104 : vector<1x16xf32> to vector<16xf32>
    %swap3A_106 = vector.shape_cast %select_n3A : vector<16xf32> to vector<1x16xf32>
    tpu.vector_store %arg5[%swap3A_102, %swap3A_103], %swap3A_106 {strides = array<i32>} : memref<128x16xf32, #tpu.memory_space<vmem>>, vector<1x16xf32>,
    %swap3A_107 = arith.constant 8 : i32
    %swap3A_108 = arith.index_cast %swap3A_107 : i32 to index
    %swap3A_109 = arith.constant 0 : index
    %swap3A_110 = tpu.vector_load %arg6[%swap3A_108, %swap3A_109] {strides = array<i32>} : memref<128x16xf32, #tpu.memory_space<vmem>>, vector<1x16xf32>,
    %swap3A_111 = vector.shape_cast %swap3A_110 : vector<1x16xf32> to vector<16xf32>
    %swap3A_112 = vector.shape_cast %broadcast_in_dim3A_5 : vector<16xf32> to vector<1x16xf32>
    tpu.vector_store %arg6[%swap3A_108, %swap3A_109], %swap3A_112 {strides = array<i32>} : memref<128x16xf32, #tpu.memory_space<vmem>>, vector<1x16xf32>,
    %swap3A_113 = arith.constant 9 : i32
    %swap3A_114 = arith.index_cast %swap3A_113 : i32 to index
    %swap3A_115 = arith.constant 0 : index
    %swap3A_116 = tpu.vector_load %arg5[%swap3A_114, %swap3A_115] {strides = array<i32>} : memref<128x16xf32, #tpu.memory_space<vmem>>, vector<1x16xf32>,
    %swap3A_117 = vector.shape_cast %swap3A_116 : vector<1x16xf32> to vector<16xf32>
    %swap3A_118 = vector.shape_cast %select_n3A : vector<16xf32> to vector<1x16xf32>
    tpu.vector_store %arg5[%swap3A_114, %swap3A_115], %swap3A_118 {strides = array<i32>} : memref<128x16xf32, #tpu.memory_space<vmem>>, vector<1x16xf32>,
    %swap3A_119 = arith.constant 9 : i32
    %swap3A_120 = arith.index_cast %swap3A_119 : i32 to index
    %swap3A_121 = arith.constant 0 : index
    %swap3A_122 = tpu.vector_load %arg6[%swap3A_120, %swap3A_121] {strides = array<i32>} : memref<128x16xf32, #tpu.memory_space<vmem>>, vector<1x16xf32>,
    %swap3A_123 = vector.shape_cast %swap3A_122 : vector<1x16xf32> to vector<16xf32>
    %swap3A_124 = vector.shape_cast %broadcast_in_dim3A_5 : vector<16xf32> to vector<1x16xf32>
    tpu.vector_store %arg6[%swap3A_120, %swap3A_121], %swap3A_124 {strides = array<i32>} : memref<128x16xf32, #tpu.memory_space<vmem>>, vector<1x16xf32>,
    %swap3A_125 = arith.constant 10 : i32
    %swap3A_126 = arith.index_cast %swap3A_125 : i32 to index
    %swap3A_127 = arith.constant 0 : index
    %swap3A_128 = tpu.vector_load %arg5[%swap3A_126, %swap3A_127] {strides = array<i32>} : memref<128x16xf32, #tpu.memory_space<vmem>>, vector<1x16xf32>,
    %swap3A_129 = vector.shape_cast %swap3A_128 : vector<1x16xf32> to vector<16xf32>
    %swap3A_130 = vector.shape_cast %select_n3A : vector<16xf32> to vector<1x16xf32>
    tpu.vector_store %arg5[%swap3A_126, %swap3A_127], %swap3A_130 {strides = array<i32>} : memref<128x16xf32, #tpu.memory_space<vmem>>, vector<1x16xf32>,
    %swap3A_131 = arith.constant 10 : i32
    %swap3A_132 = arith.index_cast %swap3A_131 : i32 to index
    %swap3A_133 = arith.constant 0 : index
    %swap3A_134 = tpu.vector_load %arg6[%swap3A_132, %swap3A_133] {strides = array<i32>} : memref<128x16xf32, #tpu.memory_space<vmem>>, vector<1x16xf32>,
    %swap3A_135 = vector.shape_cast %swap3A_134 : vector<1x16xf32> to vector<16xf32>
    %swap3A_136 = vector.shape_cast %broadcast_in_dim3A_5 : vector<16xf32> to vector<1x16xf32>
    tpu.vector_store %arg6[%swap3A_132, %swap3A_133], %swap3A_136 {strides = array<i32>} : memref<128x16xf32, #tpu.memory_space<vmem>>, vector<1x16xf32>,
    %swap3A_137 = arith.constant 11 : i32
    %swap3A_138 = arith.index_cast %swap3A_137 : i32 to index
    %swap3A_139 = arith.constant 0 : index
    %swap3A_140 = tpu.vector_load %arg5[%swap3A_138, %swap3A_139] {strides = array<i32>} : memref<128x16xf32, #tpu.memory_space<vmem>>, vector<1x16xf32>,
    %swap3A_141 = vector.shape_cast %swap3A_140 : vector<1x16xf32> to vector<16xf32>
    %swap3A_142 = vector.shape_cast %select_n3A : vector<16xf32> to vector<1x16xf32>
    tpu.vector_store %arg5[%swap3A_138, %swap3A_139], %swap3A_142 {strides = array<i32>} : memref<128x16xf32, #tpu.memory_space<vmem>>, vector<1x16xf32>,
    %swap3A_143 = arith.constant 11 : i32
    %swap3A_144 = arith.index_cast %swap3A_143 : i32 to index
    %swap3A_145 = arith.constant 0 : index
    %swap3A_146 = tpu.vector_load %arg6[%swap3A_144, %swap3A_145] {strides = array<i32>} : memref<128x16xf32, #tpu.memory_space<vmem>>, vector<1x16xf32>,
    %swap3A_147 = vector.shape_cast %swap3A_146 : vector<1x16xf32> to vector<16xf32>
    %swap3A_148 = vector.shape_cast %broadcast_in_dim3A_5 : vector<16xf32> to vector<1x16xf32>
    tpu.vector_store %arg6[%swap3A_144, %swap3A_145], %swap3A_148 {strides = array<i32>} : memref<128x16xf32, #tpu.memory_space<vmem>>, vector<1x16xf32>,
    %swap3A_149 = arith.constant 12 : i32
    %swap3A_150 = arith.index_cast %swap3A_149 : i32 to index
    %swap3A_151 = arith.constant 0 : index
    %swap3A_152 = tpu.vector_load %arg5[%swap3A_150, %swap3A_151] {strides = array<i32>} : memref<128x16xf32, #tpu.memory_space<vmem>>, vector<1x16xf32>,
    %swap3A_153 = vector.shape_cast %swap3A_152 : vector<1x16xf32> to vector<16xf32>
    %swap3A_154 = vector.shape_cast %select_n3A : vector<16xf32> to vector<1x16xf32>
    tpu.vector_store %arg5[%swap3A_150, %swap3A_151], %swap3A_154 {strides = array<i32>} : memref<128x16xf32, #tpu.memory_space<vmem>>, vector<1x16xf32>,
    %swap3A_155 = arith.constant 12 : i32
    %swap3A_156 = arith.index_cast %swap3A_155 : i32 to index
    %swap3A_157 = arith.constant 0 : index
    %swap3A_158 = tpu.vector_load %arg6[%swap3A_156, %swap3A_157] {strides = array<i32>} : memref<128x16xf32, #tpu.memory_space<vmem>>, vector<1x16xf32>,
    %swap3A_159 = vector.shape_cast %swap3A_158 : vector<1x16xf32> to vector<16xf32>
    %swap3A_160 = vector.shape_cast %broadcast_in_dim3A_5 : vector<16xf32> to vector<1x16xf32>
    tpu.vector_store %arg6[%swap3A_156, %swap3A_157], %swap3A_160 {strides = array<i32>} : memref<128x16xf32, #tpu.memory_space<vmem>>, vector<1x16xf32>,
    %swap3A_161 = arith.constant 13 : i32
    %swap3A_162 = arith.index_cast %swap3A_161 : i32 to index
    %swap3A_163 = arith.constant 0 : index
    %swap3A_164 = tpu.vector_load %arg5[%swap3A_162, %swap3A_163] {strides = array<i32>} : memref<128x16xf32, #tpu.memory_space<vmem>>, vector<1x16xf32>,
    %swap3A_165 = vector.shape_cast %swap3A_164 : vector<1x16xf32> to vector<16xf32>
    %swap3A_166 = vector.shape_cast %select_n3A : vector<16xf32> to vector<1x16xf32>
    tpu.vector_store %arg5[%swap3A_162, %swap3A_163], %swap3A_166 {strides = array<i32>} : memref<128x16xf32, #tpu.memory_space<vmem>>, vector<1x16xf32>,
    %swap3A_167 = arith.constant 13 : i32
    %swap3A_168 = arith.index_cast %swap3A_167 : i32 to index
    %swap3A_169 = arith.constant 0 : index
    %swap3A_170 = tpu.vector_load %arg6[%swap3A_168, %swap3A_169] {strides = array<i32>} : memref<128x16xf32, #tpu.memory_space<vmem>>, vector<1x16xf32>,
    %swap3A_171 = vector.shape_cast %swap3A_170 : vector<1x16xf32> to vector<16xf32>
    %swap3A_172 = vector.shape_cast %broadcast_in_dim3A_5 : vector<16xf32> to vector<1x16xf32>
    tpu.vector_store %arg6[%swap3A_168, %swap3A_169], %swap3A_172 {strides = array<i32>} : memref<128x16xf32, #tpu.memory_space<vmem>>, vector<1x16xf32>,
    %swap3A_173 = arith.constant 14 : i32
    %swap3A_174 = arith.index_cast %swap3A_173 : i32 to index
    %swap3A_175 = arith.constant 0 : index
    %swap3A_176 = tpu.vector_load %arg5[%swap3A_174, %swap3A_175] {strides = array<i32>} : memref<128x16xf32, #tpu.memory_space<vmem>>, vector<1x16xf32>,
    %swap3A_177 = vector.shape_cast %swap3A_176 : vector<1x16xf32> to vector<16xf32>
    %swap3A_178 = vector.shape_cast %select_n3A : vector<16xf32> to vector<1x16xf32>
    tpu.vector_store %arg5[%swap3A_174, %swap3A_175], %swap3A_178 {strides = array<i32>} : memref<128x16xf32, #tpu.memory_space<vmem>>, vector<1x16xf32>,
    %swap3A_179 = arith.constant 14 : i32
    %swap3A_180 = arith.index_cast %swap3A_179 : i32 to index
    %swap3A_181 = arith.constant 0 : index
    %swap3A_182 = tpu.vector_load %arg6[%swap3A_180, %swap3A_181] {strides = array<i32>} : memref<128x16xf32, #tpu.memory_space<vmem>>, vector<1x16xf32>,
    %swap3A_183 = vector.shape_cast %swap3A_182 : vector<1x16xf32> to vector<16xf32>
    %swap3A_184 = vector.shape_cast %broadcast_in_dim3A_5 : vector<16xf32> to vector<1x16xf32>
    tpu.vector_store %arg6[%swap3A_180, %swap3A_181], %swap3A_184 {strides = array<i32>} : memref<128x16xf32, #tpu.memory_space<vmem>>, vector<1x16xf32>,
    %swap3A_185 = arith.constant 15 : i32
    %swap3A_186 = arith.index_cast %swap3A_185 : i32 to index
    %swap3A_187 = arith.constant 0 : index
    %swap3A_188 = tpu.vector_load %arg5[%swap3A_186, %swap3A_187] {strides = array<i32>} : memref<128x16xf32, #tpu.memory_space<vmem>>, vector<1x16xf32>,
    %swap3A_189 = vector.shape_cast %swap3A_188 : vector<1x16xf32> to vector<16xf32>
    %swap3A_190 = vector.shape_cast %select_n3A : vector<16xf32> to vector<1x16xf32>
    tpu.vector_store %arg5[%swap3A_186, %swap3A_187], %swap3A_190 {strides = array<i32>} : memref<128x16xf32, #tpu.memory_space<vmem>>, vector<1x16xf32>,
    %swap3A_191 = arith.constant 15 : i32
    %swap3A_192 = arith.index_cast %swap3A_191 : i32 to index
    %swap3A_193 = arith.constant 0 : index
    %swap3A_194 = tpu.vector_load %arg6[%swap3A_192, %swap3A_193] {strides = array<i32>} : memref<128x16xf32, #tpu.memory_space<vmem>>, vector<1x16xf32>,
    %swap3A_195 = vector.shape_cast %swap3A_194 : vector<1x16xf32> to vector<16xf32>
    %swap3A_196 = vector.shape_cast %broadcast_in_dim3A_5 : vector<16xf32> to vector<1x16xf32>
    tpu.vector_store %arg6[%swap3A_192, %swap3A_193], %swap3A_196 {strides = array<i32>} : memref<128x16xf32, #tpu.memory_space<vmem>>, vector<1x16xf32>,
    %swap3A_197 = arith.constant 16 : i32
    %swap3A_198 = arith.index_cast %swap3A_197 : i32 to index
    %swap3A_199 = arith.constant 0 : index
    %swap3A_200 = tpu.vector_load %arg5[%swap3A_198, %swap3A_199] {strides = array<i32>} : memref<128x16xf32, #tpu.memory_space<vmem>>, vector<1x16xf32>,
    %swap3A_201 = vector.shape_cast %swap3A_200 : vector<1x16xf32> to vector<16xf32>
    %swap3A_202 = vector.shape_cast %select_n3A : vector<16xf32> to vector<1x16xf32>
    tpu.vector_store %arg5[%swap3A_198, %swap3A_199], %swap3A_202 {strides = array<i32>} : memref<128x16xf32, #tpu.memory_space<vmem>>, vector<1x16xf32>,
    %swap3A_203 = arith.constant 16 : i32
    %swap3A_204 = arith.index_cast %swap3A_203 : i32 to index
    %swap3A_205 = arith.constant 0 : index
    %swap3A_206 = tpu.vector_load %arg6[%swap3A_204, %swap3A_205] {strides = array<i32>} : memref<128x16xf32, #tpu.memory_space<vmem>>, vector<1x16xf32>,
    %swap3A_207 = vector.shape_cast %swap3A_206 : vector<1x16xf32> to vector<16xf32>
    %swap3A_208 = vector.shape_cast %broadcast_in_dim3A_5 : vector<16xf32> to vector<1x16xf32>
    tpu.vector_store %arg6[%swap3A_204, %swap3A_205], %swap3A_208 {strides = array<i32>} : memref<128x16xf32, #tpu.memory_space<vmem>>, vector<1x16xf32>,
    %swap3A_209 = arith.constant 17 : i32
    %swap3A_210 = arith.index_cast %swap3A_209 : i32 to index
    %swap3A_211 = arith.constant 0 : index
    %swap3A_212 = tpu.vector_load %arg5[%swap3A_210, %swap3A_211] {strides = array<i32>} : memref<128x16xf32, #tpu.memory_space<vmem>>, vector<1x16xf32>,
    %swap3A_213 = vector.shape_cast %swap3A_212 : vector<1x16xf32> to vector<16xf32>
    %swap3A_214 = vector.shape_cast %select_n3A : vector<16xf32> to vector<1x16xf32>
    tpu.vector_store %arg5[%swap3A_210, %swap3A_211], %swap3A_214 {strides = array<i32>} : memref<128x16xf32, #tpu.memory_space<vmem>>, vector<1x16xf32>,
    %swap3A_215 = arith.constant 17 : i32
    %swap3A_216 = arith.index_cast %swap3A_215 : i32 to index
    %swap3A_217 = arith.constant 0 : index
    %swap3A_218 = tpu.vector_load %arg6[%swap3A_216, %swap3A_217] {strides = array<i32>} : memref<128x16xf32, #tpu.memory_space<vmem>>, vector<1x16xf32>,
    %swap3A_219 = vector.shape_cast %swap3A_218 : vector<1x16xf32> to vector<16xf32>
    %swap3A_220 = vector.shape_cast %broadcast_in_dim3A_5 : vector<16xf32> to vector<1x16xf32>
    tpu.vector_store %arg6[%swap3A_216, %swap3A_217], %swap3A_220 {strides = array<i32>} : memref<128x16xf32, #tpu.memory_space<vmem>>, vector<1x16xf32>,
    %swap3A_221 = arith.constant 18 : i32
    %swap3A_222 = arith.index_cast %swap3A_221 : i32 to index
    %swap3A_223 = arith.constant 0 : index
    %swap3A_224 = tpu.vector_load %arg5[%swap3A_222, %swap3A_223] {strides = array<i32>} : memref<128x16xf32, #tpu.memory_space<vmem>>, vector<1x16xf32>,
    %swap3A_225 = vector.shape_cast %swap3A_224 : vector<1x16xf32> to vector<16xf32>
    %swap3A_226 = vector.shape_cast %select_n3A : vector<16xf32> to vector<1x16xf32>
    tpu.vector_store %arg5[%swap3A_222, %swap3A_223], %swap3A_226 {strides = array<i32>} : memref<128x16xf32, #tpu.memory_space<vmem>>, vector<1x16xf32>,
    %swap3A_227 = arith.constant 18 : i32
    %swap3A_228 = arith.index_cast %swap3A_227 : i32 to index
    %swap3A_229 = arith.constant 0 : index
    %swap3A_230 = tpu.vector_load %arg6[%swap3A_228, %swap3A_229] {strides = array<i32>} : memref<128x16xf32, #tpu.memory_space<vmem>>, vector<1x16xf32>,
    %swap3A_231 = vector.shape_cast %swap3A_230 : vector<1x16xf32> to vector<16xf32>
    %swap3A_232 = vector.shape_cast %broadcast_in_dim3A_5 : vector<16xf32> to vector<1x16xf32>
    tpu.vector_store %arg6[%swap3A_228, %swap3A_229], %swap3A_232 {strides = array<i32>} : memref<128x16xf32, #tpu.memory_space<vmem>>, vector<1x16xf32>,
    %swap3A_233 = arith.constant 19 : i32
    %swap3A_234 = arith.index_cast %swap3A_233 : i32 to index
    %swap3A_235 = arith.constant 0 : index
    %swap3A_236 = tpu.vector_load %arg5[%swap3A_234, %swap3A_235] {strides = array<i32>} : memref<128x16xf32, #tpu.memory_space<vmem>>, vector<1x16xf32>,
    %swap3A_237 = vector.shape_cast %swap3A_236 : vector<1x16xf32> to vector<16xf32>
    %swap3A_238 = vector.shape_cast %select_n3A : vector<16xf32> to vector<1x16xf32>
    tpu.vector_store %arg5[%swap3A_234, %swap3A_235], %swap3A_238 {strides = array<i32>} : memref<128x16xf32, #tpu.memory_space<vmem>>, vector<1x16xf32>,
    %swap3A_239 = arith.constant 19 : i32
    %swap3A_240 = arith.index_cast %swap3A_239 : i32 to index
    %swap3A_241 = arith.constant 0 : index
    %swap3A_242 = tpu.vector_load %arg6[%swap3A_240, %swap3A_241] {strides = array<i32>} : memref<128x16xf32, #tpu.memory_space<vmem>>, vector<1x16xf32>,
    %swap3A_243 = vector.shape_cast %swap3A_242 : vector<1x16xf32> to vector<16xf32>
    %swap3A_244 = vector.shape_cast %broadcast_in_dim3A_5 : vector<16xf32> to vector<1x16xf32>
    tpu.vector_store %arg6[%swap3A_240, %swap3A_241], %swap3A_244 {strides = array<i32>} : memref<128x16xf32, #tpu.memory_space<vmem>>, vector<1x16xf32>,
    %swap3A_245 = arith.constant 20 : i32
    %swap3A_246 = arith.index_cast %swap3A_245 : i32 to index
    %swap3A_247 = arith.constant 0 : index
    %swap3A_248 = tpu.vector_load %arg5[%swap3A_246, %swap3A_247] {strides = array<i32>} : memref<128x16xf32, #tpu.memory_space<vmem>>, vector<1x16xf32>,
    %swap3A_249 = vector.shape_cast %swap3A_248 : vector<1x16xf32> to vector<16xf32>
    %swap3A_250 = vector.shape_cast %select_n3A : vector<16xf32> to vector<1x16xf32>
    tpu.vector_store %arg5[%swap3A_246, %swap3A_247], %swap3A_250 {strides = array<i32>} : memref<128x16xf32, #tpu.memory_space<vmem>>, vector<1x16xf32>,
    %swap3A_251 = arith.constant 20 : i32
    %swap3A_252 = arith.index_cast %swap3A_251 : i32 to index
    %swap3A_253 = arith.constant 0 : index
    %swap3A_254 = tpu.vector_load %arg6[%swap3A_252, %swap3A_253] {strides = array<i32>} : memref<128x16xf32, #tpu.memory_space<vmem>>, vector<1x16xf32>,
    %swap3A_255 = vector.shape_cast %swap3A_254 : vector<1x16xf32> to vector<16xf32>
    %swap3A_256 = vector.shape_cast %broadcast_in_dim3A_5 : vector<16xf32> to vector<1x16xf32>
    tpu.vector_store %arg6[%swap3A_252, %swap3A_253], %swap3A_256 {strides = array<i32>} : memref<128x16xf32, #tpu.memory_space<vmem>>, vector<1x16xf32>,
    %swap3A_257 = arith.constant 21 : i32
    %swap3A_258 = arith.index_cast %swap3A_257 : i32 to index
    %swap3A_259 = arith.constant 0 : index
    %swap3A_260 = tpu.vector_load %arg5[%swap3A_258, %swap3A_259] {strides = array<i32>} : memref<128x16xf32, #tpu.memory_space<vmem>>, vector<1x16xf32>,
    %swap3A_261 = vector.shape_cast %swap3A_260 : vector<1x16xf32> to vector<16xf32>
    %swap3A_262 = vector.shape_cast %select_n3A : vector<16xf32> to vector<1x16xf32>
    tpu.vector_store %arg5[%swap3A_258, %swap3A_259], %swap3A_262 {strides = array<i32>} : memref<128x16xf32, #tpu.memory_space<vmem>>, vector<1x16xf32>,
    %swap3A_263 = arith.constant 21 : i32
    %swap3A_264 = arith.index_cast %swap3A_263 : i32 to index
    %swap3A_265 = arith.constant 0 : index
    %swap3A_266 = tpu.vector_load %arg6[%swap3A_264, %swap3A_265] {strides = array<i32>} : memref<128x16xf32, #tpu.memory_space<vmem>>, vector<1x16xf32>,
    %swap3A_267 = vector.shape_cast %swap3A_266 : vector<1x16xf32> to vector<16xf32>
    %swap3A_268 = vector.shape_cast %broadcast_in_dim3A_5 : vector<16xf32> to vector<1x16xf32>
    tpu.vector_store %arg6[%swap3A_264, %swap3A_265], %swap3A_268 {strides = array<i32>} : memref<128x16xf32, #tpu.memory_space<vmem>>, vector<1x16xf32>,
    %swap3A_269 = arith.constant 22 : i32
    %swap3A_270 = arith.index_cast %swap3A_269 : i32 to index
    %swap3A_271 = arith.constant 0 : index
    %swap3A_272 = tpu.vector_load %arg5[%swap3A_270, %swap3A_271] {strides = array<i32>} : memref<128x16xf32, #tpu.memory_space<vmem>>, vector<1x16xf32>,
    %swap3A_273 = vector.shape_cast %swap3A_272 : vector<1x16xf32> to vector<16xf32>
    %swap3A_274 = vector.shape_cast %select_n3A : vector<16xf32> to vector<1x16xf32>
    tpu.vector_store %arg5[%swap3A_270, %swap3A_271], %swap3A_274 {strides = array<i32>} : memref<128x16xf32, #tpu.memory_space<vmem>>, vector<1x16xf32>,
    %swap3A_275 = arith.constant 22 : i32
    %swap3A_276 = arith.index_cast %swap3A_275 : i32 to index
    %swap3A_277 = arith.constant 0 : index
    %swap3A_278 = tpu.vector_load %arg6[%swap3A_276, %swap3A_277] {strides = array<i32>} : memref<128x16xf32, #tpu.memory_space<vmem>>, vector<1x16xf32>,
    %swap3A_279 = vector.shape_cast %swap3A_278 : vector<1x16xf32> to vector<16xf32>
    %swap3A_280 = vector.shape_cast %broadcast_in_dim3A_5 : vector<16xf32> to vector<1x16xf32>
    tpu.vector_store %arg6[%swap3A_276, %swap3A_277], %swap3A_280 {strides = array<i32>} : memref<128x16xf32, #tpu.memory_space<vmem>>, vector<1x16xf32>,
    %swap3A_281 = arith.constant 23 : i32
    %swap3A_282 = arith.index_cast %swap3A_281 : i32 to index
    %swap3A_283 = arith.constant 0 : index
    %swap3A_284 = tpu.vector_load %arg5[%swap3A_282, %swap3A_283] {strides = array<i32>} : memref<128x16xf32, #tpu.memory_space<vmem>>, vector<1x16xf32>,
    %swap3A_285 = vector.shape_cast %swap3A_284 : vector<1x16xf32> to vector<16xf32>
    %swap3A_286 = vector.shape_cast %select_n3A : vector<16xf32> to vector<1x16xf32>
    tpu.vector_store %arg5[%swap3A_282, %swap3A_283], %swap3A_286 {strides = array<i32>} : memref<128x16xf32, #tpu.memory_space<vmem>>, vector<1x16xf32>,
    %swap3A_287 = arith.constant 23 : i32
    %swap3A_288 = arith.index_cast %swap3A_287 : i32 to index
    %swap3A_289 = arith.constant 0 : index
    %swap3A_290 = tpu.vector_load %arg6[%swap3A_288, %swap3A_289] {strides = array<i32>} : memref<128x16xf32, #tpu.memory_space<vmem>>, vector<1x16xf32>,
    %swap3A_291 = vector.shape_cast %swap3A_290 : vector<1x16xf32> to vector<16xf32>
    %swap3A_292 = vector.shape_cast %broadcast_in_dim3A_5 : vector<16xf32> to vector<1x16xf32>
    tpu.vector_store %arg6[%swap3A_288, %swap3A_289], %swap3A_292 {strides = array<i32>} : memref<128x16xf32, #tpu.memory_space<vmem>>, vector<1x16xf32>,
    %swap3A_293 = arith.constant 24 : i32
    %swap3A_294 = arith.index_cast %swap3A_293 : i32 to index
    %swap3A_295 = arith.constant 0 : index
    %swap3A_296 = tpu.vector_load %arg5[%swap3A_294, %swap3A_295] {strides = array<i32>} : memref<128x16xf32, #tpu.memory_space<vmem>>, vector<1x16xf32>,
    %swap3A_297 = vector.shape_cast %swap3A_296 : vector<1x16xf32> to vector<16xf32>
    %swap3A_298 = vector.shape_cast %select_n3A : vector<16xf32> to vector<1x16xf32>
    tpu.vector_store %arg5[%swap3A_294, %swap3A_295], %swap3A_298 {strides = array<i32>} : memref<128x16xf32, #tpu.memory_space<vmem>>, vector<1x16xf32>,
    %swap3A_299 = arith.constant 24 : i32
    %swap3A_300 = arith.index_cast %swap3A_299 : i32 to index
    %swap3A_301 = arith.constant 0 : index
    %swap3A_302 = tpu.vector_load %arg6[%swap3A_300, %swap3A_301] {strides = array<i32>} : memref<128x16xf32, #tpu.memory_space<vmem>>, vector<1x16xf32>,
    %swap3A_303 = vector.shape_cast %swap3A_302 : vector<1x16xf32> to vector<16xf32>
    %swap3A_304 = vector.shape_cast %broadcast_in_dim3A_5 : vector<16xf32> to vector<1x16xf32>
    tpu.vector_store %arg6[%swap3A_300, %swap3A_301], %swap3A_304 {strides = array<i32>} : memref<128x16xf32, #tpu.memory_space<vmem>>, vector<1x16xf32>,
    %swap3A_305 = arith.constant 25 : i32
    %swap3A_306 = arith.index_cast %swap3A_305 : i32 to index
    %swap3A_307 = arith.constant 0 : index
    %swap3A_308 = tpu.vector_load %arg5[%swap3A_306, %swap3A_307] {strides = array<i32>} : memref<128x16xf32, #tpu.memory_space<vmem>>, vector<1x16xf32>,
    %swap3A_309 = vector.shape_cast %swap3A_308 : vector<1x16xf32> to vector<16xf32>
    %swap3A_310 = vector.shape_cast %select_n3A : vector<16xf32> to vector<1x16xf32>
    tpu.vector_store %arg5[%swap3A_306, %swap3A_307], %swap3A_310 {strides = array<i32>} : memref<128x16xf32, #tpu.memory_space<vmem>>, vector<1x16xf32>,
    %swap3A_311 = arith.constant 25 : i32
    %swap3A_312 = arith.index_cast %swap3A_311 : i32 to index
    %swap3A_313 = arith.constant 0 : index
    %swap3A_314 = tpu.vector_load %arg6[%swap3A_312, %swap3A_313] {strides = array<i32>} : memref<128x16xf32, #tpu.memory_space<vmem>>, vector<1x16xf32>,
    %swap3A_315 = vector.shape_cast %swap3A_314 : vector<1x16xf32> to vector<16xf32>
    %swap3A_316 = vector.shape_cast %broadcast_in_dim3A_5 : vector<16xf32> to vector<1x16xf32>
    tpu.vector_store %arg6[%swap3A_312, %swap3A_313], %swap3A_316 {strides = array<i32>} : memref<128x16xf32, #tpu.memory_space<vmem>>, vector<1x16xf32>,
    %swap3A_317 = arith.constant 26 : i32
    %swap3A_318 = arith.index_cast %swap3A_317 : i32 to index
    %swap3A_319 = arith.constant 0 : index
    %swap3A_320 = tpu.vector_load %arg5[%swap3A_318, %swap3A_319] {strides = array<i32>} : memref<128x16xf32, #tpu.memory_space<vmem>>, vector<1x16xf32>,
    %swap3A_321 = vector.shape_cast %swap3A_320 : vector<1x16xf32> to vector<16xf32>
    %swap3A_322 = vector.shape_cast %select_n3A : vector<16xf32> to vector<1x16xf32>
    tpu.vector_store %arg5[%swap3A_318, %swap3A_319], %swap3A_322 {strides = array<i32>} : memref<128x16xf32, #tpu.memory_space<vmem>>, vector<1x16xf32>,
    %swap3A_323 = arith.constant 26 : i32
    %swap3A_324 = arith.index_cast %swap3A_323 : i32 to index
    %swap3A_325 = arith.constant 0 : index
    %swap3A_326 = tpu.vector_load %arg6[%swap3A_324, %swap3A_325] {strides = array<i32>} : memref<128x16xf32, #tpu.memory_space<vmem>>, vector<1x16xf32>,
    %swap3A_327 = vector.shape_cast %swap3A_326 : vector<1x16xf32> to vector<16xf32>
    %swap3A_328 = vector.shape_cast %broadcast_in_dim3A_5 : vector<16xf32> to vector<1x16xf32>
    tpu.vector_store %arg6[%swap3A_324, %swap3A_325], %swap3A_328 {strides = array<i32>} : memref<128x16xf32, #tpu.memory_space<vmem>>, vector<1x16xf32>,
    %swap3A_329 = arith.constant 27 : i32
    %swap3A_330 = arith.index_cast %swap3A_329 : i32 to index
    %swap3A_331 = arith.constant 0 : index
    %swap3A_332 = tpu.vector_load %arg5[%swap3A_330, %swap3A_331] {strides = array<i32>} : memref<128x16xf32, #tpu.memory_space<vmem>>, vector<1x16xf32>,
    %swap3A_333 = vector.shape_cast %swap3A_332 : vector<1x16xf32> to vector<16xf32>
    %swap3A_334 = vector.shape_cast %select_n3A : vector<16xf32> to vector<1x16xf32>
    tpu.vector_store %arg5[%swap3A_330, %swap3A_331], %swap3A_334 {strides = array<i32>} : memref<128x16xf32, #tpu.memory_space<vmem>>, vector<1x16xf32>,
    %swap3A_335 = arith.constant 27 : i32
    %swap3A_336 = arith.index_cast %swap3A_335 : i32 to index
    %swap3A_337 = arith.constant 0 : index
    %swap3A_338 = tpu.vector_load %arg6[%swap3A_336, %swap3A_337] {strides = array<i32>} : memref<128x16xf32, #tpu.memory_space<vmem>>, vector<1x16xf32>,
    %swap3A_339 = vector.shape_cast %swap3A_338 : vector<1x16xf32> to vector<16xf32>
    %swap3A_340 = vector.shape_cast %broadcast_in_dim3A_5 : vector<16xf32> to vector<1x16xf32>
    tpu.vector_store %arg6[%swap3A_336, %swap3A_337], %swap3A_340 {strides = array<i32>} : memref<128x16xf32, #tpu.memory_space<vmem>>, vector<1x16xf32>,
    %swap3A_341 = arith.constant 28 : i32
    %swap3A_342 = arith.index_cast %swap3A_341 : i32 to index
    %swap3A_343 = arith.constant 0 : index
    %swap3A_344 = tpu.vector_load %arg5[%swap3A_342, %swap3A_343] {strides = array<i32>} : memref<128x16xf32, #tpu.memory_space<vmem>>, vector<1x16xf32>,
    %swap3A_345 = vector.shape_cast %swap3A_344 : vector<1x16xf32> to vector<16xf32>
    %swap3A_346 = vector.shape_cast %select_n3A : vector<16xf32> to vector<1x16xf32>
    tpu.vector_store %arg5[%swap3A_342, %swap3A_343], %swap3A_346 {strides = array<i32>} : memref<128x16xf32, #tpu.memory_space<vmem>>, vector<1x16xf32>,
    %swap3A_347 = arith.constant 28 : i32
    %swap3A_348 = arith.index_cast %swap3A_347 : i32 to index
    %swap3A_349 = arith.constant 0 : index
    %swap3A_350 = tpu.vector_load %arg6[%swap3A_348, %swap3A_349] {strides = array<i32>} : memref<128x16xf32, #tpu.memory_space<vmem>>, vector<1x16xf32>,
    %swap3A_351 = vector.shape_cast %swap3A_350 : vector<1x16xf32> to vector<16xf32>
    %swap3A_352 = vector.shape_cast %broadcast_in_dim3A_5 : vector<16xf32> to vector<1x16xf32>
    tpu.vector_store %arg6[%swap3A_348, %swap3A_349], %swap3A_352 {strides = array<i32>} : memref<128x16xf32, #tpu.memory_space<vmem>>, vector<1x16xf32>,
    %swap3A_353 = arith.constant 29 : i32
    %swap3A_354 = arith.index_cast %swap3A_353 : i32 to index
    %swap3A_355 = arith.constant 0 : index
    %swap3A_356 = tpu.vector_load %arg5[%swap3A_354, %swap3A_355] {strides = array<i32>} : memref<128x16xf32, #tpu.memory_space<vmem>>, vector<1x16xf32>,
    %swap3A_357 = vector.shape_cast %swap3A_356 : vector<1x16xf32> to vector<16xf32>
    %swap3A_358 = vector.shape_cast %select_n3A : vector<16xf32> to vector<1x16xf32>
    tpu.vector_store %arg5[%swap3A_354, %swap3A_355], %swap3A_358 {strides = array<i32>} : memref<128x16xf32, #tpu.memory_space<vmem>>, vector<1x16xf32>,
    %swap3A_359 = arith.constant 29 : i32
    %swap3A_360 = arith.index_cast %swap3A_359 : i32 to index
    %swap3A_361 = arith.constant 0 : index
    %swap3A_362 = tpu.vector_load %arg6[%swap3A_360, %swap3A_361] {strides = array<i32>} : memref<128x16xf32, #tpu.memory_space<vmem>>, vector<1x16xf32>,
    %swap3A_363 = vector.shape_cast %swap3A_362 : vector<1x16xf32> to vector<16xf32>
    %swap3A_364 = vector.shape_cast %broadcast_in_dim3A_5 : vector<16xf32> to vector<1x16xf32>
    tpu.vector_store %arg6[%swap3A_360, %swap3A_361], %swap3A_364 {strides = array<i32>} : memref<128x16xf32, #tpu.memory_space<vmem>>, vector<1x16xf32>,
    %swap3A_365 = arith.constant 30 : i32
    %swap3A_366 = arith.index_cast %swap3A_365 : i32 to index
    %swap3A_367 = arith.constant 0 : index
    %swap3A_368 = tpu.vector_load %arg5[%swap3A_366, %swap3A_367] {strides = array<i32>} : memref<128x16xf32, #tpu.memory_space<vmem>>, vector<1x16xf32>,
    %swap3A_369 = vector.shape_cast %swap3A_368 : vector<1x16xf32> to vector<16xf32>
    %swap3A_370 = vector.shape_cast %select_n3A : vector<16xf32> to vector<1x16xf32>
    tpu.vector_store %arg5[%swap3A_366, %swap3A_367], %swap3A_370 {strides = array<i32>} : memref<128x16xf32, #tpu.memory_space<vmem>>, vector<1x16xf32>,
    %swap3A_371 = arith.constant 30 : i32
    %swap3A_372 = arith.index_cast %swap3A_371 : i32 to index
    %swap3A_373 = arith.constant 0 : index
    %swap3A_374 = tpu.vector_load %arg6[%swap3A_372, %swap3A_373] {strides = array<i32>} : memref<128x16xf32, #tpu.memory_space<vmem>>, vector<1x16xf32>,
    %swap3A_375 = vector.shape_cast %swap3A_374 : vector<1x16xf32> to vector<16xf32>
    %swap3A_376 = vector.shape_cast %broadcast_in_dim3A_5 : vector<16xf32> to vector<1x16xf32>
    tpu.vector_store %arg6[%swap3A_372, %swap3A_373], %swap3A_376 {strides = array<i32>} : memref<128x16xf32, #tpu.memory_space<vmem>>, vector<1x16xf32>,
    %swap3A_377 = arith.constant 31 : i32
    %swap3A_378 = arith.index_cast %swap3A_377 : i32 to index
    %swap3A_379 = arith.constant 0 : index
    %swap3A_380 = tpu.vector_load %arg5[%swap3A_378, %swap3A_379] {strides = array<i32>} : memref<128x16xf32, #tpu.memory_space<vmem>>, vector<1x16xf32>,
    %swap3A_381 = vector.shape_cast %swap3A_380 : vector<1x16xf32> to vector<16xf32>
    %swap3A_382 = vector.shape_cast %select_n3A : vector<16xf32> to vector<1x16xf32>
    tpu.vector_store %arg5[%swap3A_378, %swap3A_379], %swap3A_382 {strides = array<i32>} : memref<128x16xf32, #tpu.memory_space<vmem>>, vector<1x16xf32>,
    %swap3A_383 = arith.constant 31 : i32
    %swap3A_384 = arith.index_cast %swap3A_383 : i32 to index
    %swap3A_385 = arith.constant 0 : index
    %swap3A_386 = tpu.vector_load %arg6[%swap3A_384, %swap3A_385] {strides = array<i32>} : memref<128x16xf32, #tpu.memory_space<vmem>>, vector<1x16xf32>,
    %swap3A_387 = vector.shape_cast %swap3A_386 : vector<1x16xf32> to vector<16xf32>
    %swap3A_388 = vector.shape_cast %broadcast_in_dim3A_5 : vector<16xf32> to vector<1x16xf32>
    tpu.vector_store %arg6[%swap3A_384, %swap3A_385], %swap3A_388 {strides = array<i32>} : memref<128x16xf32, #tpu.memory_space<vmem>>, vector<1x16xf32>,
    %swap3A_389 = arith.constant 32 : i32
    %swap3A_390 = arith.index_cast %swap3A_389 : i32 to index
    %swap3A_391 = arith.constant 0 : index
    %swap3A_392 = tpu.vector_load %arg5[%swap3A_390, %swap3A_391] {strides = array<i32>} : memref<128x16xf32, #tpu.memory_space<vmem>>, vector<1x16xf32>,
    %swap3A_393 = vector.shape_cast %swap3A_392 : vector<1x16xf32> to vector<16xf32>
    %swap3A_394 = vector.shape_cast %select_n3A : vector<16xf32> to vector<1x16xf32>
    tpu.vector_store %arg5[%swap3A_390, %swap3A_391], %swap3A_394 {strides = array<i32>} : memref<128x16xf32, #tpu.memory_space<vmem>>, vector<1x16xf32>,
    %swap3A_395 = arith.constant 32 : i32
    %swap3A_396 = arith.index_cast %swap3A_395 : i32 to index
    %swap3A_397 = arith.constant 0 : index
    %swap3A_398 = tpu.vector_load %arg6[%swap3A_396, %swap3A_397] {strides = array<i32>} : memref<128x16xf32, #tpu.memory_space<vmem>>, vector<1x16xf32>,
    %swap3A_399 = vector.shape_cast %swap3A_398 : vector<1x16xf32> to vector<16xf32>
    %swap3A_400 = vector.shape_cast %broadcast_in_dim3A_5 : vector<16xf32> to vector<1x16xf32>
    tpu.vector_store %arg6[%swap3A_396, %swap3A_397], %swap3A_400 {strides = array<i32>} : memref<128x16xf32, #tpu.memory_space<vmem>>, vector<1x16xf32>,
    %swap3A_401 = arith.constant 33 : i32
    %swap3A_402 = arith.index_cast %swap3A_401 : i32 to index
    %swap3A_403 = arith.constant 0 : index
    %swap3A_404 = tpu.vector_load %arg5[%swap3A_402, %swap3A_403] {strides = array<i32>} : memref<128x16xf32, #tpu.memory_space<vmem>>, vector<1x16xf32>,
    %swap3A_405 = vector.shape_cast %swap3A_404 : vector<1x16xf32> to vector<16xf32>
    %swap3A_406 = vector.shape_cast %select_n3A : vector<16xf32> to vector<1x16xf32>
    tpu.vector_store %arg5[%swap3A_402, %swap3A_403], %swap3A_406 {strides = array<i32>} : memref<128x16xf32, #tpu.memory_space<vmem>>, vector<1x16xf32>,
    %swap3A_407 = arith.constant 33 : i32
    %swap3A_408 = arith.index_cast %swap3A_407 : i32 to index
    %swap3A_409 = arith.constant 0 : index
    %swap3A_410 = tpu.vector_load %arg6[%swap3A_408, %swap3A_409] {strides = array<i32>} : memref<128x16xf32, #tpu.memory_space<vmem>>, vector<1x16xf32>,
    %swap3A_411 = vector.shape_cast %swap3A_410 : vector<1x16xf32> to vector<16xf32>
    %swap3A_412 = vector.shape_cast %broadcast_in_dim3A_5 : vector<16xf32> to vector<1x16xf32>
    tpu.vector_store %arg6[%swap3A_408, %swap3A_409], %swap3A_412 {strides = array<i32>} : memref<128x16xf32, #tpu.memory_space<vmem>>, vector<1x16xf32>,
    %swap3A_413 = arith.constant 34 : i32
    %swap3A_414 = arith.index_cast %swap3A_413 : i32 to index
    %swap3A_415 = arith.constant 0 : index
    %swap3A_416 = tpu.vector_load %arg5[%swap3A_414, %swap3A_415] {strides = array<i32>} : memref<128x16xf32, #tpu.memory_space<vmem>>, vector<1x16xf32>,
    %swap3A_417 = vector.shape_cast %swap3A_416 : vector<1x16xf32> to vector<16xf32>
    %swap3A_418 = vector.shape_cast %select_n3A : vector<16xf32> to vector<1x16xf32>
    tpu.vector_store %arg5[%swap3A_414, %swap3A_415], %swap3A_418 {strides = array<i32>} : memref<128x16xf32, #tpu.memory_space<vmem>>, vector<1x16xf32>,
    %swap3A_419 = arith.constant 34 : i32
    %swap3A_420 = arith.index_cast %swap3A_419 : i32 to index
    %swap3A_421 = arith.constant 0 : index
    %swap3A_422 = tpu.vector_load %arg6[%swap3A_420, %swap3A_421] {strides = array<i32>} : memref<128x16xf32, #tpu.memory_space<vmem>>, vector<1x16xf32>,
    %swap3A_423 = vector.shape_cast %swap3A_422 : vector<1x16xf32> to vector<16xf32>
    %swap3A_424 = vector.shape_cast %broadcast_in_dim3A_5 : vector<16xf32> to vector<1x16xf32>
    tpu.vector_store %arg6[%swap3A_420, %swap3A_421], %swap3A_424 {strides = array<i32>} : memref<128x16xf32, #tpu.memory_space<vmem>>, vector<1x16xf32>,
    %swap3A_425 = arith.constant 35 : i32
    %swap3A_426 = arith.index_cast %swap3A_425 : i32 to index
    %swap3A_427 = arith.constant 0 : index
    %swap3A_428 = tpu.vector_load %arg5[%swap3A_426, %swap3A_427] {strides = array<i32>} : memref<128x16xf32, #tpu.memory_space<vmem>>, vector<1x16xf32>,
    %swap3A_429 = vector.shape_cast %swap3A_428 : vector<1x16xf32> to vector<16xf32>
    %swap3A_430 = vector.shape_cast %select_n3A : vector<16xf32> to vector<1x16xf32>
    tpu.vector_store %arg5[%swap3A_426, %swap3A_427], %swap3A_430 {strides = array<i32>} : memref<128x16xf32, #tpu.memory_space<vmem>>, vector<1x16xf32>,
    %swap3A_431 = arith.constant 35 : i32
    %swap3A_432 = arith.index_cast %swap3A_431 : i32 to index
    %swap3A_433 = arith.constant 0 : index
    %swap3A_434 = tpu.vector_load %arg6[%swap3A_432, %swap3A_433] {strides = array<i32>} : memref<128x16xf32, #tpu.memory_space<vmem>>, vector<1x16xf32>,
    %swap3A_435 = vector.shape_cast %swap3A_434 : vector<1x16xf32> to vector<16xf32>
    %swap3A_436 = vector.shape_cast %broadcast_in_dim3A_5 : vector<16xf32> to vector<1x16xf32>
    tpu.vector_store %arg6[%swap3A_432, %swap3A_433], %swap3A_436 {strides = array<i32>} : memref<128x16xf32, #tpu.memory_space<vmem>>, vector<1x16xf32>,
    %swap3A_437 = arith.constant 36 : i32
    %swap3A_438 = arith.index_cast %swap3A_437 : i32 to index
    %swap3A_439 = arith.constant 0 : index
    %swap3A_440 = tpu.vector_load %arg5[%swap3A_438, %swap3A_439] {strides = array<i32>} : memref<128x16xf32, #tpu.memory_space<vmem>>, vector<1x16xf32>,
    %swap3A_441 = vector.shape_cast %swap3A_440 : vector<1x16xf32> to vector<16xf32>
    %swap3A_442 = vector.shape_cast %select_n3A : vector<16xf32> to vector<1x16xf32>
    tpu.vector_store %arg5[%swap3A_438, %swap3A_439], %swap3A_442 {strides = array<i32>} : memref<128x16xf32, #tpu.memory_space<vmem>>, vector<1x16xf32>,
    %swap3A_443 = arith.constant 36 : i32
    %swap3A_444 = arith.index_cast %swap3A_443 : i32 to index
    %swap3A_445 = arith.constant 0 : index
    %swap3A_446 = tpu.vector_load %arg6[%swap3A_444, %swap3A_445] {strides = array<i32>} : memref<128x16xf32, #tpu.memory_space<vmem>>, vector<1x16xf32>,
    %swap3A_447 = vector.shape_cast %swap3A_446 : vector<1x16xf32> to vector<16xf32>
    %swap3A_448 = vector.shape_cast %broadcast_in_dim3A_5 : vector<16xf32> to vector<1x16xf32>
    tpu.vector_store %arg6[%swap3A_444, %swap3A_445], %swap3A_448 {strides = array<i32>} : memref<128x16xf32, #tpu.memory_space<vmem>>, vector<1x16xf32>,
    %swap3A_449 = arith.constant 37 : i32
    %swap3A_450 = arith.index_cast %swap3A_449 : i32 to index
    %swap3A_451 = arith.constant 0 : index
    %swap3A_452 = tpu.vector_load %arg5[%swap3A_450, %swap3A_451] {strides = array<i32>} : memref<128x16xf32, #tpu.memory_space<vmem>>, vector<1x16xf32>,
    %swap3A_453 = vector.shape_cast %swap3A_452 : vector<1x16xf32> to vector<16xf32>
    %swap3A_454 = vector.shape_cast %select_n3A : vector<16xf32> to vector<1x16xf32>
    tpu.vector_store %arg5[%swap3A_450, %swap3A_451], %swap3A_454 {strides = array<i32>} : memref<128x16xf32, #tpu.memory_space<vmem>>, vector<1x16xf32>,
    %swap3A_455 = arith.constant 37 : i32
    %swap3A_456 = arith.index_cast %swap3A_455 : i32 to index
    %swap3A_457 = arith.constant 0 : index
    %swap3A_458 = tpu.vector_load %arg6[%swap3A_456, %swap3A_457] {strides = array<i32>} : memref<128x16xf32, #tpu.memory_space<vmem>>, vector<1x16xf32>,
    %swap3A_459 = vector.shape_cast %swap3A_458 : vector<1x16xf32> to vector<16xf32>
    %swap3A_460 = vector.shape_cast %broadcast_in_dim3A_5 : vector<16xf32> to vector<1x16xf32>
    tpu.vector_store %arg6[%swap3A_456, %swap3A_457], %swap3A_460 {strides = array<i32>} : memref<128x16xf32, #tpu.memory_space<vmem>>, vector<1x16xf32>,
    %swap3A_461 = arith.constant 38 : i32
    %swap3A_462 = arith.index_cast %swap3A_461 : i32 to index
    %swap3A_463 = arith.constant 0 : index
    %swap3A_464 = tpu.vector_load %arg5[%swap3A_462, %swap3A_463] {strides = array<i32>} : memref<128x16xf32, #tpu.memory_space<vmem>>, vector<1x16xf32>,
    %swap3A_465 = vector.shape_cast %swap3A_464 : vector<1x16xf32> to vector<16xf32>
    %swap3A_466 = vector.shape_cast %select_n3A : vector<16xf32> to vector<1x16xf32>
    tpu.vector_store %arg5[%swap3A_462, %swap3A_463], %swap3A_466 {strides = array<i32>} : memref<128x16xf32, #tpu.memory_space<vmem>>, vector<1x16xf32>,
    %swap3A_467 = arith.constant 38 : i32
    %swap3A_468 = arith.index_cast %swap3A_467 : i32 to index
    %swap3A_469 = arith.constant 0 : index
    %swap3A_470 = tpu.vector_load %arg6[%swap3A_468, %swap3A_469] {strides = array<i32>} : memref<128x16xf32, #tpu.memory_space<vmem>>, vector<1x16xf32>,
    %swap3A_471 = vector.shape_cast %swap3A_470 : vector<1x16xf32> to vector<16xf32>
    %swap3A_472 = vector.shape_cast %broadcast_in_dim3A_5 : vector<16xf32> to vector<1x16xf32>
    tpu.vector_store %arg6[%swap3A_468, %swap3A_469], %swap3A_472 {strides = array<i32>} : memref<128x16xf32, #tpu.memory_space<vmem>>, vector<1x16xf32>,
    %swap3A_473 = arith.constant 39 : i32
    %swap3A_474 = arith.index_cast %swap3A_473 : i32 to index
    %swap3A_475 = arith.constant 0 : index
    %swap3A_476 = tpu.vector_load %arg5[%swap3A_474, %swap3A_475] {strides = array<i32>} : memref<128x16xf32, #tpu.memory_space<vmem>>, vector<1x16xf32>,
    %swap3A_477 = vector.shape_cast %swap3A_476 : vector<1x16xf32> to vector<16xf32>
    %swap3A_478 = vector.shape_cast %select_n3A : vector<16xf32> to vector<1x16xf32>
    tpu.vector_store %arg5[%swap3A_474, %swap3A_475], %swap3A_478 {strides = array<i32>} : memref<128x16xf32, #tpu.memory_space<vmem>>, vector<1x16xf32>,
    %swap3A_479 = arith.constant 39 : i32
    %swap3A_480 = arith.index_cast %swap3A_479 : i32 to index
    %swap3A_481 = arith.constant 0 : index
    %swap3A_482 = tpu.vector_load %arg6[%swap3A_480, %swap3A_481] {strides = array<i32>} : memref<128x16xf32, #tpu.memory_space<vmem>>, vector<1x16xf32>,
    %swap3A_483 = vector.shape_cast %swap3A_482 : vector<1x16xf32> to vector<16xf32>
    %swap3A_484 = vector.shape_cast %broadcast_in_dim3A_5 : vector<16xf32> to vector<1x16xf32>
    tpu.vector_store %arg6[%swap3A_480, %swap3A_481], %swap3A_484 {strides = array<i32>} : memref<128x16xf32, #tpu.memory_space<vmem>>, vector<1x16xf32>,
    %swap3A_485 = arith.constant 40 : i32
    %swap3A_486 = arith.index_cast %swap3A_485 : i32 to index
    %swap3A_487 = arith.constant 0 : index
    %swap3A_488 = tpu.vector_load %arg5[%swap3A_486, %swap3A_487] {strides = array<i32>} : memref<128x16xf32, #tpu.memory_space<vmem>>, vector<1x16xf32>,
    %swap3A_489 = vector.shape_cast %swap3A_488 : vector<1x16xf32> to vector<16xf32>
    %swap3A_490 = vector.shape_cast %select_n3A : vector<16xf32> to vector<1x16xf32>
    tpu.vector_store %arg5[%swap3A_486, %swap3A_487], %swap3A_490 {strides = array<i32>} : memref<128x16xf32, #tpu.memory_space<vmem>>, vector<1x16xf32>,
    %swap3A_491 = arith.constant 40 : i32
    %swap3A_492 = arith.index_cast %swap3A_491 : i32 to index
    %swap3A_493 = arith.constant 0 : index
    %swap3A_494 = tpu.vector_load %arg6[%swap3A_492, %swap3A_493] {strides = array<i32>} : memref<128x16xf32, #tpu.memory_space<vmem>>, vector<1x16xf32>,
    %swap3A_495 = vector.shape_cast %swap3A_494 : vector<1x16xf32> to vector<16xf32>
    %swap3A_496 = vector.shape_cast %broadcast_in_dim3A_5 : vector<16xf32> to vector<1x16xf32>
    tpu.vector_store %arg6[%swap3A_492, %swap3A_493], %swap3A_496 {strides = array<i32>} : memref<128x16xf32, #tpu.memory_space<vmem>>, vector<1x16xf32>,
    %swap3A_497 = arith.constant 41 : i32
    %swap3A_498 = arith.index_cast %swap3A_497 : i32 to index
    %swap3A_499 = arith.constant 0 : index
    %swap3A_500 = tpu.vector_load %arg5[%swap3A_498, %swap3A_499] {strides = array<i32>} : memref<128x16xf32, #tpu.memory_space<vmem>>, vector<1x16xf32>,
    %swap3A_501 = vector.shape_cast %swap3A_500 : vector<1x16xf32> to vector<16xf32>
    %swap3A_502 = vector.shape_cast %select_n3A : vector<16xf32> to vector<1x16xf32>
    tpu.vector_store %arg5[%swap3A_498, %swap3A_499], %swap3A_502 {strides = array<i32>} : memref<128x16xf32, #tpu.memory_space<vmem>>, vector<1x16xf32>,
    %swap3A_503 = arith.constant 41 : i32
    %swap3A_504 = arith.index_cast %swap3A_503 : i32 to index
    %swap3A_505 = arith.constant 0 : index
    %swap3A_506 = tpu.vector_load %arg6[%swap3A_504, %swap3A_505] {strides = array<i32>} : memref<128x16xf32, #tpu.memory_space<vmem>>, vector<1x16xf32>,
    %swap3A_507 = vector.shape_cast %swap3A_506 : vector<1x16xf32> to vector<16xf32>
    %swap3A_508 = vector.shape_cast %broadcast_in_dim3A_5 : vector<16xf32> to vector<1x16xf32>
    tpu.vector_store %arg6[%swap3A_504, %swap3A_505], %swap3A_508 {strides = array<i32>} : memref<128x16xf32, #tpu.memory_space<vmem>>, vector<1x16xf32>,
    %swap3A_509 = arith.constant 42 : i32
    %swap3A_510 = arith.index_cast %swap3A_509 : i32 to index
    %swap3A_511 = arith.constant 0 : index
    %swap3A_512 = tpu.vector_load %arg5[%swap3A_510, %swap3A_511] {strides = array<i32>} : memref<128x16xf32, #tpu.memory_space<vmem>>, vector<1x16xf32>,
    %swap3A_513 = vector.shape_cast %swap3A_512 : vector<1x16xf32> to vector<16xf32>
    %swap3A_514 = vector.shape_cast %select_n3A : vector<16xf32> to vector<1x16xf32>
    tpu.vector_store %arg5[%swap3A_510, %swap3A_511], %swap3A_514 {strides = array<i32>} : memref<128x16xf32, #tpu.memory_space<vmem>>, vector<1x16xf32>,
    %swap3A_515 = arith.constant 42 : i32
    %swap3A_516 = arith.index_cast %swap3A_515 : i32 to index
    %swap3A_517 = arith.constant 0 : index
    %swap3A_518 = tpu.vector_load %arg6[%swap3A_516, %swap3A_517] {strides = array<i32>} : memref<128x16xf32, #tpu.memory_space<vmem>>, vector<1x16xf32>,
    %swap3A_519 = vector.shape_cast %swap3A_518 : vector<1x16xf32> to vector<16xf32>
    %swap3A_520 = vector.shape_cast %broadcast_in_dim3A_5 : vector<16xf32> to vector<1x16xf32>
    tpu.vector_store %arg6[%swap3A_516, %swap3A_517], %swap3A_520 {strides = array<i32>} : memref<128x16xf32, #tpu.memory_space<vmem>>, vector<1x16xf32>,
    %swap3A_521 = arith.constant 43 : i32
    %swap3A_522 = arith.index_cast %swap3A_521 : i32 to index
    %swap3A_523 = arith.constant 0 : index
    %swap3A_524 = tpu.vector_load %arg5[%swap3A_522, %swap3A_523] {strides = array<i32>} : memref<128x16xf32, #tpu.memory_space<vmem>>, vector<1x16xf32>,
    %swap3A_525 = vector.shape_cast %swap3A_524 : vector<1x16xf32> to vector<16xf32>
    %swap3A_526 = vector.shape_cast %select_n3A : vector<16xf32> to vector<1x16xf32>
    tpu.vector_store %arg5[%swap3A_522, %swap3A_523], %swap3A_526 {strides = array<i32>} : memref<128x16xf32, #tpu.memory_space<vmem>>, vector<1x16xf32>,
    %swap3A_527 = arith.constant 43 : i32
    %swap3A_528 = arith.index_cast %swap3A_527 : i32 to index
    %swap3A_529 = arith.constant 0 : index
    %swap3A_530 = tpu.vector_load %arg6[%swap3A_528, %swap3A_529] {strides = array<i32>} : memref<128x16xf32, #tpu.memory_space<vmem>>, vector<1x16xf32>,
    %swap3A_531 = vector.shape_cast %swap3A_530 : vector<1x16xf32> to vector<16xf32>
    %swap3A_532 = vector.shape_cast %broadcast_in_dim3A_5 : vector<16xf32> to vector<1x16xf32>
    tpu.vector_store %arg6[%swap3A_528, %swap3A_529], %swap3A_532 {strides = array<i32>} : memref<128x16xf32, #tpu.memory_space<vmem>>, vector<1x16xf32>,
    %swap3A_533 = arith.constant 44 : i32
    %swap3A_534 = arith.index_cast %swap3A_533 : i32 to index
    %swap3A_535 = arith.constant 0 : index
    %swap3A_536 = tpu.vector_load %arg5[%swap3A_534, %swap3A_535] {strides = array<i32>} : memref<128x16xf32, #tpu.memory_space<vmem>>, vector<1x16xf32>,
    %swap3A_537 = vector.shape_cast %swap3A_536 : vector<1x16xf32> to vector<16xf32>
    %swap3A_538 = vector.shape_cast %select_n3A : vector<16xf32> to vector<1x16xf32>
    tpu.vector_store %arg5[%swap3A_534, %swap3A_535], %swap3A_538 {strides = array<i32>} : memref<128x16xf32, #tpu.memory_space<vmem>>, vector<1x16xf32>,
    %swap3A_539 = arith.constant 44 : i32
    %swap3A_540 = arith.index_cast %swap3A_539 : i32 to index
    %swap3A_541 = arith.constant 0 : index
    %swap3A_542 = tpu.vector_load %arg6[%swap3A_540, %swap3A_541] {strides = array<i32>} : memref<128x16xf32, #tpu.memory_space<vmem>>, vector<1x16xf32>,
    %swap3A_543 = vector.shape_cast %swap3A_542 : vector<1x16xf32> to vector<16xf32>
    %swap3A_544 = vector.shape_cast %broadcast_in_dim3A_5 : vector<16xf32> to vector<1x16xf32>
    tpu.vector_store %arg6[%swap3A_540, %swap3A_541], %swap3A_544 {strides = array<i32>} : memref<128x16xf32, #tpu.memory_space<vmem>>, vector<1x16xf32>,
    %swap3A_545 = arith.constant 45 : i32
    %swap3A_546 = arith.index_cast %swap3A_545 : i32 to index
    %swap3A_547 = arith.constant 0 : index
    %swap3A_548 = tpu.vector_load %arg5[%swap3A_546, %swap3A_547] {strides = array<i32>} : memref<128x16xf32, #tpu.memory_space<vmem>>, vector<1x16xf32>,
    %swap3A_549 = vector.shape_cast %swap3A_548 : vector<1x16xf32> to vector<16xf32>
    %swap3A_550 = vector.shape_cast %select_n3A : vector<16xf32> to vector<1x16xf32>
    tpu.vector_store %arg5[%swap3A_546, %swap3A_547], %swap3A_550 {strides = array<i32>} : memref<128x16xf32, #tpu.memory_space<vmem>>, vector<1x16xf32>,
    %swap3A_551 = arith.constant 45 : i32
    %swap3A_552 = arith.index_cast %swap3A_551 : i32 to index
    %swap3A_553 = arith.constant 0 : index
    %swap3A_554 = tpu.vector_load %arg6[%swap3A_552, %swap3A_553] {strides = array<i32>} : memref<128x16xf32, #tpu.memory_space<vmem>>, vector<1x16xf32>,
    %swap3A_555 = vector.shape_cast %swap3A_554 : vector<1x16xf32> to vector<16xf32>
    %swap3A_556 = vector.shape_cast %broadcast_in_dim3A_5 : vector<16xf32> to vector<1x16xf32>
    tpu.vector_store %arg6[%swap3A_552, %swap3A_553], %swap3A_556 {strides = array<i32>} : memref<128x16xf32, #tpu.memory_space<vmem>>, vector<1x16xf32>,
    %swap3A_557 = arith.constant 46 : i32
    %swap3A_558 = arith.index_cast %swap3A_557 : i32 to index
    %swap3A_559 = arith.constant 0 : index
    %swap3A_560 = tpu.vector_load %arg5[%swap3A_558, %swap3A_559] {strides = array<i32>} : memref<128x16xf32, #tpu.memory_space<vmem>>, vector<1x16xf32>,
    %swap3A_561 = vector.shape_cast %swap3A_560 : vector<1x16xf32> to vector<16xf32>
    %swap3A_562 = vector.shape_cast %select_n3A : vector<16xf32> to vector<1x16xf32>
    tpu.vector_store %arg5[%swap3A_558, %swap3A_559], %swap3A_562 {strides = array<i32>} : memref<128x16xf32, #tpu.memory_space<vmem>>, vector<1x16xf32>,
    %swap3A_563 = arith.constant 46 : i32
    %swap3A_564 = arith.index_cast %swap3A_563 : i32 to index
    %swap3A_565 = arith.constant 0 : index
    %swap3A_566 = tpu.vector_load %arg6[%swap3A_564, %swap3A_565] {strides = array<i32>} : memref<128x16xf32, #tpu.memory_space<vmem>>, vector<1x16xf32>,
    %swap3A_567 = vector.shape_cast %swap3A_566 : vector<1x16xf32> to vector<16xf32>
    %swap3A_568 = vector.shape_cast %broadcast_in_dim3A_5 : vector<16xf32> to vector<1x16xf32>
    tpu.vector_store %arg6[%swap3A_564, %swap3A_565], %swap3A_568 {strides = array<i32>} : memref<128x16xf32, #tpu.memory_space<vmem>>, vector<1x16xf32>,
    %swap3A_569 = arith.constant 47 : i32
    %swap3A_570 = arith.index_cast %swap3A_569 : i32 to index
    %swap3A_571 = arith.constant 0 : index
    %swap3A_572 = tpu.vector_load %arg5[%swap3A_570, %swap3A_571] {strides = array<i32>} : memref<128x16xf32, #tpu.memory_space<vmem>>, vector<1x16xf32>,
    %swap3A_573 = vector.shape_cast %swap3A_572 : vector<1x16xf32> to vector<16xf32>
    %swap3A_574 = vector.shape_cast %select_n3A : vector<16xf32> to vector<1x16xf32>
    tpu.vector_store %arg5[%swap3A_570, %swap3A_571], %swap3A_574 {strides = array<i32>} : memref<128x16xf32, #tpu.memory_space<vmem>>, vector<1x16xf32>,
    %swap3A_575 = arith.constant 47 : i32
    %swap3A_576 = arith.index_cast %swap3A_575 : i32 to index
    %swap3A_577 = arith.constant 0 : index
    %swap3A_578 = tpu.vector_load %arg6[%swap3A_576, %swap3A_577] {strides = array<i32>} : memref<128x16xf32, #tpu.memory_space<vmem>>, vector<1x16xf32>,
    %swap3A_579 = vector.shape_cast %swap3A_578 : vector<1x16xf32> to vector<16xf32>
    %swap3A_580 = vector.shape_cast %broadcast_in_dim3A_5 : vector<16xf32> to vector<1x16xf32>
    tpu.vector_store %arg6[%swap3A_576, %swap3A_577], %swap3A_580 {strides = array<i32>} : memref<128x16xf32, #tpu.memory_space<vmem>>, vector<1x16xf32>,
    %swap3A_581 = arith.constant 48 : i32
    %swap3A_582 = arith.index_cast %swap3A_581 : i32 to index
    %swap3A_583 = arith.constant 0 : index
    %swap3A_584 = tpu.vector_load %arg5[%swap3A_582, %swap3A_583] {strides = array<i32>} : memref<128x16xf32, #tpu.memory_space<vmem>>, vector<1x16xf32>,
    %swap3A_585 = vector.shape_cast %swap3A_584 : vector<1x16xf32> to vector<16xf32>
    %swap3A_586 = vector.shape_cast %select_n3A : vector<16xf32> to vector<1x16xf32>
    tpu.vector_store %arg5[%swap3A_582, %swap3A_583], %swap3A_586 {strides = array<i32>} : memref<128x16xf32, #tpu.memory_space<vmem>>, vector<1x16xf32>,
    %swap3A_587 = arith.constant 48 : i32
    %swap3A_588 = arith.index_cast %swap3A_587 : i32 to index
    %swap3A_589 = arith.constant 0 : index
    %swap3A_590 = tpu.vector_load %arg6[%swap3A_588, %swap3A_589] {strides = array<i32>} : memref<128x16xf32, #tpu.memory_space<vmem>>, vector<1x16xf32>,
    %swap3A_591 = vector.shape_cast %swap3A_590 : vector<1x16xf32> to vector<16xf32>
    %swap3A_592 = vector.shape_cast %broadcast_in_dim3A_5 : vector<16xf32> to vector<1x16xf32>
    tpu.vector_store %arg6[%swap3A_588, %swap3A_589], %swap3A_592 {strides = array<i32>} : memref<128x16xf32, #tpu.memory_space<vmem>>, vector<1x16xf32>,
    %swap3A_593 = arith.constant 49 : i32
    %swap3A_594 = arith.index_cast %swap3A_593 : i32 to index
    %swap3A_595 = arith.constant 0 : index
    %swap3A_596 = tpu.vector_load %arg5[%swap3A_594, %swap3A_595] {strides = array<i32>} : memref<128x16xf32, #tpu.memory_space<vmem>>, vector<1x16xf32>,
    %swap3A_597 = vector.shape_cast %swap3A_596 : vector<1x16xf32> to vector<16xf32>
    %swap3A_598 = vector.shape_cast %select_n3A : vector<16xf32> to vector<1x16xf32>
    tpu.vector_store %arg5[%swap3A_594, %swap3A_595], %swap3A_598 {strides = array<i32>} : memref<128x16xf32, #tpu.memory_space<vmem>>, vector<1x16xf32>,
    %swap3A_599 = arith.constant 49 : i32
    %swap3A_600 = arith.index_cast %swap3A_599 : i32 to index
    %swap3A_601 = arith.constant 0 : index
    %swap3A_602 = tpu.vector_load %arg6[%swap3A_600, %swap3A_601] {strides = array<i32>} : memref<128x16xf32, #tpu.memory_space<vmem>>, vector<1x16xf32>,
    %swap3A_603 = vector.shape_cast %swap3A_602 : vector<1x16xf32> to vector<16xf32>
    %swap3A_604 = vector.shape_cast %broadcast_in_dim3A_5 : vector<16xf32> to vector<1x16xf32>
    tpu.vector_store %arg6[%swap3A_600, %swap3A_601], %swap3A_604 {strides = array<i32>} : memref<128x16xf32, #tpu.memory_space<vmem>>, vector<1x16xf32>,
    %swap3A_605 = arith.constant 50 : i32
    %swap3A_606 = arith.index_cast %swap3A_605 : i32 to index
    %swap3A_607 = arith.constant 0 : index
    %swap3A_608 = tpu.vector_load %arg5[%swap3A_606, %swap3A_607] {strides = array<i32>} : memref<128x16xf32, #tpu.memory_space<vmem>>, vector<1x16xf32>,
    %swap3A_609 = vector.shape_cast %swap3A_608 : vector<1x16xf32> to vector<16xf32>
    %swap3A_610 = vector.shape_cast %select_n3A : vector<16xf32> to vector<1x16xf32>
    tpu.vector_store %arg5[%swap3A_606, %swap3A_607], %swap3A_610 {strides = array<i32>} : memref<128x16xf32, #tpu.memory_space<vmem>>, vector<1x16xf32>,
    %swap3A_611 = arith.constant 50 : i32
    %swap3A_612 = arith.index_cast %swap3A_611 : i32 to index
    %swap3A_613 = arith.constant 0 : index
    %swap3A_614 = tpu.vector_load %arg6[%swap3A_612, %swap3A_613] {strides = array<i32>} : memref<128x16xf32, #tpu.memory_space<vmem>>, vector<1x16xf32>,
    %swap3A_615 = vector.shape_cast %swap3A_614 : vector<1x16xf32> to vector<16xf32>
    %swap3A_616 = vector.shape_cast %broadcast_in_dim3A_5 : vector<16xf32> to vector<1x16xf32>
    tpu.vector_store %arg6[%swap3A_612, %swap3A_613], %swap3A_616 {strides = array<i32>} : memref<128x16xf32, #tpu.memory_space<vmem>>, vector<1x16xf32>,
    %swap3A_617 = arith.constant 51 : i32
    %swap3A_618 = arith.index_cast %swap3A_617 : i32 to index
    %swap3A_619 = arith.constant 0 : index
    %swap3A_620 = tpu.vector_load %arg5[%swap3A_618, %swap3A_619] {strides = array<i32>} : memref<128x16xf32, #tpu.memory_space<vmem>>, vector<1x16xf32>,
    %swap3A_621 = vector.shape_cast %swap3A_620 : vector<1x16xf32> to vector<16xf32>
    %swap3A_622 = vector.shape_cast %select_n3A : vector<16xf32> to vector<1x16xf32>
    tpu.vector_store %arg5[%swap3A_618, %swap3A_619], %swap3A_622 {strides = array<i32>} : memref<128x16xf32, #tpu.memory_space<vmem>>, vector<1x16xf32>,
    %swap3A_623 = arith.constant 51 : i32
    %swap3A_624 = arith.index_cast %swap3A_623 : i32 to index
    %swap3A_625 = arith.constant 0 : index
    %swap3A_626 = tpu.vector_load %arg6[%swap3A_624, %swap3A_625] {strides = array<i32>} : memref<128x16xf32, #tpu.memory_space<vmem>>, vector<1x16xf32>,
    %swap3A_627 = vector.shape_cast %swap3A_626 : vector<1x16xf32> to vector<16xf32>
    %swap3A_628 = vector.shape_cast %broadcast_in_dim3A_5 : vector<16xf32> to vector<1x16xf32>
    tpu.vector_store %arg6[%swap3A_624, %swap3A_625], %swap3A_628 {strides = array<i32>} : memref<128x16xf32, #tpu.memory_space<vmem>>, vector<1x16xf32>,
    %swap3A_629 = arith.constant 52 : i32
    %swap3A_630 = arith.index_cast %swap3A_629 : i32 to index
    %swap3A_631 = arith.constant 0 : index
    %swap3A_632 = tpu.vector_load %arg5[%swap3A_630, %swap3A_631] {strides = array<i32>} : memref<128x16xf32, #tpu.memory_space<vmem>>, vector<1x16xf32>,
    %swap3A_633 = vector.shape_cast %swap3A_632 : vector<1x16xf32> to vector<16xf32>
    %swap3A_634 = vector.shape_cast %select_n3A : vector<16xf32> to vector<1x16xf32>
    tpu.vector_store %arg5[%swap3A_630, %swap3A_631], %swap3A_634 {strides = array<i32>} : memref<128x16xf32, #tpu.memory_space<vmem>>, vector<1x16xf32>,
    %swap3A_635 = arith.constant 52 : i32
    %swap3A_636 = arith.index_cast %swap3A_635 : i32 to index
    %swap3A_637 = arith.constant 0 : index
    %swap3A_638 = tpu.vector_load %arg6[%swap3A_636, %swap3A_637] {strides = array<i32>} : memref<128x16xf32, #tpu.memory_space<vmem>>, vector<1x16xf32>,
    %swap3A_639 = vector.shape_cast %swap3A_638 : vector<1x16xf32> to vector<16xf32>
    %swap3A_640 = vector.shape_cast %broadcast_in_dim3A_5 : vector<16xf32> to vector<1x16xf32>
    tpu.vector_store %arg6[%swap3A_636, %swap3A_637], %swap3A_640 {strides = array<i32>} : memref<128x16xf32, #tpu.memory_space<vmem>>, vector<1x16xf32>,
    %swap3A_641 = arith.constant 53 : i32
    %swap3A_642 = arith.index_cast %swap3A_641 : i32 to index
    %swap3A_643 = arith.constant 0 : index
    %swap3A_644 = tpu.vector_load %arg5[%swap3A_642, %swap3A_643] {strides = array<i32>} : memref<128x16xf32, #tpu.memory_space<vmem>>, vector<1x16xf32>,
    %swap3A_645 = vector.shape_cast %swap3A_644 : vector<1x16xf32> to vector<16xf32>
    %swap3A_646 = vector.shape_cast %select_n3A : vector<16xf32> to vector<1x16xf32>
    tpu.vector_store %arg5[%swap3A_642, %swap3A_643], %swap3A_646 {strides = array<i32>} : memref<128x16xf32, #tpu.memory_space<vmem>>, vector<1x16xf32>,
    %swap3A_647 = arith.constant 53 : i32
    %swap3A_648 = arith.index_cast %swap3A_647 : i32 to index
    %swap3A_649 = arith.constant 0 : index
    %swap3A_650 = tpu.vector_load %arg6[%swap3A_648, %swap3A_649] {strides = array<i32>} : memref<128x16xf32, #tpu.memory_space<vmem>>, vector<1x16xf32>,
    %swap3A_651 = vector.shape_cast %swap3A_650 : vector<1x16xf32> to vector<16xf32>
    %swap3A_652 = vector.shape_cast %broadcast_in_dim3A_5 : vector<16xf32> to vector<1x16xf32>
    tpu.vector_store %arg6[%swap3A_648, %swap3A_649], %swap3A_652 {strides = array<i32>} : memref<128x16xf32, #tpu.memory_space<vmem>>, vector<1x16xf32>,
    %swap3A_653 = arith.constant 54 : i32
    %swap3A_654 = arith.index_cast %swap3A_653 : i32 to index
    %swap3A_655 = arith.constant 0 : index
    %swap3A_656 = tpu.vector_load %arg5[%swap3A_654, %swap3A_655] {strides = array<i32>} : memref<128x16xf32, #tpu.memory_space<vmem>>, vector<1x16xf32>,
    %swap3A_657 = vector.shape_cast %swap3A_656 : vector<1x16xf32> to vector<16xf32>
    %swap3A_658 = vector.shape_cast %select_n3A : vector<16xf32> to vector<1x16xf32>
    tpu.vector_store %arg5[%swap3A_654, %swap3A_655], %swap3A_658 {strides = array<i32>} : memref<128x16xf32, #tpu.memory_space<vmem>>, vector<1x16xf32>,
    %swap3A_659 = arith.constant 54 : i32
    %swap3A_660 = arith.index_cast %swap3A_659 : i32 to index
    %swap3A_661 = arith.constant 0 : index
    %swap3A_662 = tpu.vector_load %arg6[%swap3A_660, %swap3A_661] {strides = array<i32>} : memref<128x16xf32, #tpu.memory_space<vmem>>, vector<1x16xf32>,
    %swap3A_663 = vector.shape_cast %swap3A_662 : vector<1x16xf32> to vector<16xf32>
    %swap3A_664 = vector.shape_cast %broadcast_in_dim3A_5 : vector<16xf32> to vector<1x16xf32>
    tpu.vector_store %arg6[%swap3A_660, %swap3A_661], %swap3A_664 {strides = array<i32>} : memref<128x16xf32, #tpu.memory_space<vmem>>, vector<1x16xf32>,
    %swap3A_665 = arith.constant 55 : i32
    %swap3A_666 = arith.index_cast %swap3A_665 : i32 to index
    %swap3A_667 = arith.constant 0 : index
    %swap3A_668 = tpu.vector_load %arg5[%swap3A_666, %swap3A_667] {strides = array<i32>} : memref<128x16xf32, #tpu.memory_space<vmem>>, vector<1x16xf32>,
    %swap3A_669 = vector.shape_cast %swap3A_668 : vector<1x16xf32> to vector<16xf32>
    %swap3A_670 = vector.shape_cast %select_n3A : vector<16xf32> to vector<1x16xf32>
    tpu.vector_store %arg5[%swap3A_666, %swap3A_667], %swap3A_670 {strides = array<i32>} : memref<128x16xf32, #tpu.memory_space<vmem>>, vector<1x16xf32>,
    %swap3A_671 = arith.constant 55 : i32
    %swap3A_672 = arith.index_cast %swap3A_671 : i32 to index
    %swap3A_673 = arith.constant 0 : index
    %swap3A_674 = tpu.vector_load %arg6[%swap3A_672, %swap3A_673] {strides = array<i32>} : memref<128x16xf32, #tpu.memory_space<vmem>>, vector<1x16xf32>,
    %swap3A_675 = vector.shape_cast %swap3A_674 : vector<1x16xf32> to vector<16xf32>
    %swap3A_676 = vector.shape_cast %broadcast_in_dim3A_5 : vector<16xf32> to vector<1x16xf32>
    tpu.vector_store %arg6[%swap3A_672, %swap3A_673], %swap3A_676 {strides = array<i32>} : memref<128x16xf32, #tpu.memory_space<vmem>>, vector<1x16xf32>,
    %swap3A_677 = arith.constant 56 : i32
    %swap3A_678 = arith.index_cast %swap3A_677 : i32 to index
    %swap3A_679 = arith.constant 0 : index
    %swap3A_680 = tpu.vector_load %arg5[%swap3A_678, %swap3A_679] {strides = array<i32>} : memref<128x16xf32, #tpu.memory_space<vmem>>, vector<1x16xf32>,
    %swap3A_681 = vector.shape_cast %swap3A_680 : vector<1x16xf32> to vector<16xf32>
    %swap3A_682 = vector.shape_cast %select_n3A : vector<16xf32> to vector<1x16xf32>
    tpu.vector_store %arg5[%swap3A_678, %swap3A_679], %swap3A_682 {strides = array<i32>} : memref<128x16xf32, #tpu.memory_space<vmem>>, vector<1x16xf32>,
    %swap3A_683 = arith.constant 56 : i32
    %swap3A_684 = arith.index_cast %swap3A_683 : i32 to index
    %swap3A_685 = arith.constant 0 : index
    %swap3A_686 = tpu.vector_load %arg6[%swap3A_684, %swap3A_685] {strides = array<i32>} : memref<128x16xf32, #tpu.memory_space<vmem>>, vector<1x16xf32>,
    %swap3A_687 = vector.shape_cast %swap3A_686 : vector<1x16xf32> to vector<16xf32>
    %swap3A_688 = vector.shape_cast %broadcast_in_dim3A_5 : vector<16xf32> to vector<1x16xf32>
    tpu.vector_store %arg6[%swap3A_684, %swap3A_685], %swap3A_688 {strides = array<i32>} : memref<128x16xf32, #tpu.memory_space<vmem>>, vector<1x16xf32>,
    %swap3A_689 = arith.constant 57 : i32
    %swap3A_690 = arith.index_cast %swap3A_689 : i32 to index
    %swap3A_691 = arith.constant 0 : index
    %swap3A_692 = tpu.vector_load %arg5[%swap3A_690, %swap3A_691] {strides = array<i32>} : memref<128x16xf32, #tpu.memory_space<vmem>>, vector<1x16xf32>,
    %swap3A_693 = vector.shape_cast %swap3A_692 : vector<1x16xf32> to vector<16xf32>
    %swap3A_694 = vector.shape_cast %select_n3A : vector<16xf32> to vector<1x16xf32>
    tpu.vector_store %arg5[%swap3A_690, %swap3A_691], %swap3A_694 {strides = array<i32>} : memref<128x16xf32, #tpu.memory_space<vmem>>, vector<1x16xf32>,
    %swap3A_695 = arith.constant 57 : i32
    %swap3A_696 = arith.index_cast %swap3A_695 : i32 to index
    %swap3A_697 = arith.constant 0 : index
    %swap3A_698 = tpu.vector_load %arg6[%swap3A_696, %swap3A_697] {strides = array<i32>} : memref<128x16xf32, #tpu.memory_space<vmem>>, vector<1x16xf32>,
    %swap3A_699 = vector.shape_cast %swap3A_698 : vector<1x16xf32> to vector<16xf32>
    %swap3A_700 = vector.shape_cast %broadcast_in_dim3A_5 : vector<16xf32> to vector<1x16xf32>
    tpu.vector_store %arg6[%swap3A_696, %swap3A_697], %swap3A_700 {strides = array<i32>} : memref<128x16xf32, #tpu.memory_space<vmem>>, vector<1x16xf32>,
    %swap3A_701 = arith.constant 58 : i32
    %swap3A_702 = arith.index_cast %swap3A_701 : i32 to index
    %swap3A_703 = arith.constant 0 : index
    %swap3A_704 = tpu.vector_load %arg5[%swap3A_702, %swap3A_703] {strides = array<i32>} : memref<128x16xf32, #tpu.memory_space<vmem>>, vector<1x16xf32>,
    %swap3A_705 = vector.shape_cast %swap3A_704 : vector<1x16xf32> to vector<16xf32>
    %swap3A_706 = vector.shape_cast %select_n3A : vector<16xf32> to vector<1x16xf32>
    tpu.vector_store %arg5[%swap3A_702, %swap3A_703], %swap3A_706 {strides = array<i32>} : memref<128x16xf32, #tpu.memory_space<vmem>>, vector<1x16xf32>,
    %swap3A_707 = arith.constant 58 : i32
    %swap3A_708 = arith.index_cast %swap3A_707 : i32 to index
    %swap3A_709 = arith.constant 0 : index
    %swap3A_710 = tpu.vector_load %arg6[%swap3A_708, %swap3A_709] {strides = array<i32>} : memref<128x16xf32, #tpu.memory_space<vmem>>, vector<1x16xf32>,
    %swap3A_711 = vector.shape_cast %swap3A_710 : vector<1x16xf32> to vector<16xf32>
    %swap3A_712 = vector.shape_cast %broadcast_in_dim3A_5 : vector<16xf32> to vector<1x16xf32>
    tpu.vector_store %arg6[%swap3A_708, %swap3A_709], %swap3A_712 {strides = array<i32>} : memref<128x16xf32, #tpu.memory_space<vmem>>, vector<1x16xf32>,
    %swap3A_713 = arith.constant 59 : i32
    %swap3A_714 = arith.index_cast %swap3A_713 : i32 to index
    %swap3A_715 = arith.constant 0 : index
    %swap3A_716 = tpu.vector_load %arg5[%swap3A_714, %swap3A_715] {strides = array<i32>} : memref<128x16xf32, #tpu.memory_space<vmem>>, vector<1x16xf32>,
    %swap3A_717 = vector.shape_cast %swap3A_716 : vector<1x16xf32> to vector<16xf32>
    %swap3A_718 = vector.shape_cast %select_n3A : vector<16xf32> to vector<1x16xf32>
    tpu.vector_store %arg5[%swap3A_714, %swap3A_715], %swap3A_718 {strides = array<i32>} : memref<128x16xf32, #tpu.memory_space<vmem>>, vector<1x16xf32>,
    %swap3A_719 = arith.constant 59 : i32
    %swap3A_720 = arith.index_cast %swap3A_719 : i32 to index
    %swap3A_721 = arith.constant 0 : index
    %swap3A_722 = tpu.vector_load %arg6[%swap3A_720, %swap3A_721] {strides = array<i32>} : memref<128x16xf32, #tpu.memory_space<vmem>>, vector<1x16xf32>,
    %swap3A_723 = vector.shape_cast %swap3A_722 : vector<1x16xf32> to vector<16xf32>
    %swap3A_724 = vector.shape_cast %broadcast_in_dim3A_5 : vector<16xf32> to vector<1x16xf32>
    tpu.vector_store %arg6[%swap3A_720, %swap3A_721], %swap3A_724 {strides = array<i32>} : memref<128x16xf32, #tpu.memory_space<vmem>>, vector<1x16xf32>,
    %swap3A_725 = arith.constant 60 : i32
    %swap3A_726 = arith.index_cast %swap3A_725 : i32 to index
    %swap3A_727 = arith.constant 0 : index
    %swap3A_728 = tpu.vector_load %arg5[%swap3A_726, %swap3A_727] {strides = array<i32>} : memref<128x16xf32, #tpu.memory_space<vmem>>, vector<1x16xf32>,
    %swap3A_729 = vector.shape_cast %swap3A_728 : vector<1x16xf32> to vector<16xf32>
    %swap3A_730 = vector.shape_cast %select_n3A : vector<16xf32> to vector<1x16xf32>
    tpu.vector_store %arg5[%swap3A_726, %swap3A_727], %swap3A_730 {strides = array<i32>} : memref<128x16xf32, #tpu.memory_space<vmem>>, vector<1x16xf32>,
    %swap3A_731 = arith.constant 60 : i32
    %swap3A_732 = arith.index_cast %swap3A_731 : i32 to index
    %swap3A_733 = arith.constant 0 : index
    %swap3A_734 = tpu.vector_load %arg6[%swap3A_732, %swap3A_733] {strides = array<i32>} : memref<128x16xf32, #tpu.memory_space<vmem>>, vector<1x16xf32>,
    %swap3A_735 = vector.shape_cast %swap3A_734 : vector<1x16xf32> to vector<16xf32>
    %swap3A_736 = vector.shape_cast %broadcast_in_dim3A_5 : vector<16xf32> to vector<1x16xf32>
    tpu.vector_store %arg6[%swap3A_732, %swap3A_733], %swap3A_736 {strides = array<i32>} : memref<128x16xf32, #tpu.memory_space<vmem>>, vector<1x16xf32>,
    %swap3A_737 = arith.constant 61 : i32
    %swap3A_738 = arith.index_cast %swap3A_737 : i32 to index
    %swap3A_739 = arith.constant 0 : index
    %swap3A_740 = tpu.vector_load %arg5[%swap3A_738, %swap3A_739] {strides = array<i32>} : memref<128x16xf32, #tpu.memory_space<vmem>>, vector<1x16xf32>,
    %swap3A_741 = vector.shape_cast %swap3A_740 : vector<1x16xf32> to vector<16xf32>
    %swap3A_742 = vector.shape_cast %select_n3A : vector<16xf32> to vector<1x16xf32>
    tpu.vector_store %arg5[%swap3A_738, %swap3A_739], %swap3A_742 {strides = array<i32>} : memref<128x16xf32, #tpu.memory_space<vmem>>, vector<1x16xf32>,
    %swap3A_743 = arith.constant 61 : i32
    %swap3A_744 = arith.index_cast %swap3A_743 : i32 to index
    %swap3A_745 = arith.constant 0 : index
    %swap3A_746 = tpu.vector_load %arg6[%swap3A_744, %swap3A_745] {strides = array<i32>} : memref<128x16xf32, #tpu.memory_space<vmem>>, vector<1x16xf32>,
    %swap3A_747 = vector.shape_cast %swap3A_746 : vector<1x16xf32> to vector<16xf32>
    %swap3A_748 = vector.shape_cast %broadcast_in_dim3A_5 : vector<16xf32> to vector<1x16xf32>
    tpu.vector_store %arg6[%swap3A_744, %swap3A_745], %swap3A_748 {strides = array<i32>} : memref<128x16xf32, #tpu.memory_space<vmem>>, vector<1x16xf32>,
    %swap3A_749 = arith.constant 62 : i32
    %swap3A_750 = arith.index_cast %swap3A_749 : i32 to index
    %swap3A_751 = arith.constant 0 : index
    %swap3A_752 = tpu.vector_load %arg5[%swap3A_750, %swap3A_751] {strides = array<i32>} : memref<128x16xf32, #tpu.memory_space<vmem>>, vector<1x16xf32>,
    %swap3A_753 = vector.shape_cast %swap3A_752 : vector<1x16xf32> to vector<16xf32>
    %swap3A_754 = vector.shape_cast %select_n3A : vector<16xf32> to vector<1x16xf32>
    tpu.vector_store %arg5[%swap3A_750, %swap3A_751], %swap3A_754 {strides = array<i32>} : memref<128x16xf32, #tpu.memory_space<vmem>>, vector<1x16xf32>,
    %swap3A_755 = arith.constant 62 : i32
    %swap3A_756 = arith.index_cast %swap3A_755 : i32 to index
    %swap3A_757 = arith.constant 0 : index
    %swap3A_758 = tpu.vector_load %arg6[%swap3A_756, %swap3A_757] {strides = array<i32>} : memref<128x16xf32, #tpu.memory_space<vmem>>, vector<1x16xf32>,
    %swap3A_759 = vector.shape_cast %swap3A_758 : vector<1x16xf32> to vector<16xf32>
    %swap3A_760 = vector.shape_cast %broadcast_in_dim3A_5 : vector<16xf32> to vector<1x16xf32>
    tpu.vector_store %arg6[%swap3A_756, %swap3A_757], %swap3A_760 {strides = array<i32>} : memref<128x16xf32, #tpu.memory_space<vmem>>, vector<1x16xf32>,
    %swap3A_761 = arith.constant 63 : i32
    %swap3A_762 = arith.index_cast %swap3A_761 : i32 to index
    %swap3A_763 = arith.constant 0 : index
    %swap3A_764 = tpu.vector_load %arg5[%swap3A_762, %swap3A_763] {strides = array<i32>} : memref<128x16xf32, #tpu.memory_space<vmem>>, vector<1x16xf32>,
    %swap3A_765 = vector.shape_cast %swap3A_764 : vector<1x16xf32> to vector<16xf32>
    %swap3A_766 = vector.shape_cast %select_n3A : vector<16xf32> to vector<1x16xf32>
    tpu.vector_store %arg5[%swap3A_762, %swap3A_763], %swap3A_766 {strides = array<i32>} : memref<128x16xf32, #tpu.memory_space<vmem>>, vector<1x16xf32>,
    %swap3A_767 = arith.constant 63 : i32
    %swap3A_768 = arith.index_cast %swap3A_767 : i32 to index
    %swap3A_769 = arith.constant 0 : index
    %swap3A_770 = tpu.vector_load %arg6[%swap3A_768, %swap3A_769] {strides = array<i32>} : memref<128x16xf32, #tpu.memory_space<vmem>>, vector<1x16xf32>,
    %swap3A_771 = vector.shape_cast %swap3A_770 : vector<1x16xf32> to vector<16xf32>
    %swap3A_772 = vector.shape_cast %broadcast_in_dim3A_5 : vector<16xf32> to vector<1x16xf32>
    tpu.vector_store %arg6[%swap3A_768, %swap3A_769], %swap3A_772 {strides = array<i32>} : memref<128x16xf32, #tpu.memory_space<vmem>>, vector<1x16xf32>,
    %swap3A_773 = arith.constant 64 : i32
    %swap3A_774 = arith.index_cast %swap3A_773 : i32 to index
    %swap3A_775 = arith.constant 0 : index
    %swap3A_776 = tpu.vector_load %arg5[%swap3A_774, %swap3A_775] {strides = array<i32>} : memref<128x16xf32, #tpu.memory_space<vmem>>, vector<1x16xf32>,
    %swap3A_777 = vector.shape_cast %swap3A_776 : vector<1x16xf32> to vector<16xf32>
    %swap3A_778 = vector.shape_cast %select_n3A : vector<16xf32> to vector<1x16xf32>
    tpu.vector_store %arg5[%swap3A_774, %swap3A_775], %swap3A_778 {strides = array<i32>} : memref<128x16xf32, #tpu.memory_space<vmem>>, vector<1x16xf32>,
    %swap3A_779 = arith.constant 64 : i32
    %swap3A_780 = arith.index_cast %swap3A_779 : i32 to index
    %swap3A_781 = arith.constant 0 : index
    %swap3A_782 = tpu.vector_load %arg6[%swap3A_780, %swap3A_781] {strides = array<i32>} : memref<128x16xf32, #tpu.memory_space<vmem>>, vector<1x16xf32>,
    %swap3A_783 = vector.shape_cast %swap3A_782 : vector<1x16xf32> to vector<16xf32>
    %swap3A_784 = vector.shape_cast %broadcast_in_dim3A_5 : vector<16xf32> to vector<1x16xf32>
    tpu.vector_store %arg6[%swap3A_780, %swap3A_781], %swap3A_784 {strides = array<i32>} : memref<128x16xf32, #tpu.memory_space<vmem>>, vector<1x16xf32>,
    %swap3A_785 = arith.constant 65 : i32
    %swap3A_786 = arith.index_cast %swap3A_785 : i32 to index
    %swap3A_787 = arith.constant 0 : index
    %swap3A_788 = tpu.vector_load %arg5[%swap3A_786, %swap3A_787] {strides = array<i32>} : memref<128x16xf32, #tpu.memory_space<vmem>>, vector<1x16xf32>,
    %swap3A_789 = vector.shape_cast %swap3A_788 : vector<1x16xf32> to vector<16xf32>
    %swap3A_790 = vector.shape_cast %select_n3A : vector<16xf32> to vector<1x16xf32>
    tpu.vector_store %arg5[%swap3A_786, %swap3A_787], %swap3A_790 {strides = array<i32>} : memref<128x16xf32, #tpu.memory_space<vmem>>, vector<1x16xf32>,
    %swap3A_791 = arith.constant 65 : i32
    %swap3A_792 = arith.index_cast %swap3A_791 : i32 to index
    %swap3A_793 = arith.constant 0 : index
    %swap3A_794 = tpu.vector_load %arg6[%swap3A_792, %swap3A_793] {strides = array<i32>} : memref<128x16xf32, #tpu.memory_space<vmem>>, vector<1x16xf32>,
    %swap3A_795 = vector.shape_cast %swap3A_794 : vector<1x16xf32> to vector<16xf32>
    %swap3A_796 = vector.shape_cast %broadcast_in_dim3A_5 : vector<16xf32> to vector<1x16xf32>
    tpu.vector_store %arg6[%swap3A_792, %swap3A_793], %swap3A_796 {strides = array<i32>} : memref<128x16xf32, #tpu.memory_space<vmem>>, vector<1x16xf32>,
    %swap3A_797 = arith.constant 66 : i32
    %swap3A_798 = arith.index_cast %swap3A_797 : i32 to index
    %swap3A_799 = arith.constant 0 : index
    %swap3A_800 = tpu.vector_load %arg5[%swap3A_798, %swap3A_799] {strides = array<i32>} : memref<128x16xf32, #tpu.memory_space<vmem>>, vector<1x16xf32>,
    %swap3A_801 = vector.shape_cast %swap3A_800 : vector<1x16xf32> to vector<16xf32>
    %swap3A_802 = vector.shape_cast %select_n3A : vector<16xf32> to vector<1x16xf32>
    tpu.vector_store %arg5[%swap3A_798, %swap3A_799], %swap3A_802 {strides = array<i32>} : memref<128x16xf32, #tpu.memory_space<vmem>>, vector<1x16xf32>,
    %swap3A_803 = arith.constant 66 : i32
    %swap3A_804 = arith.index_cast %swap3A_803 : i32 to index
    %swap3A_805 = arith.constant 0 : index
    %swap3A_806 = tpu.vector_load %arg6[%swap3A_804, %swap3A_805] {strides = array<i32>} : memref<128x16xf32, #tpu.memory_space<vmem>>, vector<1x16xf32>,
    %swap3A_807 = vector.shape_cast %swap3A_806 : vector<1x16xf32> to vector<16xf32>
    %swap3A_808 = vector.shape_cast %broadcast_in_dim3A_5 : vector<16xf32> to vector<1x16xf32>
    tpu.vector_store %arg6[%swap3A_804, %swap3A_805], %swap3A_808 {strides = array<i32>} : memref<128x16xf32, #tpu.memory_space<vmem>>, vector<1x16xf32>,
    %swap3A_809 = arith.constant 67 : i32
    %swap3A_810 = arith.index_cast %swap3A_809 : i32 to index
    %swap3A_811 = arith.constant 0 : index
    %swap3A_812 = tpu.vector_load %arg5[%swap3A_810, %swap3A_811] {strides = array<i32>} : memref<128x16xf32, #tpu.memory_space<vmem>>, vector<1x16xf32>,
    %swap3A_813 = vector.shape_cast %swap3A_812 : vector<1x16xf32> to vector<16xf32>
    %swap3A_814 = vector.shape_cast %select_n3A : vector<16xf32> to vector<1x16xf32>
    tpu.vector_store %arg5[%swap3A_810, %swap3A_811], %swap3A_814 {strides = array<i32>} : memref<128x16xf32, #tpu.memory_space<vmem>>, vector<1x16xf32>,
    %swap3A_815 = arith.constant 67 : i32
    %swap3A_816 = arith.index_cast %swap3A_815 : i32 to index
    %swap3A_817 = arith.constant 0 : index
    %swap3A_818 = tpu.vector_load %arg6[%swap3A_816, %swap3A_817] {strides = array<i32>} : memref<128x16xf32, #tpu.memory_space<vmem>>, vector<1x16xf32>,
    %swap3A_819 = vector.shape_cast %swap3A_818 : vector<1x16xf32> to vector<16xf32>
    %swap3A_820 = vector.shape_cast %broadcast_in_dim3A_5 : vector<16xf32> to vector<1x16xf32>
    tpu.vector_store %arg6[%swap3A_816, %swap3A_817], %swap3A_820 {strides = array<i32>} : memref<128x16xf32, #tpu.memory_space<vmem>>, vector<1x16xf32>,
    %swap3A_821 = arith.constant 68 : i32
    %swap3A_822 = arith.index_cast %swap3A_821 : i32 to index
    %swap3A_823 = arith.constant 0 : index
    %swap3A_824 = tpu.vector_load %arg5[%swap3A_822, %swap3A_823] {strides = array<i32>} : memref<128x16xf32, #tpu.memory_space<vmem>>, vector<1x16xf32>,
    %swap3A_825 = vector.shape_cast %swap3A_824 : vector<1x16xf32> to vector<16xf32>
    %swap3A_826 = vector.shape_cast %select_n3A : vector<16xf32> to vector<1x16xf32>
    tpu.vector_store %arg5[%swap3A_822, %swap3A_823], %swap3A_826 {strides = array<i32>} : memref<128x16xf32, #tpu.memory_space<vmem>>, vector<1x16xf32>,
    %swap3A_827 = arith.constant 68 : i32
    %swap3A_828 = arith.index_cast %swap3A_827 : i32 to index
    %swap3A_829 = arith.constant 0 : index
    %swap3A_830 = tpu.vector_load %arg6[%swap3A_828, %swap3A_829] {strides = array<i32>} : memref<128x16xf32, #tpu.memory_space<vmem>>, vector<1x16xf32>,
    %swap3A_831 = vector.shape_cast %swap3A_830 : vector<1x16xf32> to vector<16xf32>
    %swap3A_832 = vector.shape_cast %broadcast_in_dim3A_5 : vector<16xf32> to vector<1x16xf32>
    tpu.vector_store %arg6[%swap3A_828, %swap3A_829], %swap3A_832 {strides = array<i32>} : memref<128x16xf32, #tpu.memory_space<vmem>>, vector<1x16xf32>,
    %swap3A_833 = arith.constant 69 : i32
    %swap3A_834 = arith.index_cast %swap3A_833 : i32 to index
    %swap3A_835 = arith.constant 0 : index
    %swap3A_836 = tpu.vector_load %arg5[%swap3A_834, %swap3A_835] {strides = array<i32>} : memref<128x16xf32, #tpu.memory_space<vmem>>, vector<1x16xf32>,
    %swap3A_837 = vector.shape_cast %swap3A_836 : vector<1x16xf32> to vector<16xf32>
    %swap3A_838 = vector.shape_cast %select_n3A : vector<16xf32> to vector<1x16xf32>
    tpu.vector_store %arg5[%swap3A_834, %swap3A_835], %swap3A_838 {strides = array<i32>} : memref<128x16xf32, #tpu.memory_space<vmem>>, vector<1x16xf32>,
    %swap3A_839 = arith.constant 69 : i32
    %swap3A_840 = arith.index_cast %swap3A_839 : i32 to index
    %swap3A_841 = arith.constant 0 : index
    %swap3A_842 = tpu.vector_load %arg6[%swap3A_840, %swap3A_841] {strides = array<i32>} : memref<128x16xf32, #tpu.memory_space<vmem>>, vector<1x16xf32>,
    %swap3A_843 = vector.shape_cast %swap3A_842 : vector<1x16xf32> to vector<16xf32>
    %swap3A_844 = vector.shape_cast %broadcast_in_dim3A_5 : vector<16xf32> to vector<1x16xf32>
    tpu.vector_store %arg6[%swap3A_840, %swap3A_841], %swap3A_844 {strides = array<i32>} : memref<128x16xf32, #tpu.memory_space<vmem>>, vector<1x16xf32>,
    %swap3A_845 = arith.constant 70 : i32
    %swap3A_846 = arith.index_cast %swap3A_845 : i32 to index
    %swap3A_847 = arith.constant 0 : index
    %swap3A_848 = tpu.vector_load %arg5[%swap3A_846, %swap3A_847] {strides = array<i32>} : memref<128x16xf32, #tpu.memory_space<vmem>>, vector<1x16xf32>,
    %swap3A_849 = vector.shape_cast %swap3A_848 : vector<1x16xf32> to vector<16xf32>
    %swap3A_850 = vector.shape_cast %select_n3A : vector<16xf32> to vector<1x16xf32>
    tpu.vector_store %arg5[%swap3A_846, %swap3A_847], %swap3A_850 {strides = array<i32>} : memref<128x16xf32, #tpu.memory_space<vmem>>, vector<1x16xf32>,
    %swap3A_851 = arith.constant 70 : i32
    %swap3A_852 = arith.index_cast %swap3A_851 : i32 to index
    %swap3A_853 = arith.constant 0 : index
    %swap3A_854 = tpu.vector_load %arg6[%swap3A_852, %swap3A_853] {strides = array<i32>} : memref<128x16xf32, #tpu.memory_space<vmem>>, vector<1x16xf32>,
    %swap3A_855 = vector.shape_cast %swap3A_854 : vector<1x16xf32> to vector<16xf32>
    %swap3A_856 = vector.shape_cast %broadcast_in_dim3A_5 : vector<16xf32> to vector<1x16xf32>
    tpu.vector_store %arg6[%swap3A_852, %swap3A_853], %swap3A_856 {strides = array<i32>} : memref<128x16xf32, #tpu.memory_space<vmem>>, vector<1x16xf32>,
    %swap3A_857 = arith.constant 71 : i32
    %swap3A_858 = arith.index_cast %swap3A_857 : i32 to index
    %swap3A_859 = arith.constant 0 : index
    %swap3A_860 = tpu.vector_load %arg5[%swap3A_858, %swap3A_859] {strides = array<i32>} : memref<128x16xf32, #tpu.memory_space<vmem>>, vector<1x16xf32>,
    %swap3A_861 = vector.shape_cast %swap3A_860 : vector<1x16xf32> to vector<16xf32>
    %swap3A_862 = vector.shape_cast %select_n3A : vector<16xf32> to vector<1x16xf32>
    tpu.vector_store %arg5[%swap3A_858, %swap3A_859], %swap3A_862 {strides = array<i32>} : memref<128x16xf32, #tpu.memory_space<vmem>>, vector<1x16xf32>,
    %swap3A_863 = arith.constant 71 : i32
    %swap3A_864 = arith.index_cast %swap3A_863 : i32 to index
    %swap3A_865 = arith.constant 0 : index
    %swap3A_866 = tpu.vector_load %arg6[%swap3A_864, %swap3A_865] {strides = array<i32>} : memref<128x16xf32, #tpu.memory_space<vmem>>, vector<1x16xf32>,
    %swap3A_867 = vector.shape_cast %swap3A_866 : vector<1x16xf32> to vector<16xf32>
    %swap3A_868 = vector.shape_cast %broadcast_in_dim3A_5 : vector<16xf32> to vector<1x16xf32>
    tpu.vector_store %arg6[%swap3A_864, %swap3A_865], %swap3A_868 {strides = array<i32>} : memref<128x16xf32, #tpu.memory_space<vmem>>, vector<1x16xf32>,
    %swap3A_869 = arith.constant 72 : i32
    %swap3A_870 = arith.index_cast %swap3A_869 : i32 to index
    %swap3A_871 = arith.constant 0 : index
    %swap3A_872 = tpu.vector_load %arg5[%swap3A_870, %swap3A_871] {strides = array<i32>} : memref<128x16xf32, #tpu.memory_space<vmem>>, vector<1x16xf32>,
    %swap3A_873 = vector.shape_cast %swap3A_872 : vector<1x16xf32> to vector<16xf32>
    %swap3A_874 = vector.shape_cast %select_n3A : vector<16xf32> to vector<1x16xf32>
    tpu.vector_store %arg5[%swap3A_870, %swap3A_871], %swap3A_874 {strides = array<i32>} : memref<128x16xf32, #tpu.memory_space<vmem>>, vector<1x16xf32>,
    %swap3A_875 = arith.constant 72 : i32
    %swap3A_876 = arith.index_cast %swap3A_875 : i32 to index
    %swap3A_877 = arith.constant 0 : index
    %swap3A_878 = tpu.vector_load %arg6[%swap3A_876, %swap3A_877] {strides = array<i32>} : memref<128x16xf32, #tpu.memory_space<vmem>>, vector<1x16xf32>,
    %swap3A_879 = vector.shape_cast %swap3A_878 : vector<1x16xf32> to vector<16xf32>
    %swap3A_880 = vector.shape_cast %broadcast_in_dim3A_5 : vector<16xf32> to vector<1x16xf32>
    tpu.vector_store %arg6[%swap3A_876, %swap3A_877], %swap3A_880 {strides = array<i32>} : memref<128x16xf32, #tpu.memory_space<vmem>>, vector<1x16xf32>,
    %swap3A_881 = arith.constant 73 : i32
    %swap3A_882 = arith.index_cast %swap3A_881 : i32 to index
    %swap3A_883 = arith.constant 0 : index
    %swap3A_884 = tpu.vector_load %arg5[%swap3A_882, %swap3A_883] {strides = array<i32>} : memref<128x16xf32, #tpu.memory_space<vmem>>, vector<1x16xf32>,
    %swap3A_885 = vector.shape_cast %swap3A_884 : vector<1x16xf32> to vector<16xf32>
    %swap3A_886 = vector.shape_cast %select_n3A : vector<16xf32> to vector<1x16xf32>
    tpu.vector_store %arg5[%swap3A_882, %swap3A_883], %swap3A_886 {strides = array<i32>} : memref<128x16xf32, #tpu.memory_space<vmem>>, vector<1x16xf32>,
    %swap3A_887 = arith.constant 73 : i32
    %swap3A_888 = arith.index_cast %swap3A_887 : i32 to index
    %swap3A_889 = arith.constant 0 : index
    %swap3A_890 = tpu.vector_load %arg6[%swap3A_888, %swap3A_889] {strides = array<i32>} : memref<128x16xf32, #tpu.memory_space<vmem>>, vector<1x16xf32>,
    %swap3A_891 = vector.shape_cast %swap3A_890 : vector<1x16xf32> to vector<16xf32>
    %swap3A_892 = vector.shape_cast %broadcast_in_dim3A_5 : vector<16xf32> to vector<1x16xf32>
    tpu.vector_store %arg6[%swap3A_888, %swap3A_889], %swap3A_892 {strides = array<i32>} : memref<128x16xf32, #tpu.memory_space<vmem>>, vector<1x16xf32>,
    %swap3A_893 = arith.constant 74 : i32
    %swap3A_894 = arith.index_cast %swap3A_893 : i32 to index
    %swap3A_895 = arith.constant 0 : index
    %swap3A_896 = tpu.vector_load %arg5[%swap3A_894, %swap3A_895] {strides = array<i32>} : memref<128x16xf32, #tpu.memory_space<vmem>>, vector<1x16xf32>,
    %swap3A_897 = vector.shape_cast %swap3A_896 : vector<1x16xf32> to vector<16xf32>
    %swap3A_898 = vector.shape_cast %select_n3A : vector<16xf32> to vector<1x16xf32>
    tpu.vector_store %arg5[%swap3A_894, %swap3A_895], %swap3A_898 {strides = array<i32>} : memref<128x16xf32, #tpu.memory_space<vmem>>, vector<1x16xf32>,
    %swap3A_899 = arith.constant 74 : i32
    %swap3A_900 = arith.index_cast %swap3A_899 : i32 to index
    %swap3A_901 = arith.constant 0 : index
    %swap3A_902 = tpu.vector_load %arg6[%swap3A_900, %swap3A_901] {strides = array<i32>} : memref<128x16xf32, #tpu.memory_space<vmem>>, vector<1x16xf32>,
    %swap3A_903 = vector.shape_cast %swap3A_902 : vector<1x16xf32> to vector<16xf32>
    %swap3A_904 = vector.shape_cast %broadcast_in_dim3A_5 : vector<16xf32> to vector<1x16xf32>
    tpu.vector_store %arg6[%swap3A_900, %swap3A_901], %swap3A_904 {strides = array<i32>} : memref<128x16xf32, #tpu.memory_space<vmem>>, vector<1x16xf32>,
    %swap3A_905 = arith.constant 75 : i32
    %swap3A_906 = arith.index_cast %swap3A_905 : i32 to index
    %swap3A_907 = arith.constant 0 : index
    %swap3A_908 = tpu.vector_load %arg5[%swap3A_906, %swap3A_907] {strides = array<i32>} : memref<128x16xf32, #tpu.memory_space<vmem>>, vector<1x16xf32>,
    %swap3A_909 = vector.shape_cast %swap3A_908 : vector<1x16xf32> to vector<16xf32>
    %swap3A_910 = vector.shape_cast %select_n3A : vector<16xf32> to vector<1x16xf32>
    tpu.vector_store %arg5[%swap3A_906, %swap3A_907], %swap3A_910 {strides = array<i32>} : memref<128x16xf32, #tpu.memory_space<vmem>>, vector<1x16xf32>,
    %swap3A_911 = arith.constant 75 : i32
    %swap3A_912 = arith.index_cast %swap3A_911 : i32 to index
    %swap3A_913 = arith.constant 0 : index
    %swap3A_914 = tpu.vector_load %arg6[%swap3A_912, %swap3A_913] {strides = array<i32>} : memref<128x16xf32, #tpu.memory_space<vmem>>, vector<1x16xf32>,
    %swap3A_915 = vector.shape_cast %swap3A_914 : vector<1x16xf32> to vector<16xf32>
    %swap3A_916 = vector.shape_cast %broadcast_in_dim3A_5 : vector<16xf32> to vector<1x16xf32>
    tpu.vector_store %arg6[%swap3A_912, %swap3A_913], %swap3A_916 {strides = array<i32>} : memref<128x16xf32, #tpu.memory_space<vmem>>, vector<1x16xf32>,
    %swap3A_917 = arith.constant 76 : i32
    %swap3A_918 = arith.index_cast %swap3A_917 : i32 to index
    %swap3A_919 = arith.constant 0 : index
    %swap3A_920 = tpu.vector_load %arg5[%swap3A_918, %swap3A_919] {strides = array<i32>} : memref<128x16xf32, #tpu.memory_space<vmem>>, vector<1x16xf32>,
    %swap3A_921 = vector.shape_cast %swap3A_920 : vector<1x16xf32> to vector<16xf32>
    %swap3A_922 = vector.shape_cast %select_n3A : vector<16xf32> to vector<1x16xf32>
    tpu.vector_store %arg5[%swap3A_918, %swap3A_919], %swap3A_922 {strides = array<i32>} : memref<128x16xf32, #tpu.memory_space<vmem>>, vector<1x16xf32>,
    %swap3A_923 = arith.constant 76 : i32
    %swap3A_924 = arith.index_cast %swap3A_923 : i32 to index
    %swap3A_925 = arith.constant 0 : index
    %swap3A_926 = tpu.vector_load %arg6[%swap3A_924, %swap3A_925] {strides = array<i32>} : memref<128x16xf32, #tpu.memory_space<vmem>>, vector<1x16xf32>,
    %swap3A_927 = vector.shape_cast %swap3A_926 : vector<1x16xf32> to vector<16xf32>
    %swap3A_928 = vector.shape_cast %broadcast_in_dim3A_5 : vector<16xf32> to vector<1x16xf32>
    tpu.vector_store %arg6[%swap3A_924, %swap3A_925], %swap3A_928 {strides = array<i32>} : memref<128x16xf32, #tpu.memory_space<vmem>>, vector<1x16xf32>,
    %swap3A_929 = arith.constant 77 : i32
    %swap3A_930 = arith.index_cast %swap3A_929 : i32 to index
    %swap3A_931 = arith.constant 0 : index
    %swap3A_932 = tpu.vector_load %arg5[%swap3A_930, %swap3A_931] {strides = array<i32>} : memref<128x16xf32, #tpu.memory_space<vmem>>, vector<1x16xf32>,
    %swap3A_933 = vector.shape_cast %swap3A_932 : vector<1x16xf32> to vector<16xf32>
    %swap3A_934 = vector.shape_cast %select_n3A : vector<16xf32> to vector<1x16xf32>
    tpu.vector_store %arg5[%swap3A_930, %swap3A_931], %swap3A_934 {strides = array<i32>} : memref<128x16xf32, #tpu.memory_space<vmem>>, vector<1x16xf32>,
    %swap3A_935 = arith.constant 77 : i32
    %swap3A_936 = arith.index_cast %swap3A_935 : i32 to index
    %swap3A_937 = arith.constant 0 : index
    %swap3A_938 = tpu.vector_load %arg6[%swap3A_936, %swap3A_937] {strides = array<i32>} : memref<128x16xf32, #tpu.memory_space<vmem>>, vector<1x16xf32>,
    %swap3A_939 = vector.shape_cast %swap3A_938 : vector<1x16xf32> to vector<16xf32>
    %swap3A_940 = vector.shape_cast %broadcast_in_dim3A_5 : vector<16xf32> to vector<1x16xf32>
    tpu.vector_store %arg6[%swap3A_936, %swap3A_937], %swap3A_940 {strides = array<i32>} : memref<128x16xf32, #tpu.memory_space<vmem>>, vector<1x16xf32>,
    %swap3A_941 = arith.constant 78 : i32
    %swap3A_942 = arith.index_cast %swap3A_941 : i32 to index
    %swap3A_943 = arith.constant 0 : index
    %swap3A_944 = tpu.vector_load %arg5[%swap3A_942, %swap3A_943] {strides = array<i32>} : memref<128x16xf32, #tpu.memory_space<vmem>>, vector<1x16xf32>,
    %swap3A_945 = vector.shape_cast %swap3A_944 : vector<1x16xf32> to vector<16xf32>
    %swap3A_946 = vector.shape_cast %select_n3A : vector<16xf32> to vector<1x16xf32>
    tpu.vector_store %arg5[%swap3A_942, %swap3A_943], %swap3A_946 {strides = array<i32>} : memref<128x16xf32, #tpu.memory_space<vmem>>, vector<1x16xf32>,
    %swap3A_947 = arith.constant 78 : i32
    %swap3A_948 = arith.index_cast %swap3A_947 : i32 to index
    %swap3A_949 = arith.constant 0 : index
    %swap3A_950 = tpu.vector_load %arg6[%swap3A_948, %swap3A_949] {strides = array<i32>} : memref<128x16xf32, #tpu.memory_space<vmem>>, vector<1x16xf32>,
    %swap3A_951 = vector.shape_cast %swap3A_950 : vector<1x16xf32> to vector<16xf32>
    %swap3A_952 = vector.shape_cast %broadcast_in_dim3A_5 : vector<16xf32> to vector<1x16xf32>
    tpu.vector_store %arg6[%swap3A_948, %swap3A_949], %swap3A_952 {strides = array<i32>} : memref<128x16xf32, #tpu.memory_space<vmem>>, vector<1x16xf32>,
    %swap3A_953 = arith.constant 79 : i32
    %swap3A_954 = arith.index_cast %swap3A_953 : i32 to index
    %swap3A_955 = arith.constant 0 : index
    %swap3A_956 = tpu.vector_load %arg5[%swap3A_954, %swap3A_955] {strides = array<i32>} : memref<128x16xf32, #tpu.memory_space<vmem>>, vector<1x16xf32>,
    %swap3A_957 = vector.shape_cast %swap3A_956 : vector<1x16xf32> to vector<16xf32>
    %swap3A_958 = vector.shape_cast %select_n3A : vector<16xf32> to vector<1x16xf32>
    tpu.vector_store %arg5[%swap3A_954, %swap3A_955], %swap3A_958 {strides = array<i32>} : memref<128x16xf32, #tpu.memory_space<vmem>>, vector<1x16xf32>,
    %swap3A_959 = arith.constant 79 : i32
    %swap3A_960 = arith.index_cast %swap3A_959 : i32 to index
    %swap3A_961 = arith.constant 0 : index
    %swap3A_962 = tpu.vector_load %arg6[%swap3A_960, %swap3A_961] {strides = array<i32>} : memref<128x16xf32, #tpu.memory_space<vmem>>, vector<1x16xf32>,
    %swap3A_963 = vector.shape_cast %swap3A_962 : vector<1x16xf32> to vector<16xf32>
    %swap3A_964 = vector.shape_cast %broadcast_in_dim3A_5 : vector<16xf32> to vector<1x16xf32>
    tpu.vector_store %arg6[%swap3A_960, %swap3A_961], %swap3A_964 {strides = array<i32>} : memref<128x16xf32, #tpu.memory_space<vmem>>, vector<1x16xf32>,
    %swap3A_965 = arith.constant 80 : i32
    %swap3A_966 = arith.index_cast %swap3A_965 : i32 to index
    %swap3A_967 = arith.constant 0 : index
    %swap3A_968 = tpu.vector_load %arg5[%swap3A_966, %swap3A_967] {strides = array<i32>} : memref<128x16xf32, #tpu.memory_space<vmem>>, vector<1x16xf32>,
    %swap3A_969 = vector.shape_cast %swap3A_968 : vector<1x16xf32> to vector<16xf32>
    %swap3A_970 = vector.shape_cast %select_n3A : vector<16xf32> to vector<1x16xf32>
    tpu.vector_store %arg5[%swap3A_966, %swap3A_967], %swap3A_970 {strides = array<i32>} : memref<128x16xf32, #tpu.memory_space<vmem>>, vector<1x16xf32>,
    %swap3A_971 = arith.constant 80 : i32
    %swap3A_972 = arith.index_cast %swap3A_971 : i32 to index
    %swap3A_973 = arith.constant 0 : index
    %swap3A_974 = tpu.vector_load %arg6[%swap3A_972, %swap3A_973] {strides = array<i32>} : memref<128x16xf32, #tpu.memory_space<vmem>>, vector<1x16xf32>,
    %swap3A_975 = vector.shape_cast %swap3A_974 : vector<1x16xf32> to vector<16xf32>
    %swap3A_976 = vector.shape_cast %broadcast_in_dim3A_5 : vector<16xf32> to vector<1x16xf32>
    tpu.vector_store %arg6[%swap3A_972, %swap3A_973], %swap3A_976 {strides = array<i32>} : memref<128x16xf32, #tpu.memory_space<vmem>>, vector<1x16xf32>,
    %swap3A_977 = arith.constant 81 : i32
    %swap3A_978 = arith.index_cast %swap3A_977 : i32 to index
    %swap3A_979 = arith.constant 0 : index
    %swap3A_980 = tpu.vector_load %arg5[%swap3A_978, %swap3A_979] {strides = array<i32>} : memref<128x16xf32, #tpu.memory_space<vmem>>, vector<1x16xf32>,
    %swap3A_981 = vector.shape_cast %swap3A_980 : vector<1x16xf32> to vector<16xf32>
    %swap3A_982 = vector.shape_cast %select_n3A : vector<16xf32> to vector<1x16xf32>
    tpu.vector_store %arg5[%swap3A_978, %swap3A_979], %swap3A_982 {strides = array<i32>} : memref<128x16xf32, #tpu.memory_space<vmem>>, vector<1x16xf32>,
    %swap3A_983 = arith.constant 81 : i32
    %swap3A_984 = arith.index_cast %swap3A_983 : i32 to index
    %swap3A_985 = arith.constant 0 : index
    %swap3A_986 = tpu.vector_load %arg6[%swap3A_984, %swap3A_985] {strides = array<i32>} : memref<128x16xf32, #tpu.memory_space<vmem>>, vector<1x16xf32>,
    %swap3A_987 = vector.shape_cast %swap3A_986 : vector<1x16xf32> to vector<16xf32>
    %swap3A_988 = vector.shape_cast %broadcast_in_dim3A_5 : vector<16xf32> to vector<1x16xf32>
    tpu.vector_store %arg6[%swap3A_984, %swap3A_985], %swap3A_988 {strides = array<i32>} : memref<128x16xf32, #tpu.memory_space<vmem>>, vector<1x16xf32>,
    %swap3A_989 = arith.constant 82 : i32
    %swap3A_990 = arith.index_cast %swap3A_989 : i32 to index
    %swap3A_991 = arith.constant 0 : index
    %swap3A_992 = tpu.vector_load %arg5[%swap3A_990, %swap3A_991] {strides = array<i32>} : memref<128x16xf32, #tpu.memory_space<vmem>>, vector<1x16xf32>,
    %swap3A_993 = vector.shape_cast %swap3A_992 : vector<1x16xf32> to vector<16xf32>
    %swap3A_994 = vector.shape_cast %select_n3A : vector<16xf32> to vector<1x16xf32>
    tpu.vector_store %arg5[%swap3A_990, %swap3A_991], %swap3A_994 {strides = array<i32>} : memref<128x16xf32, #tpu.memory_space<vmem>>, vector<1x16xf32>,
    %swap3A_995 = arith.constant 82 : i32
    %swap3A_996 = arith.index_cast %swap3A_995 : i32 to index
    %swap3A_997 = arith.constant 0 : index
    %swap3A_998 = tpu.vector_load %arg6[%swap3A_996, %swap3A_997] {strides = array<i32>} : memref<128x16xf32, #tpu.memory_space<vmem>>, vector<1x16xf32>,
    %swap3A_999 = vector.shape_cast %swap3A_998 : vector<1x16xf32> to vector<16xf32>
    %swap3A_1000 = vector.shape_cast %broadcast_in_dim3A_5 : vector<16xf32> to vector<1x16xf32>
    tpu.vector_store %arg6[%swap3A_996, %swap3A_997], %swap3A_1000 {strides = array<i32>} : memref<128x16xf32, #tpu.memory_space<vmem>>, vector<1x16xf32>,
    %swap3A_1001 = arith.constant 83 : i32
    %swap3A_1002 = arith.index_cast %swap3A_1001 : i32 to index
    %swap3A_1003 = arith.constant 0 : index
    %swap3A_1004 = tpu.vector_load %arg5[%swap3A_1002, %swap3A_1003] {strides = array<i32>} : memref<128x16xf32, #tpu.memory_space<vmem>>, vector<1x16xf32>,
    %swap3A_1005 = vector.shape_cast %swap3A_1004 : vector<1x16xf32> to vector<16xf32>
    %swap3A_1006 = vector.shape_cast %select_n3A : vector<16xf32> to vector<1x16xf32>
    tpu.vector_store %arg5[%swap3A_1002, %swap3A_1003], %swap3A_1006 {strides = array<i32>} : memref<128x16xf32, #tpu.memory_space<vmem>>, vector<1x16xf32>,
    %swap3A_1007 = arith.constant 83 : i32
    %swap3A_1008 = arith.index_cast %swap3A_1007 : i32 to index
    %swap3A_1009 = arith.constant 0 : index
    %swap3A_1010 = tpu.vector_load %arg6[%swap3A_1008, %swap3A_1009] {strides = array<i32>} : memref<128x16xf32, #tpu.memory_space<vmem>>, vector<1x16xf32>,
    %swap3A_1011 = vector.shape_cast %swap3A_1010 : vector<1x16xf32> to vector<16xf32>
    %swap3A_1012 = vector.shape_cast %broadcast_in_dim3A_5 : vector<16xf32> to vector<1x16xf32>
    tpu.vector_store %arg6[%swap3A_1008, %swap3A_1009], %swap3A_1012 {strides = array<i32>} : memref<128x16xf32, #tpu.memory_space<vmem>>, vector<1x16xf32>,
    %swap3A_1013 = arith.constant 84 : i32
    %swap3A_1014 = arith.index_cast %swap3A_1013 : i32 to index
    %swap3A_1015 = arith.constant 0 : index
    %swap3A_1016 = tpu.vector_load %arg5[%swap3A_1014, %swap3A_1015] {strides = array<i32>} : memref<128x16xf32, #tpu.memory_space<vmem>>, vector<1x16xf32>,
    %swap3A_1017 = vector.shape_cast %swap3A_1016 : vector<1x16xf32> to vector<16xf32>
    %swap3A_1018 = vector.shape_cast %select_n3A : vector<16xf32> to vector<1x16xf32>
    tpu.vector_store %arg5[%swap3A_1014, %swap3A_1015], %swap3A_1018 {strides = array<i32>} : memref<128x16xf32, #tpu.memory_space<vmem>>, vector<1x16xf32>,
    %swap3A_1019 = arith.constant 84 : i32
    %swap3A_1020 = arith.index_cast %swap3A_1019 : i32 to index
    %swap3A_1021 = arith.constant 0 : index
    %swap3A_1022 = tpu.vector_load %arg6[%swap3A_1020, %swap3A_1021] {strides = array<i32>} : memref<128x16xf32, #tpu.memory_space<vmem>>, vector<1x16xf32>,
    %swap3A_1023 = vector.shape_cast %swap3A_1022 : vector<1x16xf32> to vector<16xf32>
    %swap3A_1024 = vector.shape_cast %broadcast_in_dim3A_5 : vector<16xf32> to vector<1x16xf32>
    tpu.vector_store %arg6[%swap3A_1020, %swap3A_1021], %swap3A_1024 {strides = array<i32>} : memref<128x16xf32, #tpu.memory_space<vmem>>, vector<1x16xf32>,
    %swap3A_1025 = arith.constant 85 : i32
    %swap3A_1026 = arith.index_cast %swap3A_1025 : i32 to index
    %swap3A_1027 = arith.constant 0 : index
    %swap3A_1028 = tpu.vector_load %arg5[%swap3A_1026, %swap3A_1027] {strides = array<i32>} : memref<128x16xf32, #tpu.memory_space<vmem>>, vector<1x16xf32>,
    %swap3A_1029 = vector.shape_cast %swap3A_1028 : vector<1x16xf32> to vector<16xf32>
    %swap3A_1030 = vector.shape_cast %select_n3A : vector<16xf32> to vector<1x16xf32>
    tpu.vector_store %arg5[%swap3A_1026, %swap3A_1027], %swap3A_1030 {strides = array<i32>} : memref<128x16xf32, #tpu.memory_space<vmem>>, vector<1x16xf32>,
    %swap3A_1031 = arith.constant 85 : i32
    %swap3A_1032 = arith.index_cast %swap3A_1031 : i32 to index
    %swap3A_1033 = arith.constant 0 : index
    %swap3A_1034 = tpu.vector_load %arg6[%swap3A_1032, %swap3A_1033] {strides = array<i32>} : memref<128x16xf32, #tpu.memory_space<vmem>>, vector<1x16xf32>,
    %swap3A_1035 = vector.shape_cast %swap3A_1034 : vector<1x16xf32> to vector<16xf32>
    %swap3A_1036 = vector.shape_cast %broadcast_in_dim3A_5 : vector<16xf32> to vector<1x16xf32>
    tpu.vector_store %arg6[%swap3A_1032, %swap3A_1033], %swap3A_1036 {strides = array<i32>} : memref<128x16xf32, #tpu.memory_space<vmem>>, vector<1x16xf32>,
    %swap3A_1037 = arith.constant 86 : i32
    %swap3A_1038 = arith.index_cast %swap3A_1037 : i32 to index
    %swap3A_1039 = arith.constant 0 : index
    %swap3A_1040 = tpu.vector_load %arg5[%swap3A_1038, %swap3A_1039] {strides = array<i32>} : memref<128x16xf32, #tpu.memory_space<vmem>>, vector<1x16xf32>,
    %swap3A_1041 = vector.shape_cast %swap3A_1040 : vector<1x16xf32> to vector<16xf32>
    %swap3A_1042 = vector.shape_cast %select_n3A : vector<16xf32> to vector<1x16xf32>
    tpu.vector_store %arg5[%swap3A_1038, %swap3A_1039], %swap3A_1042 {strides = array<i32>} : memref<128x16xf32, #tpu.memory_space<vmem>>, vector<1x16xf32>,
    %swap3A_1043 = arith.constant 86 : i32
    %swap3A_1044 = arith.index_cast %swap3A_1043 : i32 to index
    %swap3A_1045 = arith.constant 0 : index
    %swap3A_1046 = tpu.vector_load %arg6[%swap3A_1044, %swap3A_1045] {strides = array<i32>} : memref<128x16xf32, #tpu.memory_space<vmem>>, vector<1x16xf32>,
    %swap3A_1047 = vector.shape_cast %swap3A_1046 : vector<1x16xf32> to vector<16xf32>
    %swap3A_1048 = vector.shape_cast %broadcast_in_dim3A_5 : vector<16xf32> to vector<1x16xf32>
    tpu.vector_store %arg6[%swap3A_1044, %swap3A_1045], %swap3A_1048 {strides = array<i32>} : memref<128x16xf32, #tpu.memory_space<vmem>>, vector<1x16xf32>,
    %swap3A_1049 = arith.constant 87 : i32
    %swap3A_1050 = arith.index_cast %swap3A_1049 : i32 to index
    %swap3A_1051 = arith.constant 0 : index
    %swap3A_1052 = tpu.vector_load %arg5[%swap3A_1050, %swap3A_1051] {strides = array<i32>} : memref<128x16xf32, #tpu.memory_space<vmem>>, vector<1x16xf32>,
    %swap3A_1053 = vector.shape_cast %swap3A_1052 : vector<1x16xf32> to vector<16xf32>
    %swap3A_1054 = vector.shape_cast %select_n3A : vector<16xf32> to vector<1x16xf32>
    tpu.vector_store %arg5[%swap3A_1050, %swap3A_1051], %swap3A_1054 {strides = array<i32>} : memref<128x16xf32, #tpu.memory_space<vmem>>, vector<1x16xf32>,
    %swap3A_1055 = arith.constant 87 : i32
    %swap3A_1056 = arith.index_cast %swap3A_1055 : i32 to index
    %swap3A_1057 = arith.constant 0 : index
    %swap3A_1058 = tpu.vector_load %arg6[%swap3A_1056, %swap3A_1057] {strides = array<i32>} : memref<128x16xf32, #tpu.memory_space<vmem>>, vector<1x16xf32>,
    %swap3A_1059 = vector.shape_cast %swap3A_1058 : vector<1x16xf32> to vector<16xf32>
    %swap3A_1060 = vector.shape_cast %broadcast_in_dim3A_5 : vector<16xf32> to vector<1x16xf32>
    tpu.vector_store %arg6[%swap3A_1056, %swap3A_1057], %swap3A_1060 {strides = array<i32>} : memref<128x16xf32, #tpu.memory_space<vmem>>, vector<1x16xf32>,
    %swap3A_1061 = arith.constant 88 : i32
    %swap3A_1062 = arith.index_cast %swap3A_1061 : i32 to index
    %swap3A_1063 = arith.constant 0 : index
    %swap3A_1064 = tpu.vector_load %arg5[%swap3A_1062, %swap3A_1063] {strides = array<i32>} : memref<128x16xf32, #tpu.memory_space<vmem>>, vector<1x16xf32>,
    %swap3A_1065 = vector.shape_cast %swap3A_1064 : vector<1x16xf32> to vector<16xf32>
    %swap3A_1066 = vector.shape_cast %select_n3A : vector<16xf32> to vector<1x16xf32>
    tpu.vector_store %arg5[%swap3A_1062, %swap3A_1063], %swap3A_1066 {strides = array<i32>} : memref<128x16xf32, #tpu.memory_space<vmem>>, vector<1x16xf32>,
    %swap3A_1067 = arith.constant 88 : i32
    %swap3A_1068 = arith.index_cast %swap3A_1067 : i32 to index
    %swap3A_1069 = arith.constant 0 : index
    %swap3A_1070 = tpu.vector_load %arg6[%swap3A_1068, %swap3A_1069] {strides = array<i32>} : memref<128x16xf32, #tpu.memory_space<vmem>>, vector<1x16xf32>,
    %swap3A_1071 = vector.shape_cast %swap3A_1070 : vector<1x16xf32> to vector<16xf32>
    %swap3A_1072 = vector.shape_cast %broadcast_in_dim3A_5 : vector<16xf32> to vector<1x16xf32>
    tpu.vector_store %arg6[%swap3A_1068, %swap3A_1069], %swap3A_1072 {strides = array<i32>} : memref<128x16xf32, #tpu.memory_space<vmem>>, vector<1x16xf32>,
    %swap3A_1073 = arith.constant 89 : i32
    %swap3A_1074 = arith.index_cast %swap3A_1073 : i32 to index
    %swap3A_1075 = arith.constant 0 : index
    %swap3A_1076 = tpu.vector_load %arg5[%swap3A_1074, %swap3A_1075] {strides = array<i32>} : memref<128x16xf32, #tpu.memory_space<vmem>>, vector<1x16xf32>,
    %swap3A_1077 = vector.shape_cast %swap3A_1076 : vector<1x16xf32> to vector<16xf32>
    %swap3A_1078 = vector.shape_cast %select_n3A : vector<16xf32> to vector<1x16xf32>
    tpu.vector_store %arg5[%swap3A_1074, %swap3A_1075], %swap3A_1078 {strides = array<i32>} : memref<128x16xf32, #tpu.memory_space<vmem>>, vector<1x16xf32>,
    %swap3A_1079 = arith.constant 89 : i32
    %swap3A_1080 = arith.index_cast %swap3A_1079 : i32 to index
    %swap3A_1081 = arith.constant 0 : index
    %swap3A_1082 = tpu.vector_load %arg6[%swap3A_1080, %swap3A_1081] {strides = array<i32>} : memref<128x16xf32, #tpu.memory_space<vmem>>, vector<1x16xf32>,
    %swap3A_1083 = vector.shape_cast %swap3A_1082 : vector<1x16xf32> to vector<16xf32>
    %swap3A_1084 = vector.shape_cast %broadcast_in_dim3A_5 : vector<16xf32> to vector<1x16xf32>
    tpu.vector_store %arg6[%swap3A_1080, %swap3A_1081], %swap3A_1084 {strides = array<i32>} : memref<128x16xf32, #tpu.memory_space<vmem>>, vector<1x16xf32>,
    %swap3A_1085 = arith.constant 90 : i32
    %swap3A_1086 = arith.index_cast %swap3A_1085 : i32 to index
    %swap3A_1087 = arith.constant 0 : index
    %swap3A_1088 = tpu.vector_load %arg5[%swap3A_1086, %swap3A_1087] {strides = array<i32>} : memref<128x16xf32, #tpu.memory_space<vmem>>, vector<1x16xf32>,
    %swap3A_1089 = vector.shape_cast %swap3A_1088 : vector<1x16xf32> to vector<16xf32>
    %swap3A_1090 = vector.shape_cast %select_n3A : vector<16xf32> to vector<1x16xf32>
    tpu.vector_store %arg5[%swap3A_1086, %swap3A_1087], %swap3A_1090 {strides = array<i32>} : memref<128x16xf32, #tpu.memory_space<vmem>>, vector<1x16xf32>,
    %swap3A_1091 = arith.constant 90 : i32
    %swap3A_1092 = arith.index_cast %swap3A_1091 : i32 to index
    %swap3A_1093 = arith.constant 0 : index
    %swap3A_1094 = tpu.vector_load %arg6[%swap3A_1092, %swap3A_1093] {strides = array<i32>} : memref<128x16xf32, #tpu.memory_space<vmem>>, vector<1x16xf32>,
    %swap3A_1095 = vector.shape_cast %swap3A_1094 : vector<1x16xf32> to vector<16xf32>
    %swap3A_1096 = vector.shape_cast %broadcast_in_dim3A_5 : vector<16xf32> to vector<1x16xf32>
    tpu.vector_store %arg6[%swap3A_1092, %swap3A_1093], %swap3A_1096 {strides = array<i32>} : memref<128x16xf32, #tpu.memory_space<vmem>>, vector<1x16xf32>,
    %swap3A_1097 = arith.constant 91 : i32
    %swap3A_1098 = arith.index_cast %swap3A_1097 : i32 to index
    %swap3A_1099 = arith.constant 0 : index
    %swap3A_1100 = tpu.vector_load %arg5[%swap3A_1098, %swap3A_1099] {strides = array<i32>} : memref<128x16xf32, #tpu.memory_space<vmem>>, vector<1x16xf32>,
    %swap3A_1101 = vector.shape_cast %swap3A_1100 : vector<1x16xf32> to vector<16xf32>
    %swap3A_1102 = vector.shape_cast %select_n3A : vector<16xf32> to vector<1x16xf32>
    tpu.vector_store %arg5[%swap3A_1098, %swap3A_1099], %swap3A_1102 {strides = array<i32>} : memref<128x16xf32, #tpu.memory_space<vmem>>, vector<1x16xf32>,
    %swap3A_1103 = arith.constant 91 : i32
    %swap3A_1104 = arith.index_cast %swap3A_1103 : i32 to index
    %swap3A_1105 = arith.constant 0 : index
    %swap3A_1106 = tpu.vector_load %arg6[%swap3A_1104, %swap3A_1105] {strides = array<i32>} : memref<128x16xf32, #tpu.memory_space<vmem>>, vector<1x16xf32>,
    %swap3A_1107 = vector.shape_cast %swap3A_1106 : vector<1x16xf32> to vector<16xf32>
    %swap3A_1108 = vector.shape_cast %broadcast_in_dim3A_5 : vector<16xf32> to vector<1x16xf32>
    tpu.vector_store %arg6[%swap3A_1104, %swap3A_1105], %swap3A_1108 {strides = array<i32>} : memref<128x16xf32, #tpu.memory_space<vmem>>, vector<1x16xf32>,
    %swap3A_1109 = arith.constant 92 : i32
    %swap3A_1110 = arith.index_cast %swap3A_1109 : i32 to index
    %swap3A_1111 = arith.constant 0 : index
    %swap3A_1112 = tpu.vector_load %arg5[%swap3A_1110, %swap3A_1111] {strides = array<i32>} : memref<128x16xf32, #tpu.memory_space<vmem>>, vector<1x16xf32>,
    %swap3A_1113 = vector.shape_cast %swap3A_1112 : vector<1x16xf32> to vector<16xf32>
    %swap3A_1114 = vector.shape_cast %select_n3A : vector<16xf32> to vector<1x16xf32>
    tpu.vector_store %arg5[%swap3A_1110, %swap3A_1111], %swap3A_1114 {strides = array<i32>} : memref<128x16xf32, #tpu.memory_space<vmem>>, vector<1x16xf32>,
    %swap3A_1115 = arith.constant 92 : i32
    %swap3A_1116 = arith.index_cast %swap3A_1115 : i32 to index
    %swap3A_1117 = arith.constant 0 : index
    %swap3A_1118 = tpu.vector_load %arg6[%swap3A_1116, %swap3A_1117] {strides = array<i32>} : memref<128x16xf32, #tpu.memory_space<vmem>>, vector<1x16xf32>,
    %swap3A_1119 = vector.shape_cast %swap3A_1118 : vector<1x16xf32> to vector<16xf32>
    %swap3A_1120 = vector.shape_cast %broadcast_in_dim3A_5 : vector<16xf32> to vector<1x16xf32>
    tpu.vector_store %arg6[%swap3A_1116, %swap3A_1117], %swap3A_1120 {strides = array<i32>} : memref<128x16xf32, #tpu.memory_space<vmem>>, vector<1x16xf32>,
    %swap3A_1121 = arith.constant 93 : i32
    %swap3A_1122 = arith.index_cast %swap3A_1121 : i32 to index
    %swap3A_1123 = arith.constant 0 : index
    %swap3A_1124 = tpu.vector_load %arg5[%swap3A_1122, %swap3A_1123] {strides = array<i32>} : memref<128x16xf32, #tpu.memory_space<vmem>>, vector<1x16xf32>,
    %swap3A_1125 = vector.shape_cast %swap3A_1124 : vector<1x16xf32> to vector<16xf32>
    %swap3A_1126 = vector.shape_cast %select_n3A : vector<16xf32> to vector<1x16xf32>
    tpu.vector_store %arg5[%swap3A_1122, %swap3A_1123], %swap3A_1126 {strides = array<i32>} : memref<128x16xf32, #tpu.memory_space<vmem>>, vector<1x16xf32>,
    %swap3A_1127 = arith.constant 93 : i32
    %swap3A_1128 = arith.index_cast %swap3A_1127 : i32 to index
    %swap3A_1129 = arith.constant 0 : index
    %swap3A_1130 = tpu.vector_load %arg6[%swap3A_1128, %swap3A_1129] {strides = array<i32>} : memref<128x16xf32, #tpu.memory_space<vmem>>, vector<1x16xf32>,
    %swap3A_1131 = vector.shape_cast %swap3A_1130 : vector<1x16xf32> to vector<16xf32>
    %swap3A_1132 = vector.shape_cast %broadcast_in_dim3A_5 : vector<16xf32> to vector<1x16xf32>
    tpu.vector_store %arg6[%swap3A_1128, %swap3A_1129], %swap3A_1132 {strides = array<i32>} : memref<128x16xf32, #tpu.memory_space<vmem>>, vector<1x16xf32>,
    %swap3A_1133 = arith.constant 94 : i32
    %swap3A_1134 = arith.index_cast %swap3A_1133 : i32 to index
    %swap3A_1135 = arith.constant 0 : index
    %swap3A_1136 = tpu.vector_load %arg5[%swap3A_1134, %swap3A_1135] {strides = array<i32>} : memref<128x16xf32, #tpu.memory_space<vmem>>, vector<1x16xf32>,
    %swap3A_1137 = vector.shape_cast %swap3A_1136 : vector<1x16xf32> to vector<16xf32>
    %swap3A_1138 = vector.shape_cast %select_n3A : vector<16xf32> to vector<1x16xf32>
    tpu.vector_store %arg5[%swap3A_1134, %swap3A_1135], %swap3A_1138 {strides = array<i32>} : memref<128x16xf32, #tpu.memory_space<vmem>>, vector<1x16xf32>,
    %swap3A_1139 = arith.constant 94 : i32
    %swap3A_1140 = arith.index_cast %swap3A_1139 : i32 to index
    %swap3A_1141 = arith.constant 0 : index
    %swap3A_1142 = tpu.vector_load %arg6[%swap3A_1140, %swap3A_1141] {strides = array<i32>} : memref<128x16xf32, #tpu.memory_space<vmem>>, vector<1x16xf32>,
    %swap3A_1143 = vector.shape_cast %swap3A_1142 : vector<1x16xf32> to vector<16xf32>
    %swap3A_1144 = vector.shape_cast %broadcast_in_dim3A_5 : vector<16xf32> to vector<1x16xf32>
    tpu.vector_store %arg6[%swap3A_1140, %swap3A_1141], %swap3A_1144 {strides = array<i32>} : memref<128x16xf32, #tpu.memory_space<vmem>>, vector<1x16xf32>,
    %swap3A_1145 = arith.constant 95 : i32
    %swap3A_1146 = arith.index_cast %swap3A_1145 : i32 to index
    %swap3A_1147 = arith.constant 0 : index
    %swap3A_1148 = tpu.vector_load %arg5[%swap3A_1146, %swap3A_1147] {strides = array<i32>} : memref<128x16xf32, #tpu.memory_space<vmem>>, vector<1x16xf32>,
    %swap3A_1149 = vector.shape_cast %swap3A_1148 : vector<1x16xf32> to vector<16xf32>
    %swap3A_1150 = vector.shape_cast %select_n3A : vector<16xf32> to vector<1x16xf32>
    tpu.vector_store %arg5[%swap3A_1146, %swap3A_1147], %swap3A_1150 {strides = array<i32>} : memref<128x16xf32, #tpu.memory_space<vmem>>, vector<1x16xf32>,
    %swap3A_1151 = arith.constant 95 : i32
    %swap3A_1152 = arith.index_cast %swap3A_1151 : i32 to index
    %swap3A_1153 = arith.constant 0 : index
    %swap3A_1154 = tpu.vector_load %arg6[%swap3A_1152, %swap3A_1153] {strides = array<i32>} : memref<128x16xf32, #tpu.memory_space<vmem>>, vector<1x16xf32>,
    %swap3A_1155 = vector.shape_cast %swap3A_1154 : vector<1x16xf32> to vector<16xf32>
    %swap3A_1156 = vector.shape_cast %broadcast_in_dim3A_5 : vector<16xf32> to vector<1x16xf32>
    tpu.vector_store %arg6[%swap3A_1152, %swap3A_1153], %swap3A_1156 {strides = array<i32>} : memref<128x16xf32, #tpu.memory_space<vmem>>, vector<1x16xf32>,
    %swap3A_1157 = arith.constant 96 : i32
    %swap3A_1158 = arith.index_cast %swap3A_1157 : i32 to index
    %swap3A_1159 = arith.constant 0 : index
    %swap3A_1160 = tpu.vector_load %arg5[%swap3A_1158, %swap3A_1159] {strides = array<i32>} : memref<128x16xf32, #tpu.memory_space<vmem>>, vector<1x16xf32>,
    %swap3A_1161 = vector.shape_cast %swap3A_1160 : vector<1x16xf32> to vector<16xf32>
    %swap3A_1162 = vector.shape_cast %select_n3A : vector<16xf32> to vector<1x16xf32>
    tpu.vector_store %arg5[%swap3A_1158, %swap3A_1159], %swap3A_1162 {strides = array<i32>} : memref<128x16xf32, #tpu.memory_space<vmem>>, vector<1x16xf32>,
    %swap3A_1163 = arith.constant 96 : i32
    %swap3A_1164 = arith.index_cast %swap3A_1163 : i32 to index
    %swap3A_1165 = arith.constant 0 : index
    %swap3A_1166 = tpu.vector_load %arg6[%swap3A_1164, %swap3A_1165] {strides = array<i32>} : memref<128x16xf32, #tpu.memory_space<vmem>>, vector<1x16xf32>,
    %swap3A_1167 = vector.shape_cast %swap3A_1166 : vector<1x16xf32> to vector<16xf32>
    %swap3A_1168 = vector.shape_cast %broadcast_in_dim3A_5 : vector<16xf32> to vector<1x16xf32>
    tpu.vector_store %arg6[%swap3A_1164, %swap3A_1165], %swap3A_1168 {strides = array<i32>} : memref<128x16xf32, #tpu.memory_space<vmem>>, vector<1x16xf32>,
    %swap3A_1169 = arith.constant 97 : i32
    %swap3A_1170 = arith.index_cast %swap3A_1169 : i32 to index
    %swap3A_1171 = arith.constant 0 : index
    %swap3A_1172 = tpu.vector_load %arg5[%swap3A_1170, %swap3A_1171] {strides = array<i32>} : memref<128x16xf32, #tpu.memory_space<vmem>>, vector<1x16xf32>,
    %swap3A_1173 = vector.shape_cast %swap3A_1172 : vector<1x16xf32> to vector<16xf32>
    %swap3A_1174 = vector.shape_cast %select_n3A : vector<16xf32> to vector<1x16xf32>
    tpu.vector_store %arg5[%swap3A_1170, %swap3A_1171], %swap3A_1174 {strides = array<i32>} : memref<128x16xf32, #tpu.memory_space<vmem>>, vector<1x16xf32>,
    %swap3A_1175 = arith.constant 97 : i32
    %swap3A_1176 = arith.index_cast %swap3A_1175 : i32 to index
    %swap3A_1177 = arith.constant 0 : index
    %swap3A_1178 = tpu.vector_load %arg6[%swap3A_1176, %swap3A_1177] {strides = array<i32>} : memref<128x16xf32, #tpu.memory_space<vmem>>, vector<1x16xf32>,
    %swap3A_1179 = vector.shape_cast %swap3A_1178 : vector<1x16xf32> to vector<16xf32>
    %swap3A_1180 = vector.shape_cast %broadcast_in_dim3A_5 : vector<16xf32> to vector<1x16xf32>
    tpu.vector_store %arg6[%swap3A_1176, %swap3A_1177], %swap3A_1180 {strides = array<i32>} : memref<128x16xf32, #tpu.memory_space<vmem>>, vector<1x16xf32>,
    %swap3A_1181 = arith.constant 98 : i32
    %swap3A_1182 = arith.index_cast %swap3A_1181 : i32 to index
    %swap3A_1183 = arith.constant 0 : index
    %swap3A_1184 = tpu.vector_load %arg5[%swap3A_1182, %swap3A_1183] {strides = array<i32>} : memref<128x16xf32, #tpu.memory_space<vmem>>, vector<1x16xf32>,
    %swap3A_1185 = vector.shape_cast %swap3A_1184 : vector<1x16xf32> to vector<16xf32>
    %swap3A_1186 = vector.shape_cast %select_n3A : vector<16xf32> to vector<1x16xf32>
    tpu.vector_store %arg5[%swap3A_1182, %swap3A_1183], %swap3A_1186 {strides = array<i32>} : memref<128x16xf32, #tpu.memory_space<vmem>>, vector<1x16xf32>,
    %swap3A_1187 = arith.constant 98 : i32
    %swap3A_1188 = arith.index_cast %swap3A_1187 : i32 to index
    %swap3A_1189 = arith.constant 0 : index
    %swap3A_1190 = tpu.vector_load %arg6[%swap3A_1188, %swap3A_1189] {strides = array<i32>} : memref<128x16xf32, #tpu.memory_space<vmem>>, vector<1x16xf32>,
    %swap3A_1191 = vector.shape_cast %swap3A_1190 : vector<1x16xf32> to vector<16xf32>
    %swap3A_1192 = vector.shape_cast %broadcast_in_dim3A_5 : vector<16xf32> to vector<1x16xf32>
    tpu.vector_store %arg6[%swap3A_1188, %swap3A_1189], %swap3A_1192 {strides = array<i32>} : memref<128x16xf32, #tpu.memory_space<vmem>>, vector<1x16xf32>,
    %swap3A_1193 = arith.constant 99 : i32
    %swap3A_1194 = arith.index_cast %swap3A_1193 : i32 to index
    %swap3A_1195 = arith.constant 0 : index
    %swap3A_1196 = tpu.vector_load %arg5[%swap3A_1194, %swap3A_1195] {strides = array<i32>} : memref<128x16xf32, #tpu.memory_space<vmem>>, vector<1x16xf32>,
    %swap3A_1197 = vector.shape_cast %swap3A_1196 : vector<1x16xf32> to vector<16xf32>
    %swap3A_1198 = vector.shape_cast %select_n3A : vector<16xf32> to vector<1x16xf32>
    tpu.vector_store %arg5[%swap3A_1194, %swap3A_1195], %swap3A_1198 {strides = array<i32>} : memref<128x16xf32, #tpu.memory_space<vmem>>, vector<1x16xf32>,
    %swap3A_1199 = arith.constant 99 : i32
    %swap3A_1200 = arith.index_cast %swap3A_1199 : i32 to index
    %swap3A_1201 = arith.constant 0 : index
    %swap3A_1202 = tpu.vector_load %arg6[%swap3A_1200, %swap3A_1201] {strides = array<i32>} : memref<128x16xf32, #tpu.memory_space<vmem>>, vector<1x16xf32>,
    %swap3A_1203 = vector.shape_cast %swap3A_1202 : vector<1x16xf32> to vector<16xf32>
    %swap3A_1204 = vector.shape_cast %broadcast_in_dim3A_5 : vector<16xf32> to vector<1x16xf32>
    tpu.vector_store %arg6[%swap3A_1200, %swap3A_1201], %swap3A_1204 {strides = array<i32>} : memref<128x16xf32, #tpu.memory_space<vmem>>, vector<1x16xf32>,
    %swap3A_1205 = arith.constant 100 : i32
    %swap3A_1206 = arith.index_cast %swap3A_1205 : i32 to index
    %swap3A_1207 = arith.constant 0 : index
    %swap3A_1208 = tpu.vector_load %arg5[%swap3A_1206, %swap3A_1207] {strides = array<i32>} : memref<128x16xf32, #tpu.memory_space<vmem>>, vector<1x16xf32>,
    %swap3A_1209 = vector.shape_cast %swap3A_1208 : vector<1x16xf32> to vector<16xf32>
    %swap3A_1210 = vector.shape_cast %select_n3A : vector<16xf32> to vector<1x16xf32>
    tpu.vector_store %arg5[%swap3A_1206, %swap3A_1207], %swap3A_1210 {strides = array<i32>} : memref<128x16xf32, #tpu.memory_space<vmem>>, vector<1x16xf32>,
    %swap3A_1211 = arith.constant 100 : i32
    %swap3A_1212 = arith.index_cast %swap3A_1211 : i32 to index
    %swap3A_1213 = arith.constant 0 : index
    %swap3A_1214 = tpu.vector_load %arg6[%swap3A_1212, %swap3A_1213] {strides = array<i32>} : memref<128x16xf32, #tpu.memory_space<vmem>>, vector<1x16xf32>,
    %swap3A_1215 = vector.shape_cast %swap3A_1214 : vector<1x16xf32> to vector<16xf32>
    %swap3A_1216 = vector.shape_cast %broadcast_in_dim3A_5 : vector<16xf32> to vector<1x16xf32>
    tpu.vector_store %arg6[%swap3A_1212, %swap3A_1213], %swap3A_1216 {strides = array<i32>} : memref<128x16xf32, #tpu.memory_space<vmem>>, vector<1x16xf32>,
    %swap3A_1217 = arith.constant 101 : i32
    %swap3A_1218 = arith.index_cast %swap3A_1217 : i32 to index
    %swap3A_1219 = arith.constant 0 : index
    %swap3A_1220 = tpu.vector_load %arg5[%swap3A_1218, %swap3A_1219] {strides = array<i32>} : memref<128x16xf32, #tpu.memory_space<vmem>>, vector<1x16xf32>,
    %swap3A_1221 = vector.shape_cast %swap3A_1220 : vector<1x16xf32> to vector<16xf32>
    %swap3A_1222 = vector.shape_cast %select_n3A : vector<16xf32> to vector<1x16xf32>
    tpu.vector_store %arg5[%swap3A_1218, %swap3A_1219], %swap3A_1222 {strides = array<i32>} : memref<128x16xf32, #tpu.memory_space<vmem>>, vector<1x16xf32>,
    %swap3A_1223 = arith.constant 101 : i32
    %swap3A_1224 = arith.index_cast %swap3A_1223 : i32 to index
    %swap3A_1225 = arith.constant 0 : index
    %swap3A_1226 = tpu.vector_load %arg6[%swap3A_1224, %swap3A_1225] {strides = array<i32>} : memref<128x16xf32, #tpu.memory_space<vmem>>, vector<1x16xf32>,
    %swap3A_1227 = vector.shape_cast %swap3A_1226 : vector<1x16xf32> to vector<16xf32>
    %swap3A_1228 = vector.shape_cast %broadcast_in_dim3A_5 : vector<16xf32> to vector<1x16xf32>
    tpu.vector_store %arg6[%swap3A_1224, %swap3A_1225], %swap3A_1228 {strides = array<i32>} : memref<128x16xf32, #tpu.memory_space<vmem>>, vector<1x16xf32>,
    %swap3A_1229 = arith.constant 102 : i32
    %swap3A_1230 = arith.index_cast %swap3A_1229 : i32 to index
    %swap3A_1231 = arith.constant 0 : index
    %swap3A_1232 = tpu.vector_load %arg5[%swap3A_1230, %swap3A_1231] {strides = array<i32>} : memref<128x16xf32, #tpu.memory_space<vmem>>, vector<1x16xf32>,
    %swap3A_1233 = vector.shape_cast %swap3A_1232 : vector<1x16xf32> to vector<16xf32>
    %swap3A_1234 = vector.shape_cast %select_n3A : vector<16xf32> to vector<1x16xf32>
    tpu.vector_store %arg5[%swap3A_1230, %swap3A_1231], %swap3A_1234 {strides = array<i32>} : memref<128x16xf32, #tpu.memory_space<vmem>>, vector<1x16xf32>,
    %swap3A_1235 = arith.constant 102 : i32
    %swap3A_1236 = arith.index_cast %swap3A_1235 : i32 to index
    %swap3A_1237 = arith.constant 0 : index
    %swap3A_1238 = tpu.vector_load %arg6[%swap3A_1236, %swap3A_1237] {strides = array<i32>} : memref<128x16xf32, #tpu.memory_space<vmem>>, vector<1x16xf32>,
    %swap3A_1239 = vector.shape_cast %swap3A_1238 : vector<1x16xf32> to vector<16xf32>
    %swap3A_1240 = vector.shape_cast %broadcast_in_dim3A_5 : vector<16xf32> to vector<1x16xf32>
    tpu.vector_store %arg6[%swap3A_1236, %swap3A_1237], %swap3A_1240 {strides = array<i32>} : memref<128x16xf32, #tpu.memory_space<vmem>>, vector<1x16xf32>,
    %swap3A_1241 = arith.constant 103 : i32
    %swap3A_1242 = arith.index_cast %swap3A_1241 : i32 to index
    %swap3A_1243 = arith.constant 0 : index
    %swap3A_1244 = tpu.vector_load %arg5[%swap3A_1242, %swap3A_1243] {strides = array<i32>} : memref<128x16xf32, #tpu.memory_space<vmem>>, vector<1x16xf32>,
    %swap3A_1245 = vector.shape_cast %swap3A_1244 : vector<1x16xf32> to vector<16xf32>
    %swap3A_1246 = vector.shape_cast %select_n3A : vector<16xf32> to vector<1x16xf32>
    tpu.vector_store %arg5[%swap3A_1242, %swap3A_1243], %swap3A_1246 {strides = array<i32>} : memref<128x16xf32, #tpu.memory_space<vmem>>, vector<1x16xf32>,
    %swap3A_1247 = arith.constant 103 : i32
    %swap3A_1248 = arith.index_cast %swap3A_1247 : i32 to index
    %swap3A_1249 = arith.constant 0 : index
    %swap3A_1250 = tpu.vector_load %arg6[%swap3A_1248, %swap3A_1249] {strides = array<i32>} : memref<128x16xf32, #tpu.memory_space<vmem>>, vector<1x16xf32>,
    %swap3A_1251 = vector.shape_cast %swap3A_1250 : vector<1x16xf32> to vector<16xf32>
    %swap3A_1252 = vector.shape_cast %broadcast_in_dim3A_5 : vector<16xf32> to vector<1x16xf32>
    tpu.vector_store %arg6[%swap3A_1248, %swap3A_1249], %swap3A_1252 {strides = array<i32>} : memref<128x16xf32, #tpu.memory_space<vmem>>, vector<1x16xf32>,
    %swap3A_1253 = arith.constant 104 : i32
    %swap3A_1254 = arith.index_cast %swap3A_1253 : i32 to index
    %swap3A_1255 = arith.constant 0 : index
    %swap3A_1256 = tpu.vector_load %arg5[%swap3A_1254, %swap3A_1255] {strides = array<i32>} : memref<128x16xf32, #tpu.memory_space<vmem>>, vector<1x16xf32>,
    %swap3A_1257 = vector.shape_cast %swap3A_1256 : vector<1x16xf32> to vector<16xf32>
    %swap3A_1258 = vector.shape_cast %select_n3A : vector<16xf32> to vector<1x16xf32>
    tpu.vector_store %arg5[%swap3A_1254, %swap3A_1255], %swap3A_1258 {strides = array<i32>} : memref<128x16xf32, #tpu.memory_space<vmem>>, vector<1x16xf32>,
    %swap3A_1259 = arith.constant 104 : i32
    %swap3A_1260 = arith.index_cast %swap3A_1259 : i32 to index
    %swap3A_1261 = arith.constant 0 : index
    %swap3A_1262 = tpu.vector_load %arg6[%swap3A_1260, %swap3A_1261] {strides = array<i32>} : memref<128x16xf32, #tpu.memory_space<vmem>>, vector<1x16xf32>,
    %swap3A_1263 = vector.shape_cast %swap3A_1262 : vector<1x16xf32> to vector<16xf32>
    %swap3A_1264 = vector.shape_cast %broadcast_in_dim3A_5 : vector<16xf32> to vector<1x16xf32>
    tpu.vector_store %arg6[%swap3A_1260, %swap3A_1261], %swap3A_1264 {strides = array<i32>} : memref<128x16xf32, #tpu.memory_space<vmem>>, vector<1x16xf32>,
    %swap3A_1265 = arith.constant 105 : i32
    %swap3A_1266 = arith.index_cast %swap3A_1265 : i32 to index
    %swap3A_1267 = arith.constant 0 : index
    %swap3A_1268 = tpu.vector_load %arg5[%swap3A_1266, %swap3A_1267] {strides = array<i32>} : memref<128x16xf32, #tpu.memory_space<vmem>>, vector<1x16xf32>,
    %swap3A_1269 = vector.shape_cast %swap3A_1268 : vector<1x16xf32> to vector<16xf32>
    %swap3A_1270 = vector.shape_cast %select_n3A : vector<16xf32> to vector<1x16xf32>
    tpu.vector_store %arg5[%swap3A_1266, %swap3A_1267], %swap3A_1270 {strides = array<i32>} : memref<128x16xf32, #tpu.memory_space<vmem>>, vector<1x16xf32>,
    %swap3A_1271 = arith.constant 105 : i32
    %swap3A_1272 = arith.index_cast %swap3A_1271 : i32 to index
    %swap3A_1273 = arith.constant 0 : index
    %swap3A_1274 = tpu.vector_load %arg6[%swap3A_1272, %swap3A_1273] {strides = array<i32>} : memref<128x16xf32, #tpu.memory_space<vmem>>, vector<1x16xf32>,
    %swap3A_1275 = vector.shape_cast %swap3A_1274 : vector<1x16xf32> to vector<16xf32>
    %swap3A_1276 = vector.shape_cast %broadcast_in_dim3A_5 : vector<16xf32> to vector<1x16xf32>
    tpu.vector_store %arg6[%swap3A_1272, %swap3A_1273], %swap3A_1276 {strides = array<i32>} : memref<128x16xf32, #tpu.memory_space<vmem>>, vector<1x16xf32>,
    %swap3A_1277 = arith.constant 106 : i32
    %swap3A_1278 = arith.index_cast %swap3A_1277 : i32 to index
    %swap3A_1279 = arith.constant 0 : index
    %swap3A_1280 = tpu.vector_load %arg5[%swap3A_1278, %swap3A_1279] {strides = array<i32>} : memref<128x16xf32, #tpu.memory_space<vmem>>, vector<1x16xf32>,
    %swap3A_1281 = vector.shape_cast %swap3A_1280 : vector<1x16xf32> to vector<16xf32>
    %swap3A_1282 = vector.shape_cast %select_n3A : vector<16xf32> to vector<1x16xf32>
    tpu.vector_store %arg5[%swap3A_1278, %swap3A_1279], %swap3A_1282 {strides = array<i32>} : memref<128x16xf32, #tpu.memory_space<vmem>>, vector<1x16xf32>,
    %swap3A_1283 = arith.constant 106 : i32
    %swap3A_1284 = arith.index_cast %swap3A_1283 : i32 to index
    %swap3A_1285 = arith.constant 0 : index
    %swap3A_1286 = tpu.vector_load %arg6[%swap3A_1284, %swap3A_1285] {strides = array<i32>} : memref<128x16xf32, #tpu.memory_space<vmem>>, vector<1x16xf32>,
    %swap3A_1287 = vector.shape_cast %swap3A_1286 : vector<1x16xf32> to vector<16xf32>
    %swap3A_1288 = vector.shape_cast %broadcast_in_dim3A_5 : vector<16xf32> to vector<1x16xf32>
    tpu.vector_store %arg6[%swap3A_1284, %swap3A_1285], %swap3A_1288 {strides = array<i32>} : memref<128x16xf32, #tpu.memory_space<vmem>>, vector<1x16xf32>,
    %swap3A_1289 = arith.constant 107 : i32
    %swap3A_1290 = arith.index_cast %swap3A_1289 : i32 to index
    %swap3A_1291 = arith.constant 0 : index
    %swap3A_1292 = tpu.vector_load %arg5[%swap3A_1290, %swap3A_1291] {strides = array<i32>} : memref<128x16xf32, #tpu.memory_space<vmem>>, vector<1x16xf32>,
    %swap3A_1293 = vector.shape_cast %swap3A_1292 : vector<1x16xf32> to vector<16xf32>
    %swap3A_1294 = vector.shape_cast %select_n3A : vector<16xf32> to vector<1x16xf32>
    tpu.vector_store %arg5[%swap3A_1290, %swap3A_1291], %swap3A_1294 {strides = array<i32>} : memref<128x16xf32, #tpu.memory_space<vmem>>, vector<1x16xf32>,
    %swap3A_1295 = arith.constant 107 : i32
    %swap3A_1296 = arith.index_cast %swap3A_1295 : i32 to index
    %swap3A_1297 = arith.constant 0 : index
    %swap3A_1298 = tpu.vector_load %arg6[%swap3A_1296, %swap3A_1297] {strides = array<i32>} : memref<128x16xf32, #tpu.memory_space<vmem>>, vector<1x16xf32>,
    %swap3A_1299 = vector.shape_cast %swap3A_1298 : vector<1x16xf32> to vector<16xf32>
    %swap3A_1300 = vector.shape_cast %broadcast_in_dim3A_5 : vector<16xf32> to vector<1x16xf32>
    tpu.vector_store %arg6[%swap3A_1296, %swap3A_1297], %swap3A_1300 {strides = array<i32>} : memref<128x16xf32, #tpu.memory_space<vmem>>, vector<1x16xf32>,
    %swap3A_1301 = arith.constant 108 : i32
    %swap3A_1302 = arith.index_cast %swap3A_1301 : i32 to index
    %swap3A_1303 = arith.constant 0 : index
    %swap3A_1304 = tpu.vector_load %arg5[%swap3A_1302, %swap3A_1303] {strides = array<i32>} : memref<128x16xf32, #tpu.memory_space<vmem>>, vector<1x16xf32>,
    %swap3A_1305 = vector.shape_cast %swap3A_1304 : vector<1x16xf32> to vector<16xf32>
    %swap3A_1306 = vector.shape_cast %select_n3A : vector<16xf32> to vector<1x16xf32>
    tpu.vector_store %arg5[%swap3A_1302, %swap3A_1303], %swap3A_1306 {strides = array<i32>} : memref<128x16xf32, #tpu.memory_space<vmem>>, vector<1x16xf32>,
    %swap3A_1307 = arith.constant 108 : i32
    %swap3A_1308 = arith.index_cast %swap3A_1307 : i32 to index
    %swap3A_1309 = arith.constant 0 : index
    %swap3A_1310 = tpu.vector_load %arg6[%swap3A_1308, %swap3A_1309] {strides = array<i32>} : memref<128x16xf32, #tpu.memory_space<vmem>>, vector<1x16xf32>,
    %swap3A_1311 = vector.shape_cast %swap3A_1310 : vector<1x16xf32> to vector<16xf32>
    %swap3A_1312 = vector.shape_cast %broadcast_in_dim3A_5 : vector<16xf32> to vector<1x16xf32>
    tpu.vector_store %arg6[%swap3A_1308, %swap3A_1309], %swap3A_1312 {strides = array<i32>} : memref<128x16xf32, #tpu.memory_space<vmem>>, vector<1x16xf32>,
    %swap3A_1313 = arith.constant 109 : i32
    %swap3A_1314 = arith.index_cast %swap3A_1313 : i32 to index
    %swap3A_1315 = arith.constant 0 : index
    %swap3A_1316 = tpu.vector_load %arg5[%swap3A_1314, %swap3A_1315] {strides = array<i32>} : memref<128x16xf32, #tpu.memory_space<vmem>>, vector<1x16xf32>,
    %swap3A_1317 = vector.shape_cast %swap3A_1316 : vector<1x16xf32> to vector<16xf32>
    %swap3A_1318 = vector.shape_cast %select_n3A : vector<16xf32> to vector<1x16xf32>
    tpu.vector_store %arg5[%swap3A_1314, %swap3A_1315], %swap3A_1318 {strides = array<i32>} : memref<128x16xf32, #tpu.memory_space<vmem>>, vector<1x16xf32>,
    %swap3A_1319 = arith.constant 109 : i32
    %swap3A_1320 = arith.index_cast %swap3A_1319 : i32 to index
    %swap3A_1321 = arith.constant 0 : index
    %swap3A_1322 = tpu.vector_load %arg6[%swap3A_1320, %swap3A_1321] {strides = array<i32>} : memref<128x16xf32, #tpu.memory_space<vmem>>, vector<1x16xf32>,
    %swap3A_1323 = vector.shape_cast %swap3A_1322 : vector<1x16xf32> to vector<16xf32>
    %swap3A_1324 = vector.shape_cast %broadcast_in_dim3A_5 : vector<16xf32> to vector<1x16xf32>
    tpu.vector_store %arg6[%swap3A_1320, %swap3A_1321], %swap3A_1324 {strides = array<i32>} : memref<128x16xf32, #tpu.memory_space<vmem>>, vector<1x16xf32>,
    %swap3A_1325 = arith.constant 110 : i32
    %swap3A_1326 = arith.index_cast %swap3A_1325 : i32 to index
    %swap3A_1327 = arith.constant 0 : index
    %swap3A_1328 = tpu.vector_load %arg5[%swap3A_1326, %swap3A_1327] {strides = array<i32>} : memref<128x16xf32, #tpu.memory_space<vmem>>, vector<1x16xf32>,
    %swap3A_1329 = vector.shape_cast %swap3A_1328 : vector<1x16xf32> to vector<16xf32>
    %swap3A_1330 = vector.shape_cast %select_n3A : vector<16xf32> to vector<1x16xf32>
    tpu.vector_store %arg5[%swap3A_1326, %swap3A_1327], %swap3A_1330 {strides = array<i32>} : memref<128x16xf32, #tpu.memory_space<vmem>>, vector<1x16xf32>,
    %swap3A_1331 = arith.constant 110 : i32
    %swap3A_1332 = arith.index_cast %swap3A_1331 : i32 to index
    %swap3A_1333 = arith.constant 0 : index
    %swap3A_1334 = tpu.vector_load %arg6[%swap3A_1332, %swap3A_1333] {strides = array<i32>} : memref<128x16xf32, #tpu.memory_space<vmem>>, vector<1x16xf32>,
    %swap3A_1335 = vector.shape_cast %swap3A_1334 : vector<1x16xf32> to vector<16xf32>
    %swap3A_1336 = vector.shape_cast %broadcast_in_dim3A_5 : vector<16xf32> to vector<1x16xf32>
    tpu.vector_store %arg6[%swap3A_1332, %swap3A_1333], %swap3A_1336 {strides = array<i32>} : memref<128x16xf32, #tpu.memory_space<vmem>>, vector<1x16xf32>,
    %swap3A_1337 = arith.constant 111 : i32
    %swap3A_1338 = arith.index_cast %swap3A_1337 : i32 to index
    %swap3A_1339 = arith.constant 0 : index
    %swap3A_1340 = tpu.vector_load %arg5[%swap3A_1338, %swap3A_1339] {strides = array<i32>} : memref<128x16xf32, #tpu.memory_space<vmem>>, vector<1x16xf32>,
    %swap3A_1341 = vector.shape_cast %swap3A_1340 : vector<1x16xf32> to vector<16xf32>
    %swap3A_1342 = vector.shape_cast %select_n3A : vector<16xf32> to vector<1x16xf32>
    tpu.vector_store %arg5[%swap3A_1338, %swap3A_1339], %swap3A_1342 {strides = array<i32>} : memref<128x16xf32, #tpu.memory_space<vmem>>, vector<1x16xf32>,
    %swap3A_1343 = arith.constant 111 : i32
    %swap3A_1344 = arith.index_cast %swap3A_1343 : i32 to index
    %swap3A_1345 = arith.constant 0 : index
    %swap3A_1346 = tpu.vector_load %arg6[%swap3A_1344, %swap3A_1345] {strides = array<i32>} : memref<128x16xf32, #tpu.memory_space<vmem>>, vector<1x16xf32>,
    %swap3A_1347 = vector.shape_cast %swap3A_1346 : vector<1x16xf32> to vector<16xf32>
    %swap3A_1348 = vector.shape_cast %broadcast_in_dim3A_5 : vector<16xf32> to vector<1x16xf32>
    tpu.vector_store %arg6[%swap3A_1344, %swap3A_1345], %swap3A_1348 {strides = array<i32>} : memref<128x16xf32, #tpu.memory_space<vmem>>, vector<1x16xf32>,
    %swap3A_1349 = arith.constant 112 : i32
    %swap3A_1350 = arith.index_cast %swap3A_1349 : i32 to index
    %swap3A_1351 = arith.constant 0 : index
    %swap3A_1352 = tpu.vector_load %arg5[%swap3A_1350, %swap3A_1351] {strides = array<i32>} : memref<128x16xf32, #tpu.memory_space<vmem>>, vector<1x16xf32>,
    %swap3A_1353 = vector.shape_cast %swap3A_1352 : vector<1x16xf32> to vector<16xf32>
    %swap3A_1354 = vector.shape_cast %select_n3A : vector<16xf32> to vector<1x16xf32>
    tpu.vector_store %arg5[%swap3A_1350, %swap3A_1351], %swap3A_1354 {strides = array<i32>} : memref<128x16xf32, #tpu.memory_space<vmem>>, vector<1x16xf32>,
    %swap3A_1355 = arith.constant 112 : i32
    %swap3A_1356 = arith.index_cast %swap3A_1355 : i32 to index
    %swap3A_1357 = arith.constant 0 : index
    %swap3A_1358 = tpu.vector_load %arg6[%swap3A_1356, %swap3A_1357] {strides = array<i32>} : memref<128x16xf32, #tpu.memory_space<vmem>>, vector<1x16xf32>,
    %swap3A_1359 = vector.shape_cast %swap3A_1358 : vector<1x16xf32> to vector<16xf32>
    %swap3A_1360 = vector.shape_cast %broadcast_in_dim3A_5 : vector<16xf32> to vector<1x16xf32>
    tpu.vector_store %arg6[%swap3A_1356, %swap3A_1357], %swap3A_1360 {strides = array<i32>} : memref<128x16xf32, #tpu.memory_space<vmem>>, vector<1x16xf32>,
    %swap3A_1361 = arith.constant 113 : i32
    %swap3A_1362 = arith.index_cast %swap3A_1361 : i32 to index
    %swap3A_1363 = arith.constant 0 : index
    %swap3A_1364 = tpu.vector_load %arg5[%swap3A_1362, %swap3A_1363] {strides = array<i32>} : memref<128x16xf32, #tpu.memory_space<vmem>>, vector<1x16xf32>,
    %swap3A_1365 = vector.shape_cast %swap3A_1364 : vector<1x16xf32> to vector<16xf32>
    %swap3A_1366 = vector.shape_cast %select_n3A : vector<16xf32> to vector<1x16xf32>
    tpu.vector_store %arg5[%swap3A_1362, %swap3A_1363], %swap3A_1366 {strides = array<i32>} : memref<128x16xf32, #tpu.memory_space<vmem>>, vector<1x16xf32>,
    %swap3A_1367 = arith.constant 113 : i32
    %swap3A_1368 = arith.index_cast %swap3A_1367 : i32 to index
    %swap3A_1369 = arith.constant 0 : index
    %swap3A_1370 = tpu.vector_load %arg6[%swap3A_1368, %swap3A_1369] {strides = array<i32>} : memref<128x16xf32, #tpu.memory_space<vmem>>, vector<1x16xf32>,
    %swap3A_1371 = vector.shape_cast %swap3A_1370 : vector<1x16xf32> to vector<16xf32>
    %swap3A_1372 = vector.shape_cast %broadcast_in_dim3A_5 : vector<16xf32> to vector<1x16xf32>
    tpu.vector_store %arg6[%swap3A_1368, %swap3A_1369], %swap3A_1372 {strides = array<i32>} : memref<128x16xf32, #tpu.memory_space<vmem>>, vector<1x16xf32>,
    %swap3A_1373 = arith.constant 114 : i32
    %swap3A_1374 = arith.index_cast %swap3A_1373 : i32 to index
    %swap3A_1375 = arith.constant 0 : index
    %swap3A_1376 = tpu.vector_load %arg5[%swap3A_1374, %swap3A_1375] {strides = array<i32>} : memref<128x16xf32, #tpu.memory_space<vmem>>, vector<1x16xf32>,
    %swap3A_1377 = vector.shape_cast %swap3A_1376 : vector<1x16xf32> to vector<16xf32>
    %swap3A_1378 = vector.shape_cast %select_n3A : vector<16xf32> to vector<1x16xf32>
    tpu.vector_store %arg5[%swap3A_1374, %swap3A_1375], %swap3A_1378 {strides = array<i32>} : memref<128x16xf32, #tpu.memory_space<vmem>>, vector<1x16xf32>,
    %swap3A_1379 = arith.constant 114 : i32
    %swap3A_1380 = arith.index_cast %swap3A_1379 : i32 to index
    %swap3A_1381 = arith.constant 0 : index
    %swap3A_1382 = tpu.vector_load %arg6[%swap3A_1380, %swap3A_1381] {strides = array<i32>} : memref<128x16xf32, #tpu.memory_space<vmem>>, vector<1x16xf32>,
    %swap3A_1383 = vector.shape_cast %swap3A_1382 : vector<1x16xf32> to vector<16xf32>
    %swap3A_1384 = vector.shape_cast %broadcast_in_dim3A_5 : vector<16xf32> to vector<1x16xf32>
    tpu.vector_store %arg6[%swap3A_1380, %swap3A_1381], %swap3A_1384 {strides = array<i32>} : memref<128x16xf32, #tpu.memory_space<vmem>>, vector<1x16xf32>,
    %swap3A_1385 = arith.constant 115 : i32
    %swap3A_1386 = arith.index_cast %swap3A_1385 : i32 to index
    %swap3A_1387 = arith.constant 0 : index
    %swap3A_1388 = tpu.vector_load %arg5[%swap3A_1386, %swap3A_1387] {strides = array<i32>} : memref<128x16xf32, #tpu.memory_space<vmem>>, vector<1x16xf32>,
    %swap3A_1389 = vector.shape_cast %swap3A_1388 : vector<1x16xf32> to vector<16xf32>
    %swap3A_1390 = vector.shape_cast %select_n3A : vector<16xf32> to vector<1x16xf32>
    tpu.vector_store %arg5[%swap3A_1386, %swap3A_1387], %swap3A_1390 {strides = array<i32>} : memref<128x16xf32, #tpu.memory_space<vmem>>, vector<1x16xf32>,
    %swap3A_1391 = arith.constant 115 : i32
    %swap3A_1392 = arith.index_cast %swap3A_1391 : i32 to index
    %swap3A_1393 = arith.constant 0 : index
    %swap3A_1394 = tpu.vector_load %arg6[%swap3A_1392, %swap3A_1393] {strides = array<i32>} : memref<128x16xf32, #tpu.memory_space<vmem>>, vector<1x16xf32>,
    %swap3A_1395 = vector.shape_cast %swap3A_1394 : vector<1x16xf32> to vector<16xf32>
    %swap3A_1396 = vector.shape_cast %broadcast_in_dim3A_5 : vector<16xf32> to vector<1x16xf32>
    tpu.vector_store %arg6[%swap3A_1392, %swap3A_1393], %swap3A_1396 {strides = array<i32>} : memref<128x16xf32, #tpu.memory_space<vmem>>, vector<1x16xf32>,
    %swap3A_1397 = arith.constant 116 : i32
    %swap3A_1398 = arith.index_cast %swap3A_1397 : i32 to index
    %swap3A_1399 = arith.constant 0 : index
    %swap3A_1400 = tpu.vector_load %arg5[%swap3A_1398, %swap3A_1399] {strides = array<i32>} : memref<128x16xf32, #tpu.memory_space<vmem>>, vector<1x16xf32>,
    %swap3A_1401 = vector.shape_cast %swap3A_1400 : vector<1x16xf32> to vector<16xf32>
    %swap3A_1402 = vector.shape_cast %select_n3A : vector<16xf32> to vector<1x16xf32>
    tpu.vector_store %arg5[%swap3A_1398, %swap3A_1399], %swap3A_1402 {strides = array<i32>} : memref<128x16xf32, #tpu.memory_space<vmem>>, vector<1x16xf32>,
    %swap3A_1403 = arith.constant 116 : i32
    %swap3A_1404 = arith.index_cast %swap3A_1403 : i32 to index
    %swap3A_1405 = arith.constant 0 : index
    %swap3A_1406 = tpu.vector_load %arg6[%swap3A_1404, %swap3A_1405] {strides = array<i32>} : memref<128x16xf32, #tpu.memory_space<vmem>>, vector<1x16xf32>,
    %swap3A_1407 = vector.shape_cast %swap3A_1406 : vector<1x16xf32> to vector<16xf32>
    %swap3A_1408 = vector.shape_cast %broadcast_in_dim3A_5 : vector<16xf32> to vector<1x16xf32>
    tpu.vector_store %arg6[%swap3A_1404, %swap3A_1405], %swap3A_1408 {strides = array<i32>} : memref<128x16xf32, #tpu.memory_space<vmem>>, vector<1x16xf32>,
    %swap3A_1409 = arith.constant 117 : i32
    %swap3A_1410 = arith.index_cast %swap3A_1409 : i32 to index
    %swap3A_1411 = arith.constant 0 : index
    %swap3A_1412 = tpu.vector_load %arg5[%swap3A_1410, %swap3A_1411] {strides = array<i32>} : memref<128x16xf32, #tpu.memory_space<vmem>>, vector<1x16xf32>,
    %swap3A_1413 = vector.shape_cast %swap3A_1412 : vector<1x16xf32> to vector<16xf32>
    %swap3A_1414 = vector.shape_cast %select_n3A : vector<16xf32> to vector<1x16xf32>
    tpu.vector_store %arg5[%swap3A_1410, %swap3A_1411], %swap3A_1414 {strides = array<i32>} : memref<128x16xf32, #tpu.memory_space<vmem>>, vector<1x16xf32>,
    %swap3A_1415 = arith.constant 117 : i32
    %swap3A_1416 = arith.index_cast %swap3A_1415 : i32 to index
    %swap3A_1417 = arith.constant 0 : index
    %swap3A_1418 = tpu.vector_load %arg6[%swap3A_1416, %swap3A_1417] {strides = array<i32>} : memref<128x16xf32, #tpu.memory_space<vmem>>, vector<1x16xf32>,
    %swap3A_1419 = vector.shape_cast %swap3A_1418 : vector<1x16xf32> to vector<16xf32>
    %swap3A_1420 = vector.shape_cast %broadcast_in_dim3A_5 : vector<16xf32> to vector<1x16xf32>
    tpu.vector_store %arg6[%swap3A_1416, %swap3A_1417], %swap3A_1420 {strides = array<i32>} : memref<128x16xf32, #tpu.memory_space<vmem>>, vector<1x16xf32>,
    %swap3A_1421 = arith.constant 118 : i32
    %swap3A_1422 = arith.index_cast %swap3A_1421 : i32 to index
    %swap3A_1423 = arith.constant 0 : index
    %swap3A_1424 = tpu.vector_load %arg5[%swap3A_1422, %swap3A_1423] {strides = array<i32>} : memref<128x16xf32, #tpu.memory_space<vmem>>, vector<1x16xf32>,
    %swap3A_1425 = vector.shape_cast %swap3A_1424 : vector<1x16xf32> to vector<16xf32>
    %swap3A_1426 = vector.shape_cast %select_n3A : vector<16xf32> to vector<1x16xf32>
    tpu.vector_store %arg5[%swap3A_1422, %swap3A_1423], %swap3A_1426 {strides = array<i32>} : memref<128x16xf32, #tpu.memory_space<vmem>>, vector<1x16xf32>,
    %swap3A_1427 = arith.constant 118 : i32
    %swap3A_1428 = arith.index_cast %swap3A_1427 : i32 to index
    %swap3A_1429 = arith.constant 0 : index
    %swap3A_1430 = tpu.vector_load %arg6[%swap3A_1428, %swap3A_1429] {strides = array<i32>} : memref<128x16xf32, #tpu.memory_space<vmem>>, vector<1x16xf32>,
    %swap3A_1431 = vector.shape_cast %swap3A_1430 : vector<1x16xf32> to vector<16xf32>
    %swap3A_1432 = vector.shape_cast %broadcast_in_dim3A_5 : vector<16xf32> to vector<1x16xf32>
    tpu.vector_store %arg6[%swap3A_1428, %swap3A_1429], %swap3A_1432 {strides = array<i32>} : memref<128x16xf32, #tpu.memory_space<vmem>>, vector<1x16xf32>,
    %swap3A_1433 = arith.constant 119 : i32
    %swap3A_1434 = arith.index_cast %swap3A_1433 : i32 to index
    %swap3A_1435 = arith.constant 0 : index
    %swap3A_1436 = tpu.vector_load %arg5[%swap3A_1434, %swap3A_1435] {strides = array<i32>} : memref<128x16xf32, #tpu.memory_space<vmem>>, vector<1x16xf32>,
    %swap3A_1437 = vector.shape_cast %swap3A_1436 : vector<1x16xf32> to vector<16xf32>
    %swap3A_1438 = vector.shape_cast %select_n3A : vector<16xf32> to vector<1x16xf32>
    tpu.vector_store %arg5[%swap3A_1434, %swap3A_1435], %swap3A_1438 {strides = array<i32>} : memref<128x16xf32, #tpu.memory_space<vmem>>, vector<1x16xf32>,
    %swap3A_1439 = arith.constant 119 : i32
    %swap3A_1440 = arith.index_cast %swap3A_1439 : i32 to index
    %swap3A_1441 = arith.constant 0 : index
    %swap3A_1442 = tpu.vector_load %arg6[%swap3A_1440, %swap3A_1441] {strides = array<i32>} : memref<128x16xf32, #tpu.memory_space<vmem>>, vector<1x16xf32>,
    %swap3A_1443 = vector.shape_cast %swap3A_1442 : vector<1x16xf32> to vector<16xf32>
    %swap3A_1444 = vector.shape_cast %broadcast_in_dim3A_5 : vector<16xf32> to vector<1x16xf32>
    tpu.vector_store %arg6[%swap3A_1440, %swap3A_1441], %swap3A_1444 {strides = array<i32>} : memref<128x16xf32, #tpu.memory_space<vmem>>, vector<1x16xf32>,
    %swap3A_1445 = arith.constant 120 : i32
    %swap3A_1446 = arith.index_cast %swap3A_1445 : i32 to index
    %swap3A_1447 = arith.constant 0 : index
    %swap3A_1448 = tpu.vector_load %arg5[%swap3A_1446, %swap3A_1447] {strides = array<i32>} : memref<128x16xf32, #tpu.memory_space<vmem>>, vector<1x16xf32>,
    %swap3A_1449 = vector.shape_cast %swap3A_1448 : vector<1x16xf32> to vector<16xf32>
    %swap3A_1450 = vector.shape_cast %select_n3A : vector<16xf32> to vector<1x16xf32>
    tpu.vector_store %arg5[%swap3A_1446, %swap3A_1447], %swap3A_1450 {strides = array<i32>} : memref<128x16xf32, #tpu.memory_space<vmem>>, vector<1x16xf32>,
    %swap3A_1451 = arith.constant 120 : i32
    %swap3A_1452 = arith.index_cast %swap3A_1451 : i32 to index
    %swap3A_1453 = arith.constant 0 : index
    %swap3A_1454 = tpu.vector_load %arg6[%swap3A_1452, %swap3A_1453] {strides = array<i32>} : memref<128x16xf32, #tpu.memory_space<vmem>>, vector<1x16xf32>,
    %swap3A_1455 = vector.shape_cast %swap3A_1454 : vector<1x16xf32> to vector<16xf32>
    %swap3A_1456 = vector.shape_cast %broadcast_in_dim3A_5 : vector<16xf32> to vector<1x16xf32>
    tpu.vector_store %arg6[%swap3A_1452, %swap3A_1453], %swap3A_1456 {strides = array<i32>} : memref<128x16xf32, #tpu.memory_space<vmem>>, vector<1x16xf32>,
    %swap3A_1457 = arith.constant 121 : i32
    %swap3A_1458 = arith.index_cast %swap3A_1457 : i32 to index
    %swap3A_1459 = arith.constant 0 : index
    %swap3A_1460 = tpu.vector_load %arg5[%swap3A_1458, %swap3A_1459] {strides = array<i32>} : memref<128x16xf32, #tpu.memory_space<vmem>>, vector<1x16xf32>,
    %swap3A_1461 = vector.shape_cast %swap3A_1460 : vector<1x16xf32> to vector<16xf32>
    %swap3A_1462 = vector.shape_cast %select_n3A : vector<16xf32> to vector<1x16xf32>
    tpu.vector_store %arg5[%swap3A_1458, %swap3A_1459], %swap3A_1462 {strides = array<i32>} : memref<128x16xf32, #tpu.memory_space<vmem>>, vector<1x16xf32>,
    %swap3A_1463 = arith.constant 121 : i32
    %swap3A_1464 = arith.index_cast %swap3A_1463 : i32 to index
    %swap3A_1465 = arith.constant 0 : index
    %swap3A_1466 = tpu.vector_load %arg6[%swap3A_1464, %swap3A_1465] {strides = array<i32>} : memref<128x16xf32, #tpu.memory_space<vmem>>, vector<1x16xf32>,
    %swap3A_1467 = vector.shape_cast %swap3A_1466 : vector<1x16xf32> to vector<16xf32>
    %swap3A_1468 = vector.shape_cast %broadcast_in_dim3A_5 : vector<16xf32> to vector<1x16xf32>
    tpu.vector_store %arg6[%swap3A_1464, %swap3A_1465], %swap3A_1468 {strides = array<i32>} : memref<128x16xf32, #tpu.memory_space<vmem>>, vector<1x16xf32>,
    %swap3A_1469 = arith.constant 122 : i32
    %swap3A_1470 = arith.index_cast %swap3A_1469 : i32 to index
    %swap3A_1471 = arith.constant 0 : index
    %swap3A_1472 = tpu.vector_load %arg5[%swap3A_1470, %swap3A_1471] {strides = array<i32>} : memref<128x16xf32, #tpu.memory_space<vmem>>, vector<1x16xf32>,
    %swap3A_1473 = vector.shape_cast %swap3A_1472 : vector<1x16xf32> to vector<16xf32>
    %swap3A_1474 = vector.shape_cast %select_n3A : vector<16xf32> to vector<1x16xf32>
    tpu.vector_store %arg5[%swap3A_1470, %swap3A_1471], %swap3A_1474 {strides = array<i32>} : memref<128x16xf32, #tpu.memory_space<vmem>>, vector<1x16xf32>,
    %swap3A_1475 = arith.constant 122 : i32
    %swap3A_1476 = arith.index_cast %swap3A_1475 : i32 to index
    %swap3A_1477 = arith.constant 0 : index
    %swap3A_1478 = tpu.vector_load %arg6[%swap3A_1476, %swap3A_1477] {strides = array<i32>} : memref<128x16xf32, #tpu.memory_space<vmem>>, vector<1x16xf32>,
    %swap3A_1479 = vector.shape_cast %swap3A_1478 : vector<1x16xf32> to vector<16xf32>
    %swap3A_1480 = vector.shape_cast %broadcast_in_dim3A_5 : vector<16xf32> to vector<1x16xf32>
    tpu.vector_store %arg6[%swap3A_1476, %swap3A_1477], %swap3A_1480 {strides = array<i32>} : memref<128x16xf32, #tpu.memory_space<vmem>>, vector<1x16xf32>,
    %swap3A_1481 = arith.constant 123 : i32
    %swap3A_1482 = arith.index_cast %swap3A_1481 : i32 to index
    %swap3A_1483 = arith.constant 0 : index
    %swap3A_1484 = tpu.vector_load %arg5[%swap3A_1482, %swap3A_1483] {strides = array<i32>} : memref<128x16xf32, #tpu.memory_space<vmem>>, vector<1x16xf32>,
    %swap3A_1485 = vector.shape_cast %swap3A_1484 : vector<1x16xf32> to vector<16xf32>
    %swap3A_1486 = vector.shape_cast %select_n3A : vector<16xf32> to vector<1x16xf32>
    tpu.vector_store %arg5[%swap3A_1482, %swap3A_1483], %swap3A_1486 {strides = array<i32>} : memref<128x16xf32, #tpu.memory_space<vmem>>, vector<1x16xf32>,
    %swap3A_1487 = arith.constant 123 : i32
    %swap3A_1488 = arith.index_cast %swap3A_1487 : i32 to index
    %swap3A_1489 = arith.constant 0 : index
    %swap3A_1490 = tpu.vector_load %arg6[%swap3A_1488, %swap3A_1489] {strides = array<i32>} : memref<128x16xf32, #tpu.memory_space<vmem>>, vector<1x16xf32>,
    %swap3A_1491 = vector.shape_cast %swap3A_1490 : vector<1x16xf32> to vector<16xf32>
    %swap3A_1492 = vector.shape_cast %broadcast_in_dim3A_5 : vector<16xf32> to vector<1x16xf32>
    tpu.vector_store %arg6[%swap3A_1488, %swap3A_1489], %swap3A_1492 {strides = array<i32>} : memref<128x16xf32, #tpu.memory_space<vmem>>, vector<1x16xf32>,
    %swap3A_1493 = arith.constant 124 : i32
    %swap3A_1494 = arith.index_cast %swap3A_1493 : i32 to index
    %swap3A_1495 = arith.constant 0 : index
    %swap3A_1496 = tpu.vector_load %arg5[%swap3A_1494, %swap3A_1495] {strides = array<i32>} : memref<128x16xf32, #tpu.memory_space<vmem>>, vector<1x16xf32>,
    %swap3A_1497 = vector.shape_cast %swap3A_1496 : vector<1x16xf32> to vector<16xf32>
    %swap3A_1498 = vector.shape_cast %select_n3A : vector<16xf32> to vector<1x16xf32>
    tpu.vector_store %arg5[%swap3A_1494, %swap3A_1495], %swap3A_1498 {strides = array<i32>} : memref<128x16xf32, #tpu.memory_space<vmem>>, vector<1x16xf32>,
    %swap3A_1499 = arith.constant 124 : i32
    %swap3A_1500 = arith.index_cast %swap3A_1499 : i32 to index
    %swap3A_1501 = arith.constant 0 : index
    %swap3A_1502 = tpu.vector_load %arg6[%swap3A_1500, %swap3A_1501] {strides = array<i32>} : memref<128x16xf32, #tpu.memory_space<vmem>>, vector<1x16xf32>,
    %swap3A_1503 = vector.shape_cast %swap3A_1502 : vector<1x16xf32> to vector<16xf32>
    %swap3A_1504 = vector.shape_cast %broadcast_in_dim3A_5 : vector<16xf32> to vector<1x16xf32>
    tpu.vector_store %arg6[%swap3A_1500, %swap3A_1501], %swap3A_1504 {strides = array<i32>} : memref<128x16xf32, #tpu.memory_space<vmem>>, vector<1x16xf32>,
    %swap3A_1505 = arith.constant 125 : i32
    %swap3A_1506 = arith.index_cast %swap3A_1505 : i32 to index
    %swap3A_1507 = arith.constant 0 : index
    %swap3A_1508 = tpu.vector_load %arg5[%swap3A_1506, %swap3A_1507] {strides = array<i32>} : memref<128x16xf32, #tpu.memory_space<vmem>>, vector<1x16xf32>,
    %swap3A_1509 = vector.shape_cast %swap3A_1508 : vector<1x16xf32> to vector<16xf32>
    %swap3A_1510 = vector.shape_cast %select_n3A : vector<16xf32> to vector<1x16xf32>
    tpu.vector_store %arg5[%swap3A_1506, %swap3A_1507], %swap3A_1510 {strides = array<i32>} : memref<128x16xf32, #tpu.memory_space<vmem>>, vector<1x16xf32>,
    %swap3A_1511 = arith.constant 125 : i32
    %swap3A_1512 = arith.index_cast %swap3A_1511 : i32 to index
    %swap3A_1513 = arith.constant 0 : index
    %swap3A_1514 = tpu.vector_load %arg6[%swap3A_1512, %swap3A_1513] {strides = array<i32>} : memref<128x16xf32, #tpu.memory_space<vmem>>, vector<1x16xf32>,
    %swap3A_1515 = vector.shape_cast %swap3A_1514 : vector<1x16xf32> to vector<16xf32>
    %swap3A_1516 = vector.shape_cast %broadcast_in_dim3A_5 : vector<16xf32> to vector<1x16xf32>
    tpu.vector_store %arg6[%swap3A_1512, %swap3A_1513], %swap3A_1516 {strides = array<i32>} : memref<128x16xf32, #tpu.memory_space<vmem>>, vector<1x16xf32>,
    %swap3A_1517 = arith.constant 126 : i32
    %swap3A_1518 = arith.index_cast %swap3A_1517 : i32 to index
    %swap3A_1519 = arith.constant 0 : index
    %swap3A_1520 = tpu.vector_load %arg5[%swap3A_1518, %swap3A_1519] {strides = array<i32>} : memref<128x16xf32, #tpu.memory_space<vmem>>, vector<1x16xf32>,
    %swap3A_1521 = vector.shape_cast %swap3A_1520 : vector<1x16xf32> to vector<16xf32>
    %swap3A_1522 = vector.shape_cast %select_n3A : vector<16xf32> to vector<1x16xf32>
    tpu.vector_store %arg5[%swap3A_1518, %swap3A_1519], %swap3A_1522 {strides = array<i32>} : memref<128x16xf32, #tpu.memory_space<vmem>>, vector<1x16xf32>,
    %swap3A_1523 = arith.constant 126 : i32
    %swap3A_1524 = arith.index_cast %swap3A_1523 : i32 to index
    %swap3A_1525 = arith.constant 0 : index
    %swap3A_1526 = tpu.vector_load %arg6[%swap3A_1524, %swap3A_1525] {strides = array<i32>} : memref<128x16xf32, #tpu.memory_space<vmem>>, vector<1x16xf32>,
    %swap3A_1527 = vector.shape_cast %swap3A_1526 : vector<1x16xf32> to vector<16xf32>
    %swap3A_1528 = vector.shape_cast %broadcast_in_dim3A_5 : vector<16xf32> to vector<1x16xf32>
    tpu.vector_store %arg6[%swap3A_1524, %swap3A_1525], %swap3A_1528 {strides = array<i32>} : memref<128x16xf32, #tpu.memory_space<vmem>>, vector<1x16xf32>,
    %swap3A_1529 = arith.constant 127 : i32
    %swap3A_1530 = arith.index_cast %swap3A_1529 : i32 to index
    %swap3A_1531 = arith.constant 0 : index
    %swap3A_1532 = tpu.vector_load %arg5[%swap3A_1530, %swap3A_1531] {strides = array<i32>} : memref<128x16xf32, #tpu.memory_space<vmem>>, vector<1x16xf32>,
    %swap3A_1533 = vector.shape_cast %swap3A_1532 : vector<1x16xf32> to vector<16xf32>
    %swap3A_1534 = vector.shape_cast %select_n3A : vector<16xf32> to vector<1x16xf32>
    tpu.vector_store %arg5[%swap3A_1530, %swap3A_1531], %swap3A_1534 {strides = array<i32>} : memref<128x16xf32, #tpu.memory_space<vmem>>, vector<1x16xf32>,
    %swap3A_1535 = arith.constant 127 : i32
    %swap3A_1536 = arith.index_cast %swap3A_1535 : i32 to index
    %swap3A_1537 = arith.constant 0 : index
    %swap3A_1538 = tpu.vector_load %arg6[%swap3A_1536, %swap3A_1537] {strides = array<i32>} : memref<128x16xf32, #tpu.memory_space<vmem>>, vector<1x16xf32>,
    %swap3A_1539 = vector.shape_cast %swap3A_1538 : vector<1x16xf32> to vector<16xf32>
    %swap3A_1540 = vector.shape_cast %broadcast_in_dim3A_5 : vector<16xf32> to vector<1x16xf32>
    tpu.vector_store %arg6[%swap3A_1536, %swap3A_1537], %swap3A_1540 {strides = array<i32>} : memref<128x16xf32, #tpu.memory_space<vmem>>, vector<1x16xf32>,
    %mul3A = arith.constant 640 : i32
    %mul3A_1541 = arith.muli %arg1, %mul3A : i32
    %add3A = arith.constant 0 : i32
    %add3A_1542 = arith.addi %mul3A_1541, %add3A : i32
    "tpu.region"() ({
      %run_scoped3A = tpu.sem_alloc : memref<!tpu.dma_semaphore, #tpu.memory_space<semaphore_mem>>
      %dma_start3A = arith.constant 0 : i32
      %dma_start3A_1574 = tpu.memref_slice %arg7[%add3A_1542, %dma_start3A] : memref<10240x16xf32, #tpu.memory_space<vmem_shared>> -> memref<128x16xf32, #tpu.memory_space<vmem_shared>>
      %dma_start3A_1575 = arith.constant 0 : i32
      %dma_start3A_1576 = tpu.memref_slice %arg7[%add3A_1542, %dma_start3A_1575] : memref<10240x16xf32, #tpu.memory_space<vmem_shared>> -> memref<128x16xf32, #tpu.memory_space<vmem_shared>>
      tpu.enqueue_dma source(%arg6 : memref<128x16xf32, #tpu.memory_space<vmem>>) target(%dma_start3A_1576 : memref<128x16xf32, #tpu.memory_space<vmem_shared>>) target_semaphore(%run_scoped3A : memref<!tpu.dma_semaphore, #tpu.memory_space<semaphore_mem>>)
      %dma_wait3A = arith.constant 0 : i32
      %dma_wait3A_1577 = tpu.memref_slice %arg7[%add3A_1542, %dma_wait3A] : memref<10240x16xf32, #tpu.memory_space<vmem_shared>> -> memref<128x16xf32, #tpu.memory_space<vmem_shared>>
      %dma_wait3A_1578 = arith.constant 0 : i32
      %dma_wait3A_1579 = tpu.memref_slice %arg7[%add3A_1542, %dma_wait3A_1578] : memref<10240x16xf32, #tpu.memory_space<vmem_shared>> -> memref<128x16xf32, #tpu.memory_space<vmem_shared>>
      tpu.wait_dma2 semaphore(%run_scoped3A : memref<!tpu.dma_semaphore, #tpu.memory_space<semaphore_mem>>) src(%arg6 : memref<128x16xf32, #tpu.memory_space<vmem>>) dst(%dma_wait3A_1579 : memref<128x16xf32, #tpu.memory_space<vmem_shared>>)
      tpu.yield
    }) : () -> ()
    %mul3A_1543 = arith.constant 640 : i32
    %mul3A_1544 = arith.muli %arg1, %mul3A_1543 : i32
    %add3A_1545 = arith.constant 128 : i32
    %add3A_1546 = arith.addi %mul3A_1544, %add3A_1545 : i32
    "tpu.region"() ({
      %run_scoped3A = tpu.sem_alloc : memref<!tpu.dma_semaphore, #tpu.memory_space<semaphore_mem>>
      %dma_start3A = arith.constant 0 : i32
      %dma_start3A_1574 = tpu.memref_slice %arg7[%add3A_1546, %dma_start3A] : memref<10240x16xf32, #tpu.memory_space<vmem_shared>> -> memref<128x16xf32, #tpu.memory_space<vmem_shared>>
      %dma_start3A_1575 = arith.constant 0 : i32
      %dma_start3A_1576 = tpu.memref_slice %arg7[%add3A_1546, %dma_start3A_1575] : memref<10240x16xf32, #tpu.memory_space<vmem_shared>> -> memref<128x16xf32, #tpu.memory_space<vmem_shared>>
      tpu.enqueue_dma source(%arg6 : memref<128x16xf32, #tpu.memory_space<vmem>>) target(%dma_start3A_1576 : memref<128x16xf32, #tpu.memory_space<vmem_shared>>) target_semaphore(%run_scoped3A : memref<!tpu.dma_semaphore, #tpu.memory_space<semaphore_mem>>)
      %dma_wait3A = arith.constant 0 : i32
      %dma_wait3A_1577 = tpu.memref_slice %arg7[%add3A_1546, %dma_wait3A] : memref<10240x16xf32, #tpu.memory_space<vmem_shared>> -> memref<128x16xf32, #tpu.memory_space<vmem_shared>>
      %dma_wait3A_1578 = arith.constant 0 : i32
      %dma_wait3A_1579 = tpu.memref_slice %arg7[%add3A_1546, %dma_wait3A_1578] : memref<10240x16xf32, #tpu.memory_space<vmem_shared>> -> memref<128x16xf32, #tpu.memory_space<vmem_shared>>
      tpu.wait_dma2 semaphore(%run_scoped3A : memref<!tpu.dma_semaphore, #tpu.memory_space<semaphore_mem>>) src(%arg6 : memref<128x16xf32, #tpu.memory_space<vmem>>) dst(%dma_wait3A_1579 : memref<128x16xf32, #tpu.memory_space<vmem_shared>>)
      tpu.yield
    }) : () -> ()
    %mul3A_1547 = arith.constant 640 : i32
    %mul3A_1548 = arith.muli %arg1, %mul3A_1547 : i32
    %add3A_1549 = arith.constant 256 : i32
    %add3A_1550 = arith.addi %mul3A_1548, %add3A_1549 : i32
    "tpu.region"() ({
      %run_scoped3A = tpu.sem_alloc : memref<!tpu.dma_semaphore, #tpu.memory_space<semaphore_mem>>
      %dma_start3A = arith.constant 0 : i32
      %dma_start3A_1574 = tpu.memref_slice %arg7[%add3A_1550, %dma_start3A] : memref<10240x16xf32, #tpu.memory_space<vmem_shared>> -> memref<128x16xf32, #tpu.memory_space<vmem_shared>>
      %dma_start3A_1575 = arith.constant 0 : i32
      %dma_start3A_1576 = tpu.memref_slice %arg7[%add3A_1550, %dma_start3A_1575] : memref<10240x16xf32, #tpu.memory_space<vmem_shared>> -> memref<128x16xf32, #tpu.memory_space<vmem_shared>>
      tpu.enqueue_dma source(%arg6 : memref<128x16xf32, #tpu.memory_space<vmem>>) target(%dma_start3A_1576 : memref<128x16xf32, #tpu.memory_space<vmem_shared>>) target_semaphore(%run_scoped3A : memref<!tpu.dma_semaphore, #tpu.memory_space<semaphore_mem>>)
      %dma_wait3A = arith.constant 0 : i32
      %dma_wait3A_1577 = tpu.memref_slice %arg7[%add3A_1550, %dma_wait3A] : memref<10240x16xf32, #tpu.memory_space<vmem_shared>> -> memref<128x16xf32, #tpu.memory_space<vmem_shared>>
      %dma_wait3A_1578 = arith.constant 0 : i32
      %dma_wait3A_1579 = tpu.memref_slice %arg7[%add3A_1550, %dma_wait3A_1578] : memref<10240x16xf32, #tpu.memory_space<vmem_shared>> -> memref<128x16xf32, #tpu.memory_space<vmem_shared>>
      tpu.wait_dma2 semaphore(%run_scoped3A : memref<!tpu.dma_semaphore, #tpu.memory_space<semaphore_mem>>) src(%arg6 : memref<128x16xf32, #tpu.memory_space<vmem>>) dst(%dma_wait3A_1579 : memref<128x16xf32, #tpu.memory_space<vmem_shared>>)
      tpu.yield
    }) : () -> ()
    %mul3A_1551 = arith.constant 640 : i32
    %mul3A_1552 = arith.muli %arg1, %mul3A_1551 : i32
    %add3A_1553 = arith.constant 384 : i32
    %add3A_1554 = arith.addi %mul3A_1552, %add3A_1553 : i32
    "tpu.region"() ({
      %run_scoped3A = tpu.sem_alloc : memref<!tpu.dma_semaphore, #tpu.memory_space<semaphore_mem>>
      %dma_start3A = arith.constant 0 : i32
      %dma_start3A_1574 = tpu.memref_slice %arg7[%add3A_1554, %dma_start3A] : memref<10240x16xf32, #tpu.memory_space<vmem_shared>> -> memref<128x16xf32, #tpu.memory_space<vmem_shared>>
      %dma_start3A_1575 = arith.constant 0 : i32
      %dma_start3A_1576 = tpu.memref_slice %arg7[%add3A_1554, %dma_start3A_1575] : memref<10240x16xf32, #tpu.memory_space<vmem_shared>> -> memref<128x16xf32, #tpu.memory_space<vmem_shared>>
      tpu.enqueue_dma source(%arg6 : memref<128x16xf32, #tpu.memory_space<vmem>>) target(%dma_start3A_1576 : memref<128x16xf32, #tpu.memory_space<vmem_shared>>) target_semaphore(%run_scoped3A : memref<!tpu.dma_semaphore, #tpu.memory_space<semaphore_mem>>)
      %dma_wait3A = arith.constant 0 : i32
      %dma_wait3A_1577 = tpu.memref_slice %arg7[%add3A_1554, %dma_wait3A] : memref<10240x16xf32, #tpu.memory_space<vmem_shared>> -> memref<128x16xf32, #tpu.memory_space<vmem_shared>>
      %dma_wait3A_1578 = arith.constant 0 : i32
      %dma_wait3A_1579 = tpu.memref_slice %arg7[%add3A_1554, %dma_wait3A_1578] : memref<10240x16xf32, #tpu.memory_space<vmem_shared>> -> memref<128x16xf32, #tpu.memory_space<vmem_shared>>
      tpu.wait_dma2 semaphore(%run_scoped3A : memref<!tpu.dma_semaphore, #tpu.memory_space<semaphore_mem>>) src(%arg6 : memref<128x16xf32, #tpu.memory_space<vmem>>) dst(%dma_wait3A_1579 : memref<128x16xf32, #tpu.memory_space<vmem_shared>>)
      tpu.yield
    }) : () -> ()
    %mul3A_1555 = arith.constant 640 : i32
    %mul3A_1556 = arith.muli %arg1, %mul3A_1555 : i32
    %add3A_1557 = arith.constant 512 : i32
    %add3A_1558 = arith.addi %mul3A_1556, %add3A_1557 : i32
    "tpu.region"() ({
      %run_scoped3A = tpu.sem_alloc : memref<!tpu.dma_semaphore, #tpu.memory_space<semaphore_mem>>
      %dma_start3A = arith.constant 0 : i32
      %dma_start3A_1574 = tpu.memref_slice %arg7[%add3A_1558, %dma_start3A] : memref<10240x16xf32, #tpu.memory_space<vmem_shared>> -> memref<128x16xf32, #tpu.memory_space<vmem_shared>>
      %dma_start3A_1575 = arith.constant 0 : i32
      %dma_start3A_1576 = tpu.memref_slice %arg7[%add3A_1558, %dma_start3A_1575] : memref<10240x16xf32, #tpu.memory_space<vmem_shared>> -> memref<128x16xf32, #tpu.memory_space<vmem_shared>>
      tpu.enqueue_dma source(%arg6 : memref<128x16xf32, #tpu.memory_space<vmem>>) target(%dma_start3A_1576 : memref<128x16xf32, #tpu.memory_space<vmem_shared>>) target_semaphore(%run_scoped3A : memref<!tpu.dma_semaphore, #tpu.memory_space<semaphore_mem>>)
      %dma_wait3A = arith.constant 0 : i32
      %dma_wait3A_1577 = tpu.memref_slice %arg7[%add3A_1558, %dma_wait3A] : memref<10240x16xf32, #tpu.memory_space<vmem_shared>> -> memref<128x16xf32, #tpu.memory_space<vmem_shared>>
      %dma_wait3A_1578 = arith.constant 0 : i32
      %dma_wait3A_1579 = tpu.memref_slice %arg7[%add3A_1558, %dma_wait3A_1578] : memref<10240x16xf32, #tpu.memory_space<vmem_shared>> -> memref<128x16xf32, #tpu.memory_space<vmem_shared>>
      tpu.wait_dma2 semaphore(%run_scoped3A : memref<!tpu.dma_semaphore, #tpu.memory_space<semaphore_mem>>) src(%arg6 : memref<128x16xf32, #tpu.memory_space<vmem>>) dst(%dma_wait3A_1579 : memref<128x16xf32, #tpu.memory_space<vmem_shared>>)
      tpu.yield
    }) : () -> ()
    %mul3A_1559 = arith.constant 640 : i32
    %mul3A_1560 = arith.muli %arg0, %mul3A_1559 : i32
    %mul3A_1561 = arith.constant 40 : i32
    %mul3A_1562 = arith.muli %arg1, %mul3A_1561 : i32
    %add3A_1563 = arith.addi %mul3A_1560, %mul3A_1562 : i32
    "tpu.region"() ({
      %run_scoped3A = tpu.sem_alloc : memref<!tpu.dma_semaphore, #tpu.memory_space<semaphore_mem>>
      %dma_start3A = arith.constant 0 : i32
      %dma_start3A_1574 = tpu.memref_slice %arg2[%add3A_1563, %dma_start3A] : memref<1280x128xi32, #tpu.memory_space<hbm>> -> memref<40x128xi32, #tpu.memory_space<hbm>>
      %dma_start3A_1575 = arith.constant 0 : i32
      %dma_start3A_1576 = tpu.memref_slice %arg2[%add3A_1563, %dma_start3A_1575] : memref<1280x128xi32, #tpu.memory_space<hbm>> -> memref<40x128xi32, #tpu.memory_space<hbm>>
      tpu.enqueue_dma source(%dma_start3A_1576 : memref<40x128xi32, #tpu.memory_space<hbm>>) target(%arg4 : memref<40x128xi32, #tpu.memory_space<vmem>>) target_semaphore(%run_scoped3A : memref<!tpu.dma_semaphore, #tpu.memory_space<semaphore_mem>>)
      %dma_wait3A = arith.constant 0 : i32
      %dma_wait3A_1577 = tpu.memref_slice %arg2[%add3A_1563, %dma_wait3A] : memref<1280x128xi32, #tpu.memory_space<hbm>> -> memref<40x128xi32, #tpu.memory_space<hbm>>
      %dma_wait3A_1578 = arith.constant 0 : i32
      %dma_wait3A_1579 = tpu.memref_slice %arg2[%add3A_1563, %dma_wait3A_1578] : memref<1280x128xi32, #tpu.memory_space<hbm>> -> memref<40x128xi32, #tpu.memory_space<hbm>>
      tpu.wait_dma2 semaphore(%run_scoped3A : memref<!tpu.dma_semaphore, #tpu.memory_space<semaphore_mem>>) src(%dma_wait3A_1579 : memref<40x128xi32, #tpu.memory_space<hbm>>) dst(%arg4 : memref<40x128xi32, #tpu.memory_space<vmem>>)
      tpu.yield
    }) : () -> ()
    %barrier3A = arith.constant 0 : index
    tpu.barrier barrier_id(%barrier3A)
    %scan3A = arith.constant 0 : i32
    %scan3A_1564 = arith.constant 0 : i32
    %scan3A_1565 = arith.constant 40 : i32
    %scan3A_1566 = arith.addi %scan3A_1564, %scan3A_1565 : i32
    %scan3A_1567 = arith.constant 1 : i32
    scf.for %scan3A_1574 = %scan3A_1564 to %scan3A_1566 step %scan3A_1567  : i32 {
      "tpu.region"() ({
        %run_scoped3A = tpu.sem_alloc : memref<!tpu.dma_semaphore, #tpu.memory_space<semaphore_mem>>
        %dma_start3A = arith.constant 0 : i32
        %dma_start3A_1575 = tpu.memref_slice %arg4[%scan3A_1574, %dma_start3A] : memref<40x128xi32, #tpu.memory_space<vmem>> -> memref<1x128xi32, #tpu.memory_space<vmem>>
        %dma_start3A_1576 = tpu.memref_squeeze %dma_start3A_1575 : memref<1x128xi32, #tpu.memory_space<vmem>> -> memref<128xi32, #tpu.memory_space<vmem>>
        %dma_start3A_1577 = arith.constant 0 : i32
        %dma_start3A_1578 = arith.constant 0 : i32
        %dma_start3A_1579 = tpu.memref_slice %arg7[%dma_start3A_1577, %dma_start3A_1578] : memref<10240x16xf32, #tpu.memory_space<vmem_shared>> -> memref<10240x16xf32, #tpu.memory_space<vmem_shared>>
        tpu.enqueue_indirect_dma source(%arg5 : memref<128x16xf32, #tpu.memory_space<vmem>>) target(%dma_start3A_1579 : memref<10240x16xf32, #tpu.memory_space<vmem_shared>>) offsets(%dma_start3A_1576 : memref<128xi32, #tpu.memory_space<vmem>>) semaphore(%run_scoped3A : memref<!tpu.dma_semaphore, #tpu.memory_space<semaphore_mem>>) {add = true}
        %dma_wait3A = arith.constant 0 : i32
        %dma_wait3A_1580 = tpu.memref_slice %arg4[%scan3A_1574, %dma_wait3A] : memref<40x128xi32, #tpu.memory_space<vmem>> -> memref<1x128xi32, #tpu.memory_space<vmem>>
        %dma_wait3A_1581 = tpu.memref_squeeze %dma_wait3A_1580 : memref<1x128xi32, #tpu.memory_space<vmem>> -> memref<128xi32, #tpu.memory_space<vmem>>
        %dma_wait3A_1582 = arith.constant 0 : i32
        %dma_wait3A_1583 = arith.constant 0 : i32
        %dma_wait3A_1584 = tpu.memref_slice %arg7[%dma_wait3A_1582, %dma_wait3A_1583] : memref<10240x16xf32, #tpu.memory_space<vmem_shared>> -> memref<10240x16xf32, #tpu.memory_space<vmem_shared>>
        tpu.wait_indirect_dma semaphore(%run_scoped3A : memref<!tpu.dma_semaphore, #tpu.memory_space<semaphore_mem>>) src(%arg5 : memref<128x16xf32, #tpu.memory_space<vmem>>) dst(%dma_wait3A_1584 : memref<10240x16xf32, #tpu.memory_space<vmem_shared>>)
        tpu.yield
      }) : () -> ()
    }
    %scan3A_1568 = arith.constant 40 : i32
    %barrier3A_1569 = arith.constant 0 : index
    tpu.barrier barrier_id(%barrier3A_1569)
    %mul3A_1570 = arith.constant 640 : i32
    %mul3A_1571 = arith.muli %arg1, %mul3A_1570 : i32
    %mul3A_1572 = arith.constant 640 : i32
    %mul3A_1573 = arith.muli %arg1, %mul3A_1572 : i32
    "tpu.region"() ({
      %run_scoped3A = tpu.sem_alloc : memref<!tpu.dma_semaphore, #tpu.memory_space<semaphore_mem>>
      %dma_start3A = arith.constant 0 : i32
      %dma_start3A_1574 = tpu.memref_slice %arg3[%arg0, %mul3A_1573, %dma_start3A] : memref<2x10240x16xf32, #tpu.memory_space<hbm>> -> memref<1x640x16xf32, #tpu.memory_space<hbm>>
      %dma_start3A_1575 = tpu.memref_squeeze %dma_start3A_1574 : memref<1x640x16xf32, #tpu.memory_space<hbm>> -> memref<640x16xf32, #tpu.memory_space<hbm>>
      %dma_start3A_1576 = arith.constant 0 : i32
      %dma_start3A_1577 = tpu.memref_slice %arg7[%mul3A_1571, %dma_start3A_1576] : memref<10240x16xf32, #tpu.memory_space<vmem_shared>> -> memref<640x16xf32, #tpu.memory_space<vmem_shared>>
      tpu.enqueue_dma source(%dma_start3A_1577 : memref<640x16xf32, #tpu.memory_space<vmem_shared>>) target(%dma_start3A_1575 : memref<640x16xf32, #tpu.memory_space<hbm>>) target_semaphore(%run_scoped3A : memref<!tpu.dma_semaphore, #tpu.memory_space<semaphore_mem>>)
      %dma_wait3A = arith.constant 0 : i32
      %dma_wait3A_1578 = tpu.memref_slice %arg3[%arg0, %mul3A_1573, %dma_wait3A] : memref<2x10240x16xf32, #tpu.memory_space<hbm>> -> memref<1x640x16xf32, #tpu.memory_space<hbm>>
      %dma_wait3A_1579 = tpu.memref_squeeze %dma_wait3A_1578 : memref<1x640x16xf32, #tpu.memory_space<hbm>> -> memref<640x16xf32, #tpu.memory_space<hbm>>
      %dma_wait3A_1580 = arith.constant 0 : i32
      %dma_wait3A_1581 = tpu.memref_slice %arg7[%mul3A_1571, %dma_wait3A_1580] : memref<10240x16xf32, #tpu.memory_space<vmem_shared>> -> memref<640x16xf32, #tpu.memory_space<vmem_shared>>
      tpu.wait_dma2 semaphore(%run_scoped3A : memref<!tpu.dma_semaphore, #tpu.memory_space<semaphore_mem>>) src(%dma_wait3A_1581 : memref<640x16xf32, #tpu.memory_space<vmem_shared>>) dst(%dma_wait3A_1579 : memref<640x16xf32, #tpu.memory_space<hbm>>)
      tpu.yield
    }) : () -> ()
    return
  }
}

#map = affine_map<(d0, d1) -> (0, 0, 0)>
#map1 = affine_map<(d0, d1) -> (0, 0)>
module attributes {stable_mosaic.version = 14 : i64} {
  func.func @_agg1_kernel(%arg0: i32, %arg1: i32, %arg2: memref<4x10240x64xf32, #tpu.memory_space<hbm>>, %arg3: memref<1280x128xi32, #tpu.memory_space<hbm>>, %arg4: memref<1280x128xi32, #tpu.memory_space<hbm>>, %arg5: memref<4x10240x64xf32, #tpu.memory_space<hbm>>, %arg6: memref<80x128xi32, #tpu.memory_space<vmem>>, %arg7: memref<80x128xi32, #tpu.memory_space<vmem>>, %arg8: memref<128x64xf32, #tpu.memory_space<vmem>>, %arg9: memref<128x64xf32, #tpu.memory_space<vmem>>, %arg10: memref<128x64xf32, #tpu.memory_space<vmem>>, %arg11: memref<128x64xf32, #tpu.memory_space<vmem>>, %arg12: memref<!tpu.dma_semaphore, #tpu.memory_space<semaphore_mem>>, %arg13: memref<!tpu.dma_semaphore, #tpu.memory_space<semaphore_mem>>, %arg14: memref<!tpu.dma_semaphore, #tpu.memory_space<semaphore_mem>>, %arg15: memref<!tpu.dma_semaphore, #tpu.memory_space<semaphore_mem>>, %arg16: memref<!tpu.dma_semaphore, #tpu.memory_space<semaphore_mem>>, %arg17: memref<!tpu.dma_semaphore, #tpu.memory_space<semaphore_mem>>, %arg18: memref<!tpu.dma_semaphore, #tpu.memory_space<semaphore_mem>>, %arg19: memref<!tpu.dma_semaphore, #tpu.memory_space<semaphore_mem>>, %arg20: memref<10240x64xf32, #tpu.memory_space<vmem_shared>>) attributes {dimension_semantics = [#tpu.dimension_semantics<core_parallel>, #tpu.dimension_semantics<subcore_parallel>], iteration_bounds = array<i64: 2, 16>, scalar_prefetch = 0 : i64, scratch_operands = 15 : i64, tpu.core_type = #tpu.core_type<sc_vector_subcore>, window_params = [{transform_indices = #map}, {transform_indices = #map1}, {transform_indices = #map1}, {transform_indices = #map}]} {
    %mul3A = arith.constant 80 : i32
    %mul3A_0 = arith.muli %arg1, %mul3A : i32
    "tpu.region"() ({
      %run_scoped3A = tpu.sem_alloc : memref<!tpu.dma_semaphore, #tpu.memory_space<semaphore_mem>>
      %dma_start3A_57 = arith.constant 0 : i32
      %dma_start3A_58 = tpu.memref_slice %arg3[%mul3A_0, %dma_start3A_57] : memref<1280x128xi32, #tpu.memory_space<hbm>> -> memref<80x128xi32, #tpu.memory_space<hbm>>
      %dma_start3A_59 = arith.constant 0 : i32
      %dma_start3A_60 = tpu.memref_slice %arg3[%mul3A_0, %dma_start3A_59] : memref<1280x128xi32, #tpu.memory_space<hbm>> -> memref<80x128xi32, #tpu.memory_space<hbm>>
      tpu.enqueue_dma source(%dma_start3A_60 : memref<80x128xi32, #tpu.memory_space<hbm>>) target(%arg6 : memref<80x128xi32, #tpu.memory_space<vmem>>) target_semaphore(%run_scoped3A : memref<!tpu.dma_semaphore, #tpu.memory_space<semaphore_mem>>)
      %dma_wait3A = arith.constant 0 : i32
      %dma_wait3A_61 = tpu.memref_slice %arg3[%mul3A_0, %dma_wait3A] : memref<1280x128xi32, #tpu.memory_space<hbm>> -> memref<80x128xi32, #tpu.memory_space<hbm>>
      %dma_wait3A_62 = arith.constant 0 : i32
      %dma_wait3A_63 = tpu.memref_slice %arg3[%mul3A_0, %dma_wait3A_62] : memref<1280x128xi32, #tpu.memory_space<hbm>> -> memref<80x128xi32, #tpu.memory_space<hbm>>
      tpu.wait_dma2 semaphore(%run_scoped3A : memref<!tpu.dma_semaphore, #tpu.memory_space<semaphore_mem>>) src(%dma_wait3A_63 : memref<80x128xi32, #tpu.memory_space<hbm>>) dst(%arg6 : memref<80x128xi32, #tpu.memory_space<vmem>>)
      tpu.yield
    }) : () -> ()
    %mul3A_1 = arith.constant 80 : i32
    %mul3A_2 = arith.muli %arg1, %mul3A_1 : i32
    "tpu.region"() ({
      %run_scoped3A = tpu.sem_alloc : memref<!tpu.dma_semaphore, #tpu.memory_space<semaphore_mem>>
      %dma_start3A_57 = arith.constant 0 : i32
      %dma_start3A_58 = tpu.memref_slice %arg4[%mul3A_2, %dma_start3A_57] : memref<1280x128xi32, #tpu.memory_space<hbm>> -> memref<80x128xi32, #tpu.memory_space<hbm>>
      %dma_start3A_59 = arith.constant 0 : i32
      %dma_start3A_60 = tpu.memref_slice %arg4[%mul3A_2, %dma_start3A_59] : memref<1280x128xi32, #tpu.memory_space<hbm>> -> memref<80x128xi32, #tpu.memory_space<hbm>>
      tpu.enqueue_dma source(%dma_start3A_60 : memref<80x128xi32, #tpu.memory_space<hbm>>) target(%arg7 : memref<80x128xi32, #tpu.memory_space<vmem>>) target_semaphore(%run_scoped3A : memref<!tpu.dma_semaphore, #tpu.memory_space<semaphore_mem>>)
      %dma_wait3A = arith.constant 0 : i32
      %dma_wait3A_61 = tpu.memref_slice %arg4[%mul3A_2, %dma_wait3A] : memref<1280x128xi32, #tpu.memory_space<hbm>> -> memref<80x128xi32, #tpu.memory_space<hbm>>
      %dma_wait3A_62 = arith.constant 0 : i32
      %dma_wait3A_63 = tpu.memref_slice %arg4[%mul3A_2, %dma_wait3A_62] : memref<1280x128xi32, #tpu.memory_space<hbm>> -> memref<80x128xi32, #tpu.memory_space<hbm>>
      tpu.wait_dma2 semaphore(%run_scoped3A : memref<!tpu.dma_semaphore, #tpu.memory_space<semaphore_mem>>) src(%dma_wait3A_63 : memref<80x128xi32, #tpu.memory_space<hbm>>) dst(%arg7 : memref<80x128xi32, #tpu.memory_space<vmem>>)
      tpu.yield
    }) : () -> ()
    %add3A = arith.constant 0 : i32
    %add3A_3 = arith.addi %add3A, %arg0 : i32
    %mul3A_4 = arith.constant 640 : i32
    %mul3A_5 = arith.muli %arg1, %mul3A_4 : i32
    %mul3A_6 = arith.constant 640 : i32
    %mul3A_7 = arith.muli %arg1, %mul3A_6 : i32
    "tpu.region"() ({
      %run_scoped3A = tpu.sem_alloc : memref<!tpu.dma_semaphore, #tpu.memory_space<semaphore_mem>>
      %dma_start3A_57 = arith.constant 0 : i32
      %dma_start3A_58 = tpu.memref_slice %arg20[%mul3A_7, %dma_start3A_57] : memref<10240x64xf32, #tpu.memory_space<vmem_shared>> -> memref<640x64xf32, #tpu.memory_space<vmem_shared>>
      %dma_start3A_59 = arith.constant 0 : i32
      %dma_start3A_60 = arith.constant 0 : i32
      %dma_start3A_61 = tpu.memref_slice %arg2[%add3A_3, %dma_start3A_59, %dma_start3A_60] : memref<4x10240x64xf32, #tpu.memory_space<hbm>> -> memref<1x10240x64xf32, #tpu.memory_space<hbm>>
      %dma_start3A_62 = tpu.memref_squeeze %dma_start3A_61 : memref<1x10240x64xf32, #tpu.memory_space<hbm>> -> memref<10240x64xf32, #tpu.memory_space<hbm>>
      %dma_start3A_63 = arith.constant 0 : i32
      %dma_start3A_64 = tpu.memref_slice %dma_start3A_62[%mul3A_5, %dma_start3A_63] : memref<10240x64xf32, #tpu.memory_space<hbm>> -> memref<640x64xf32, #tpu.memory_space<hbm>>
      tpu.enqueue_dma source(%dma_start3A_64 : memref<640x64xf32, #tpu.memory_space<hbm>>) target(%dma_start3A_58 : memref<640x64xf32, #tpu.memory_space<vmem_shared>>) target_semaphore(%run_scoped3A : memref<!tpu.dma_semaphore, #tpu.memory_space<semaphore_mem>>)
      %dma_wait3A = arith.constant 0 : i32
      %dma_wait3A_65 = tpu.memref_slice %arg20[%mul3A_7, %dma_wait3A] : memref<10240x64xf32, #tpu.memory_space<vmem_shared>> -> memref<640x64xf32, #tpu.memory_space<vmem_shared>>
      %dma_wait3A_66 = arith.constant 0 : i32
      %dma_wait3A_67 = arith.constant 0 : i32
      %dma_wait3A_68 = tpu.memref_slice %arg2[%add3A_3, %dma_wait3A_66, %dma_wait3A_67] : memref<4x10240x64xf32, #tpu.memory_space<hbm>> -> memref<1x10240x64xf32, #tpu.memory_space<hbm>>
      %dma_wait3A_69 = tpu.memref_squeeze %dma_wait3A_68 : memref<1x10240x64xf32, #tpu.memory_space<hbm>> -> memref<10240x64xf32, #tpu.memory_space<hbm>>
      %dma_wait3A_70 = arith.constant 0 : i32
      %dma_wait3A_71 = tpu.memref_slice %dma_wait3A_69[%mul3A_5, %dma_wait3A_70] : memref<10240x64xf32, #tpu.memory_space<hbm>> -> memref<640x64xf32, #tpu.memory_space<hbm>>
      tpu.wait_dma2 semaphore(%run_scoped3A : memref<!tpu.dma_semaphore, #tpu.memory_space<semaphore_mem>>) src(%dma_wait3A_71 : memref<640x64xf32, #tpu.memory_space<hbm>>) dst(%dma_wait3A_65 : memref<640x64xf32, #tpu.memory_space<vmem_shared>>)
      tpu.yield
    }) : () -> ()
    %barrier3A = arith.constant 0 : index
    tpu.barrier barrier_id(%barrier3A)
    %dma_start3A = arith.constant 0 : i32
    %dma_start3A_8 = arith.constant 0 : i32
    %dma_start3A_9 = tpu.memref_slice %arg6[%dma_start3A, %dma_start3A_8] : memref<80x128xi32, #tpu.memory_space<vmem>> -> memref<1x128xi32, #tpu.memory_space<vmem>>
    %dma_start3A_10 = tpu.memref_squeeze %dma_start3A_9 : memref<1x128xi32, #tpu.memory_space<vmem>> -> memref<128xi32, #tpu.memory_space<vmem>>
    %dma_start3A_11 = arith.constant 0 : i32
    %dma_start3A_12 = arith.constant 0 : i32
    %dma_start3A_13 = tpu.memref_slice %arg2[%add3A_3, %dma_start3A_11, %dma_start3A_12] : memref<4x10240x64xf32, #tpu.memory_space<hbm>> -> memref<1x10240x64xf32, #tpu.memory_space<hbm>>
    %dma_start3A_14 = tpu.memref_squeeze %dma_start3A_13 : memref<1x10240x64xf32, #tpu.memory_space<hbm>> -> memref<10240x64xf32, #tpu.memory_space<hbm>>
    %dma_start3A_15 = arith.constant 0 : i32
    %dma_start3A_16 = arith.constant 0 : i32
    %dma_start3A_17 = tpu.memref_slice %dma_start3A_14[%dma_start3A_15, %dma_start3A_16] : memref<10240x64xf32, #tpu.memory_space<hbm>> -> memref<10240x64xf32, #tpu.memory_space<hbm>>
    tpu.enqueue_indirect_dma source(%dma_start3A_17 : memref<10240x64xf32, #tpu.memory_space<hbm>>) target(%arg8 : memref<128x64xf32, #tpu.memory_space<vmem>>) offsets(%dma_start3A_10 : memref<128xi32, #tpu.memory_space<vmem>>) semaphore(%arg12 : memref<!tpu.dma_semaphore, #tpu.memory_space<semaphore_mem>>)
    %scan3A = arith.constant 0 : i32
    %scan3A_18 = arith.constant 0 : i32
    %scan3A_19 = arith.constant 80 : i32
    %scan3A_20 = arith.addi %scan3A_18, %scan3A_19 : i32
    %scan3A_21 = arith.constant 1 : i32
    scf.for %scan3A_57 = %scan3A_18 to %scan3A_20 step %scan3A_21  : i32 {
      %rem3A = arith.constant 4 : i32
      %rem3A_58 = arith.remsi %scan3A_57, %rem3A : i32
      %eq3A = arith.constant 0 : i32
      %eq3A_59 = arith.cmpi eq, %rem3A_58, %eq3A : i32
      %convert_element_type3A = arith.extui %eq3A_59 : i1 to i32
      %cond3A = arith.constant 0 : i32
      %cond3A_60 = arith.cmpi ne, %convert_element_type3A, %cond3A : i32
      scf.if %cond3A_60 {
        %dma_wait3A = arith.constant 0 : i32
        %dma_wait3A_76 = tpu.memref_slice %arg6[%scan3A_57, %dma_wait3A] : memref<80x128xi32, #tpu.memory_space<vmem>> -> memref<1x128xi32, #tpu.memory_space<vmem>>
        %dma_wait3A_77 = tpu.memref_squeeze %dma_wait3A_76 : memref<1x128xi32, #tpu.memory_space<vmem>> -> memref<128xi32, #tpu.memory_space<vmem>>
        %dma_wait3A_78 = arith.constant 0 : i32
        %dma_wait3A_79 = arith.constant 0 : i32
        %dma_wait3A_80 = tpu.memref_slice %arg2[%add3A_3, %dma_wait3A_78, %dma_wait3A_79] : memref<4x10240x64xf32, #tpu.memory_space<hbm>> -> memref<1x10240x64xf32, #tpu.memory_space<hbm>>
        %dma_wait3A_81 = tpu.memref_squeeze %dma_wait3A_80 : memref<1x10240x64xf32, #tpu.memory_space<hbm>> -> memref<10240x64xf32, #tpu.memory_space<hbm>>
        %dma_wait3A_82 = arith.constant 0 : i32
        %dma_wait3A_83 = arith.constant 0 : i32
        %dma_wait3A_84 = tpu.memref_slice %dma_wait3A_81[%dma_wait3A_82, %dma_wait3A_83] : memref<10240x64xf32, #tpu.memory_space<hbm>> -> memref<10240x64xf32, #tpu.memory_space<hbm>>
        tpu.wait_indirect_dma semaphore(%arg12 : memref<!tpu.dma_semaphore, #tpu.memory_space<semaphore_mem>>) src(%dma_wait3A_84 : memref<10240x64xf32, #tpu.memory_space<hbm>>) dst(%arg8 : memref<128x64xf32, #tpu.memory_space<vmem>>)
        %add3A_85 = arith.constant 1 : i32
        %add3A_86 = arith.addi %scan3A_57, %add3A_85 : i32
        %lt3A = arith.constant 80 : i32
        %lt3A_87 = arith.cmpi slt, %add3A_86, %lt3A : i32
        %convert_element_type3A_88 = arith.extui %lt3A_87 : i1 to i32
        %cond3A_89 = arith.constant 0 : i32
        %cond3A_90 = arith.cmpi ne, %convert_element_type3A_88, %cond3A_89 : i32
        scf.if %cond3A_90 {
          %add3A_91 = arith.constant 1 : i32
          %add3A_92 = arith.addi %scan3A_57, %add3A_91 : i32
          %dma_start3A_93 = arith.constant 0 : i32
          %dma_start3A_94 = tpu.memref_slice %arg6[%add3A_92, %dma_start3A_93] : memref<80x128xi32, #tpu.memory_space<vmem>> -> memref<1x128xi32, #tpu.memory_space<vmem>>
          %dma_start3A_95 = tpu.memref_squeeze %dma_start3A_94 : memref<1x128xi32, #tpu.memory_space<vmem>> -> memref<128xi32, #tpu.memory_space<vmem>>
          %dma_start3A_96 = arith.constant 0 : i32
          %dma_start3A_97 = arith.constant 0 : i32
          %dma_start3A_98 = tpu.memref_slice %arg2[%add3A_3, %dma_start3A_96, %dma_start3A_97] : memref<4x10240x64xf32, #tpu.memory_space<hbm>> -> memref<1x10240x64xf32, #tpu.memory_space<hbm>>
          %dma_start3A_99 = tpu.memref_squeeze %dma_start3A_98 : memref<1x10240x64xf32, #tpu.memory_space<hbm>> -> memref<10240x64xf32, #tpu.memory_space<hbm>>
          %dma_start3A_100 = arith.constant 0 : i32
          %dma_start3A_101 = arith.constant 0 : i32
          %dma_start3A_102 = tpu.memref_slice %dma_start3A_99[%dma_start3A_100, %dma_start3A_101] : memref<10240x64xf32, #tpu.memory_space<hbm>> -> memref<10240x64xf32, #tpu.memory_space<hbm>>
          tpu.enqueue_indirect_dma source(%dma_start3A_102 : memref<10240x64xf32, #tpu.memory_space<hbm>>) target(%arg9 : memref<128x64xf32, #tpu.memory_space<vmem>>) offsets(%dma_start3A_95 : memref<128xi32, #tpu.memory_space<vmem>>) semaphore(%arg13 : memref<!tpu.dma_semaphore, #tpu.memory_space<semaphore_mem>>)
        } else {
        }
      } else {
      }
      %eq3A_61 = arith.constant 1 : i32
      %eq3A_62 = arith.cmpi eq, %rem3A_58, %eq3A_61 : i32
      %convert_element_type3A_63 = arith.extui %eq3A_62 : i1 to i32
      %cond3A_64 = arith.constant 0 : i32
      %cond3A_65 = arith.cmpi ne, %convert_element_type3A_63, %cond3A_64 : i32
      scf.if %cond3A_65 {
        %dma_wait3A = arith.constant 0 : i32
        %dma_wait3A_76 = tpu.memref_slice %arg6[%scan3A_57, %dma_wait3A] : memref<80x128xi32, #tpu.memory_space<vmem>> -> memref<1x128xi32, #tpu.memory_space<vmem>>
        %dma_wait3A_77 = tpu.memref_squeeze %dma_wait3A_76 : memref<1x128xi32, #tpu.memory_space<vmem>> -> memref<128xi32, #tpu.memory_space<vmem>>
        %dma_wait3A_78 = arith.constant 0 : i32
        %dma_wait3A_79 = arith.constant 0 : i32
        %dma_wait3A_80 = tpu.memref_slice %arg2[%add3A_3, %dma_wait3A_78, %dma_wait3A_79] : memref<4x10240x64xf32, #tpu.memory_space<hbm>> -> memref<1x10240x64xf32, #tpu.memory_space<hbm>>
        %dma_wait3A_81 = tpu.memref_squeeze %dma_wait3A_80 : memref<1x10240x64xf32, #tpu.memory_space<hbm>> -> memref<10240x64xf32, #tpu.memory_space<hbm>>
        %dma_wait3A_82 = arith.constant 0 : i32
        %dma_wait3A_83 = arith.constant 0 : i32
        %dma_wait3A_84 = tpu.memref_slice %dma_wait3A_81[%dma_wait3A_82, %dma_wait3A_83] : memref<10240x64xf32, #tpu.memory_space<hbm>> -> memref<10240x64xf32, #tpu.memory_space<hbm>>
        tpu.wait_indirect_dma semaphore(%arg13 : memref<!tpu.dma_semaphore, #tpu.memory_space<semaphore_mem>>) src(%dma_wait3A_84 : memref<10240x64xf32, #tpu.memory_space<hbm>>) dst(%arg9 : memref<128x64xf32, #tpu.memory_space<vmem>>)
        %add3A_85 = arith.constant 1 : i32
        %add3A_86 = arith.addi %scan3A_57, %add3A_85 : i32
        %lt3A = arith.constant 80 : i32
        %lt3A_87 = arith.cmpi slt, %add3A_86, %lt3A : i32
        %convert_element_type3A_88 = arith.extui %lt3A_87 : i1 to i32
        %cond3A_89 = arith.constant 0 : i32
        %cond3A_90 = arith.cmpi ne, %convert_element_type3A_88, %cond3A_89 : i32
        scf.if %cond3A_90 {
          %add3A_91 = arith.constant 1 : i32
          %add3A_92 = arith.addi %scan3A_57, %add3A_91 : i32
          %dma_start3A_93 = arith.constant 0 : i32
          %dma_start3A_94 = tpu.memref_slice %arg6[%add3A_92, %dma_start3A_93] : memref<80x128xi32, #tpu.memory_space<vmem>> -> memref<1x128xi32, #tpu.memory_space<vmem>>
          %dma_start3A_95 = tpu.memref_squeeze %dma_start3A_94 : memref<1x128xi32, #tpu.memory_space<vmem>> -> memref<128xi32, #tpu.memory_space<vmem>>
          %dma_start3A_96 = arith.constant 0 : i32
          %dma_start3A_97 = arith.constant 0 : i32
          %dma_start3A_98 = tpu.memref_slice %arg2[%add3A_3, %dma_start3A_96, %dma_start3A_97] : memref<4x10240x64xf32, #tpu.memory_space<hbm>> -> memref<1x10240x64xf32, #tpu.memory_space<hbm>>
          %dma_start3A_99 = tpu.memref_squeeze %dma_start3A_98 : memref<1x10240x64xf32, #tpu.memory_space<hbm>> -> memref<10240x64xf32, #tpu.memory_space<hbm>>
          %dma_start3A_100 = arith.constant 0 : i32
          %dma_start3A_101 = arith.constant 0 : i32
          %dma_start3A_102 = tpu.memref_slice %dma_start3A_99[%dma_start3A_100, %dma_start3A_101] : memref<10240x64xf32, #tpu.memory_space<hbm>> -> memref<10240x64xf32, #tpu.memory_space<hbm>>
          tpu.enqueue_indirect_dma source(%dma_start3A_102 : memref<10240x64xf32, #tpu.memory_space<hbm>>) target(%arg10 : memref<128x64xf32, #tpu.memory_space<vmem>>) offsets(%dma_start3A_95 : memref<128xi32, #tpu.memory_space<vmem>>) semaphore(%arg14 : memref<!tpu.dma_semaphore, #tpu.memory_space<semaphore_mem>>)
        } else {
        }
      } else {
      }
      %eq3A_66 = arith.constant 2 : i32
      %eq3A_67 = arith.cmpi eq, %rem3A_58, %eq3A_66 : i32
      %convert_element_type3A_68 = arith.extui %eq3A_67 : i1 to i32
      %cond3A_69 = arith.constant 0 : i32
      %cond3A_70 = arith.cmpi ne, %convert_element_type3A_68, %cond3A_69 : i32
      scf.if %cond3A_70 {
        %dma_wait3A = arith.constant 0 : i32
        %dma_wait3A_76 = tpu.memref_slice %arg6[%scan3A_57, %dma_wait3A] : memref<80x128xi32, #tpu.memory_space<vmem>> -> memref<1x128xi32, #tpu.memory_space<vmem>>
        %dma_wait3A_77 = tpu.memref_squeeze %dma_wait3A_76 : memref<1x128xi32, #tpu.memory_space<vmem>> -> memref<128xi32, #tpu.memory_space<vmem>>
        %dma_wait3A_78 = arith.constant 0 : i32
        %dma_wait3A_79 = arith.constant 0 : i32
        %dma_wait3A_80 = tpu.memref_slice %arg2[%add3A_3, %dma_wait3A_78, %dma_wait3A_79] : memref<4x10240x64xf32, #tpu.memory_space<hbm>> -> memref<1x10240x64xf32, #tpu.memory_space<hbm>>
        %dma_wait3A_81 = tpu.memref_squeeze %dma_wait3A_80 : memref<1x10240x64xf32, #tpu.memory_space<hbm>> -> memref<10240x64xf32, #tpu.memory_space<hbm>>
        %dma_wait3A_82 = arith.constant 0 : i32
        %dma_wait3A_83 = arith.constant 0 : i32
        %dma_wait3A_84 = tpu.memref_slice %dma_wait3A_81[%dma_wait3A_82, %dma_wait3A_83] : memref<10240x64xf32, #tpu.memory_space<hbm>> -> memref<10240x64xf32, #tpu.memory_space<hbm>>
        tpu.wait_indirect_dma semaphore(%arg14 : memref<!tpu.dma_semaphore, #tpu.memory_space<semaphore_mem>>) src(%dma_wait3A_84 : memref<10240x64xf32, #tpu.memory_space<hbm>>) dst(%arg10 : memref<128x64xf32, #tpu.memory_space<vmem>>)
        %add3A_85 = arith.constant 1 : i32
        %add3A_86 = arith.addi %scan3A_57, %add3A_85 : i32
        %lt3A = arith.constant 80 : i32
        %lt3A_87 = arith.cmpi slt, %add3A_86, %lt3A : i32
        %convert_element_type3A_88 = arith.extui %lt3A_87 : i1 to i32
        %cond3A_89 = arith.constant 0 : i32
        %cond3A_90 = arith.cmpi ne, %convert_element_type3A_88, %cond3A_89 : i32
        scf.if %cond3A_90 {
          %add3A_91 = arith.constant 1 : i32
          %add3A_92 = arith.addi %scan3A_57, %add3A_91 : i32
          %dma_start3A_93 = arith.constant 0 : i32
          %dma_start3A_94 = tpu.memref_slice %arg6[%add3A_92, %dma_start3A_93] : memref<80x128xi32, #tpu.memory_space<vmem>> -> memref<1x128xi32, #tpu.memory_space<vmem>>
          %dma_start3A_95 = tpu.memref_squeeze %dma_start3A_94 : memref<1x128xi32, #tpu.memory_space<vmem>> -> memref<128xi32, #tpu.memory_space<vmem>>
          %dma_start3A_96 = arith.constant 0 : i32
          %dma_start3A_97 = arith.constant 0 : i32
          %dma_start3A_98 = tpu.memref_slice %arg2[%add3A_3, %dma_start3A_96, %dma_start3A_97] : memref<4x10240x64xf32, #tpu.memory_space<hbm>> -> memref<1x10240x64xf32, #tpu.memory_space<hbm>>
          %dma_start3A_99 = tpu.memref_squeeze %dma_start3A_98 : memref<1x10240x64xf32, #tpu.memory_space<hbm>> -> memref<10240x64xf32, #tpu.memory_space<hbm>>
          %dma_start3A_100 = arith.constant 0 : i32
          %dma_start3A_101 = arith.constant 0 : i32
          %dma_start3A_102 = tpu.memref_slice %dma_start3A_99[%dma_start3A_100, %dma_start3A_101] : memref<10240x64xf32, #tpu.memory_space<hbm>> -> memref<10240x64xf32, #tpu.memory_space<hbm>>
          tpu.enqueue_indirect_dma source(%dma_start3A_102 : memref<10240x64xf32, #tpu.memory_space<hbm>>) target(%arg11 : memref<128x64xf32, #tpu.memory_space<vmem>>) offsets(%dma_start3A_95 : memref<128xi32, #tpu.memory_space<vmem>>) semaphore(%arg15 : memref<!tpu.dma_semaphore, #tpu.memory_space<semaphore_mem>>)
        } else {
        }
      } else {
      }
      %eq3A_71 = arith.constant 3 : i32
      %eq3A_72 = arith.cmpi eq, %rem3A_58, %eq3A_71 : i32
      %convert_element_type3A_73 = arith.extui %eq3A_72 : i1 to i32
      %cond3A_74 = arith.constant 0 : i32
      %cond3A_75 = arith.cmpi ne, %convert_element_type3A_73, %cond3A_74 : i32
      scf.if %cond3A_75 {
        %dma_wait3A = arith.constant 0 : i32
        %dma_wait3A_76 = tpu.memref_slice %arg6[%scan3A_57, %dma_wait3A] : memref<80x128xi32, #tpu.memory_space<vmem>> -> memref<1x128xi32, #tpu.memory_space<vmem>>
        %dma_wait3A_77 = tpu.memref_squeeze %dma_wait3A_76 : memref<1x128xi32, #tpu.memory_space<vmem>> -> memref<128xi32, #tpu.memory_space<vmem>>
        %dma_wait3A_78 = arith.constant 0 : i32
        %dma_wait3A_79 = arith.constant 0 : i32
        %dma_wait3A_80 = tpu.memref_slice %arg2[%add3A_3, %dma_wait3A_78, %dma_wait3A_79] : memref<4x10240x64xf32, #tpu.memory_space<hbm>> -> memref<1x10240x64xf32, #tpu.memory_space<hbm>>
        %dma_wait3A_81 = tpu.memref_squeeze %dma_wait3A_80 : memref<1x10240x64xf32, #tpu.memory_space<hbm>> -> memref<10240x64xf32, #tpu.memory_space<hbm>>
        %dma_wait3A_82 = arith.constant 0 : i32
        %dma_wait3A_83 = arith.constant 0 : i32
        %dma_wait3A_84 = tpu.memref_slice %dma_wait3A_81[%dma_wait3A_82, %dma_wait3A_83] : memref<10240x64xf32, #tpu.memory_space<hbm>> -> memref<10240x64xf32, #tpu.memory_space<hbm>>
        tpu.wait_indirect_dma semaphore(%arg15 : memref<!tpu.dma_semaphore, #tpu.memory_space<semaphore_mem>>) src(%dma_wait3A_84 : memref<10240x64xf32, #tpu.memory_space<hbm>>) dst(%arg11 : memref<128x64xf32, #tpu.memory_space<vmem>>)
        %add3A_85 = arith.constant 1 : i32
        %add3A_86 = arith.addi %scan3A_57, %add3A_85 : i32
        %lt3A = arith.constant 80 : i32
        %lt3A_87 = arith.cmpi slt, %add3A_86, %lt3A : i32
        %convert_element_type3A_88 = arith.extui %lt3A_87 : i1 to i32
        %cond3A_89 = arith.constant 0 : i32
        %cond3A_90 = arith.cmpi ne, %convert_element_type3A_88, %cond3A_89 : i32
        scf.if %cond3A_90 {
          %add3A_91 = arith.constant 1 : i32
          %add3A_92 = arith.addi %scan3A_57, %add3A_91 : i32
          %dma_start3A_93 = arith.constant 0 : i32
          %dma_start3A_94 = tpu.memref_slice %arg6[%add3A_92, %dma_start3A_93] : memref<80x128xi32, #tpu.memory_space<vmem>> -> memref<1x128xi32, #tpu.memory_space<vmem>>
          %dma_start3A_95 = tpu.memref_squeeze %dma_start3A_94 : memref<1x128xi32, #tpu.memory_space<vmem>> -> memref<128xi32, #tpu.memory_space<vmem>>
          %dma_start3A_96 = arith.constant 0 : i32
          %dma_start3A_97 = arith.constant 0 : i32
          %dma_start3A_98 = tpu.memref_slice %arg2[%add3A_3, %dma_start3A_96, %dma_start3A_97] : memref<4x10240x64xf32, #tpu.memory_space<hbm>> -> memref<1x10240x64xf32, #tpu.memory_space<hbm>>
          %dma_start3A_99 = tpu.memref_squeeze %dma_start3A_98 : memref<1x10240x64xf32, #tpu.memory_space<hbm>> -> memref<10240x64xf32, #tpu.memory_space<hbm>>
          %dma_start3A_100 = arith.constant 0 : i32
          %dma_start3A_101 = arith.constant 0 : i32
          %dma_start3A_102 = tpu.memref_slice %dma_start3A_99[%dma_start3A_100, %dma_start3A_101] : memref<10240x64xf32, #tpu.memory_space<hbm>> -> memref<10240x64xf32, #tpu.memory_space<hbm>>
          tpu.enqueue_indirect_dma source(%dma_start3A_102 : memref<10240x64xf32, #tpu.memory_space<hbm>>) target(%arg8 : memref<128x64xf32, #tpu.memory_space<vmem>>) offsets(%dma_start3A_95 : memref<128xi32, #tpu.memory_space<vmem>>) semaphore(%arg12 : memref<!tpu.dma_semaphore, #tpu.memory_space<semaphore_mem>>)
        } else {
        }
      } else {
      }
    }
    %scan3A_22 = arith.constant 80 : i32
    %barrier3A_23 = arith.constant 0 : index
    tpu.barrier barrier_id(%barrier3A_23)
    %mul3A_24 = arith.constant 640 : i32
    %mul3A_25 = arith.muli %arg1, %mul3A_24 : i32
    %mul3A_26 = arith.constant 640 : i32
    %mul3A_27 = arith.muli %arg1, %mul3A_26 : i32
    "tpu.region"() ({
      %run_scoped3A = tpu.sem_alloc : memref<!tpu.dma_semaphore, #tpu.memory_space<semaphore_mem>>
      %dma_start3A_57 = arith.constant 0 : i32
      %dma_start3A_58 = tpu.memref_slice %arg5[%add3A_3, %mul3A_27, %dma_start3A_57] : memref<4x10240x64xf32, #tpu.memory_space<hbm>> -> memref<1x640x64xf32, #tpu.memory_space<hbm>>
      %dma_start3A_59 = tpu.memref_squeeze %dma_start3A_58 : memref<1x640x64xf32, #tpu.memory_space<hbm>> -> memref<640x64xf32, #tpu.memory_space<hbm>>
      %dma_start3A_60 = arith.constant 0 : i32
      %dma_start3A_61 = tpu.memref_slice %arg20[%mul3A_25, %dma_start3A_60] : memref<10240x64xf32, #tpu.memory_space<vmem_shared>> -> memref<640x64xf32, #tpu.memory_space<vmem_shared>>
      tpu.enqueue_dma source(%dma_start3A_61 : memref<640x64xf32, #tpu.memory_space<vmem_shared>>) target(%dma_start3A_59 : memref<640x64xf32, #tpu.memory_space<hbm>>) target_semaphore(%run_scoped3A : memref<!tpu.dma_semaphore, #tpu.memory_space<semaphore_mem>>)
      %dma_wait3A = arith.constant 0 : i32
      %dma_wait3A_62 = tpu.memref_slice %arg5[%add3A_3, %mul3A_27, %dma_wait3A] : memref<4x10240x64xf32, #tpu.memory_space<hbm>> -> memref<1x640x64xf32, #tpu.memory_space<hbm>>
      %dma_wait3A_63 = tpu.memref_squeeze %dma_wait3A_62 : memref<1x640x64xf32, #tpu.memory_space<hbm>> -> memref<640x64xf32, #tpu.memory_space<hbm>>
      %dma_wait3A_64 = arith.constant 0 : i32
      %dma_wait3A_65 = tpu.memref_slice %arg20[%mul3A_25, %dma_wait3A_64] : memref<10240x64xf32, #tpu.memory_space<vmem_shared>> -> memref<640x64xf32, #tpu.memory_space<vmem_shared>>
      tpu.wait_dma2 semaphore(%run_scoped3A : memref<!tpu.dma_semaphore, #tpu.memory_space<semaphore_mem>>) src(%dma_wait3A_65 : memref<640x64xf32, #tpu.memory_space<vmem_shared>>) dst(%dma_wait3A_63 : memref<640x64xf32, #tpu.memory_space<hbm>>)
      tpu.yield
    }) : () -> ()
    %add3A_28 = arith.constant 2 : i32
    %add3A_29 = arith.addi %add3A_28, %arg0 : i32
    %mul3A_30 = arith.constant 640 : i32
    %mul3A_31 = arith.muli %arg1, %mul3A_30 : i32
    %mul3A_32 = arith.constant 640 : i32
    %mul3A_33 = arith.muli %arg1, %mul3A_32 : i32
    "tpu.region"() ({
      %run_scoped3A = tpu.sem_alloc : memref<!tpu.dma_semaphore, #tpu.memory_space<semaphore_mem>>
      %dma_start3A_57 = arith.constant 0 : i32
      %dma_start3A_58 = tpu.memref_slice %arg20[%mul3A_33, %dma_start3A_57] : memref<10240x64xf32, #tpu.memory_space<vmem_shared>> -> memref<640x64xf32, #tpu.memory_space<vmem_shared>>
      %dma_start3A_59 = arith.constant 0 : i32
      %dma_start3A_60 = arith.constant 0 : i32
      %dma_start3A_61 = tpu.memref_slice %arg2[%add3A_29, %dma_start3A_59, %dma_start3A_60] : memref<4x10240x64xf32, #tpu.memory_space<hbm>> -> memref<1x10240x64xf32, #tpu.memory_space<hbm>>
      %dma_start3A_62 = tpu.memref_squeeze %dma_start3A_61 : memref<1x10240x64xf32, #tpu.memory_space<hbm>> -> memref<10240x64xf32, #tpu.memory_space<hbm>>
      %dma_start3A_63 = arith.constant 0 : i32
      %dma_start3A_64 = tpu.memref_slice %dma_start3A_62[%mul3A_31, %dma_start3A_63] : memref<10240x64xf32, #tpu.memory_space<hbm>> -> memref<640x64xf32, #tpu.memory_space<hbm>>
      tpu.enqueue_dma source(%dma_start3A_64 : memref<640x64xf32, #tpu.memory_space<hbm>>) target(%dma_start3A_58 : memref<640x64xf32, #tpu.memory_space<vmem_shared>>) target_semaphore(%run_scoped3A : memref<!tpu.dma_semaphore, #tpu.memory_space<semaphore_mem>>)
      %dma_wait3A = arith.constant 0 : i32
      %dma_wait3A_65 = tpu.memref_slice %arg20[%mul3A_33, %dma_wait3A] : memref<10240x64xf32, #tpu.memory_space<vmem_shared>> -> memref<640x64xf32, #tpu.memory_space<vmem_shared>>
      %dma_wait3A_66 = arith.constant 0 : i32
      %dma_wait3A_67 = arith.constant 0 : i32
      %dma_wait3A_68 = tpu.memref_slice %arg2[%add3A_29, %dma_wait3A_66, %dma_wait3A_67] : memref<4x10240x64xf32, #tpu.memory_space<hbm>> -> memref<1x10240x64xf32, #tpu.memory_space<hbm>>
      %dma_wait3A_69 = tpu.memref_squeeze %dma_wait3A_68 : memref<1x10240x64xf32, #tpu.memory_space<hbm>> -> memref<10240x64xf32, #tpu.memory_space<hbm>>
      %dma_wait3A_70 = arith.constant 0 : i32
      %dma_wait3A_71 = tpu.memref_slice %dma_wait3A_69[%mul3A_31, %dma_wait3A_70] : memref<10240x64xf32, #tpu.memory_space<hbm>> -> memref<640x64xf32, #tpu.memory_space<hbm>>
      tpu.wait_dma2 semaphore(%run_scoped3A : memref<!tpu.dma_semaphore, #tpu.memory_space<semaphore_mem>>) src(%dma_wait3A_71 : memref<640x64xf32, #tpu.memory_space<hbm>>) dst(%dma_wait3A_65 : memref<640x64xf32, #tpu.memory_space<vmem_shared>>)
      tpu.yield
    }) : () -> ()
    %barrier3A_34 = arith.constant 0 : index
    tpu.barrier barrier_id(%barrier3A_34)
    %dma_start3A_35 = arith.constant 0 : i32
    %dma_start3A_36 = arith.constant 0 : i32
    %dma_start3A_37 = tpu.memref_slice %arg6[%dma_start3A_35, %dma_start3A_36] : memref<80x128xi32, #tpu.memory_space<vmem>> -> memref<1x128xi32, #tpu.memory_space<vmem>>
    %dma_start3A_38 = tpu.memref_squeeze %dma_start3A_37 : memref<1x128xi32, #tpu.memory_space<vmem>> -> memref<128xi32, #tpu.memory_space<vmem>>
    %dma_start3A_39 = arith.constant 0 : i32
    %dma_start3A_40 = arith.constant 0 : i32
    %dma_start3A_41 = tpu.memref_slice %arg2[%add3A_29, %dma_start3A_39, %dma_start3A_40] : memref<4x10240x64xf32, #tpu.memory_space<hbm>> -> memref<1x10240x64xf32, #tpu.memory_space<hbm>>
    %dma_start3A_42 = tpu.memref_squeeze %dma_start3A_41 : memref<1x10240x64xf32, #tpu.memory_space<hbm>> -> memref<10240x64xf32, #tpu.memory_space<hbm>>
    %dma_start3A_43 = arith.constant 0 : i32
    %dma_start3A_44 = arith.constant 0 : i32
    %dma_start3A_45 = tpu.memref_slice %dma_start3A_42[%dma_start3A_43, %dma_start3A_44] : memref<10240x64xf32, #tpu.memory_space<hbm>> -> memref<10240x64xf32, #tpu.memory_space<hbm>>
    tpu.enqueue_indirect_dma source(%dma_start3A_45 : memref<10240x64xf32, #tpu.memory_space<hbm>>) target(%arg8 : memref<128x64xf32, #tpu.memory_space<vmem>>) offsets(%dma_start3A_38 : memref<128xi32, #tpu.memory_space<vmem>>) semaphore(%arg12 : memref<!tpu.dma_semaphore, #tpu.memory_space<semaphore_mem>>)
    %scan3A_46 = arith.constant 0 : i32
    %scan3A_47 = arith.constant 0 : i32
    %scan3A_48 = arith.constant 80 : i32
    %scan3A_49 = arith.addi %scan3A_47, %scan3A_48 : i32
    %scan3A_50 = arith.constant 1 : i32
    scf.for %scan3A_57 = %scan3A_47 to %scan3A_49 step %scan3A_50  : i32 {
      %rem3A = arith.constant 4 : i32
      %rem3A_58 = arith.remsi %scan3A_57, %rem3A : i32
      %eq3A = arith.constant 0 : i32
      %eq3A_59 = arith.cmpi eq, %rem3A_58, %eq3A : i32
      %convert_element_type3A = arith.extui %eq3A_59 : i1 to i32
      %cond3A = arith.constant 0 : i32
      %cond3A_60 = arith.cmpi ne, %convert_element_type3A, %cond3A : i32
      scf.if %cond3A_60 {
        %dma_wait3A = arith.constant 0 : i32
        %dma_wait3A_76 = tpu.memref_slice %arg6[%scan3A_57, %dma_wait3A] : memref<80x128xi32, #tpu.memory_space<vmem>> -> memref<1x128xi32, #tpu.memory_space<vmem>>
        %dma_wait3A_77 = tpu.memref_squeeze %dma_wait3A_76 : memref<1x128xi32, #tpu.memory_space<vmem>> -> memref<128xi32, #tpu.memory_space<vmem>>
        %dma_wait3A_78 = arith.constant 0 : i32
        %dma_wait3A_79 = arith.constant 0 : i32
        %dma_wait3A_80 = tpu.memref_slice %arg2[%add3A_29, %dma_wait3A_78, %dma_wait3A_79] : memref<4x10240x64xf32, #tpu.memory_space<hbm>> -> memref<1x10240x64xf32, #tpu.memory_space<hbm>>
        %dma_wait3A_81 = tpu.memref_squeeze %dma_wait3A_80 : memref<1x10240x64xf32, #tpu.memory_space<hbm>> -> memref<10240x64xf32, #tpu.memory_space<hbm>>
        %dma_wait3A_82 = arith.constant 0 : i32
        %dma_wait3A_83 = arith.constant 0 : i32
        %dma_wait3A_84 = tpu.memref_slice %dma_wait3A_81[%dma_wait3A_82, %dma_wait3A_83] : memref<10240x64xf32, #tpu.memory_space<hbm>> -> memref<10240x64xf32, #tpu.memory_space<hbm>>
        tpu.wait_indirect_dma semaphore(%arg12 : memref<!tpu.dma_semaphore, #tpu.memory_space<semaphore_mem>>) src(%dma_wait3A_84 : memref<10240x64xf32, #tpu.memory_space<hbm>>) dst(%arg8 : memref<128x64xf32, #tpu.memory_space<vmem>>)
        %add3A_85 = arith.constant 1 : i32
        %add3A_86 = arith.addi %scan3A_57, %add3A_85 : i32
        %lt3A = arith.constant 80 : i32
        %lt3A_87 = arith.cmpi slt, %add3A_86, %lt3A : i32
        %convert_element_type3A_88 = arith.extui %lt3A_87 : i1 to i32
        %cond3A_89 = arith.constant 0 : i32
        %cond3A_90 = arith.cmpi ne, %convert_element_type3A_88, %cond3A_89 : i32
        scf.if %cond3A_90 {
          %add3A_91 = arith.constant 1 : i32
          %add3A_92 = arith.addi %scan3A_57, %add3A_91 : i32
          %dma_start3A_93 = arith.constant 0 : i32
          %dma_start3A_94 = tpu.memref_slice %arg6[%add3A_92, %dma_start3A_93] : memref<80x128xi32, #tpu.memory_space<vmem>> -> memref<1x128xi32, #tpu.memory_space<vmem>>
          %dma_start3A_95 = tpu.memref_squeeze %dma_start3A_94 : memref<1x128xi32, #tpu.memory_space<vmem>> -> memref<128xi32, #tpu.memory_space<vmem>>
          %dma_start3A_96 = arith.constant 0 : i32
          %dma_start3A_97 = arith.constant 0 : i32
          %dma_start3A_98 = tpu.memref_slice %arg2[%add3A_29, %dma_start3A_96, %dma_start3A_97] : memref<4x10240x64xf32, #tpu.memory_space<hbm>> -> memref<1x10240x64xf32, #tpu.memory_space<hbm>>
          %dma_start3A_99 = tpu.memref_squeeze %dma_start3A_98 : memref<1x10240x64xf32, #tpu.memory_space<hbm>> -> memref<10240x64xf32, #tpu.memory_space<hbm>>
          %dma_start3A_100 = arith.constant 0 : i32
          %dma_start3A_101 = arith.constant 0 : i32
          %dma_start3A_102 = tpu.memref_slice %dma_start3A_99[%dma_start3A_100, %dma_start3A_101] : memref<10240x64xf32, #tpu.memory_space<hbm>> -> memref<10240x64xf32, #tpu.memory_space<hbm>>
          tpu.enqueue_indirect_dma source(%dma_start3A_102 : memref<10240x64xf32, #tpu.memory_space<hbm>>) target(%arg9 : memref<128x64xf32, #tpu.memory_space<vmem>>) offsets(%dma_start3A_95 : memref<128xi32, #tpu.memory_space<vmem>>) semaphore(%arg13 : memref<!tpu.dma_semaphore, #tpu.memory_space<semaphore_mem>>)
        } else {
        }
      } else {
      }
      %eq3A_61 = arith.constant 1 : i32
      %eq3A_62 = arith.cmpi eq, %rem3A_58, %eq3A_61 : i32
      %convert_element_type3A_63 = arith.extui %eq3A_62 : i1 to i32
      %cond3A_64 = arith.constant 0 : i32
      %cond3A_65 = arith.cmpi ne, %convert_element_type3A_63, %cond3A_64 : i32
      scf.if %cond3A_65 {
        %dma_wait3A = arith.constant 0 : i32
        %dma_wait3A_76 = tpu.memref_slice %arg6[%scan3A_57, %dma_wait3A] : memref<80x128xi32, #tpu.memory_space<vmem>> -> memref<1x128xi32, #tpu.memory_space<vmem>>
        %dma_wait3A_77 = tpu.memref_squeeze %dma_wait3A_76 : memref<1x128xi32, #tpu.memory_space<vmem>> -> memref<128xi32, #tpu.memory_space<vmem>>
        %dma_wait3A_78 = arith.constant 0 : i32
        %dma_wait3A_79 = arith.constant 0 : i32
        %dma_wait3A_80 = tpu.memref_slice %arg2[%add3A_29, %dma_wait3A_78, %dma_wait3A_79] : memref<4x10240x64xf32, #tpu.memory_space<hbm>> -> memref<1x10240x64xf32, #tpu.memory_space<hbm>>
        %dma_wait3A_81 = tpu.memref_squeeze %dma_wait3A_80 : memref<1x10240x64xf32, #tpu.memory_space<hbm>> -> memref<10240x64xf32, #tpu.memory_space<hbm>>
        %dma_wait3A_82 = arith.constant 0 : i32
        %dma_wait3A_83 = arith.constant 0 : i32
        %dma_wait3A_84 = tpu.memref_slice %dma_wait3A_81[%dma_wait3A_82, %dma_wait3A_83] : memref<10240x64xf32, #tpu.memory_space<hbm>> -> memref<10240x64xf32, #tpu.memory_space<hbm>>
        tpu.wait_indirect_dma semaphore(%arg13 : memref<!tpu.dma_semaphore, #tpu.memory_space<semaphore_mem>>) src(%dma_wait3A_84 : memref<10240x64xf32, #tpu.memory_space<hbm>>) dst(%arg9 : memref<128x64xf32, #tpu.memory_space<vmem>>)
        %add3A_85 = arith.constant 1 : i32
        %add3A_86 = arith.addi %scan3A_57, %add3A_85 : i32
        %lt3A = arith.constant 80 : i32
        %lt3A_87 = arith.cmpi slt, %add3A_86, %lt3A : i32
        %convert_element_type3A_88 = arith.extui %lt3A_87 : i1 to i32
        %cond3A_89 = arith.constant 0 : i32
        %cond3A_90 = arith.cmpi ne, %convert_element_type3A_88, %cond3A_89 : i32
        scf.if %cond3A_90 {
          %add3A_91 = arith.constant 1 : i32
          %add3A_92 = arith.addi %scan3A_57, %add3A_91 : i32
          %dma_start3A_93 = arith.constant 0 : i32
          %dma_start3A_94 = tpu.memref_slice %arg6[%add3A_92, %dma_start3A_93] : memref<80x128xi32, #tpu.memory_space<vmem>> -> memref<1x128xi32, #tpu.memory_space<vmem>>
          %dma_start3A_95 = tpu.memref_squeeze %dma_start3A_94 : memref<1x128xi32, #tpu.memory_space<vmem>> -> memref<128xi32, #tpu.memory_space<vmem>>
          %dma_start3A_96 = arith.constant 0 : i32
          %dma_start3A_97 = arith.constant 0 : i32
          %dma_start3A_98 = tpu.memref_slice %arg2[%add3A_29, %dma_start3A_96, %dma_start3A_97] : memref<4x10240x64xf32, #tpu.memory_space<hbm>> -> memref<1x10240x64xf32, #tpu.memory_space<hbm>>
          %dma_start3A_99 = tpu.memref_squeeze %dma_start3A_98 : memref<1x10240x64xf32, #tpu.memory_space<hbm>> -> memref<10240x64xf32, #tpu.memory_space<hbm>>
          %dma_start3A_100 = arith.constant 0 : i32
          %dma_start3A_101 = arith.constant 0 : i32
          %dma_start3A_102 = tpu.memref_slice %dma_start3A_99[%dma_start3A_100, %dma_start3A_101] : memref<10240x64xf32, #tpu.memory_space<hbm>> -> memref<10240x64xf32, #tpu.memory_space<hbm>>
          tpu.enqueue_indirect_dma source(%dma_start3A_102 : memref<10240x64xf32, #tpu.memory_space<hbm>>) target(%arg10 : memref<128x64xf32, #tpu.memory_space<vmem>>) offsets(%dma_start3A_95 : memref<128xi32, #tpu.memory_space<vmem>>) semaphore(%arg14 : memref<!tpu.dma_semaphore, #tpu.memory_space<semaphore_mem>>)
        } else {
        }
      } else {
      }
      %eq3A_66 = arith.constant 2 : i32
      %eq3A_67 = arith.cmpi eq, %rem3A_58, %eq3A_66 : i32
      %convert_element_type3A_68 = arith.extui %eq3A_67 : i1 to i32
      %cond3A_69 = arith.constant 0 : i32
      %cond3A_70 = arith.cmpi ne, %convert_element_type3A_68, %cond3A_69 : i32
      scf.if %cond3A_70 {
        %dma_wait3A = arith.constant 0 : i32
        %dma_wait3A_76 = tpu.memref_slice %arg6[%scan3A_57, %dma_wait3A] : memref<80x128xi32, #tpu.memory_space<vmem>> -> memref<1x128xi32, #tpu.memory_space<vmem>>
        %dma_wait3A_77 = tpu.memref_squeeze %dma_wait3A_76 : memref<1x128xi32, #tpu.memory_space<vmem>> -> memref<128xi32, #tpu.memory_space<vmem>>
        %dma_wait3A_78 = arith.constant 0 : i32
        %dma_wait3A_79 = arith.constant 0 : i32
        %dma_wait3A_80 = tpu.memref_slice %arg2[%add3A_29, %dma_wait3A_78, %dma_wait3A_79] : memref<4x10240x64xf32, #tpu.memory_space<hbm>> -> memref<1x10240x64xf32, #tpu.memory_space<hbm>>
        %dma_wait3A_81 = tpu.memref_squeeze %dma_wait3A_80 : memref<1x10240x64xf32, #tpu.memory_space<hbm>> -> memref<10240x64xf32, #tpu.memory_space<hbm>>
        %dma_wait3A_82 = arith.constant 0 : i32
        %dma_wait3A_83 = arith.constant 0 : i32
        %dma_wait3A_84 = tpu.memref_slice %dma_wait3A_81[%dma_wait3A_82, %dma_wait3A_83] : memref<10240x64xf32, #tpu.memory_space<hbm>> -> memref<10240x64xf32, #tpu.memory_space<hbm>>
        tpu.wait_indirect_dma semaphore(%arg14 : memref<!tpu.dma_semaphore, #tpu.memory_space<semaphore_mem>>) src(%dma_wait3A_84 : memref<10240x64xf32, #tpu.memory_space<hbm>>) dst(%arg10 : memref<128x64xf32, #tpu.memory_space<vmem>>)
        %add3A_85 = arith.constant 1 : i32
        %add3A_86 = arith.addi %scan3A_57, %add3A_85 : i32
        %lt3A = arith.constant 80 : i32
        %lt3A_87 = arith.cmpi slt, %add3A_86, %lt3A : i32
        %convert_element_type3A_88 = arith.extui %lt3A_87 : i1 to i32
        %cond3A_89 = arith.constant 0 : i32
        %cond3A_90 = arith.cmpi ne, %convert_element_type3A_88, %cond3A_89 : i32
        scf.if %cond3A_90 {
          %add3A_91 = arith.constant 1 : i32
          %add3A_92 = arith.addi %scan3A_57, %add3A_91 : i32
          %dma_start3A_93 = arith.constant 0 : i32
          %dma_start3A_94 = tpu.memref_slice %arg6[%add3A_92, %dma_start3A_93] : memref<80x128xi32, #tpu.memory_space<vmem>> -> memref<1x128xi32, #tpu.memory_space<vmem>>
          %dma_start3A_95 = tpu.memref_squeeze %dma_start3A_94 : memref<1x128xi32, #tpu.memory_space<vmem>> -> memref<128xi32, #tpu.memory_space<vmem>>
          %dma_start3A_96 = arith.constant 0 : i32
          %dma_start3A_97 = arith.constant 0 : i32
          %dma_start3A_98 = tpu.memref_slice %arg2[%add3A_29, %dma_start3A_96, %dma_start3A_97] : memref<4x10240x64xf32, #tpu.memory_space<hbm>> -> memref<1x10240x64xf32, #tpu.memory_space<hbm>>
          %dma_start3A_99 = tpu.memref_squeeze %dma_start3A_98 : memref<1x10240x64xf32, #tpu.memory_space<hbm>> -> memref<10240x64xf32, #tpu.memory_space<hbm>>
          %dma_start3A_100 = arith.constant 0 : i32
          %dma_start3A_101 = arith.constant 0 : i32
          %dma_start3A_102 = tpu.memref_slice %dma_start3A_99[%dma_start3A_100, %dma_start3A_101] : memref<10240x64xf32, #tpu.memory_space<hbm>> -> memref<10240x64xf32, #tpu.memory_space<hbm>>
          tpu.enqueue_indirect_dma source(%dma_start3A_102 : memref<10240x64xf32, #tpu.memory_space<hbm>>) target(%arg11 : memref<128x64xf32, #tpu.memory_space<vmem>>) offsets(%dma_start3A_95 : memref<128xi32, #tpu.memory_space<vmem>>) semaphore(%arg15 : memref<!tpu.dma_semaphore, #tpu.memory_space<semaphore_mem>>)
        } else {
        }
      } else {
      }
      %eq3A_71 = arith.constant 3 : i32
      %eq3A_72 = arith.cmpi eq, %rem3A_58, %eq3A_71 : i32
      %convert_element_type3A_73 = arith.extui %eq3A_72 : i1 to i32
      %cond3A_74 = arith.constant 0 : i32
      %cond3A_75 = arith.cmpi ne, %convert_element_type3A_73, %cond3A_74 : i32
      scf.if %cond3A_75 {
        %dma_wait3A = arith.constant 0 : i32
        %dma_wait3A_76 = tpu.memref_slice %arg6[%scan3A_57, %dma_wait3A] : memref<80x128xi32, #tpu.memory_space<vmem>> -> memref<1x128xi32, #tpu.memory_space<vmem>>
        %dma_wait3A_77 = tpu.memref_squeeze %dma_wait3A_76 : memref<1x128xi32, #tpu.memory_space<vmem>> -> memref<128xi32, #tpu.memory_space<vmem>>
        %dma_wait3A_78 = arith.constant 0 : i32
        %dma_wait3A_79 = arith.constant 0 : i32
        %dma_wait3A_80 = tpu.memref_slice %arg2[%add3A_29, %dma_wait3A_78, %dma_wait3A_79] : memref<4x10240x64xf32, #tpu.memory_space<hbm>> -> memref<1x10240x64xf32, #tpu.memory_space<hbm>>
        %dma_wait3A_81 = tpu.memref_squeeze %dma_wait3A_80 : memref<1x10240x64xf32, #tpu.memory_space<hbm>> -> memref<10240x64xf32, #tpu.memory_space<hbm>>
        %dma_wait3A_82 = arith.constant 0 : i32
        %dma_wait3A_83 = arith.constant 0 : i32
        %dma_wait3A_84 = tpu.memref_slice %dma_wait3A_81[%dma_wait3A_82, %dma_wait3A_83] : memref<10240x64xf32, #tpu.memory_space<hbm>> -> memref<10240x64xf32, #tpu.memory_space<hbm>>
        tpu.wait_indirect_dma semaphore(%arg15 : memref<!tpu.dma_semaphore, #tpu.memory_space<semaphore_mem>>) src(%dma_wait3A_84 : memref<10240x64xf32, #tpu.memory_space<hbm>>) dst(%arg11 : memref<128x64xf32, #tpu.memory_space<vmem>>)
        %add3A_85 = arith.constant 1 : i32
        %add3A_86 = arith.addi %scan3A_57, %add3A_85 : i32
        %lt3A = arith.constant 80 : i32
        %lt3A_87 = arith.cmpi slt, %add3A_86, %lt3A : i32
        %convert_element_type3A_88 = arith.extui %lt3A_87 : i1 to i32
        %cond3A_89 = arith.constant 0 : i32
        %cond3A_90 = arith.cmpi ne, %convert_element_type3A_88, %cond3A_89 : i32
        scf.if %cond3A_90 {
          %add3A_91 = arith.constant 1 : i32
          %add3A_92 = arith.addi %scan3A_57, %add3A_91 : i32
          %dma_start3A_93 = arith.constant 0 : i32
          %dma_start3A_94 = tpu.memref_slice %arg6[%add3A_92, %dma_start3A_93] : memref<80x128xi32, #tpu.memory_space<vmem>> -> memref<1x128xi32, #tpu.memory_space<vmem>>
          %dma_start3A_95 = tpu.memref_squeeze %dma_start3A_94 : memref<1x128xi32, #tpu.memory_space<vmem>> -> memref<128xi32, #tpu.memory_space<vmem>>
          %dma_start3A_96 = arith.constant 0 : i32
          %dma_start3A_97 = arith.constant 0 : i32
          %dma_start3A_98 = tpu.memref_slice %arg2[%add3A_29, %dma_start3A_96, %dma_start3A_97] : memref<4x10240x64xf32, #tpu.memory_space<hbm>> -> memref<1x10240x64xf32, #tpu.memory_space<hbm>>
          %dma_start3A_99 = tpu.memref_squeeze %dma_start3A_98 : memref<1x10240x64xf32, #tpu.memory_space<hbm>> -> memref<10240x64xf32, #tpu.memory_space<hbm>>
          %dma_start3A_100 = arith.constant 0 : i32
          %dma_start3A_101 = arith.constant 0 : i32
          %dma_start3A_102 = tpu.memref_slice %dma_start3A_99[%dma_start3A_100, %dma_start3A_101] : memref<10240x64xf32, #tpu.memory_space<hbm>> -> memref<10240x64xf32, #tpu.memory_space<hbm>>
          tpu.enqueue_indirect_dma source(%dma_start3A_102 : memref<10240x64xf32, #tpu.memory_space<hbm>>) target(%arg8 : memref<128x64xf32, #tpu.memory_space<vmem>>) offsets(%dma_start3A_95 : memref<128xi32, #tpu.memory_space<vmem>>) semaphore(%arg12 : memref<!tpu.dma_semaphore, #tpu.memory_space<semaphore_mem>>)
        } else {
        }
      } else {
      }
    }
    %scan3A_51 = arith.constant 80 : i32
    %barrier3A_52 = arith.constant 0 : index
    tpu.barrier barrier_id(%barrier3A_52)
    %mul3A_53 = arith.constant 640 : i32
    %mul3A_54 = arith.muli %arg1, %mul3A_53 : i32
    %mul3A_55 = arith.constant 640 : i32
    %mul3A_56 = arith.muli %arg1, %mul3A_55 : i32
    "tpu.region"() ({
      %run_scoped3A = tpu.sem_alloc : memref<!tpu.dma_semaphore, #tpu.memory_space<semaphore_mem>>
      %dma_start3A_57 = arith.constant 0 : i32
      %dma_start3A_58 = tpu.memref_slice %arg5[%add3A_29, %mul3A_56, %dma_start3A_57] : memref<4x10240x64xf32, #tpu.memory_space<hbm>> -> memref<1x640x64xf32, #tpu.memory_space<hbm>>
      %dma_start3A_59 = tpu.memref_squeeze %dma_start3A_58 : memref<1x640x64xf32, #tpu.memory_space<hbm>> -> memref<640x64xf32, #tpu.memory_space<hbm>>
      %dma_start3A_60 = arith.constant 0 : i32
      %dma_start3A_61 = tpu.memref_slice %arg20[%mul3A_54, %dma_start3A_60] : memref<10240x64xf32, #tpu.memory_space<vmem_shared>> -> memref<640x64xf32, #tpu.memory_space<vmem_shared>>
      tpu.enqueue_dma source(%dma_start3A_61 : memref<640x64xf32, #tpu.memory_space<vmem_shared>>) target(%dma_start3A_59 : memref<640x64xf32, #tpu.memory_space<hbm>>) target_semaphore(%run_scoped3A : memref<!tpu.dma_semaphore, #tpu.memory_space<semaphore_mem>>)
      %dma_wait3A = arith.constant 0 : i32
      %dma_wait3A_62 = tpu.memref_slice %arg5[%add3A_29, %mul3A_56, %dma_wait3A] : memref<4x10240x64xf32, #tpu.memory_space<hbm>> -> memref<1x640x64xf32, #tpu.memory_space<hbm>>
      %dma_wait3A_63 = tpu.memref_squeeze %dma_wait3A_62 : memref<1x640x64xf32, #tpu.memory_space<hbm>> -> memref<640x64xf32, #tpu.memory_space<hbm>>
      %dma_wait3A_64 = arith.constant 0 : i32
      %dma_wait3A_65 = tpu.memref_slice %arg20[%mul3A_54, %dma_wait3A_64] : memref<10240x64xf32, #tpu.memory_space<vmem_shared>> -> memref<640x64xf32, #tpu.memory_space<vmem_shared>>
      tpu.wait_dma2 semaphore(%run_scoped3A : memref<!tpu.dma_semaphore, #tpu.memory_space<semaphore_mem>>) src(%dma_wait3A_65 : memref<640x64xf32, #tpu.memory_space<vmem_shared>>) dst(%dma_wait3A_63 : memref<640x64xf32, #tpu.memory_space<hbm>>)
      tpu.yield
    }) : () -> ()
    return
  }
}

module attributes {stable_mosaic.version = 14 : i64} {
  func.func @_mm1_body(%arg0: i32, %arg1: memref<512x256xf32, #tpu.memory_space<vmem>>, %arg2: memref<256x256xf32, #tpu.memory_space<vmem>>, %arg3: memref<2x512x16xf32, #tpu.memory_space<vmem>>, %arg4: memref<4x512x64xf32, #tpu.memory_space<vmem>>) attributes {dimension_semantics = [#tpu.dimension_semantics<arbitrary>], iteration_bounds = array<i64: 20>, scalar_prefetch = 0 : i64, scratch_operands = 0 : i64, tpu.core_type = #tpu.core_type<tc>, window_params = [{transform_indices = @transform_0, window_bounds = array<i64: 512, 256>}, {pipeline_mode = #tpu.pipeline_mode<synchronous>, transform_indices = @transform_1, window_bounds = array<i64: 256, 256>}, {transform_indices = @transform_2, window_bounds = array<i64: 2, 512, 16>}, {transform_indices = @transform_3, window_bounds = array<i64: 4, 512, 64>}]} {
    %get3A = arith.constant 0 : index
    %get3A_0 = arith.constant 0 : index
    %get3A_1 = arith.constant 0 : index
    %get3A_2 = vector.load %arg3[%get3A, %get3A_0, %get3A_1] : memref<2x512x16xf32, #tpu.memory_space<vmem>>, vector<1x512x1xf32>
    %get3A_3 = vector.shape_cast %get3A_2 : vector<1x512x1xf32> to vector<512xf32>
    %get3A_4 = arith.constant 1 : index
    %get3A_5 = arith.constant 0 : index
    %get3A_6 = arith.constant 0 : index
    %get3A_7 = vector.load %arg3[%get3A_4, %get3A_5, %get3A_6] : memref<2x512x16xf32, #tpu.memory_space<vmem>>, vector<1x512x1xf32>
    %get3A_8 = vector.shape_cast %get3A_7 : vector<1x512x1xf32> to vector<512xf32>
    %add3A = arith.addf %get3A_3, %get3A_8 : vector<512xf32>
    %add3A_9 = arith.constant 1.000000e+00 : f32
    %add3A_10 = vector.broadcast %add3A_9 : f32 to vector<512xf32>
    %add3A_11 = arith.addf %add3A, %add3A_10 : vector<512xf32>
    %rsqrt3A = math.rsqrt %add3A_11 : vector<512xf32>
    %get3A_12 = arith.constant 0 : index
    %get3A_13 = arith.constant 0 : index
    %get3A_14 = vector.load %arg1[%get3A_12, %get3A_13] : memref<512x256xf32, #tpu.memory_space<vmem>>, vector<512x256xf32>
    %get3A_15 = arith.constant 0 : index
    %get3A_16 = arith.constant 0 : index
    %get3A_17 = vector.load %arg2[%get3A_15, %get3A_16] : memref<256x256xf32, #tpu.memory_space<vmem>>, vector<256x256xf32>
    %dot_general3A = arith.constant dense<0.000000e+00> : vector<512x256xf32>
    %dot_general3A_18 = tpu.matmul %get3A_14, %get3A_17, %dot_general3A {dimension_numbers = #tpu.dot_dimension_numbers<[1], [0], [0], [1], [0, 0, 1, 1], [], []>, transpose_lhs_hint = false} : vector<512x256xf32>, vector<256x256xf32>, vector<512x256xf32> -> vector<512x256xf32>
    %broadcast_in_dim3A = vector.shape_cast %rsqrt3A : vector<512xf32> to vector<512x1xf32>
    %mul3A = vector.broadcast %broadcast_in_dim3A : vector<512x1xf32> to vector<512x256xf32>
    %mul3A_19 = arith.mulf %dot_general3A_18, %mul3A : vector<512x256xf32>
    %slice3A = vector.extract_strided_slice %mul3A_19 {offsets = [0, 0], sizes = [512, 64], strides = [1, 1]} : vector<512x256xf32> to vector<512x64xf32>
    %slice3A_20 = vector.extract_strided_slice %mul3A_19 {offsets = [0, 64], sizes = [512, 64], strides = [1, 1]} : vector<512x256xf32> to vector<512x64xf32>
    %slice3A_21 = vector.extract_strided_slice %mul3A_19 {offsets = [0, 128], sizes = [512, 64], strides = [1, 1]} : vector<512x256xf32> to vector<512x64xf32>
    %slice3A_22 = vector.extract_strided_slice %mul3A_19 {offsets = [0, 192], sizes = [512, 64], strides = [1, 1]} : vector<512x256xf32> to vector<512x64xf32>
    %stack3A = vector.shape_cast %slice3A : vector<512x64xf32> to vector<1x512x64xf32>
    %stack3A_23 = vector.shape_cast %slice3A_20 : vector<512x64xf32> to vector<1x512x64xf32>
    %stack3A_24 = vector.shape_cast %slice3A_21 : vector<512x64xf32> to vector<1x512x64xf32>
    %stack3A_25 = vector.shape_cast %slice3A_22 : vector<512x64xf32> to vector<1x512x64xf32>
    %stack3A_26 = tpu.concatenate %stack3A, %stack3A_23, %stack3A_24, %stack3A_25 in 0 : vector<1x512x64xf32>, vector<1x512x64xf32>, vector<1x512x64xf32>, vector<1x512x64xf32> -> vector<4x512x64xf32>
    %swap3A = arith.constant 0 : index
    %swap3A_27 = arith.constant 0 : index
    %swap3A_28 = arith.constant 0 : index
    %swap3A_29 = vector.load %arg4[%swap3A, %swap3A_27, %swap3A_28] : memref<4x512x64xf32, #tpu.memory_space<vmem>>, vector<4x512x64xf32>
    tpu.vector_store %arg4[%swap3A, %swap3A_27, %swap3A_28], %stack3A_26 {strides = array<i32>} : memref<4x512x64xf32, #tpu.memory_space<vmem>>, vector<4x512x64xf32>,
    return
  }
  func.func @transform_0(%arg0: i32) -> (i32, i32) {
    %c0_i32 = arith.constant 0 : i32
    %c0_i32_0 = arith.constant 0 : i32
    return %arg0, %c0_i32 : i32, i32
  }
  func.func @transform_1(%arg0: i32) -> (i32, i32) {
    %c0_i32 = arith.constant 0 : i32
    %c0_i32_0 = arith.constant 0 : i32
    %c0_i32_1 = arith.constant 0 : i32
    return %c0_i32, %c0_i32_0 : i32, i32
  }
  func.func @transform_2(%arg0: i32) -> (i32, i32, i32) {
    %c0_i32 = arith.constant 0 : i32
    %c0_i32_0 = arith.constant 0 : i32
    %c0_i32_1 = arith.constant 0 : i32
    return %c0_i32, %arg0, %c0_i32_0 : i32, i32, i32
  }
  func.func @transform_3(%arg0: i32) -> (i32, i32, i32) {
    %c0_i32 = arith.constant 0 : i32
    %c0_i32_0 = arith.constant 0 : i32
    %c0_i32_1 = arith.constant 0 : i32
    return %c0_i32, %arg0, %c0_i32_0 : i32, i32, i32
  }
}

module attributes {stable_mosaic.version = 14 : i64} {
  func.func @_mm2_body(%arg0: i32, %arg1: memref<4x512x64xf32, #tpu.memory_space<vmem>>, %arg2: memref<2x512x16xf32, #tpu.memory_space<vmem>>, %arg3: memref<256x16xf32, #tpu.memory_space<vmem>>, %arg4: memref<1x256xf32, #tpu.memory_space<vmem>>, %arg5: memref<512x16xf32, #tpu.memory_space<vmem>>) attributes {dimension_semantics = [#tpu.dimension_semantics<arbitrary>], iteration_bounds = array<i64: 20>, scalar_prefetch = 0 : i64, scratch_operands = 0 : i64, tpu.core_type = #tpu.core_type<tc>, window_params = [{transform_indices = @transform_0, window_bounds = array<i64: 4, 512, 64>}, {transform_indices = @transform_1, window_bounds = array<i64: 2, 512, 16>}, {pipeline_mode = #tpu.pipeline_mode<synchronous>, transform_indices = @transform_2, window_bounds = array<i64: 256, 16>}, {pipeline_mode = #tpu.pipeline_mode<synchronous>, transform_indices = @transform_3, window_bounds = array<i64: 1, 256>}, {transform_indices = @transform_4, window_bounds = array<i64: 512, 16>}]} {
    %get3A = arith.constant 0 : index
    %get3A_0 = arith.constant 0 : index
    %get3A_1 = arith.constant 0 : index
    %get3A_2 = vector.load %arg2[%get3A, %get3A_0, %get3A_1] : memref<2x512x16xf32, #tpu.memory_space<vmem>>, vector<1x512x1xf32>
    %get3A_3 = vector.shape_cast %get3A_2 : vector<1x512x1xf32> to vector<512xf32>
    %get3A_4 = arith.constant 1 : index
    %get3A_5 = arith.constant 0 : index
    %get3A_6 = arith.constant 0 : index
    %get3A_7 = vector.load %arg2[%get3A_4, %get3A_5, %get3A_6] : memref<2x512x16xf32, #tpu.memory_space<vmem>>, vector<1x512x1xf32>
    %get3A_8 = vector.shape_cast %get3A_7 : vector<1x512x1xf32> to vector<512xf32>
    %add3A = arith.addf %get3A_3, %get3A_8 : vector<512xf32>
    %add3A_9 = arith.constant 1.000000e+00 : f32
    %add3A_10 = vector.broadcast %add3A_9 : f32 to vector<512xf32>
    %add3A_11 = arith.addf %add3A, %add3A_10 : vector<512xf32>
    %rsqrt3A = math.rsqrt %add3A_11 : vector<512xf32>
    %get3A_12 = arith.constant 0 : index
    %get3A_13 = arith.constant 0 : index
    %get3A_14 = arith.constant 0 : index
    %get3A_15 = vector.load %arg1[%get3A_12, %get3A_13, %get3A_14] : memref<4x512x64xf32, #tpu.memory_space<vmem>>, vector<1x512x64xf32>
    %get3A_16 = vector.shape_cast %get3A_15 : vector<1x512x64xf32> to vector<512x64xf32>
    %get3A_17 = arith.constant 1 : index
    %get3A_18 = arith.constant 0 : index
    %get3A_19 = arith.constant 0 : index
    %get3A_20 = vector.load %arg1[%get3A_17, %get3A_18, %get3A_19] : memref<4x512x64xf32, #tpu.memory_space<vmem>>, vector<1x512x64xf32>
    %get3A_21 = vector.shape_cast %get3A_20 : vector<1x512x64xf32> to vector<512x64xf32>
    %get3A_22 = arith.constant 2 : index
    %get3A_23 = arith.constant 0 : index
    %get3A_24 = arith.constant 0 : index
    %get3A_25 = vector.load %arg1[%get3A_22, %get3A_23, %get3A_24] : memref<4x512x64xf32, #tpu.memory_space<vmem>>, vector<1x512x64xf32>
    %get3A_26 = vector.shape_cast %get3A_25 : vector<1x512x64xf32> to vector<512x64xf32>
    %get3A_27 = arith.constant 3 : index
    %get3A_28 = arith.constant 0 : index
    %get3A_29 = arith.constant 0 : index
    %get3A_30 = vector.load %arg1[%get3A_27, %get3A_28, %get3A_29] : memref<4x512x64xf32, #tpu.memory_space<vmem>>, vector<1x512x64xf32>
    %get3A_31 = vector.shape_cast %get3A_30 : vector<1x512x64xf32> to vector<512x64xf32>
    %concatenate3A = tpu.concatenate %get3A_16, %get3A_21, %get3A_26, %get3A_31 in 1 : vector<512x64xf32>, vector<512x64xf32>, vector<512x64xf32>, vector<512x64xf32> -> vector<512x256xf32>
    %broadcast_in_dim3A = vector.shape_cast %rsqrt3A : vector<512xf32> to vector<512x1xf32>
    %mul3A = vector.broadcast %broadcast_in_dim3A : vector<512x1xf32> to vector<512x256xf32>
    %mul3A_32 = arith.mulf %concatenate3A, %mul3A : vector<512x256xf32>
    %get3A_33 = arith.constant 0 : index
    %get3A_34 = arith.constant 0 : index
    %get3A_35 = vector.load %arg4[%get3A_33, %get3A_34] : memref<1x256xf32, #tpu.memory_space<vmem>>, vector<1x256xf32>
    %get3A_36 = vector.shape_cast %get3A_35 : vector<1x256xf32> to vector<256xf32>
    %broadcast_in_dim3A_37 = vector.shape_cast %get3A_36 : vector<256xf32> to vector<1x256xf32>
    %add3A_38 = vector.broadcast %broadcast_in_dim3A_37 : vector<1x256xf32> to vector<512x256xf32>
    %add3A_39 = arith.addf %mul3A_32, %add3A_38 : vector<512x256xf32>
    %max3A = arith.constant 0.000000e+00 : f32
    %max3A_40 = vector.broadcast %max3A : f32 to vector<512x256xf32>
    %max3A_41 = arith.maximumf %add3A_39, %max3A_40 : vector<512x256xf32>
    %get3A_42 = arith.constant 0 : index
    %get3A_43 = arith.constant 0 : index
    %get3A_44 = vector.load %arg3[%get3A_42, %get3A_43] : memref<256x16xf32, #tpu.memory_space<vmem>>, vector<256x16xf32>
    %dot_general3A = arith.constant dense<0.000000e+00> : vector<512x16xf32>
    %dot_general3A_45 = tpu.matmul %max3A_41, %get3A_44, %dot_general3A {dimension_numbers = #tpu.dot_dimension_numbers<[1], [0], [0], [1], [0, 0, 1, 1], [], []>, transpose_lhs_hint = false} : vector<512x256xf32>, vector<256x16xf32>, vector<512x16xf32> -> vector<512x16xf32>
    %broadcast_in_dim3A_46 = vector.shape_cast %rsqrt3A : vector<512xf32> to vector<512x1xf32>
    %mul3A_47 = vector.broadcast %broadcast_in_dim3A_46 : vector<512x1xf32> to vector<512x16xf32>
    %mul3A_48 = arith.mulf %dot_general3A_45, %mul3A_47 : vector<512x16xf32>
    %swap3A = arith.constant 0 : index
    %swap3A_49 = arith.constant 0 : index
    %swap3A_50 = vector.load %arg5[%swap3A, %swap3A_49] : memref<512x16xf32, #tpu.memory_space<vmem>>, vector<512x16xf32>
    tpu.vector_store %arg5[%swap3A, %swap3A_49], %mul3A_48 {strides = array<i32>} : memref<512x16xf32, #tpu.memory_space<vmem>>, vector<512x16xf32>,
    return
  }
  func.func @transform_0(%arg0: i32) -> (i32, i32, i32) {
    %c0_i32 = arith.constant 0 : i32
    %c0_i32_0 = arith.constant 0 : i32
    %c0_i32_1 = arith.constant 0 : i32
    return %c0_i32, %arg0, %c0_i32_0 : i32, i32, i32
  }
  func.func @transform_1(%arg0: i32) -> (i32, i32, i32) {
    %c0_i32 = arith.constant 0 : i32
    %c0_i32_0 = arith.constant 0 : i32
    %c0_i32_1 = arith.constant 0 : i32
    return %c0_i32, %arg0, %c0_i32_0 : i32, i32, i32
  }
  func.func @transform_2(%arg0: i32) -> (i32, i32) {
    %c0_i32 = arith.constant 0 : i32
    %c0_i32_0 = arith.constant 0 : i32
    %c0_i32_1 = arith.constant 0 : i32
    return %c0_i32, %c0_i32_0 : i32, i32
  }
  func.func @transform_3(%arg0: i32) -> (i32, i32) {
    %c0_i32 = arith.constant 0 : i32
    %c0_i32_0 = arith.constant 0 : i32
    %c0_i32_1 = arith.constant 0 : i32
    return %c0_i32, %c0_i32_0 : i32, i32
  }
  func.func @transform_4(%arg0: i32) -> (i32, i32) {
    %c0_i32 = arith.constant 0 : i32
    %c0_i32_0 = arith.constant 0 : i32
    return %arg0, %c0_i32 : i32, i32
  }
}

module attributes {stable_mosaic.version = 14 : i64} {
  func.func @_fin_body(%arg0: i32, %arg1: memref<2x512x16xf32, #tpu.memory_space<vmem>>, %arg2: memref<2x512x16xf32, #tpu.memory_space<vmem>>, %arg3: memref<1x16xf32, #tpu.memory_space<vmem>>, %arg4: memref<512x16xf32, #tpu.memory_space<vmem>>) attributes {dimension_semantics = [#tpu.dimension_semantics<arbitrary>], iteration_bounds = array<i64: 20>, scalar_prefetch = 0 : i64, scratch_operands = 0 : i64, tpu.core_type = #tpu.core_type<tc>, window_params = [{transform_indices = @transform_0, window_bounds = array<i64: 2, 512, 16>}, {transform_indices = @transform_1, window_bounds = array<i64: 2, 512, 16>}, {pipeline_mode = #tpu.pipeline_mode<synchronous>, transform_indices = @transform_2, window_bounds = array<i64: 1, 16>}, {transform_indices = @transform_3, window_bounds = array<i64: 512, 16>}]} {
    %get3A = arith.constant 0 : index
    %get3A_0 = arith.constant 0 : index
    %get3A_1 = arith.constant 0 : index
    %get3A_2 = vector.load %arg2[%get3A, %get3A_0, %get3A_1] : memref<2x512x16xf32, #tpu.memory_space<vmem>>, vector<1x512x1xf32>
    %get3A_3 = vector.shape_cast %get3A_2 : vector<1x512x1xf32> to vector<512xf32>
    %get3A_4 = arith.constant 1 : index
    %get3A_5 = arith.constant 0 : index
    %get3A_6 = arith.constant 0 : index
    %get3A_7 = vector.load %arg2[%get3A_4, %get3A_5, %get3A_6] : memref<2x512x16xf32, #tpu.memory_space<vmem>>, vector<1x512x1xf32>
    %get3A_8 = vector.shape_cast %get3A_7 : vector<1x512x1xf32> to vector<512xf32>
    %add3A = arith.addf %get3A_3, %get3A_8 : vector<512xf32>
    %add3A_9 = arith.constant 1.000000e+00 : f32
    %add3A_10 = vector.broadcast %add3A_9 : f32 to vector<512xf32>
    %add3A_11 = arith.addf %add3A, %add3A_10 : vector<512xf32>
    %rsqrt3A = math.rsqrt %add3A_11 : vector<512xf32>
    %get3A_12 = arith.constant 0 : index
    %get3A_13 = arith.constant 0 : index
    %get3A_14 = arith.constant 0 : index
    %get3A_15 = vector.load %arg1[%get3A_12, %get3A_13, %get3A_14] : memref<2x512x16xf32, #tpu.memory_space<vmem>>, vector<1x512x16xf32>
    %get3A_16 = vector.shape_cast %get3A_15 : vector<1x512x16xf32> to vector<512x16xf32>
    %get3A_17 = arith.constant 1 : index
    %get3A_18 = arith.constant 0 : index
    %get3A_19 = arith.constant 0 : index
    %get3A_20 = vector.load %arg1[%get3A_17, %get3A_18, %get3A_19] : memref<2x512x16xf32, #tpu.memory_space<vmem>>, vector<1x512x16xf32>
    %get3A_21 = vector.shape_cast %get3A_20 : vector<1x512x16xf32> to vector<512x16xf32>
    %add3A_22 = arith.addf %get3A_16, %get3A_21 : vector<512x16xf32>
    %broadcast_in_dim3A = vector.shape_cast %rsqrt3A : vector<512xf32> to vector<512x1xf32>
    %mul3A = vector.broadcast %broadcast_in_dim3A : vector<512x1xf32> to vector<512x16xf32>
    %mul3A_23 = arith.mulf %add3A_22, %mul3A : vector<512x16xf32>
    %get3A_24 = arith.constant 0 : index
    %get3A_25 = arith.constant 0 : index
    %get3A_26 = vector.load %arg3[%get3A_24, %get3A_25] : memref<1x16xf32, #tpu.memory_space<vmem>>, vector<1x16xf32>
    %get3A_27 = vector.shape_cast %get3A_26 : vector<1x16xf32> to vector<16xf32>
    %broadcast_in_dim3A_28 = vector.shape_cast %get3A_27 : vector<16xf32> to vector<1x16xf32>
    %add3A_29 = vector.broadcast %broadcast_in_dim3A_28 : vector<1x16xf32> to vector<512x16xf32>
    %add3A_30 = arith.addf %mul3A_23, %add3A_29 : vector<512x16xf32>
    %swap3A = arith.constant 0 : index
    %swap3A_31 = arith.constant 0 : index
    %swap3A_32 = vector.load %arg4[%swap3A, %swap3A_31] : memref<512x16xf32, #tpu.memory_space<vmem>>, vector<512x16xf32>
    tpu.vector_store %arg4[%swap3A, %swap3A_31], %add3A_30 {strides = array<i32>} : memref<512x16xf32, #tpu.memory_space<vmem>>, vector<512x16xf32>,
    return
  }
  func.func @transform_0(%arg0: i32) -> (i32, i32, i32) {
    %c0_i32 = arith.constant 0 : i32
    %c0_i32_0 = arith.constant 0 : i32
    %c0_i32_1 = arith.constant 0 : i32
    return %c0_i32, %arg0, %c0_i32_0 : i32, i32, i32
  }
  func.func @transform_1(%arg0: i32) -> (i32, i32, i32) {
    %c0_i32 = arith.constant 0 : i32
    %c0_i32_0 = arith.constant 0 : i32
    %c0_i32_1 = arith.constant 0 : i32
    return %c0_i32, %arg0, %c0_i32_0 : i32, i32, i32
  }
  func.func @transform_2(%arg0: i32) -> (i32, i32) {
    %c0_i32 = arith.constant 0 : i32
    %c0_i32_0 = arith.constant 0 : i32
    %c0_i32_1 = arith.constant 0 : i32
    return %c0_i32, %c0_i32_0 : i32, i32
  }
  func.func @transform_3(%arg0: i32) -> (i32, i32) {
    %c0_i32 = arith.constant 0 : i32
    %c0_i32_0 = arith.constant 0 : i32
    return %arg0, %c0_i32 : i32, i32
  }
}

</mosaic_0001>

<sc_bundles>
// kernel: kernel.11.cloned.1.call-start
scs
__scs_entry_jumppad:
0x0: {  	(pc) =	sbr.rel $0x88, $3  }
0x1: {  	(tag) =	ssettag $0x0;
	lr =	simm.s32 $0x1  }
0x2: {  	[smem:$0x3F9B] =	sst lr;
	_ =	strace $0xD0000000  }
0x3: {  	_ = 	snop  }
0x4: {  	_ = 	snop  }
0x5: {  	_ = 	snop  }
0x6: {  	_ = 	snop  }
0x7: {  	_ = 	snop  }
__scs_overlays_trampoline_lowered:
0x8: {  	[smem:$0x3FAA] =	sst s0  }
0x9: {  	[smem:$0x3FAB] =	sst s1  }
0xa: {  	[smem:$0x3FAC] =	sst s2  }
0xb: {  	[smem:$0x3FAD] =	sst s3  }
0xc: {  	[smem:$0x3FAE] =	sst s4  }
0xd: {  	[smem:$0x3FAF] =	sst s5  }
0xe: {  	[smem:$0x3FB0] =	sst s6  }
0xf: {  	[smem:$0x3FB1] =	sst s7  }
0x10: {  	[smem:$0x3FB2] =	sst s8  }
0x11: {  	[smem:$0x3FB3] =	sst s9;
	s0 =	simm.s32 @!p0 $0x0  }
0x12: {  	s1 =	sld [smem:$0x3F99];
	s0 =	simm.s32 @p0 $0x1  }
0x13: {  	[smem:$0x3FB4] =	sst s0;
	s0 =	simm.s32 @!p1 $0x0  }
0x14: {  	s2 =	sld [smem:$0x3F98];
	s0 =	simm.s32 @p1 $0x1  }
0x15: {  	[smem:$0x3FB5] =	sst s0;
	s0 =	simm.s32 @!p2 $0x0  }
0x16: {  	s3 =	sld [smem:$0x3FDB];
	s0 =	simm.s32 @p2 $0x1  }
0x17: {  	s4 =	simm.s32 $0x1BF5;
	[smem:$0x3FB7] =	sst s0  }
0x18: {  	s0 =	sld [smem:$0x3F9A];
	_ =	swait.ge [sflag:s4], $0x0  }
0x19: {  	s7 =	sld [smem:$0x3F9B]  }
0x1a: {  	s8 =	sadd.s32 $0xFFFFE003, lr  }
0x1b: {  	s9 =	sadd.s32 $0xFFFFFEF7, lr;
	s5 =	simm.s32 $0xFFFFFFFF;
	p2 =	slt.u32 s8, $0xFFFFF086  }
0x1c: {  	p1 =	slt.u32 s9, $0xF7A;
	s5 =	simm.s32 @!p2 $0x0  }
0x1d: {  	s5 =	simm.s32 @p1 $0x1;
	p0 =	seq.s32 s7, s2  }
0x1e: {  	s7 =	smul.u32 @!p0 $0xF7A, s2;
	p2 =	seq.s32 @!p0 s5, $0x0  }
0x1f: {  	s9 =	smul.u32 $0xF7A, s1;
	s8 =	simm.s32 @!p0 $0x1BF5;
	p2 =	por !p2, p0  }
0x20: {  	[sflag:s8] =	ssyncset.s32 @!p0 $0xFFFFF086;
	s6 =	sadd.s32 @!p0 s3, s7;
	s7 =	simm.s32 @!p0 $0x108  }
0x21: {  	s3 =	sadd.s32 s3, s9;
	s6 =	sadd.s32 @!p0 $0x88, s6;
	s7 =	simm.s32 @p2 $0x1082  }
0x22: {  	[simem:s7], [sflag:s8] =	dma.local @!p0 [hbm:s6], $0xF7A  }
0x23: {  	s9 =	sor.u32 $0xD0000000, s2;
	s6 =	simm.s32 $0x108;
	_ =	swait.ge @!p0 [sflag:s8], $0x0  }
0x24: {  	s3 =	sadd.s32 $0x88, s3;
	s6 =	simm.s32 @!p1 $0x1082;
	[sflag:s4] =	ssyncset.s32 $0xFFFFF086  }
0x25: {  	[simem:s6], [sflag:s4] =	dma.local [hbm:s3], $0xF7A  }
0x26: {  	[smem:$0x3F9B] =	sst s1;
	(tag) =	ssettag s2;
	_ =	strace s9  }
0x27: {  	s1 =	sld [smem:$0x3FAB]  }
0x28: {  	s2 =	sld [smem:$0x3FAC]  }
0x29: {  	s4 =	sld [smem:$0x3FAE]  }
0x2a: {  	p0 =	seq.s32 s5, $0x0;
	s5 =	sld [smem:$0x3FAF]  }
0x2b: {  	s6 =	sld [smem:$0x3FB0]  }
0x2c: {  	s7 =	sld [smem:$0x3FB1]  }
0x2d: {  	s3 =	simm.s32 $0x108;
	s8 =	sld [smem:$0x3FB2]  }
0x2e: {  	s3 =	simm.s32 @!p0 $0x1082;
	s9 =	sld [smem:$0x3FB3]  }
0x2f: {  	lr =	sadd.s32 s0, s3;
	s0 =	sld [smem:$0x3FAA]  }
0x30: {  	s3 =	sld [smem:$0x3FAD]  }
0x31: {  	[smem:$0x3FB6] =	sst s10  }
0x32: {  	s10 =	sld [smem:$0x3FB4];
	_ =	sdelay $0x3  }
0x33: {  	p0 =	seq.s32 s10, $0x1;
	s10 =	sld [smem:$0x3FB6];
	_ =	sdelay $0x3  }
0x34: {  	[smem:$0x3FB6] =	sst s10  }
0x35: {  	s10 =	sld [smem:$0x3FB5];
	_ =	sdelay $0x3  }
0x36: {  	p1 =	seq.s32 s10, $0x1;
	s10 =	sld [smem:$0x3FB6];
	_ =	sdelay $0x3  }
0x37: {  	[smem:$0x3FB6] =	sst s10  }
0x38: {  	s10 =	sld [smem:$0x3FB7]  }
0x39: {  	_ = 	snop;
	(pc) =	sbr.ind lr, $3  }
0x3a: {  	_ = 	snop  }
0x3b: {  	_ = 	snop  }
0x3c: {  	p2 =	seq.s32 s10, $0x1;
	s10 =	sld [smem:$0x3FB6]  }
0x3d: {  	_ =	shalt  }
0x3e: {  	_ =	shalt  }
0x3f: {  	_ =	shalt  }
0x40: {  	_ =	shalt  }
0x41: {  	_ =	shalt  }
0x42: {  	_ =	shalt  }
0x43: {  	_ =	shalt  }
0x44: {  	_ =	shalt  }
0x45: {  	_ =	shalt  }
0x46: {  	_ =	shalt  }
0x47: {  	_ =	shalt  }
0x48: {  	_ =	shalt  }
0x49: {  	_ =	shalt  }
0x4a: {  	_ =	shalt  }
0x4b: {  	_ =	shalt  }
0x4c: {  	_ =	shalt  }
0x4d: {  	_ =	shalt  }
0x4e: {  	_ =	shalt  }
0x4f: {  	_ =	shalt  }
0x50: {  	_ =	shalt  }
0x51: {  	_ =	shalt  }
0x52: {  	_ =	shalt  }
0x53: {  	_ =	shalt  }
0x54: {  	_ =	shalt  }
0x55: {  	_ =	shalt  }
0x56: {  	_ =	shalt  }
0x57: {  	_ =	shalt  }
0x58: {  	_ =	shalt  }
0x59: {  	_ =	shalt  }
0x5a: {  	_ =	shalt  }
0x5b: {  	_ =	shalt  }
0x5c: {  	_ =	shalt  }
0x5d: {  	_ =	shalt  }
0x5e: {  	_ =	shalt  }
0x5f: {  	_ =	shalt  }
0x60: {  	_ =	shalt  }
0x61: {  	_ =	shalt  }
0x62: {  	_ =	shalt  }
0x63: {  	_ =	shalt  }
0x64: {  	_ =	shalt  }
0x65: {  	_ =	shalt  }
0x66: {  	_ =	shalt  }
0x67: {  	_ =	shalt  }
0x68: {  	_ =	shalt  }
0x69: {  	_ =	shalt  }
0x6a: {  	_ =	shalt  }
0x6b: {  	_ =	shalt  }
0x6c: {  	_ =	shalt  }
0x6d: {  	_ =	shalt  }
0x6e: {  	_ =	shalt  }
0x6f: {  	_ =	shalt  }
0x70: {  	_ =	shalt  }
0x71: {  	_ =	shalt  }
0x72: {  	_ =	shalt  }
0x73: {  	_ =	shalt  }
0x74: {  	_ =	shalt  }
0x75: {  	_ =	shalt  }
0x76: {  	_ =	shalt  }
0x77: {  	_ =	shalt  }
0x78: {  	_ =	shalt  }
0x79: {  	_ =	shalt  }
0x7a: {  	_ =	shalt  }
0x7b: {  	_ =	shalt  }
0x7c: {  	_ =	shalt  }
0x7d: {  	_ =	shalt  }
0x7e: {  	_ =	shalt  }
0x7f: {  	_ =	shalt  }
0x80: {  	_ =	shalt  }
0x81: {  	_ =	shalt  }
0x82: {  	_ =	shalt  }
0x83: {  	_ =	shalt  }
0x84: {  	_ =	shalt  }
0x85: {  	_ =	shalt  }
0x86: {  	_ =	shalt  }
0x87: {  	_ =	shalt  }
.Lfunc_end0:
.L_simem_size_0:
called_computation.1_lowered:
.L_overlay_start_0:
0x88: {  	s2 =	sld [smem:$0x3FD9]  }
0x89: {  	s3 =	sld [smem:$0x3FFE];
	_ =	sdelay $0x1  }
0x8a: {  	s1 =	srdreg.scid  }
0x8b: {  	s0 =	sand.u32 $0x1, s1  }
0x8c: {  	s16 =	sshll.u32 s0, $0xA;
	s2 =	sadd.s32 s3, s2  }
0x8d: {  	s2 =	sadd.s32 s2, s16  }
0x8e: {  	[smem:$0x3FC2] =	sst s2  }
0x8f: {  	_ = 	snop  }
0x90: {  	(tm) =	ssettm $0x1  }
0x91: {  	s17 =	sld [smem:$0x3FFB];
	_ =	sdelay $0x3  }
0x92: {  	_ =	strace s17  }
0x93: {  	s2 =	sld [smem:$0x3FFC];
	_ =	sdelay $0x3  }
0x94: {  	_ =	strace s2  }
0x95: {  	s2 =	sld [smem:$0x3FFD];
	_ =	sdelay $0x3  }
0x96: {  	_ =	strace s2  }
0x97: {  	_ =	strace $0x8FFFFFFF  }
0x98: {  	s18 =	sld [smem:$0x3FDB];
	_ =	sdelay $0x1  }
0x99: {  	s19 =	simm.s32 $_scs_section_size  }
0x9a: {  	s4 =	simm.s32 $_size__tile_overlayer_lowered;
	s5 =	simm.s32 $_tile_overlayer_lowered  }
0x9b: {  	s22 =	simm.s32 $0x1BFF;
	s21 =	sshll.u32 s5, $0x1;
	s2 =	sadd.s32 s19, s18  }
0x9c: {  	s6 =	simm.s32 $0x0;
	s20 =	sshll.u32 s4, $0x1;
	s4 =	sadd.s32 s21, s2  }
0x9d: {  	[timem:s6], [sflag:s22] =	dma.local [hbm:s4], s20  }
0x9e: {  	_ =	swait.ge [sflag:s22], s20  }
0x9f: {  	s3 =	ssub.s32 $0x0, s20;
	[sflag:s22] =	ssyncset.done $0x0  }
0xa0: {  	[sflag:s22] =	ssyncadd.s32 s3;
	_ =	sdelay $0x1  }
0xa1: {  	s23 =	simm.s32 $0x1B8B  }
0xa2: {  	_ =	swait.ge [sflag:s23], $0x1  }
0xa3: {  	[sflag:s23] =	ssyncset.done $0x0  }
0xa4: {  	s25 =	simm.s32 $0x1B8E;
	s24 =	sld [smem:$0x3FFE];
	[sflag:s23] =	ssyncadd.s32 $0xFFFFFFFF  }
0xa5: {  	s26 =	simm.s32 $execute0_lowered;
	[smem:$0x3FD2] =	sst s25  }
0xa6: {  	s4 =	sshll.u32 s26, $0x1;
	_ =	strace $0x80000049;
	[dreg:$0x1] =	wrdreg $0xFFFFFFFF  }
0xa7: {  	s28 =	simm.s32 $_size_execute0_lowered;
	s2 =	sadd.s32 s2, s4;
	[dreg:$0x0] =	wrdreg $0x0  }
0xa8: {  	s4 =	sshll.u32 s28, $0x1;
	[dreg:$0x2] =	wrdreg s2  }
0xa9: {  	[dreg:$0x3] =	wrdreg s4  }
0xaa: {  	[dreg:$0x4] =	wrdreg $0xC0  }
0xab: {  	_ =	task [dreg:s6], $0x5FFFF  }
0xac: {  	[dreg:$0x1] =	wrdreg $0xFFFFFFFF  }
0xad: {  	[dreg:$0x0] =	wrdreg $0x60  }
0xae: {  	[dreg:$0x2] =	wrdreg s24  }
0xaf: {  	[dreg:$0x3] =	wrdreg $0xD0000  }
0xb0: {  	[dreg:$0x4] =	wrdreg $0x9  }
0xb1: {  	_ =	task.clear_ibuf [dreg:s6], $0x5FFFF;
	_ =	strace $0x90000049  }
0xb2: {  	s29 =	simm.s32 $0x9;
	_ =	strace $0x8000004B  }
0xb3: {  	_ =	swait.ge [sflag:s29], $0x1  }
0xb4: {  	[sflag:s29] =	ssyncadd.s32 $0xFFFFFFFF  }
0xb5: {  	_ =	strace $0x9000004B  }
0xb6: {  	_ =	sfence  }
0xb7: {  	s30 =	sld [smem:$0x0];
	_ =	sdelay $0x2  }
0xb8: {  	s31 =	sshll.u32 s1, $0xD;
	s1 =	sshrl.u32 s1, $0x2  }
0xb9: {  	s3 =	sand.u32 $0x4000, s31;
	s1 =	sadd.s32 s1, s30  }
0xba: {  	s0 =	sor.u32 s3, s0;
	s1 =	sshll.u32 s1, $0x11  }
0xbb: {  	s0 =	sor.u32 s1, s0  }
0xbc: {  	s0 =	sadd.s32 $0x8F2B, s0  }
0xbd: {  	[sflag:s0] =	ssyncadd.remote.s32 $0x1  }
0xbe: {  	_ =	sfence.sel $0xFFFF  }
0xbf: {  	[dreg:$0x0] =	wrdreg $0xFFFFFFFF;
	(pc) =	sbr.abs _section_cstart, $3  }
0xc0: {  	[dreg:$0x1] =	wrdreg $0xFFFFFFFF  }
0xc1: {  	_ =	task.clear_ibuf [dreg:s6], $0x2FFFF;
	_ =	strace $0x9FFFFFFF  }
0xc2: {  	(tm) =	ssettm $0x7FFFFFFF  }
0xc3: {  	_ =	shalt  }
tec
execute0_lowered:
.L_overlay_start_1:
0x0: {  	(tag) =	ssettag $0x1  }
0x1: {  	s3 =	rddreg [dreg:$0x0]  }
0x2: {  	s5 =	rddreg [dreg:$0x1]  }
0x3: {  	s0 =	rddreg [dreg:$0x2];
	s2 =	simm.s32 $0x0;
	s1 =	stileid.u32  }
0x4: {  	s4 =	srdreg.scid;
	s16 =	simm.s32 $0x5000;
	s17 =	simm.s32 $0x1  }
0x5: {  	s18 =	simm.s32 $0x80;
	s19 =	simm.s32 $0x7000;
	s20 =	simm.s32 $0x2  }
0x6: {  	s21 =	simm.s32 $0x9000;
	s22 =	simm.s32 $0x4;
	s23 =	simm.s32 $0xB000  }
0x7: {  	s24 =	simm.s32 $0x0;
	[smem:$0x7FF] =	sst s2;
	s6 =	smul.u32 $0x500, s1  }
0x8: {  	s4 =	sand.u32 $0x1, s4;
	s8 =	sadd.s32 $0xFC000, s3;
	s9 =	smul.u32 $0xA000, s1  }
0x9: {  	s12 =	sadd.s32 $0x5C000, s3;
	s14 =	sshll.u32 s1, $0x6;
	_ =	strace $0x8000004A  }
0xa: {  	s7 =	ssub.s32 $0x2, s4;
	s11 =	smul.u32 $0xA0000, s4;
	s14 =	sor.u32 $0x1C05, s14  }
0xb: {  	s6 =	sadd.s32 s6, s3;
	s10 =	sshrl.u32 s7, $0x1;
	s15 =	sadd.s32 s9, s5  }
0xc: {  	s10 =	ssub.s32 s7, s10;
	s3 =	sadd.s32 $0x2000, s6;
	s4 =	sadd.s32 $0x7000, s6  }
0xd: {  	s30 =	sshrl.u32 s11, $0x3;
	s31 =	sadd.s32 s9, s11;
	s11 =	sadd.s32 $0x140000, s11  }
.Ltmp0:
0xe: {  	s6 =	sshrl.u32 s9, $0x3;
	s15 =	sshrl.u32 s15, $0x3;
	(pc) =	sbr.rel .LBB2_1-.Ltmp0, $4  }
0xf: {  	s5 =	sadd.s32 s8, s30;
	s7 =	sshrl.u32 s31, $0x3;
	s9 =	sadd.s32 s9, s11  }
0x10: {  	s11 =	sshrl.u32 s11, $0x3;
	s10 =	smax.u32 s10, $0x1;
	s7 =	sadd.s32 s12, s7  }
0x11: {  	s9 =	sshrl.u32 s9, $0x3;
	s8 =	sadd.s32 s8, s11;
	s11 =	simm.s32 $0x5  }
0x12: {  	s13 =	sadd.s32 s6, s5;
	s9 =	sadd.s32 s12, s9;
	s12 =	simm.s32 $0x2800  }
.LBB2_25:
0x13: {  	s24 =	sadd.s32 $0x1, s24  }
0x14: {  	p0 =	sne.s32 s24, s10  }
.Ltmp1:
0x15: {  	[bflag:$0x0] =	sbarrier.arrive $0xFFFF;
	(pc) =	sbr.rel @!p0 .LBB2_26-.Ltmp1, $4  }
0x16: {  	[hbm:s9], [sflag:s14] =	dma.local [spmem:s15], $0x1400  }
0x17: {  	_ =	swait.ge [sflag:s11], $0x1400  }
0x18: {  	[sflag:s11] =	ssyncset.done $0x0  }
0x19: {  	[sflag:s11] =	ssyncadd.s32 $0xFFFFEC00  }
.LBB2_1:
0x1a: {  	[tilespmem:s2], [sflag:$0x5] =	stream.linear.gather [hbm4b:s3+s2], $0x2800, $0x38;
	[tilespmem:$0x17000] =	vst v63  }
0x1b: {  	_ =	swait.ge [sflag:s11], $0x2800  }
0x1c: {  	[sflag:s11] =	ssyncset.done $0x0  }
0x1d: {  	[sflag:s11] =	ssyncadd.s32 $0xFFFFD800  }
0x1e: {  	[tilespmem:s12], [sflag:$0x5] =	stream.linear.gather [hbm4b:s4+s2], $0x2800, $0x38;
	[tilespmem:$0x17000] =	vst v63  }
0x1f: {  	_ =	swait.ge [sflag:s11], $0x2800  }
0x20: {  	[sflag:s11] =	ssyncset.done $0x0  }
0x21: {  	[sflag:s11] =	ssyncadd.s32 $0xFFFFD800  }
0x22: {  	[spmem:s15], [sflag:s14] =	dma.local [hbm:s13], $0x1400  }
.Ltmp2:
0x23: {  	_ =	swait.ge [sflag:s11], $0x1400;
	(pc) =	sbr.rel .LBB2_2-.Ltmp2, $4  }
0x24: {  	[sflag:s11] =	ssyncset.done $0x0  }
0x25: {  	[sflag:s11] =	ssyncadd.s32 $0xFFFFEC00  }
0x26: {  	s25 =	simm.s32 $0x80;
	s26 =	simm.s32 $0x0;
	[bflag:$0x0] =	sbarrier.arrive $0xFFFF  }
0x27: {  	[tilespmem:s16], [sflag:$0x1] =	stream.indirect.gather [hbm4b:s5+s18], $0x40, s2, s18, $0xb8;
	[tilespmem:$0x17000] =	vst v63  }
.LBB2_9:
0x28: {  	[tilespmem:s23], [sflag:$0x4] =	stream.indirect.gather [hbm4b:s5+s18], $0x40, s25, s18, $0xb8;
	[tilespmem:$0x17000] =	vst v63  }
.LBB2_12:
0x29: {  	s26 =	sadd.s32 $0x1, s26;
	s25 =	sadd.s32 $0x80, s25  }
.LBB2_2:
0x2a: {  	s28 =	sand.u32 $0x3, s26  }
0x2b: {  	p0 =	sgt.s32 s28, $0x1  }
.Ltmp3:
0x2c: {  	_ = 	snop;
	(pc) =	sbr.rel @p0 .LBB2_8-.Ltmp3, $1  }
0x2d: {  	_ =	sdelay $0x3  }
0x2e: {  	p0 =	seq.s32 s28, $0x0  }
.Ltmp4:
0x2f: {  	_ = 	snop;
	(pc) =	sbr.rel @!p0 .LBB2_6-.Ltmp4, $1  }
0x30: {  	_ =	sdelay $0x3  }
0x31: {  	p0 =	seq.s32 s26, $0x4F  }
.Ltmp5:
0x32: {  	_ = 	snop;
	(pc) =	sbr.rel @p0 .LBB2_13-.Ltmp5, $4  }
0x33: {  	_ = 	snop  }
0x34: {  	_ =	swait.ge [sflag:s17], $0x2000  }
0x35: {  	[sflag:s17] =	ssyncset.done $0x0  }
0x36: {  	[sflag:s17] =	ssyncadd.s32 $0xFFFFE000  }
.Ltmp6:
0x37: {  	(pc) =	sbr.rel .LBB2_12-.Ltmp6, $2  }
0x38: {  	_ =	sdelay $0x2  }
0x39: {  	[tilespmem:s19], [sflag:$0x2] =	stream.indirect.gather [hbm4b:s5+s18], $0x40, s25, s18, $0xb8;
	[tilespmem:$0x17000] =	vst v63  }
.LBB2_8:
0x3a: {  	p0 =	seq.s32 s28, $0x2  }
0x3b: {  	p1 =	seq.s32 @p0 s26, $0x4F  }
0x3c: {  	p1 =	por !p0, p1  }
.Ltmp7:
0x3d: {  	_ = 	snop;
	(pc) =	sbr.rel @p1 .LBB2_10-.Ltmp7, $4  }
.Ltmp8:
0x3e: {  	s28 =	simm.s32 @p0 $0x3;
	(pc) =	sbr.rel @!p1 .LBB2_9-.Ltmp8, $4  }
0x3f: {  	_ =	swait.ge @p0 [sflag:s28], $0x2000  }
0x40: {  	[sflag:s28] =	ssyncset.done @p0 $0x0  }
0x41: {  	[sflag:s28] =	ssyncadd.s32 @p0 $0xFFFFE000  }
0x42: {  	_ = 	snop  }
.LBB2_6:
0x43: {  	p0 =	seq.s32 s26, $0x4F  }
.Ltmp9:
0x44: {  	_ = 	snop;
	(pc) =	sbr.rel @!p0 .LBB2_7-.Ltmp9, $4  }
0x45: {  	_ = 	snop  }
0x46: {  	_ =	swait.ge [sflag:s20], $0x2000  }
0x47: {  	[sflag:s20] =	ssyncset.done $0x0  }
0x48: {  	[sflag:s20] =	ssyncadd.s32 $0xFFFFE000  }
.LBB2_10:
0x49: {  	p0 =	seq.s32 s26, $0x4F  }
.Ltmp10:
0x4a: {  	_ = 	snop;
	(pc) =	sbr.rel @p0 .LBB2_13-.Ltmp10, $4  }
0x4b: {  	_ = 	snop  }
0x4c: {  	_ =	swait.ge [sflag:s22], $0x2000  }
0x4d: {  	[sflag:s22] =	ssyncset.done $0x0  }
0x4e: {  	[sflag:s22] =	ssyncadd.s32 $0xFFFFE000  }
.Ltmp11:
0x4f: {  	(pc) =	sbr.rel .LBB2_12-.Ltmp11, $2  }
0x50: {  	_ =	sdelay $0x2  }
0x51: {  	[tilespmem:s16], [sflag:$0x1] =	stream.indirect.gather [hbm4b:s5+s18], $0x40, s25, s18, $0xb8;
	[tilespmem:$0x17000] =	vst v63  }
.LBB2_7:
.Ltmp12:
0x52: {  	(pc) =	sbr.rel .LBB2_12-.Ltmp12, $2  }
0x53: {  	_ =	sdelay $0x2  }
0x54: {  	[tilespmem:s21], [sflag:$0x3] =	stream.indirect.gather [hbm4b:s5+s18], $0x40, s25, s18, $0xb8;
	[tilespmem:$0x17000] =	vst v63  }
.LBB2_13:
0x55: {  	[bflag:$0x0] =	sbarrier.arrive $0xFFFF  }
0x56: {  	[hbm:s7], [sflag:s14] =	dma.local [spmem:s15], $0x1400  }
0x57: {  	_ =	swait.ge [sflag:s11], $0x1400  }
0x58: {  	[sflag:s11] =	ssyncset.done $0x0  }
0x59: {  	s25 =	sadd.s32 s6, s8;
	[sflag:s11] =	ssyncadd.s32 $0xFFFFEC00  }
0x5a: {  	[spmem:s15], [sflag:s14] =	dma.local [hbm:s25], $0x1400  }
.Ltmp13:
0x5b: {  	_ =	swait.ge [sflag:s11], $0x1400;
	(pc) =	sbr.rel .LBB2_14-.Ltmp13, $4  }
0x5c: {  	[sflag:s11] =	ssyncset.done $0x0  }
0x5d: {  	[sflag:s11] =	ssyncadd.s32 $0xFFFFEC00  }
0x5e: {  	s26 =	simm.s32 $0x0;
	s25 =	simm.s32 $0x80;
	[bflag:$0x0] =	sbarrier.arrive $0xFFFF  }
0x5f: {  	[tilespmem:s16], [sflag:$0x1] =	stream.indirect.gather [hbm4b:s8+s25], $0x40, s26, s25, $0xb8;
	[tilespmem:$0x17000] =	vst v63  }
.LBB2_21:
0x60: {  	[tilespmem:s23], [sflag:$0x4] =	stream.indirect.gather [hbm4b:s8+s18], $0x40, s25, s18, $0xb8;
	[tilespmem:$0x17000] =	vst v63  }
.LBB2_24:
0x61: {  	s26 =	sadd.s32 $0x1, s26;
	s25 =	sadd.s32 $0x80, s25  }
.LBB2_14:
0x62: {  	s28 =	sand.u32 $0x3, s26  }
0x63: {  	p0 =	sgt.s32 s28, $0x1  }
.Ltmp14:
0x64: {  	_ = 	snop;
	(pc) =	sbr.rel @p0 .LBB2_20-.Ltmp14, $1  }
0x65: {  	_ =	sdelay $0x3  }
0x66: {  	p0 =	seq.s32 s28, $0x0  }
.Ltmp15:
0x67: {  	_ = 	snop;
	(pc) =	sbr.rel @!p0 .LBB2_18-.Ltmp15, $1  }
0x68: {  	_ =	sdelay $0x3  }
0x69: {  	p0 =	seq.s32 s26, $0x4F  }
.Ltmp16:
0x6a: {  	_ = 	snop;
	(pc) =	sbr.rel @p0 .LBB2_25-.Ltmp16, $4  }
0x6b: {  	_ = 	snop  }
0x6c: {  	_ =	swait.ge [sflag:s17], $0x2000  }
0x6d: {  	[sflag:s17] =	ssyncset.done $0x0  }
0x6e: {  	[sflag:s17] =	ssyncadd.s32 $0xFFFFE000  }
.Ltmp17:
0x6f: {  	(pc) =	sbr.rel .LBB2_24-.Ltmp17, $2  }
0x70: {  	_ =	sdelay $0x2  }
0x71: {  	[tilespmem:s19], [sflag:$0x2] =	stream.indirect.gather [hbm4b:s8+s18], $0x40, s25, s18, $0xb8;
	[tilespmem:$0x17000] =	vst v63  }
.LBB2_20:
0x72: {  	p0 =	seq.s32 s28, $0x2  }
0x73: {  	p1 =	seq.s32 @p0 s26, $0x4F  }
0x74: {  	p1 =	por !p0, p1  }
.Ltmp18:
0x75: {  	_ = 	snop;
	(pc) =	sbr.rel @p1 .LBB2_22-.Ltmp18, $4  }
.Ltmp19:
0x76: {  	s28 =	simm.s32 @p0 $0x3;
	(pc) =	sbr.rel @!p1 .LBB2_21-.Ltmp19, $4  }
0x77: {  	_ =	swait.ge @p0 [sflag:s28], $0x2000  }
0x78: {  	[sflag:s28] =	ssyncset.done @p0 $0x0  }
0x79: {  	[sflag:s28] =	ssyncadd.s32 @p0 $0xFFFFE000  }
0x7a: {  	_ = 	snop  }
.LBB2_18:
0x7b: {  	p0 =	seq.s32 s26, $0x4F  }
.Ltmp20:
0x7c: {  	_ = 	snop;
	(pc) =	sbr.rel @!p0 .LBB2_19-.Ltmp20, $4  }
0x7d: {  	_ = 	snop  }
0x7e: {  	_ =	swait.ge [sflag:s20], $0x2000  }
0x7f: {  	[sflag:s20] =	ssyncset.done $0x0  }
0x80: {  	[sflag:s20] =	ssyncadd.s32 $0xFFFFE000  }
.LBB2_22:
0x81: {  	p0 =	seq.s32 s26, $0x4F  }
.Ltmp21:
0x82: {  	_ = 	snop;
	(pc) =	sbr.rel @p0 .LBB2_25-.Ltmp21, $4  }
0x83: {  	_ = 	snop  }
0x84: {  	_ =	swait.ge [sflag:s22], $0x2000  }
0x85: {  	[sflag:s22] =	ssyncset.done $0x0  }
0x86: {  	[sflag:s22] =	ssyncadd.s32 $0xFFFFE000  }
.Ltmp22:
0x87: {  	(pc) =	sbr.rel .LBB2_24-.Ltmp22, $2  }
0x88: {  	_ =	sdelay $0x2  }
0x89: {  	[tilespmem:s16], [sflag:$0x1] =	stream.indirect.gather [hbm4b:s8+s18], $0x40, s25, s18, $0xb8;
	[tilespmem:$0x17000] =	vst v63  }
.LBB2_19:
.Ltmp23:
0x8a: {  	(pc) =	sbr.rel .LBB2_24-.Ltmp23, $2  }
0x8b: {  	_ =	sdelay $0x2  }
0x8c: {  	[tilespmem:s21], [sflag:$0x3] =	stream.indirect.gather [hbm4b:s8+s18], $0x40, s25, s18, $0xb8;
	[tilespmem:$0x17000] =	vst v63  }
.LBB2_26:
0x8d: {  	_ =	sfence.sel $0x180000  }
0x8e: {  	[bflag:$0x0] =	sbarrier.arrive $0xFFFF  }
0x8f: {  	p0 =	sne.s32 s1, $0x0;
	_ =	strace $0x9000004A  }
0x90: {  	s0 =	sadd.s32 @!p0 $0x100000, s0;
	[bflag:$0x2] =	sbarrier.arrive $0xFFFF  }
0x91: {  	[sflag:s0] =	ssyncadd.tile.s32 @!p0 $0x1;
	_ =	shalt  }
.Lfunc_end2:
_tile_overlayer_lowered:
.L_overlay_start_2:
0x92: {  	(tag) =	ssettag $0x2  }
0x93: {  	s0 =	rddreg [dreg:$0x0];
	s2 =	stileid.u32  }
0x94: {  	s1 =	rddreg [dreg:$0x1];
	p0 =	sne.s32 s2, $0x0  }
0x95: {  	s3 =	rddreg [dreg:$0x2];
	[bflag:$0x3] =	sbarrier.arrive $0xFFFF;
	s2 =	simm.s32 @!p0 $0x1C05  }
0x96: {  	[timem:s3], [sflag:s2] =	dma.local @!p0 [hbm:s0], s1  }
0x97: {  	s0 =	simm.s32 @!p0 $0x5  }
0x98: {  	_ =	swait.ge @!p0 [sflag:s0], s1  }
0x99: {  	s1 =	ssub.s32 @!p0 $0x0, s1;
	[sflag:s0] =	ssyncset.done @!p0 $0x0  }
0x9a: {  	[sflag:s0] =	ssyncadd.s32 @!p0 s1  }
0x9b: {  	[bflag:$0x3] =	sbarrier.arrive $0xFFFF  }
0x9c: {  	_ =	shalt  }

// kernel: kernel.14.cloned.1.call-start
scs
__scs_entry_jumppad:
0x0: {  	(pc) =	sbr.rel $0x88, $3  }
0x1: {  	(tag) =	ssettag $0x0;
	lr =	simm.s32 $0x1  }
0x2: {  	[smem:$0x3F9B] =	sst lr;
	_ =	strace $0xD0000000  }
0x3: {  	_ = 	snop  }
0x4: {  	_ = 	snop  }
0x5: {  	_ = 	snop  }
0x6: {  	_ = 	snop  }
0x7: {  	_ = 	snop  }
__scs_overlays_trampoline_lowered:
0x8: {  	[smem:$0x3FAA] =	sst s0  }
0x9: {  	[smem:$0x3FAB] =	sst s1  }
0xa: {  	[smem:$0x3FAC] =	sst s2  }
0xb: {  	[smem:$0x3FAD] =	sst s3  }
0xc: {  	[smem:$0x3FAE] =	sst s4  }
0xd: {  	[smem:$0x3FAF] =	sst s5  }
0xe: {  	[smem:$0x3FB0] =	sst s6  }
0xf: {  	[smem:$0x3FB1] =	sst s7  }
0x10: {  	[smem:$0x3FB2] =	sst s8  }
0x11: {  	[smem:$0x3FB3] =	sst s9;
	s0 =	simm.s32 @!p0 $0x0  }
0x12: {  	s1 =	sld [smem:$0x3F99];
	s0 =	simm.s32 @p0 $0x1  }
0x13: {  	[smem:$0x3FB4] =	sst s0;
	s0 =	simm.s32 @!p1 $0x0  }
0x14: {  	s2 =	sld [smem:$0x3F98];
	s0 =	simm.s32 @p1 $0x1  }
0x15: {  	[smem:$0x3FB5] =	sst s0;
	s0 =	simm.s32 @!p2 $0x0  }
0x16: {  	s3 =	sld [smem:$0x3FDB];
	s0 =	simm.s32 @p2 $0x1  }
0x17: {  	s4 =	simm.s32 $0x1BF5;
	[smem:$0x3FB7] =	sst s0  }
0x18: {  	s0 =	sld [smem:$0x3F9A];
	_ =	swait.ge [sflag:s4], $0x0  }
0x19: {  	s7 =	sld [smem:$0x3F9B]  }
0x1a: {  	s8 =	sadd.s32 $0xFFFFE003, lr  }
0x1b: {  	s9 =	sadd.s32 $0xFFFFFEF7, lr;
	s5 =	simm.s32 $0xFFFFFFFF;
	p2 =	slt.u32 s8, $0xFFFFF086  }
0x1c: {  	p1 =	slt.u32 s9, $0xF7A;
	s5 =	simm.s32 @!p2 $0x0  }
0x1d: {  	s5 =	simm.s32 @p1 $0x1;
	p0 =	seq.s32 s7, s2  }
0x1e: {  	s7 =	smul.u32 @!p0 $0xF7A, s2;
	p2 =	seq.s32 @!p0 s5, $0x0  }
0x1f: {  	s9 =	smul.u32 $0xF7A, s1;
	s8 =	simm.s32 @!p0 $0x1BF5;
	p2 =	por !p2, p0  }
0x20: {  	[sflag:s8] =	ssyncset.s32 @!p0 $0xFFFFF086;
	s6 =	sadd.s32 @!p0 s3, s7;
	s7 =	simm.s32 @!p0 $0x108  }
0x21: {  	s3 =	sadd.s32 s3, s9;
	s6 =	sadd.s32 @!p0 $0x88, s6;
	s7 =	simm.s32 @p2 $0x1082  }
0x22: {  	[simem:s7], [sflag:s8] =	dma.local @!p0 [hbm:s6], $0xF7A  }
0x23: {  	s9 =	sor.u32 $0xD0000000, s2;
	s6 =	simm.s32 $0x108;
	_ =	swait.ge @!p0 [sflag:s8], $0x0  }
0x24: {  	s3 =	sadd.s32 $0x88, s3;
	s6 =	simm.s32 @!p1 $0x1082;
	[sflag:s4] =	ssyncset.s32 $0xFFFFF086  }
0x25: {  	[simem:s6], [sflag:s4] =	dma.local [hbm:s3], $0xF7A  }
0x26: {  	[smem:$0x3F9B] =	sst s1;
	(tag) =	ssettag s2;
	_ =	strace s9  }
0x27: {  	s1 =	sld [smem:$0x3FAB]  }
0x28: {  	s2 =	sld [smem:$0x3FAC]  }
0x29: {  	s4 =	sld [smem:$0x3FAE]  }
0x2a: {  	p0 =	seq.s32 s5, $0x0;
	s5 =	sld [smem:$0x3FAF]  }
0x2b: {  	s6 =	sld [smem:$0x3FB0]  }
0x2c: {  	s7 =	sld [smem:$0x3FB1]  }
0x2d: {  	s3 =	simm.s32 $0x108;
	s8 =	sld [smem:$0x3FB2]  }
0x2e: {  	s3 =	simm.s32 @!p0 $0x1082;
	s9 =	sld [smem:$0x3FB3]  }
0x2f: {  	lr =	sadd.s32 s0, s3;
	s0 =	sld [smem:$0x3FAA]  }
0x30: {  	s3 =	sld [smem:$0x3FAD]  }
0x31: {  	[smem:$0x3FB6] =	sst s10  }
0x32: {  	s10 =	sld [smem:$0x3FB4];
	_ =	sdelay $0x3  }
0x33: {  	p0 =	seq.s32 s10, $0x1;
	s10 =	sld [smem:$0x3FB6];
	_ =	sdelay $0x3  }
0x34: {  	[smem:$0x3FB6] =	sst s10  }
0x35: {  	s10 =	sld [smem:$0x3FB5];
	_ =	sdelay $0x3  }
0x36: {  	p1 =	seq.s32 s10, $0x1;
	s10 =	sld [smem:$0x3FB6];
	_ =	sdelay $0x3  }
0x37: {  	[smem:$0x3FB6] =	sst s10  }
0x38: {  	s10 =	sld [smem:$0x3FB7]  }
0x39: {  	_ = 	snop;
	(pc) =	sbr.ind lr, $3  }
0x3a: {  	_ = 	snop  }
0x3b: {  	_ = 	snop  }
0x3c: {  	p2 =	seq.s32 s10, $0x1;
	s10 =	sld [smem:$0x3FB6]  }
0x3d: {  	_ =	shalt  }
0x3e: {  	_ =	shalt  }
0x3f: {  	_ =	shalt  }
0x40: {  	_ =	shalt  }
0x41: {  	_ =	shalt  }
0x42: {  	_ =	shalt  }
0x43: {  	_ =	shalt  }
0x44: {  	_ =	shalt  }
0x45: {  	_ =	shalt  }
0x46: {  	_ =	shalt  }
0x47: {  	_ =	shalt  }
0x48: {  	_ =	shalt  }
0x49: {  	_ =	shalt  }
0x4a: {  	_ =	shalt  }
0x4b: {  	_ =	shalt  }
0x4c: {  	_ =	shalt  }
0x4d: {  	_ =	shalt  }
0x4e: {  	_ =	shalt  }
0x4f: {  	_ =	shalt  }
0x50: {  	_ =	shalt  }
0x51: {  	_ =	shalt  }
0x52: {  	_ =	shalt  }
0x53: {  	_ =	shalt  }
0x54: {  	_ =	shalt  }
0x55: {  	_ =	shalt  }
0x56: {  	_ =	shalt  }
0x57: {  	_ =	shalt  }
0x58: {  	_ =	shalt  }
0x59: {  	_ =	shalt  }
0x5a: {  	_ =	shalt  }
0x5b: {  	_ =	shalt  }
0x5c: {  	_ =	shalt  }
0x5d: {  	_ =	shalt  }
0x5e: {  	_ =	shalt  }
0x5f: {  	_ =	shalt  }
0x60: {  	_ =	shalt  }
0x61: {  	_ =	shalt  }
0x62: {  	_ =	shalt  }
0x63: {  	_ =	shalt  }
0x64: {  	_ =	shalt  }
0x65: {  	_ =	shalt  }
0x66: {  	_ =	shalt  }
0x67: {  	_ =	shalt  }
0x68: {  	_ =	shalt  }
0x69: {  	_ =	shalt  }
0x6a: {  	_ =	shalt  }
0x6b: {  	_ =	shalt  }
0x6c: {  	_ =	shalt  }
0x6d: {  	_ =	shalt  }
0x6e: {  	_ =	shalt  }
0x6f: {  	_ =	shalt  }
0x70: {  	_ =	shalt  }
0x71: {  	_ =	shalt  }
0x72: {  	_ =	shalt  }
0x73: {  	_ =	shalt  }
0x74: {  	_ =	shalt  }
0x75: {  	_ =	shalt  }
0x76: {  	_ =	shalt  }
0x77: {  	_ =	shalt  }
0x78: {  	_ =	shalt  }
0x79: {  	_ =	shalt  }
0x7a: {  	_ =	shalt  }
0x7b: {  	_ =	shalt  }
0x7c: {  	_ =	shalt  }
0x7d: {  	_ =	shalt  }
0x7e: {  	_ =	shalt  }
0x7f: {  	_ =	shalt  }
0x80: {  	_ =	shalt  }
0x81: {  	_ =	shalt  }
0x82: {  	_ =	shalt  }
0x83: {  	_ =	shalt  }
0x84: {  	_ =	shalt  }
0x85: {  	_ =	shalt  }
0x86: {  	_ =	shalt  }
0x87: {  	_ =	shalt  }
.Lfunc_end0:
.L_simem_size_0:
called_computation.2_lowered:
.L_overlay_start_0:
0x88: {  	s2 =	sld [smem:$0x3FD9]  }
0x89: {  	s3 =	sld [smem:$0x3FFE];
	_ =	sdelay $0x1  }
0x8a: {  	s1 =	srdreg.scid  }
0x8b: {  	s0 =	sand.u32 $0x1, s1  }
0x8c: {  	s16 =	sshll.u32 s0, $0xA;
	s2 =	sadd.s32 s3, s2  }
0x8d: {  	s2 =	sadd.s32 s2, s16  }
0x8e: {  	[smem:$0x3FC2] =	sst s2  }
0x8f: {  	_ = 	snop  }
0x90: {  	(tm) =	ssettm $0x1  }
0x91: {  	s17 =	sld [smem:$0x3FFB];
	_ =	sdelay $0x3  }
0x92: {  	_ =	strace s17  }
0x93: {  	s2 =	sld [smem:$0x3FFC];
	_ =	sdelay $0x3  }
0x94: {  	_ =	strace s2  }
0x95: {  	s2 =	sld [smem:$0x3FFD];
	_ =	sdelay $0x3  }
0x96: {  	_ =	strace s2  }
0x97: {  	_ =	strace $0x8FFFFFFF  }
0x98: {  	s18 =	sld [smem:$0x3FDB];
	_ =	sdelay $0x1  }
0x99: {  	s19 =	simm.s32 $_scs_section_size  }
0x9a: {  	s4 =	simm.s32 $_size__tile_overlayer_lowered;
	s5 =	simm.s32 $_tile_overlayer_lowered  }
0x9b: {  	s22 =	simm.s32 $0x1BFF;
	s21 =	sshll.u32 s5, $0x1;
	s2 =	sadd.s32 s19, s18  }
0x9c: {  	s6 =	simm.s32 $0x0;
	s20 =	sshll.u32 s4, $0x1;
	s4 =	sadd.s32 s21, s2  }
0x9d: {  	[timem:s6], [sflag:s22] =	dma.local [hbm:s4], s20  }
0x9e: {  	_ =	swait.ge [sflag:s22], s20  }
0x9f: {  	s3 =	ssub.s32 $0x0, s20;
	[sflag:s22] =	ssyncset.done $0x0  }
0xa0: {  	[sflag:s22] =	ssyncadd.s32 s3;
	_ =	sdelay $0x1  }
0xa1: {  	s23 =	simm.s32 $0x1B8B  }
0xa2: {  	_ =	swait.ge [sflag:s23], $0x1  }
0xa3: {  	[sflag:s23] =	ssyncset.done $0x0  }
0xa4: {  	s25 =	simm.s32 $0x1B8E;
	s24 =	sld [smem:$0x3FFE];
	[sflag:s23] =	ssyncadd.s32 $0xFFFFFFFF  }
0xa5: {  	s26 =	simm.s32 $execute0_lowered;
	[smem:$0x3FD2] =	sst s25  }
0xa6: {  	s4 =	sshll.u32 s26, $0x1;
	_ =	strace $0x8000004C;
	[dreg:$0x1] =	wrdreg $0xFFFFFFFF  }
0xa7: {  	s28 =	simm.s32 $_size_execute0_lowered;
	s2 =	sadd.s32 s2, s4;
	[dreg:$0x0] =	wrdreg $0x0  }
0xa8: {  	s4 =	sshll.u32 s28, $0x1;
	[dreg:$0x2] =	wrdreg s2  }
0xa9: {  	[dreg:$0x3] =	wrdreg s4  }
0xaa: {  	[dreg:$0x4] =	wrdreg $0xC0  }
0xab: {  	_ =	task [dreg:s6], $0x5FFFF  }
0xac: {  	[dreg:$0x1] =	wrdreg $0xFFFFFFFF  }
0xad: {  	[dreg:$0x0] =	wrdreg $0x60  }
0xae: {  	[dreg:$0x2] =	wrdreg s24  }
0xaf: {  	[dreg:$0x3] =	wrdreg $0x40000  }
0xb0: {  	[dreg:$0x4] =	wrdreg $0x9  }
0xb1: {  	_ =	task.clear_ibuf [dreg:s6], $0x5FFFF;
	_ =	strace $0x9000004C  }
0xb2: {  	s29 =	simm.s32 $0x9;
	_ =	strace $0x8000004E  }
0xb3: {  	_ =	swait.ge [sflag:s29], $0x1  }
0xb4: {  	[sflag:s29] =	ssyncadd.s32 $0xFFFFFFFF  }
0xb5: {  	_ =	strace $0x9000004E  }
0xb6: {  	_ =	sfence  }
0xb7: {  	s30 =	sld [smem:$0x0];
	_ =	sdelay $0x2  }
0xb8: {  	s31 =	sshll.u32 s1, $0xD;
	s1 =	sshrl.u32 s1, $0x2  }
0xb9: {  	s3 =	sand.u32 $0x4000, s31;
	s1 =	sadd.s32 s1, s30  }
0xba: {  	s0 =	sor.u32 s3, s0;
	s1 =	sshll.u32 s1, $0x11  }
0xbb: {  	s0 =	sor.u32 s1, s0  }
0xbc: {  	s0 =	sadd.s32 $0x8F2B, s0  }
0xbd: {  	[sflag:s0] =	ssyncadd.remote.s32 $0x1  }
0xbe: {  	_ =	sfence.sel $0xFFFF  }
0xbf: {  	[dreg:$0x0] =	wrdreg $0xFFFFFFFF;
	(pc) =	sbr.abs _section_cstart, $3  }
0xc0: {  	[dreg:$0x1] =	wrdreg $0xFFFFFFFF  }
0xc1: {  	_ =	task.clear_ibuf [dreg:s6], $0x2FFFF;
	_ =	strace $0x9FFFFFFF  }
0xc2: {  	(tm) =	ssettm $0x7FFFFFFF  }
0xc3: {  	_ =	shalt  }
tec
execute0_lowered:
.L_overlay_start_1:
0x0: {  	(tag) =	ssettag $0x1  }
0x1: {  	s5 =	rddreg [dreg:$0x0]  }
0x2: {  	s0 =	srdreg.scid;
	s2 =	rddreg [dreg:$0x1];
	s3 =	simm.s32 $0x0  }
0x3: {  	s18 =	simm.s32 $0x3;
	s20 =	simm.s32 $0x2;
	s6 =	sand.u32 $0x1, s0  }
0x4: {  	s21 =	simm.s32 $0x80;
	s0 =	stileid.u32;
	s7 =	smul.u32 $0x280, s6  }
0x5: {  	s22 =	simm.s32 $0x2780;
	s23 =	simm.s32 $0x3000;
	s8 =	smul.u32 $0x28, s0  }
0x6: {  	s24 =	simm.s32 $0x0;
	[smem:$0x7FF] =	sst s3;
	s9 =	smul.u32 $0x2800, s0  }
0x7: {  	s4 =	sadd.s32 $0x5C000, s5;
	s10 =	smul.u32 $0x28000, s6;
	_ =	strace $0x8000004D  }
0x8: {  	s29 =	ssub.s32 $0x2, s6;
	s12 =	smul.u32 $0xA000, s0;
	p0 =	seq.s32 s6, $0x1  }
0x9: {  	s11 =	sshrl.u32 s29, $0x1;
	s16 =	sshll.u32 @!p0 s0, $0x6;
	s7 =	sadd.s32 s8, s7  }
0xa: {  	s28 =	sadd.s32 s9, s10;
	s15 =	ssub.s32 s29, s11;
	s30 =	sshrl.u32 s9, $0x3  }
0xb: {  	s31 =	sshrl.u32 s12, $0x2;
	s16 =	sor.u32 @!p0 $0x1C03, s16;
	s7 =	sshll.u32 s7, $0x4  }
0xc: {  	s8 =	sshrl.u32 s28, $0x3;
	s6 =	sadd.s32 s4, s30;
	s15 =	smax.u32 s15, $0x1  }
0xd: {  	s13 =	sadd.s32 s7, s5;
	s14 =	sadd.s32 s8, s5;
	s7 =	sadd.s32 s31, s2  }
0xe: {  	s5 =	sadd.s32 s9, s2;
	s8 =	sadd.s32 $0x800, s7;
	s9 =	sadd.s32 $0x1000, s7  }
0xf: {  	s10 =	sadd.s32 $0x1800, s7;
	s11 =	sadd.s32 $0x2000, s7;
	s12 =	sadd.s32 $0x2000, s13  }
0x10: {  	v0 =	vimm.f32 $0.0e+00;
	s13 =	sadd.s32 $0x7000, s13;
	s14 =	sadd.s32 $0x61000, s14;
	s17 =	sshrl.u32 @!p0 s5, $0x3  }
.LBB2_1:
0x11: {  	[tilespmem:$0x3800] =	vst v0  }
0x12: {  	[tilespmem:$0x3810] =	vst v0  }
0x13: {  	[tilespmem:$0x3820] =	vst v0  }
0x14: {  	[tilespmem:$0x3830] =	vst v0  }
0x15: {  	[tilespmem:$0x3840] =	vst v0  }
0x16: {  	[tilespmem:$0x3850] =	vst v0  }
0x17: {  	[tilespmem:$0x3860] =	vst v0  }
0x18: {  	[tilespmem:$0x3870] =	vst v0  }
0x19: {  	[tilespmem:$0x3880] =	vst v0  }
0x1a: {  	[tilespmem:$0x3890] =	vst v0  }
0x1b: {  	[tilespmem:$0x38A0] =	vst v0  }
0x1c: {  	[tilespmem:$0x38B0] =	vst v0  }
0x1d: {  	[tilespmem:$0x38C0] =	vst v0  }
0x1e: {  	[tilespmem:$0x38D0] =	vst v0  }
0x1f: {  	[tilespmem:$0x38E0] =	vst v0  }
0x20: {  	[tilespmem:$0x38F0] =	vst v0  }
0x21: {  	[tilespmem:$0x3900] =	vst v0  }
0x22: {  	[tilespmem:$0x3910] =	vst v0  }
0x23: {  	[tilespmem:$0x3920] =	vst v0  }
0x24: {  	[tilespmem:$0x3930] =	vst v0  }
0x25: {  	[tilespmem:$0x3940] =	vst v0  }
0x26: {  	[tilespmem:$0x3950] =	vst v0  }
0x27: {  	[tilespmem:$0x3960] =	vst v0  }
0x28: {  	[tilespmem:$0x3970] =	vst v0  }
0x29: {  	[tilespmem:$0x3980] =	vst v0  }
0x2a: {  	[tilespmem:$0x3990] =	vst v0  }
0x2b: {  	[tilespmem:$0x39A0] =	vst v0  }
0x2c: {  	[tilespmem:$0x39B0] =	vst v0  }
0x2d: {  	[tilespmem:$0x39C0] =	vst v0  }
0x2e: {  	[tilespmem:$0x39D0] =	vst v0  }
0x2f: {  	[tilespmem:$0x39E0] =	vst v0  }
0x30: {  	[tilespmem:$0x39F0] =	vst v0  }
0x31: {  	[tilespmem:$0x3A00] =	vst v0  }
0x32: {  	[tilespmem:$0x3A10] =	vst v0  }
0x33: {  	[tilespmem:$0x3A20] =	vst v0  }
0x34: {  	[tilespmem:$0x3A30] =	vst v0  }
0x35: {  	[tilespmem:$0x3A40] =	vst v0  }
0x36: {  	[tilespmem:$0x3A50] =	vst v0  }
0x37: {  	[tilespmem:$0x3A60] =	vst v0  }
0x38: {  	[tilespmem:$0x3A70] =	vst v0  }
0x39: {  	[tilespmem:$0x3A80] =	vst v0  }
0x3a: {  	[tilespmem:$0x3A90] =	vst v0  }
0x3b: {  	[tilespmem:$0x3AA0] =	vst v0  }
0x3c: {  	[tilespmem:$0x3AB0] =	vst v0  }
0x3d: {  	[tilespmem:$0x3AC0] =	vst v0  }
0x3e: {  	[tilespmem:$0x3AD0] =	vst v0  }
0x3f: {  	[tilespmem:$0x3AE0] =	vst v0  }
0x40: {  	[tilespmem:$0x3AF0] =	vst v0  }
0x41: {  	[tilespmem:$0x3B00] =	vst v0  }
0x42: {  	[tilespmem:$0x3B10] =	vst v0  }
0x43: {  	[tilespmem:$0x3B20] =	vst v0  }
0x44: {  	[tilespmem:$0x3B30] =	vst v0  }
0x45: {  	[tilespmem:$0x3B40] =	vst v0  }
0x46: {  	[tilespmem:$0x3B50] =	vst v0  }
0x47: {  	[tilespmem:$0x3B60] =	vst v0  }
0x48: {  	[tilespmem:$0x3B70] =	vst v0  }
0x49: {  	[tilespmem:$0x3B80] =	vst v0  }
0x4a: {  	[tilespmem:$0x3B90] =	vst v0  }
0x4b: {  	[tilespmem:$0x3BA0] =	vst v0  }
0x4c: {  	[tilespmem:$0x3BB0] =	vst v0  }
0x4d: {  	[tilespmem:$0x3BC0] =	vst v0  }
0x4e: {  	[tilespmem:$0x3BD0] =	vst v0  }
0x4f: {  	[tilespmem:$0x3BE0] =	vst v0  }
0x50: {  	[tilespmem:$0x3BF0] =	vst v0  }
0x51: {  	[tilespmem:$0x3C00] =	vst v0  }
0x52: {  	[tilespmem:$0x3C10] =	vst v0  }
0x53: {  	[tilespmem:$0x3C20] =	vst v0  }
0x54: {  	[tilespmem:$0x3C30] =	vst v0  }
0x55: {  	[tilespmem:$0x3C40] =	vst v0  }
0x56: {  	[tilespmem:$0x3C50] =	vst v0  }
0x57: {  	[tilespmem:$0x3C60] =	vst v0  }
0x58: {  	[tilespmem:$0x3C70] =	vst v0  }
0x59: {  	[tilespmem:$0x3C80] =	vst v0  }
0x5a: {  	[tilespmem:$0x3C90] =	vst v0  }
0x5b: {  	[tilespmem:$0x3CA0] =	vst v0  }
0x5c: {  	[tilespmem:$0x3CB0] =	vst v0  }
0x5d: {  	[tilespmem:$0x3CC0] =	vst v0  }
0x5e: {  	[tilespmem:$0x3CD0] =	vst v0  }
0x5f: {  	[tilespmem:$0x3CE0] =	vst v0  }
0x60: {  	[tilespmem:$0x3CF0] =	vst v0  }
0x61: {  	[tilespmem:$0x3D00] =	vst v0  }
0x62: {  	[tilespmem:$0x3D10] =	vst v0  }
0x63: {  	[tilespmem:$0x3D20] =	vst v0  }
0x64: {  	[tilespmem:$0x3D30] =	vst v0  }
0x65: {  	[tilespmem:$0x3D40] =	vst v0  }
0x66: {  	[tilespmem:$0x3D50] =	vst v0  }
0x67: {  	[tilespmem:$0x3D60] =	vst v0  }
0x68: {  	[tilespmem:$0x3D70] =	vst v0  }
0x69: {  	[tilespmem:$0x3D80] =	vst v0  }
0x6a: {  	[tilespmem:$0x3D90] =	vst v0  }
0x6b: {  	[tilespmem:$0x3DA0] =	vst v0  }
0x6c: {  	[tilespmem:$0x3DB0] =	vst v0  }
0x6d: {  	[tilespmem:$0x3DC0] =	vst v0  }
0x6e: {  	[tilespmem:$0x3DD0] =	vst v0  }
0x6f: {  	[tilespmem:$0x3DE0] =	vst v0  }
0x70: {  	[tilespmem:$0x3DF0] =	vst v0  }
0x71: {  	[tilespmem:$0x3E00] =	vst v0  }
0x72: {  	[tilespmem:$0x3E10] =	vst v0  }
0x73: {  	[tilespmem:$0x3E20] =	vst v0  }
0x74: {  	[tilespmem:$0x3E30] =	vst v0  }
0x75: {  	[tilespmem:$0x3E40] =	vst v0  }
0x76: {  	[tilespmem:$0x3E50] =	vst v0  }
0x77: {  	[tilespmem:$0x3E60] =	vst v0  }
0x78: {  	[tilespmem:$0x3E70] =	vst v0  }
0x79: {  	[tilespmem:$0x3E80] =	vst v0  }
0x7a: {  	[tilespmem:$0x3E90] =	vst v0  }
0x7b: {  	[tilespmem:$0x3EA0] =	vst v0  }
0x7c: {  	[tilespmem:$0x3EB0] =	vst v0  }
0x7d: {  	[tilespmem:$0x3EC0] =	vst v0  }
0x7e: {  	[tilespmem:$0x3ED0] =	vst v0  }
0x7f: {  	[tilespmem:$0x3EE0] =	vst v0  }
0x80: {  	[tilespmem:$0x3EF0] =	vst v0  }
0x81: {  	[tilespmem:$0x3F00] =	vst v0  }
0x82: {  	[tilespmem:$0x3F10] =	vst v0  }
0x83: {  	[tilespmem:$0x3F20] =	vst v0  }
0x84: {  	[tilespmem:$0x3F30] =	vst v0  }
0x85: {  	[tilespmem:$0x3F40] =	vst v0  }
0x86: {  	[tilespmem:$0x3F50] =	vst v0  }
0x87: {  	[tilespmem:$0x3F60] =	vst v0  }
0x88: {  	[tilespmem:$0x3F70] =	vst v0  }
0x89: {  	[tilespmem:$0x3F80] =	vst v0  }
0x8a: {  	[tilespmem:$0x3F90] =	vst v0  }
0x8b: {  	[tilespmem:$0x3FA0] =	vst v0  }
0x8c: {  	[tilespmem:$0x3FB0] =	vst v0  }
0x8d: {  	[tilespmem:$0x3FC0] =	vst v0  }
0x8e: {  	[tilespmem:$0x3FD0] =	vst v0  }
0x8f: {  	[tilespmem:$0x3FE0] =	vst v0  }
0x90: {  	[tilespmem:$0x3FF0] =	vst v0;
	s25 =	simm.s32 @p0 $0x3800;
	s26 =	simm.s32 @p0 $0x3  }
0x91: {  	[spmem:s7] =	stream.linear.scatter @p0 [tilespmem:s25], [sflag:$0x3], $0x800, $0x38;
	[tilespmem:$0x6800] =	vst v63  }
0x92: {  	_ =	swait.ge @p0 [sflag:s26], $0x800  }
0x93: {  	[sflag:s26] =	ssyncset.done @p0 $0x0  }
0x94: {  	[sflag:s26] =	ssyncadd.s32 @p0 $0xFFFFF800  }
0x95: {  	[spmem:s8] =	stream.linear.scatter @p0 [tilespmem:s25], [sflag:$0x3], $0x800, $0x38;
	[tilespmem:$0x6800] =	vst v63  }
0x96: {  	_ =	swait.ge @p0 [sflag:s26], $0x800  }
0x97: {  	[sflag:s26] =	ssyncset.done @p0 $0x0  }
0x98: {  	[sflag:s26] =	ssyncadd.s32 @p0 $0xFFFFF800  }
0x99: {  	[spmem:s9] =	stream.linear.scatter @p0 [tilespmem:s25], [sflag:$0x3], $0x800, $0x38;
	[tilespmem:$0x6800] =	vst v63  }
0x9a: {  	_ =	swait.ge @p0 [sflag:s26], $0x800  }
0x9b: {  	[sflag:s26] =	ssyncset.done @p0 $0x0  }
0x9c: {  	[sflag:s26] =	ssyncadd.s32 @p0 $0xFFFFF800  }
0x9d: {  	[spmem:s10] =	stream.linear.scatter @p0 [tilespmem:s25], [sflag:$0x3], $0x800, $0x38;
	[tilespmem:$0x6800] =	vst v63  }
0x9e: {  	_ =	swait.ge @p0 [sflag:s26], $0x800  }
0x9f: {  	[sflag:s26] =	ssyncset.done @p0 $0x0  }
0xa0: {  	[sflag:s26] =	ssyncadd.s32 @p0 $0xFFFFF800  }
0xa1: {  	[spmem:s11] =	stream.linear.scatter @p0 [tilespmem:s25], [sflag:$0x3], $0x800, $0x38;
	[tilespmem:$0x6800] =	vst v63  }
0xa2: {  	_ =	swait.ge @p0 [sflag:s26], $0x800  }
0xa3: {  	[sflag:s26] =	ssyncset.done @p0 $0x0  }
0xa4: {  	s25 =	simm.s32 @!p0 $0x3;
	[sflag:s26] =	ssyncadd.s32 @p0 $0xFFFFF800  }
0xa5: {  	[spmem:s17], [sflag:s16] =	dma.local @!p0 [hbm:s6], $0x500  }
0xa6: {  	_ =	swait.ge @!p0 [sflag:s25], $0x500  }
0xa7: {  	[sflag:s25] =	ssyncset.done @!p0 $0x0  }
0xa8: {  	[sflag:s25] =	ssyncadd.s32 @!p0 $0xFFFFFB00  }
0xa9: {  	[tilespmem:s3], [sflag:$0x3] =	stream.linear.gather [hbm4b:s12+s3], $0x1400, $0x38;
	[tilespmem:$0x6800] =	vst v63  }
0xaa: {  	_ =	swait.ge [sflag:s18], $0x1400  }
0xab: {  	[sflag:s18] =	ssyncset.done $0x0  }
0xac: {  	s25 =	simm.s32 $0x1400;
	[sflag:s18] =	ssyncadd.s32 $0xFFFFEC00  }
0xad: {  	[tilespmem:s25], [sflag:$0x3] =	stream.linear.gather [hbm4b:s13+s3], $0x1400, $0x38;
	[tilespmem:$0x6800] =	vst v63  }
0xae: {  	_ =	swait.ge [sflag:s18], $0x1400  }
0xaf: {  	s31 =	sand.u32 $0x1, s3;
	[sflag:s18] =	ssyncset.done $0x0  }
0xb0: {  	p1 =	seq.s32 s31, $0x1;
	[sflag:s18] =	ssyncadd.s32 $0xFFFFEC00  }
0xb1: {  	s1 =	simm.s32 $0x2800;
	s26 =	simm.s32 @p1 $0x2;
	[bflag:$0x0] =	sbarrier.arrive $0xFFFF  }
0xb2: {  	[tilespmem:s1], [sflag:$0x1] =	stream.indirect.gather [hbm4b:s4+s21], $0x10, s3, s21, $0xb8;
	[tilespmem:$0x6800] =	vst v63  }
0xb3: {  	_ =	swait.ge @p1 [sflag:s26], $0x800  }
0xb4: {  	[sflag:s26] =	ssyncset.done @p1 $0x0  }
0xb5: {  	s28 =	simm.s32 @p1 $0x2800;
	[sflag:s26] =	ssyncadd.s32 @p1 $0xFFFFF800;
	s26 =	simm.s32 @p1 $0x80  }
0xb6: {  	[tilespmem:s28], [sflag:$0x1] =	stream.indirect.gather @p1 [hbm4b:s4+s26], $0x10, s21, s26, $0xb8;
	[tilespmem:$0x6800] =	vst v63  }
0xb7: {  	s29 =	simm.s32 @!p1 $0x1;
	s28 =	simm.s32 @p1 $0x3000  }
0xb8: {  	[spmem:s2] =	stream.indirect.scatter.add.f32 @p1 [tilespmem:s28], [sflag:$0x3], $0x10, s25, s26, $0xb8;
	[tilespmem:$0x6800] =	vst v63  }
0xb9: {  	_ =	swait.ge @!p1 [sflag:s29], $0x800  }
0xba: {  	s28 =	simm.s32 @!p1 $0x4;
	[sflag:s29] =	ssyncset.done @!p1 $0x0  }
0xbb: {  	s26 =	simm.s32 @!p1 $0x80;
	[sflag:s29] =	ssyncadd.s32 @!p1 $0xFFFFF800;
	s29 =	simm.s32 @!p1 $0x3000  }
0xbc: {  	[tilespmem:s29], [sflag:$0x2] =	stream.indirect.gather @!p1 [hbm4b:s4+s26], $0x10, s21, s26, $0xb8;
	[tilespmem:$0x6800] =	vst v63  }
0xbd: {  	s30 =	simm.s32 $0x1;
	s28 =	simm.s32 @p1 $0x3;
	s29 =	simm.s32 @!p1 $0x2800  }
0xbe: {  	[spmem:s2] =	stream.indirect.scatter.add.f32 @!p1 [tilespmem:s29], [sflag:$0x4], $0x10, s25, s26, $0xb8;
	[tilespmem:$0x6800] =	vst v63  }
0xbf: {  	s30 =	sand.u32 $0x1, s30;
	s29 =	simm.s32 $0x2;
	_ =	swait.ge [sflag:s28], $0x800  }
0xc0: {  	s25 =	simm.s32 $0x100;
	s26 =	simm.s32 $0x1480;
	[sflag:s28] =	ssyncset.done $0x0  }
.LBB2_2:
0xc1: {  	p2 =	seq.s32 s30, $0x1  }
0xc2: {  	[sflag:s28] =	ssyncadd.s32 $0xFFFFF800;
	s30 =	smov.u32 s29;
	s29 =	sadd.s32 $0x1, s29  }
0xc3: {  	p1 =	sne.s32 s29, $0x27;
	s31 =	simm.s32 @p2 $0x2;
	s28 =	simm.s32 @!p2 $0x4  }
0xc4: {  	_ =	swait.ge @p2 [sflag:s31], $0x800  }
0xc5: {  	[sflag:s31] =	ssyncset.done @p2 $0x0  }
0xc6: {  	s1 =	simm.s32 @p2 $0x2800;
	[sflag:s31] =	ssyncadd.s32 @p2 $0xFFFFF800;
	s31 =	simm.s32 @p2 $0x80  }
0xc7: {  	[tilespmem:s1], [sflag:$0x1] =	stream.indirect.gather @p2 [hbm4b:s4+s31], $0x10, s25, s31, $0xb8;
	[tilespmem:$0x6800] =	vst v63  }
0xc8: {  	s19 =	simm.s32 @!p2 $0x1;
	s1 =	simm.s32 @p2 $0x3000  }
0xc9: {  	[spmem:s2] =	stream.indirect.scatter.add.f32 @p2 [tilespmem:s1], [sflag:$0x3], $0x10, s26, s31, $0xb8;
	[tilespmem:$0x6800] =	vst v63  }
0xca: {  	_ =	swait.ge @!p2 [sflag:s19], $0x800  }
0xcb: {  	[sflag:s19] =	ssyncset.done @!p2 $0x0  }
0xcc: {  	s1 =	simm.s32 @!p2 $0x80;
	[sflag:s19] =	ssyncadd.s32 @!p2 $0xFFFFF800;
	s19 =	simm.s32 @!p2 $0x3000  }
0xcd: {  	[tilespmem:s19], [sflag:$0x2] =	stream.indirect.gather @!p2 [hbm4b:s4+s1], $0x10, s25, s1, $0xb8;
	[tilespmem:$0x6800] =	vst v63  }
.Ltmp0:
0xce: {  	_ = 	snop;
	(pc) =	sbr.rel @p1 .LBB2_2-.Ltmp0, $4  }
0xcf: {  	s28 =	simm.s32 @p2 $0x3;
	s19 =	simm.s32 @!p2 $0x2800  }
0xd0: {  	[spmem:s2] =	stream.indirect.scatter.add.f32 @!p2 [tilespmem:s19], [sflag:$0x4], $0x10, s26, s1, $0xb8;
	[tilespmem:$0x6800] =	vst v63  }
0xd1: {  	s25 =	sadd.s32 $0x80, s25;
	_ =	swait.ge [sflag:s28], $0x800  }
0xd2: {  	s30 =	sand.u32 $0x1, s30;
	s26 =	sadd.s32 $0x80, s26;
	[sflag:s28] =	ssyncset.done $0x0  }
0xd3: {  	p1 =	seq.s32 s30, $0x1  }
0xd4: {  	[sflag:s28] =	ssyncadd.s32 $0xFFFFF800;
	s1 =	simm.s32 @p1 $0x2  }
0xd5: {  	_ =	swait.ge @p1 [sflag:s1], $0x800  }
0xd6: {  	[sflag:s1] =	ssyncset.done @p1 $0x0  }
0xd7: {  	s19 =	simm.s32 @p1 $0x2800;
	[sflag:s1] =	ssyncadd.s32 @p1 $0xFFFFF800;
	s1 =	simm.s32 @p1 $0x80  }
0xd8: {  	[tilespmem:s19], [sflag:$0x1] =	stream.indirect.gather @p1 [hbm4b:s4+s1], $0x10, s25, s1, $0xb8;
	[tilespmem:$0x6800] =	vst v63  }
0xd9: {  	s28 =	simm.s32 @!p1 $0x1;
	s19 =	simm.s32 @p1 $0x3000  }
0xda: {  	[spmem:s2] =	stream.indirect.scatter.add.f32 @p1 [tilespmem:s19], [sflag:$0x3], $0x10, s26, s1, $0xb8;
	[tilespmem:$0x6800] =	vst v63  }
0xdb: {  	_ =	swait.ge @!p1 [sflag:s28], $0x800  }
0xdc: {  	s1 =	simm.s32 @!p1 $0x4;
	[sflag:s28] =	ssyncset.done @!p1 $0x0  }
0xdd: {  	s19 =	simm.s32 @!p1 $0x80;
	[sflag:s28] =	ssyncadd.s32 @!p1 $0xFFFFF800;
	s28 =	simm.s32 @!p1 $0x3000  }
0xde: {  	[tilespmem:s28], [sflag:$0x2] =	stream.indirect.gather @!p1 [hbm4b:s4+s19], $0x10, s25, s19, $0xb8;
	[tilespmem:$0x6800] =	vst v63  }
0xdf: {  	s1 =	simm.s32 @p1 $0x3;
	s25 =	simm.s32 @!p1 $0x2800  }
0xe0: {  	[spmem:s2] =	stream.indirect.scatter.add.f32 @!p1 [tilespmem:s25], [sflag:$0x4], $0x10, s26, s19, $0xb8;
	[tilespmem:$0x6800] =	vst v63  }
0xe1: {  	_ =	swait.ge [sflag:s1], $0x800  }
0xe2: {  	[sflag:s1] =	ssyncset.done $0x0  }
0xe3: {  	[sflag:s1] =	ssyncadd.s32 $0xFFFFF800  }
0xe4: {  	_ =	swait.ge [sflag:s20], $0x800  }
0xe5: {  	[sflag:s20] =	ssyncset.done $0x0  }
0xe6: {  	[sflag:s20] =	ssyncadd.s32 $0xFFFFF800  }
0xe7: {  	[spmem:s2] =	stream.indirect.scatter.add.f32 [tilespmem:s23], [sflag:$0x3], $0x10, s22, s21, $0xb8;
	[tilespmem:$0x6800] =	vst v63  }
0xe8: {  	_ =	swait.ge [sflag:s18], $0x800  }
0xe9: {  	s30 =	sshll.u32 s0, $0x6;
	s24 =	sadd.s32 $0x1, s24;
	[sflag:s18] =	ssyncset.done $0x0  }
0xea: {  	s31 =	sshrl.u32 s5, $0x3;
	p1 =	sne.s32 s24, s15;
	[sflag:s18] =	ssyncadd.s32 $0xFFFFF800  }
.Ltmp1:
0xeb: {  	s1 =	sor.u32 $0x1C03, s30;
	[bflag:$0x0] =	sbarrier.arrive $0xFFFF;
	(pc) =	sbr.rel @p1 .LBB2_1-.Ltmp1, $4  }
0xec: {  	[hbm:s14], [sflag:s1] =	dma.local [spmem:s31], $0x500  }
0xed: {  	_ =	swait.ge [sflag:s18], $0x500  }
0xee: {  	[sflag:s18] =	ssyncset.done $0x0  }
0xef: {  	[sflag:s18] =	ssyncadd.s32 $0xFFFFFB00  }
0xf0: {  	_ =	sfence.sel $0x180000  }
0xf1: {  	[bflag:$0x0] =	sbarrier.arrive $0xFFFF  }
0xf2: {  	_ =	strace $0x9000004D  }
0xf3: {  	[bflag:$0x2] =	sbarrier.arrive $0xFFFF  }
0xf4: {  	p0 =	sne.s32 s0, $0x0;
	s0 =	rddreg [dreg:$0x2]  }
0xf5: {  	s0 =	sadd.s32 @!p0 $0x100000, s0  }
0xf6: {  	[sflag:s0] =	ssyncadd.tile.s32 @!p0 $0x1;
	_ =	shalt  }
.Lfunc_end2:
_tile_overlayer_lowered:
.L_overlay_start_2:
0xf7: {  	(tag) =	ssettag $0x2  }
0xf8: {  	s0 =	rddreg [dreg:$0x0];
	s2 =	stileid.u32  }
0xf9: {  	s1 =	rddreg [dreg:$0x1];
	p0 =	sne.s32 s2, $0x0  }
0xfa: {  	s3 =	rddreg [dreg:$0x2];
	[bflag:$0x3] =	sbarrier.arrive $0xFFFF;
	s2 =	simm.s32 @!p0 $0x1C03  }
0xfb: {  	[timem:s3], [sflag:s2] =	dma.local @!p0 [hbm:s0], s1  }
0xfc: {  	s0 =	simm.s32 @!p0 $0x3  }
0xfd: {  	_ =	swait.ge @!p0 [sflag:s0], s1  }
0xfe: {  	s1 =	ssub.s32 @!p0 $0x0, s1;
	[sflag:s0] =	ssyncset.done @!p0 $0x0  }
0xff: {  	[sflag:s0] =	ssyncadd.s32 @!p0 s1  }
0x100: {  	[bflag:$0x3] =	sbarrier.arrive $0xFFFF  }
0x101: {  	_ =	shalt  }

// kernel: kernel.8.cloned.1.call-start
scs
__scs_entry_jumppad:
0x0: {  	(pc) =	sbr.rel $0x88, $3  }
0x1: {  	(tag) =	ssettag $0x0;
	lr =	simm.s32 $0x1  }
0x2: {  	[smem:$0x3F9B] =	sst lr;
	_ =	strace $0xD0000000  }
0x3: {  	_ = 	snop  }
0x4: {  	_ = 	snop  }
0x5: {  	_ = 	snop  }
0x6: {  	_ = 	snop  }
0x7: {  	_ = 	snop  }
__scs_overlays_trampoline_lowered:
0x8: {  	[smem:$0x3FAA] =	sst s0  }
0x9: {  	[smem:$0x3FAB] =	sst s1  }
0xa: {  	[smem:$0x3FAC] =	sst s2  }
0xb: {  	[smem:$0x3FAD] =	sst s3  }
0xc: {  	[smem:$0x3FAE] =	sst s4  }
0xd: {  	[smem:$0x3FAF] =	sst s5  }
0xe: {  	[smem:$0x3FB0] =	sst s6  }
0xf: {  	[smem:$0x3FB1] =	sst s7  }
0x10: {  	[smem:$0x3FB2] =	sst s8  }
0x11: {  	[smem:$0x3FB3] =	sst s9;
	s0 =	simm.s32 @!p0 $0x0  }
0x12: {  	s1 =	sld [smem:$0x3F99];
	s0 =	simm.s32 @p0 $0x1  }
0x13: {  	[smem:$0x3FB4] =	sst s0;
	s0 =	simm.s32 @!p1 $0x0  }
0x14: {  	s2 =	sld [smem:$0x3F98];
	s0 =	simm.s32 @p1 $0x1  }
0x15: {  	[smem:$0x3FB5] =	sst s0;
	s0 =	simm.s32 @!p2 $0x0  }
0x16: {  	s3 =	sld [smem:$0x3FDB];
	s0 =	simm.s32 @p2 $0x1  }
0x17: {  	s4 =	simm.s32 $0x1BF5;
	[smem:$0x3FB7] =	sst s0  }
0x18: {  	s0 =	sld [smem:$0x3F9A];
	_ =	swait.ge [sflag:s4], $0x0  }
0x19: {  	s7 =	sld [smem:$0x3F9B]  }
0x1a: {  	s8 =	sadd.s32 $0xFFFFE003, lr  }
0x1b: {  	s9 =	sadd.s32 $0xFFFFFEF7, lr;
	s5 =	simm.s32 $0xFFFFFFFF;
	p2 =	slt.u32 s8, $0xFFFFF086  }
0x1c: {  	p1 =	slt.u32 s9, $0xF7A;
	s5 =	simm.s32 @!p2 $0x0  }
0x1d: {  	s5 =	simm.s32 @p1 $0x1;
	p0 =	seq.s32 s7, s2  }
0x1e: {  	s7 =	smul.u32 @!p0 $0xF7A, s2;
	p2 =	seq.s32 @!p0 s5, $0x0  }
0x1f: {  	s9 =	smul.u32 $0xF7A, s1;
	s8 =	simm.s32 @!p0 $0x1BF5;
	p2 =	por !p2, p0  }
0x20: {  	[sflag:s8] =	ssyncset.s32 @!p0 $0xFFFFF086;
	s6 =	sadd.s32 @!p0 s3, s7;
	s7 =	simm.s32 @!p0 $0x108  }
0x21: {  	s3 =	sadd.s32 s3, s9;
	s6 =	sadd.s32 @!p0 $0x88, s6;
	s7 =	simm.s32 @p2 $0x1082  }
0x22: {  	[simem:s7], [sflag:s8] =	dma.local @!p0 [hbm:s6], $0xF7A  }
0x23: {  	s9 =	sor.u32 $0xD0000000, s2;
	s6 =	simm.s32 $0x108;
	_ =	swait.ge @!p0 [sflag:s8], $0x0  }
0x24: {  	s3 =	sadd.s32 $0x88, s3;
	s6 =	simm.s32 @!p1 $0x1082;
	[sflag:s4] =	ssyncset.s32 $0xFFFFF086  }
0x25: {  	[simem:s6], [sflag:s4] =	dma.local [hbm:s3], $0xF7A  }
0x26: {  	[smem:$0x3F9B] =	sst s1;
	(tag) =	ssettag s2;
	_ =	strace s9  }
0x27: {  	s1 =	sld [smem:$0x3FAB]  }
0x28: {  	s2 =	sld [smem:$0x3FAC]  }
0x29: {  	s4 =	sld [smem:$0x3FAE]  }
0x2a: {  	p0 =	seq.s32 s5, $0x0;
	s5 =	sld [smem:$0x3FAF]  }
0x2b: {  	s6 =	sld [smem:$0x3FB0]  }
0x2c: {  	s7 =	sld [smem:$0x3FB1]  }
0x2d: {  	s3 =	simm.s32 $0x108;
	s8 =	sld [smem:$0x3FB2]  }
0x2e: {  	s3 =	simm.s32 @!p0 $0x1082;
	s9 =	sld [smem:$0x3FB3]  }
0x2f: {  	lr =	sadd.s32 s0, s3;
	s0 =	sld [smem:$0x3FAA]  }
0x30: {  	s3 =	sld [smem:$0x3FAD]  }
0x31: {  	[smem:$0x3FB6] =	sst s10  }
0x32: {  	s10 =	sld [smem:$0x3FB4];
	_ =	sdelay $0x3  }
0x33: {  	p0 =	seq.s32 s10, $0x1;
	s10 =	sld [smem:$0x3FB6];
	_ =	sdelay $0x3  }
0x34: {  	[smem:$0x3FB6] =	sst s10  }
0x35: {  	s10 =	sld [smem:$0x3FB5];
	_ =	sdelay $0x3  }
0x36: {  	p1 =	seq.s32 s10, $0x1;
	s10 =	sld [smem:$0x3FB6];
	_ =	sdelay $0x3  }
0x37: {  	[smem:$0x3FB6] =	sst s10  }
0x38: {  	s10 =	sld [smem:$0x3FB7]  }
0x39: {  	_ = 	snop;
	(pc) =	sbr.ind lr, $3  }
0x3a: {  	_ = 	snop  }
0x3b: {  	_ = 	snop  }
0x3c: {  	p2 =	seq.s32 s10, $0x1;
	s10 =	sld [smem:$0x3FB6]  }
0x3d: {  	_ =	shalt  }
0x3e: {  	_ =	shalt  }
0x3f: {  	_ =	shalt  }
0x40: {  	_ =	shalt  }
0x41: {  	_ =	shalt  }
0x42: {  	_ =	shalt  }
0x43: {  	_ =	shalt  }
0x44: {  	_ =	shalt  }
0x45: {  	_ =	shalt  }
0x46: {  	_ =	shalt  }
0x47: {  	_ =	shalt  }
0x48: {  	_ =	shalt  }
0x49: {  	_ =	shalt  }
0x4a: {  	_ =	shalt  }
0x4b: {  	_ =	shalt  }
0x4c: {  	_ =	shalt  }
0x4d: {  	_ =	shalt  }
0x4e: {  	_ =	shalt  }
0x4f: {  	_ =	shalt  }
0x50: {  	_ =	shalt  }
0x51: {  	_ =	shalt  }
0x52: {  	_ =	shalt  }
0x53: {  	_ =	shalt  }
0x54: {  	_ =	shalt  }
0x55: {  	_ =	shalt  }
0x56: {  	_ =	shalt  }
0x57: {  	_ =	shalt  }
0x58: {  	_ =	shalt  }
0x59: {  	_ =	shalt  }
0x5a: {  	_ =	shalt  }
0x5b: {  	_ =	shalt  }
0x5c: {  	_ =	shalt  }
0x5d: {  	_ =	shalt  }
0x5e: {  	_ =	shalt  }
0x5f: {  	_ =	shalt  }
0x60: {  	_ =	shalt  }
0x61: {  	_ =	shalt  }
0x62: {  	_ =	shalt  }
0x63: {  	_ =	shalt  }
0x64: {  	_ =	shalt  }
0x65: {  	_ =	shalt  }
0x66: {  	_ =	shalt  }
0x67: {  	_ =	shalt  }
0x68: {  	_ =	shalt  }
0x69: {  	_ =	shalt  }
0x6a: {  	_ =	shalt  }
0x6b: {  	_ =	shalt  }
0x6c: {  	_ =	shalt  }
0x6d: {  	_ =	shalt  }
0x6e: {  	_ =	shalt  }
0x6f: {  	_ =	shalt  }
0x70: {  	_ =	shalt  }
0x71: {  	_ =	shalt  }
0x72: {  	_ =	shalt  }
0x73: {  	_ =	shalt  }
0x74: {  	_ =	shalt  }
0x75: {  	_ =	shalt  }
0x76: {  	_ =	shalt  }
0x77: {  	_ =	shalt  }
0x78: {  	_ =	shalt  }
0x79: {  	_ =	shalt  }
0x7a: {  	_ =	shalt  }
0x7b: {  	_ =	shalt  }
0x7c: {  	_ =	shalt  }
0x7d: {  	_ =	shalt  }
0x7e: {  	_ =	shalt  }
0x7f: {  	_ =	shalt  }
0x80: {  	_ =	shalt  }
0x81: {  	_ =	shalt  }
0x82: {  	_ =	shalt  }
0x83: {  	_ =	shalt  }
0x84: {  	_ =	shalt  }
0x85: {  	_ =	shalt  }
0x86: {  	_ =	shalt  }
0x87: {  	_ =	shalt  }
.Lfunc_end0:
.L_simem_size_0:
called_computation_lowered:
.L_overlay_start_0:
0x88: {  	s2 =	sld [smem:$0x3FD9]  }
0x89: {  	s3 =	sld [smem:$0x3FFE];
	_ =	sdelay $0x1  }
0x8a: {  	s1 =	srdreg.scid  }
0x8b: {  	s0 =	sand.u32 $0x1, s1  }
0x8c: {  	s16 =	sshll.u32 s0, $0xA;
	s2 =	sadd.s32 s3, s2  }
0x8d: {  	s2 =	sadd.s32 s2, s16  }
0x8e: {  	[smem:$0x3FC2] =	sst s2  }
0x8f: {  	_ = 	snop  }
0x90: {  	(tm) =	ssettm $0x1  }
0x91: {  	s17 =	sld [smem:$0x3FFB];
	_ =	sdelay $0x3  }
0x92: {  	_ =	strace s17  }
0x93: {  	s2 =	sld [smem:$0x3FFC];
	_ =	sdelay $0x3  }
0x94: {  	_ =	strace s2  }
0x95: {  	s2 =	sld [smem:$0x3FFD];
	_ =	sdelay $0x3  }
0x96: {  	_ =	strace s2  }
0x97: {  	_ =	strace $0x8FFFFFFF  }
0x98: {  	s18 =	sld [smem:$0x3FDB];
	_ =	sdelay $0x1  }
0x99: {  	s19 =	simm.s32 $_scs_section_size  }
0x9a: {  	s4 =	simm.s32 $_size__tile_overlayer_lowered;
	s5 =	simm.s32 $_tile_overlayer_lowered  }
0x9b: {  	s22 =	simm.s32 $0x1BFF;
	s21 =	sshll.u32 s5, $0x1;
	s2 =	sadd.s32 s19, s18  }
0x9c: {  	s6 =	simm.s32 $0x0;
	s20 =	sshll.u32 s4, $0x1;
	s4 =	sadd.s32 s21, s2  }
0x9d: {  	[timem:s6], [sflag:s22] =	dma.local [hbm:s4], s20  }
0x9e: {  	_ =	swait.ge [sflag:s22], s20  }
0x9f: {  	s3 =	ssub.s32 $0x0, s20;
	[sflag:s22] =	ssyncset.done $0x0  }
0xa0: {  	[sflag:s22] =	ssyncadd.s32 s3;
	_ =	sdelay $0x1  }
0xa1: {  	s23 =	simm.s32 $0x1B8B  }
0xa2: {  	_ =	swait.ge [sflag:s23], $0x1  }
0xa3: {  	[sflag:s23] =	ssyncset.done $0x0  }
0xa4: {  	s25 =	simm.s32 $0x1B8E;
	s24 =	sld [smem:$0x3FFE];
	[sflag:s23] =	ssyncadd.s32 $0xFFFFFFFF  }
0xa5: {  	s26 =	simm.s32 $execute0_lowered;
	[smem:$0x3FD2] =	sst s25  }
0xa6: {  	s4 =	sshll.u32 s26, $0x1;
	_ =	strace $0x80000046;
	[dreg:$0x1] =	wrdreg $0xFFFFFFFF  }
0xa7: {  	s28 =	simm.s32 $_size_execute0_lowered;
	s2 =	sadd.s32 s2, s4;
	[dreg:$0x0] =	wrdreg $0x0  }
0xa8: {  	s4 =	sshll.u32 s28, $0x1;
	[dreg:$0x2] =	wrdreg s2  }
0xa9: {  	[dreg:$0x3] =	wrdreg s4  }
0xaa: {  	[dreg:$0x4] =	wrdreg $0xC0  }
0xab: {  	_ =	task [dreg:s6], $0x5FFFF  }
0xac: {  	[dreg:$0x1] =	wrdreg $0xFFFFFFFF  }
0xad: {  	[dreg:$0x0] =	wrdreg $0x60  }
0xae: {  	[dreg:$0x2] =	wrdreg s24  }
0xaf: {  	[dreg:$0x3] =	wrdreg $0x94000  }
0xb0: {  	[dreg:$0x4] =	wrdreg $0x9  }
0xb1: {  	_ =	task.clear_ibuf [dreg:s6], $0x5FFFF;
	_ =	strace $0x90000046  }
0xb2: {  	s29 =	simm.s32 $0x9;
	_ =	strace $0x80000048  }
0xb3: {  	_ =	swait.ge [sflag:s29], $0x1  }
0xb4: {  	[sflag:s29] =	ssyncadd.s32 $0xFFFFFFFF  }
0xb5: {  	_ =	strace $0x90000048  }
0xb6: {  	_ =	sfence  }
0xb7: {  	s30 =	sld [smem:$0x0];
	_ =	sdelay $0x2  }
0xb8: {  	s31 =	sshll.u32 s1, $0xD;
	s1 =	sshrl.u32 s1, $0x2  }
0xb9: {  	s3 =	sand.u32 $0x4000, s31;
	s1 =	sadd.s32 s1, s30  }
0xba: {  	s0 =	sor.u32 s3, s0;
	s1 =	sshll.u32 s1, $0x11  }
0xbb: {  	s0 =	sor.u32 s1, s0  }
0xbc: {  	s0 =	sadd.s32 $0x8F2B, s0  }
0xbd: {  	[sflag:s0] =	ssyncadd.remote.s32 $0x1  }
0xbe: {  	_ =	sfence.sel $0xFFFF  }
0xbf: {  	[dreg:$0x0] =	wrdreg $0xFFFFFFFF;
	(pc) =	sbr.abs _section_cstart, $3  }
0xc0: {  	[dreg:$0x1] =	wrdreg $0xFFFFFFFF  }
0xc1: {  	_ =	task.clear_ibuf [dreg:s6], $0x2FFFF;
	_ =	strace $0x9FFFFFFF  }
0xc2: {  	(tm) =	ssettm $0x7FFFFFFF  }
0xc3: {  	_ =	shalt  }
tec
execute0_lowered:
.L_overlay_start_1:
0x0: {  	(tag) =	ssettag $0x1  }
0x1: {  	s4 =	rddreg [dreg:$0x0]  }
0x2: {  	s0 =	srdreg.scid;
	s2 =	rddreg [dreg:$0x1]  }
0x3: {  	s1 =	rddreg [dreg:$0x2];
	s3 =	simm.s32 $0x0;
	s5 =	sand.u32 $0x1, s0  }
0x4: {  	s13 =	simm.s32 $0x1;
	s0 =	stileid.u32;
	s6 =	smul.u32 $0x2800, s5  }
0x5: {  	s14 =	simm.s32 $0x80;
	s15 =	simm.s32 $0x1400;
	s7 =	smul.u32 $0x280, s0  }
0x6: {  	s18 =	simm.s32 $0x0;
	[smem:$0x7FF] =	sst s3;
	s8 =	smul.u32 $0x140000, s5  }
0x7: {  	s9 =	smul.u32 $0x14000, s0;
	_ =	strace $0x80000047;
	s5 =	ssub.s32 $0x2, s5  }
0x8: {  	s29 =	smul.u32 $0x50000, s0;
	s16 =	sshll.u32 s0, $0x6;
	s31 =	sshrl.u32 s5, $0x1  }
0x9: {  	s16 =	sor.u32 $0x1C01, s16;
	s6 =	sadd.s32 s7, s6;
	s30 =	sadd.s32 s9, s8  }
0xa: {  	s7 =	sshrl.u32 s29, $0x2;
	s10 =	sadd.s32 s6, s4;
	s6 =	sshrl.u32 s30, $0x3  }
0xb: {  	s12 =	ssub.s32 s5, s31;
	s11 =	sadd.s32 s6, s4;
	s4 =	sadd.s32 s7, s2  }
0xc: {  	s9 =	sadd.s32 $0x7000, s10;
	s5 =	sadd.s32 $0x4000, s4;
	s6 =	sadd.s32 $0x8000, s4  }
0xd: {  	vm0 =	vcmask $0x300;
	v0 =	vimm.f32 $0.0e+00;
	s7 =	sadd.s32 $0xC000, s4;
	s8 =	sadd.s32 $0x10000, s4;
	s10 =	sadd.s32 $0xC000, s11  }
0xe: {  	v1 =	vsel vm0, $0x3F800000, v0;
	s11 =	smax.u32 s12, $0x1;
	s12 =	simm.s32 $0x5400;
	s17 =	sshrl.u32 s4, $0x3  }
.LBB2_1:
0xf: {  	[tilespmem:$0x1400] =	vst v1  }
0x10: {  	[tilespmem:$0x5400] =	vst v0  }
0x11: {  	[tilespmem:$0x1480] =	vst v1  }
0x12: {  	[tilespmem:$0x5480] =	vst v0  }
0x13: {  	[tilespmem:$0x1500] =	vst v1  }
0x14: {  	[tilespmem:$0x5500] =	vst v0  }
0x15: {  	[tilespmem:$0x1580] =	vst v1  }
0x16: {  	[tilespmem:$0x5580] =	vst v0  }
0x17: {  	[tilespmem:$0x1600] =	vst v1  }
0x18: {  	[tilespmem:$0x5600] =	vst v0  }
0x19: {  	[tilespmem:$0x1680] =	vst v1  }
0x1a: {  	[tilespmem:$0x5680] =	vst v0  }
0x1b: {  	[tilespmem:$0x1700] =	vst v1  }
0x1c: {  	[tilespmem:$0x5700] =	vst v0  }
0x1d: {  	[tilespmem:$0x1780] =	vst v1  }
0x1e: {  	[tilespmem:$0x5780] =	vst v0  }
0x1f: {  	[tilespmem:$0x1800] =	vst v1  }
0x20: {  	[tilespmem:$0x5800] =	vst v0  }
0x21: {  	[tilespmem:$0x1880] =	vst v1  }
0x22: {  	[tilespmem:$0x5880] =	vst v0  }
0x23: {  	[tilespmem:$0x1900] =	vst v1  }
0x24: {  	[tilespmem:$0x5900] =	vst v0  }
0x25: {  	[tilespmem:$0x1980] =	vst v1  }
0x26: {  	[tilespmem:$0x5980] =	vst v0  }
0x27: {  	[tilespmem:$0x1A00] =	vst v1  }
0x28: {  	[tilespmem:$0x5A00] =	vst v0  }
0x29: {  	[tilespmem:$0x1A80] =	vst v1  }
0x2a: {  	[tilespmem:$0x5A80] =	vst v0  }
0x2b: {  	[tilespmem:$0x1B00] =	vst v1  }
0x2c: {  	[tilespmem:$0x5B00] =	vst v0  }
0x2d: {  	[tilespmem:$0x1B80] =	vst v1  }
0x2e: {  	[tilespmem:$0x5B80] =	vst v0  }
0x2f: {  	[tilespmem:$0x1C00] =	vst v1  }
0x30: {  	[tilespmem:$0x5C00] =	vst v0  }
0x31: {  	[tilespmem:$0x1C80] =	vst v1  }
0x32: {  	[tilespmem:$0x5C80] =	vst v0  }
0x33: {  	[tilespmem:$0x1D00] =	vst v1  }
0x34: {  	[tilespmem:$0x5D00] =	vst v0  }
0x35: {  	[tilespmem:$0x1D80] =	vst v1  }
0x36: {  	[tilespmem:$0x5D80] =	vst v0  }
0x37: {  	[tilespmem:$0x1E00] =	vst v1  }
0x38: {  	[tilespmem:$0x5E00] =	vst v0  }
0x39: {  	[tilespmem:$0x1E80] =	vst v1  }
0x3a: {  	[tilespmem:$0x5E80] =	vst v0  }
0x3b: {  	[tilespmem:$0x1F00] =	vst v1  }
0x3c: {  	[tilespmem:$0x5F00] =	vst v0  }
0x3d: {  	[tilespmem:$0x1F80] =	vst v1  }
0x3e: {  	[tilespmem:$0x5F80] =	vst v0  }
0x3f: {  	[tilespmem:$0x2000] =	vst v1  }
0x40: {  	[tilespmem:$0x6000] =	vst v0  }
0x41: {  	[tilespmem:$0x2080] =	vst v1  }
0x42: {  	[tilespmem:$0x6080] =	vst v0  }
0x43: {  	[tilespmem:$0x2100] =	vst v1  }
0x44: {  	[tilespmem:$0x6100] =	vst v0  }
0x45: {  	[tilespmem:$0x2180] =	vst v1  }
0x46: {  	[tilespmem:$0x6180] =	vst v0  }
0x47: {  	[tilespmem:$0x2200] =	vst v1  }
0x48: {  	[tilespmem:$0x6200] =	vst v0  }
0x49: {  	[tilespmem:$0x2280] =	vst v1  }
0x4a: {  	[tilespmem:$0x6280] =	vst v0  }
0x4b: {  	[tilespmem:$0x2300] =	vst v1  }
0x4c: {  	[tilespmem:$0x6300] =	vst v0  }
0x4d: {  	[tilespmem:$0x2380] =	vst v1  }
0x4e: {  	[tilespmem:$0x6380] =	vst v0  }
0x4f: {  	[tilespmem:$0x2400] =	vst v1  }
0x50: {  	[tilespmem:$0x6400] =	vst v0  }
0x51: {  	[tilespmem:$0x2480] =	vst v1  }
0x52: {  	[tilespmem:$0x6480] =	vst v0  }
0x53: {  	[tilespmem:$0x2500] =	vst v1  }
0x54: {  	[tilespmem:$0x6500] =	vst v0  }
0x55: {  	[tilespmem:$0x2580] =	vst v1  }
0x56: {  	[tilespmem:$0x6580] =	vst v0  }
0x57: {  	[tilespmem:$0x2600] =	vst v1  }
0x58: {  	[tilespmem:$0x6600] =	vst v0  }
0x59: {  	[tilespmem:$0x2680] =	vst v1  }
0x5a: {  	[tilespmem:$0x6680] =	vst v0  }
0x5b: {  	[tilespmem:$0x2700] =	vst v1  }
0x5c: {  	[tilespmem:$0x6700] =	vst v0  }
0x5d: {  	[tilespmem:$0x2780] =	vst v1  }
0x5e: {  	[tilespmem:$0x6780] =	vst v0  }
0x5f: {  	[tilespmem:$0x2800] =	vst v1  }
0x60: {  	[tilespmem:$0x6800] =	vst v0  }
0x61: {  	[tilespmem:$0x2880] =	vst v1  }
0x62: {  	[tilespmem:$0x6880] =	vst v0  }
0x63: {  	[tilespmem:$0x2900] =	vst v1  }
0x64: {  	[tilespmem:$0x6900] =	vst v0  }
0x65: {  	[tilespmem:$0x2980] =	vst v1  }
0x66: {  	[tilespmem:$0x6980] =	vst v0  }
0x67: {  	[tilespmem:$0x2A00] =	vst v1  }
0x68: {  	[tilespmem:$0x6A00] =	vst v0  }
0x69: {  	[tilespmem:$0x2A80] =	vst v1  }
0x6a: {  	[tilespmem:$0x6A80] =	vst v0  }
0x6b: {  	[tilespmem:$0x2B00] =	vst v1  }
0x6c: {  	[tilespmem:$0x6B00] =	vst v0  }
0x6d: {  	[tilespmem:$0x2B80] =	vst v1  }
0x6e: {  	[tilespmem:$0x6B80] =	vst v0  }
0x6f: {  	[tilespmem:$0x2C00] =	vst v1  }
0x70: {  	[tilespmem:$0x6C00] =	vst v0  }
0x71: {  	[tilespmem:$0x2C80] =	vst v1  }
0x72: {  	[tilespmem:$0x6C80] =	vst v0  }
0x73: {  	[tilespmem:$0x2D00] =	vst v1  }
0x74: {  	[tilespmem:$0x6D00] =	vst v0  }
0x75: {  	[tilespmem:$0x2D80] =	vst v1  }
0x76: {  	[tilespmem:$0x6D80] =	vst v0  }
0x77: {  	[tilespmem:$0x2E00] =	vst v1  }
0x78: {  	[tilespmem:$0x6E00] =	vst v0  }
0x79: {  	[tilespmem:$0x2E80] =	vst v1  }
0x7a: {  	[tilespmem:$0x6E80] =	vst v0  }
0x7b: {  	[tilespmem:$0x2F00] =	vst v1  }
0x7c: {  	[tilespmem:$0x6F00] =	vst v0  }
0x7d: {  	[tilespmem:$0x2F80] =	vst v1  }
0x7e: {  	[tilespmem:$0x6F80] =	vst v0  }
0x7f: {  	[tilespmem:$0x3000] =	vst v1  }
0x80: {  	[tilespmem:$0x7000] =	vst v0  }
0x81: {  	[tilespmem:$0x3080] =	vst v1  }
0x82: {  	[tilespmem:$0x7080] =	vst v0  }
0x83: {  	[tilespmem:$0x3100] =	vst v1  }
0x84: {  	[tilespmem:$0x7100] =	vst v0  }
0x85: {  	[tilespmem:$0x3180] =	vst v1  }
0x86: {  	[tilespmem:$0x7180] =	vst v0  }
0x87: {  	[tilespmem:$0x3200] =	vst v1  }
0x88: {  	[tilespmem:$0x7200] =	vst v0  }
0x89: {  	[tilespmem:$0x3280] =	vst v1  }
0x8a: {  	[tilespmem:$0x7280] =	vst v0  }
0x8b: {  	[tilespmem:$0x3300] =	vst v1  }
0x8c: {  	[tilespmem:$0x7300] =	vst v0  }
0x8d: {  	[tilespmem:$0x3380] =	vst v1  }
0x8e: {  	[tilespmem:$0x7380] =	vst v0  }
0x8f: {  	[tilespmem:$0x3400] =	vst v1  }
0x90: {  	[tilespmem:$0x7400] =	vst v0  }
0x91: {  	[tilespmem:$0x3480] =	vst v1  }
0x92: {  	[tilespmem:$0x7480] =	vst v0  }
0x93: {  	[tilespmem:$0x3500] =	vst v1  }
0x94: {  	[tilespmem:$0x7500] =	vst v0  }
0x95: {  	[tilespmem:$0x3580] =	vst v1  }
0x96: {  	[tilespmem:$0x7580] =	vst v0  }
0x97: {  	[tilespmem:$0x3600] =	vst v1  }
0x98: {  	[tilespmem:$0x7600] =	vst v0  }
0x99: {  	[tilespmem:$0x3680] =	vst v1  }
0x9a: {  	[tilespmem:$0x7680] =	vst v0  }
0x9b: {  	[tilespmem:$0x3700] =	vst v1  }
0x9c: {  	[tilespmem:$0x7700] =	vst v0  }
0x9d: {  	[tilespmem:$0x3780] =	vst v1  }
0x9e: {  	[tilespmem:$0x7780] =	vst v0  }
0x9f: {  	[tilespmem:$0x3800] =	vst v1  }
0xa0: {  	[tilespmem:$0x7800] =	vst v0  }
0xa1: {  	[tilespmem:$0x3880] =	vst v1  }
0xa2: {  	[tilespmem:$0x7880] =	vst v0  }
0xa3: {  	[tilespmem:$0x3900] =	vst v1  }
0xa4: {  	[tilespmem:$0x7900] =	vst v0  }
0xa5: {  	[tilespmem:$0x3980] =	vst v1  }
0xa6: {  	[tilespmem:$0x7980] =	vst v0  }
0xa7: {  	[tilespmem:$0x3A00] =	vst v1  }
0xa8: {  	[tilespmem:$0x7A00] =	vst v0  }
0xa9: {  	[tilespmem:$0x3A80] =	vst v1  }
0xaa: {  	[tilespmem:$0x7A80] =	vst v0  }
0xab: {  	[tilespmem:$0x3B00] =	vst v1  }
0xac: {  	[tilespmem:$0x7B00] =	vst v0  }
0xad: {  	[tilespmem:$0x3B80] =	vst v1  }
0xae: {  	[tilespmem:$0x7B80] =	vst v0  }
0xaf: {  	[tilespmem:$0x3C00] =	vst v1  }
0xb0: {  	[tilespmem:$0x7C00] =	vst v0  }
0xb1: {  	[tilespmem:$0x3C80] =	vst v1  }
0xb2: {  	[tilespmem:$0x7C80] =	vst v0  }
0xb3: {  	[tilespmem:$0x3D00] =	vst v1  }
0xb4: {  	[tilespmem:$0x7D00] =	vst v0  }
0xb5: {  	[tilespmem:$0x3D80] =	vst v1  }
0xb6: {  	[tilespmem:$0x7D80] =	vst v0  }
0xb7: {  	[tilespmem:$0x3E00] =	vst v1  }
0xb8: {  	[tilespmem:$0x7E00] =	vst v0  }
0xb9: {  	[tilespmem:$0x3E80] =	vst v1  }
0xba: {  	[tilespmem:$0x7E80] =	vst v0  }
0xbb: {  	[tilespmem:$0x3F00] =	vst v1  }
0xbc: {  	[tilespmem:$0x7F00] =	vst v0  }
0xbd: {  	[tilespmem:$0x3F80] =	vst v1  }
0xbe: {  	[tilespmem:$0x7F80] =	vst v0  }
0xbf: {  	[tilespmem:$0x4000] =	vst v1  }
0xc0: {  	[tilespmem:$0x8000] =	vst v0  }
0xc1: {  	[tilespmem:$0x4080] =	vst v1  }
0xc2: {  	[tilespmem:$0x8080] =	vst v0  }
0xc3: {  	[tilespmem:$0x4100] =	vst v1  }
0xc4: {  	[tilespmem:$0x8100] =	vst v0  }
0xc5: {  	[tilespmem:$0x4180] =	vst v1  }
0xc6: {  	[tilespmem:$0x8180] =	vst v0  }
0xc7: {  	[tilespmem:$0x4200] =	vst v1  }
0xc8: {  	[tilespmem:$0x8200] =	vst v0  }
0xc9: {  	[tilespmem:$0x4280] =	vst v1  }
0xca: {  	[tilespmem:$0x8280] =	vst v0  }
0xcb: {  	[tilespmem:$0x4300] =	vst v1  }
0xcc: {  	[tilespmem:$0x8300] =	vst v0  }
0xcd: {  	[tilespmem:$0x4380] =	vst v1  }
0xce: {  	[tilespmem:$0x8380] =	vst v0  }
0xcf: {  	[tilespmem:$0x4400] =	vst v1  }
0xd0: {  	[tilespmem:$0x8400] =	vst v0  }
0xd1: {  	[tilespmem:$0x4480] =	vst v1  }
0xd2: {  	[tilespmem:$0x8480] =	vst v0  }
0xd3: {  	[tilespmem:$0x4500] =	vst v1  }
0xd4: {  	[tilespmem:$0x8500] =	vst v0  }
0xd5: {  	[tilespmem:$0x4580] =	vst v1  }
0xd6: {  	[tilespmem:$0x8580] =	vst v0  }
0xd7: {  	[tilespmem:$0x4600] =	vst v1  }
0xd8: {  	[tilespmem:$0x8600] =	vst v0  }
0xd9: {  	[tilespmem:$0x4680] =	vst v1  }
0xda: {  	[tilespmem:$0x8680] =	vst v0  }
0xdb: {  	[tilespmem:$0x4700] =	vst v1  }
0xdc: {  	[tilespmem:$0x8700] =	vst v0  }
0xdd: {  	[tilespmem:$0x4780] =	vst v1  }
0xde: {  	[tilespmem:$0x8780] =	vst v0  }
0xdf: {  	[tilespmem:$0x4800] =	vst v1  }
0xe0: {  	[tilespmem:$0x8800] =	vst v0  }
0xe1: {  	[tilespmem:$0x4880] =	vst v1  }
0xe2: {  	[tilespmem:$0x8880] =	vst v0  }
0xe3: {  	[tilespmem:$0x4900] =	vst v1  }
0xe4: {  	[tilespmem:$0x8900] =	vst v0  }
0xe5: {  	[tilespmem:$0x4980] =	vst v1  }
0xe6: {  	[tilespmem:$0x8980] =	vst v0  }
0xe7: {  	[tilespmem:$0x4A00] =	vst v1  }
0xe8: {  	[tilespmem:$0x8A00] =	vst v0  }
0xe9: {  	[tilespmem:$0x4A80] =	vst v1  }
0xea: {  	[tilespmem:$0x8A80] =	vst v0  }
0xeb: {  	[tilespmem:$0x4B00] =	vst v1  }
0xec: {  	[tilespmem:$0x8B00] =	vst v0  }
0xed: {  	[tilespmem:$0x4B80] =	vst v1  }
0xee: {  	[tilespmem:$0x8B80] =	vst v0  }
0xef: {  	[tilespmem:$0x4C00] =	vst v1  }
0xf0: {  	[tilespmem:$0x8C00] =	vst v0  }
0xf1: {  	[tilespmem:$0x4C80] =	vst v1  }
0xf2: {  	[tilespmem:$0x8C80] =	vst v0  }
0xf3: {  	[tilespmem:$0x4D00] =	vst v1  }
0xf4: {  	[tilespmem:$0x8D00] =	vst v0  }
0xf5: {  	[tilespmem:$0x4D80] =	vst v1  }
0xf6: {  	[tilespmem:$0x8D80] =	vst v0  }
0xf7: {  	[tilespmem:$0x4E00] =	vst v1  }
0xf8: {  	[tilespmem:$0x8E00] =	vst v0  }
0xf9: {  	[tilespmem:$0x4E80] =	vst v1  }
0xfa: {  	[tilespmem:$0x8E80] =	vst v0  }
0xfb: {  	[tilespmem:$0x4F00] =	vst v1  }
0xfc: {  	[tilespmem:$0x8F00] =	vst v0  }
0xfd: {  	[tilespmem:$0x4F80] =	vst v1  }
0xfe: {  	[tilespmem:$0x8F80] =	vst v0  }
0xff: {  	[tilespmem:$0x5000] =	vst v1  }
0x100: {  	[tilespmem:$0x9000] =	vst v0  }
0x101: {  	[tilespmem:$0x5080] =	vst v1  }
0x102: {  	[tilespmem:$0x9080] =	vst v0  }
0x103: {  	[tilespmem:$0x5100] =	vst v1  }
0x104: {  	[tilespmem:$0x9100] =	vst v0  }
0x105: {  	[tilespmem:$0x5180] =	vst v1  }
0x106: {  	[tilespmem:$0x9180] =	vst v0  }
0x107: {  	[tilespmem:$0x5200] =	vst v1  }
0x108: {  	[tilespmem:$0x9200] =	vst v0  }
0x109: {  	[tilespmem:$0x5280] =	vst v1  }
0x10a: {  	[tilespmem:$0x9280] =	vst v0  }
0x10b: {  	[tilespmem:$0x5300] =	vst v1  }
0x10c: {  	[tilespmem:$0x9300] =	vst v0  }
0x10d: {  	[tilespmem:$0x5380] =	vst v1  }
0x10e: {  	[tilespmem:$0x9380] =	vst v0  }
0x10f: {  	[spmem:s4] =	stream.linear.scatter [tilespmem:s12], [sflag:$0x1], $0x4000, $0x38;
	[tilespmem:$0xBC00] =	vst v63  }
0x110: {  	_ =	swait.ge [sflag:s13], $0x4000  }
0x111: {  	[sflag:s13] =	ssyncset.done $0x0  }
0x112: {  	[sflag:s13] =	ssyncadd.s32 $0xFFFFC000  }
0x113: {  	[spmem:s5] =	stream.linear.scatter [tilespmem:s12], [sflag:$0x1], $0x4000, $0x38;
	[tilespmem:$0xBC00] =	vst v63  }
0x114: {  	_ =	swait.ge [sflag:s13], $0x4000  }
0x115: {  	[sflag:s13] =	ssyncset.done $0x0  }
0x116: {  	[sflag:s13] =	ssyncadd.s32 $0xFFFFC000  }
0x117: {  	[spmem:s6] =	stream.linear.scatter [tilespmem:s12], [sflag:$0x1], $0x4000, $0x38;
	[tilespmem:$0xBC00] =	vst v63  }
0x118: {  	_ =	swait.ge [sflag:s13], $0x4000  }
0x119: {  	[sflag:s13] =	ssyncset.done $0x0  }
0x11a: {  	[sflag:s13] =	ssyncadd.s32 $0xFFFFC000  }
0x11b: {  	[spmem:s7] =	stream.linear.scatter [tilespmem:s12], [sflag:$0x1], $0x4000, $0x38;
	[tilespmem:$0xBC00] =	vst v63  }
0x11c: {  	_ =	swait.ge [sflag:s13], $0x4000  }
0x11d: {  	[sflag:s13] =	ssyncset.done $0x0  }
0x11e: {  	[sflag:s13] =	ssyncadd.s32 $0xFFFFC000  }
0x11f: {  	[spmem:s8] =	stream.linear.scatter [tilespmem:s12], [sflag:$0x1], $0x4000, $0x38;
	[tilespmem:$0xBC00] =	vst v63  }
0x120: {  	_ =	swait.ge [sflag:s13], $0x4000  }
0x121: {  	[sflag:s13] =	ssyncset.done $0x0  }
0x122: {  	[sflag:s13] =	ssyncadd.s32 $0xFFFFC000  }
0x123: {  	[tilespmem:s3], [sflag:$0x1] =	stream.linear.gather [hbm4b:s9+s3], $0x1400, $0x38;
	[tilespmem:$0xBC00] =	vst v63  }
0x124: {  	_ =	swait.ge [sflag:s13], $0x1400  }
0x125: {  	[sflag:s13] =	ssyncset.done $0x0  }
0x126: {  	[sflag:s13] =	ssyncadd.s32 $0xFFFFEC00  }
0x127: {  	s19 =	simm.s32 $0x0;
	[bflag:$0x0] =	sbarrier.arrive $0xFFFF  }
0x128: {  	[spmem:s2] =	stream.indirect.scatter.add.f32 [tilespmem:s15], [sflag:$0x1], $0x10, s19, s14, $0xb8;
	[tilespmem:$0xBC00] =	vst v63  }
0x129: {  	_ =	swait.ge [sflag:s13], $0x800  }
0x12a: {  	s19 =	simm.s32 $0x200;
	[sflag:s13] =	ssyncset.done $0x0  }
.LBB2_2:
0x12b: {  	s20 =	sshra.s32 s19, $0x2;
	[sflag:s13] =	ssyncadd.s32 $0xFFFFF800;
	p0 =	sne.s32 s19, $0x4E00  }
0x12c: {  	[spmem:s2] =	stream.indirect.scatter.add.f32 [tilespmem:s15], [sflag:$0x1], $0x10, s20, s14, $0xb8;
	[tilespmem:$0xBC00] =	vst v63  }
.Ltmp0:
0x12d: {  	_ = 	snop;
	(pc) =	sbr.rel @p0 .LBB2_2-.Ltmp0, $4  }
0x12e: {  	_ = 	snop  }
0x12f: {  	s19 =	sadd.s32 $0x200, s19  }
0x130: {  	_ =	swait.ge [sflag:s13], $0x800  }
0x131: {  	[sflag:s13] =	ssyncset.done $0x0  }
0x132: {  	s18 =	sadd.s32 $0x1, s18  }
0x133: {  	[sflag:s13] =	ssyncadd.s32 $0xFFFFF800;
	p0 =	sne.s32 s18, s11  }
.Ltmp1:
0x134: {  	[bflag:$0x0] =	sbarrier.arrive $0xFFFF;
	(pc) =	sbr.rel @p0 .LBB2_1-.Ltmp1, $4  }
0x135: {  	[hbm:s10], [sflag:s16] =	dma.local [spmem:s17], $0x2800  }
0x136: {  	_ =	swait.ge [sflag:s13], $0x2800  }
0x137: {  	[sflag:s13] =	ssyncset.done $0x0  }
0x138: {  	[sflag:s13] =	ssyncadd.s32 $0xFFFFD800  }
0x139: {  	_ =	sfence.sel $0x180000  }
0x13a: {  	[bflag:$0x0] =	sbarrier.arrive $0xFFFF  }
0x13b: {  	p0 =	sne.s32 s0, $0x0;
	_ =	strace $0x90000047  }
0x13c: {  	s0 =	sadd.s32 @!p0 $0x100000, s1;
	[bflag:$0x2] =	sbarrier.arrive $0xFFFF  }
0x13d: {  	[sflag:s0] =	ssyncadd.tile.s32 @!p0 $0x1;
	_ =	shalt  }
.Lfunc_end2:
_tile_overlayer_lowered:
.L_overlay_start_2:
0x13e: {  	(tag) =	ssettag $0x2  }
0x13f: {  	s0 =	rddreg [dreg:$0x0];
	s2 =	stileid.u32  }
0x140: {  	s1 =	rddreg [dreg:$0x1];
	p0 =	sne.s32 s2, $0x0  }
0x141: {  	s3 =	rddreg [dreg:$0x2];
	[bflag:$0x3] =	sbarrier.arrive $0xFFFF;
	s2 =	simm.s32 @!p0 $0x1C01  }
0x142: {  	[timem:s3], [sflag:s2] =	dma.local @!p0 [hbm:s0], s1  }
0x143: {  	s0 =	simm.s32 @!p0 $0x1  }
0x144: {  	_ =	swait.ge @!p0 [sflag:s0], s1  }
0x145: {  	s1 =	ssub.s32 @!p0 $0x0, s1;
	[sflag:s0] =	ssyncset.done @!p0 $0x0  }
0x146: {  	[sflag:s0] =	ssyncadd.s32 @!p0 s1  }
0x147: {  	[bflag:$0x3] =	sbarrier.arrive $0xFFFF  }
0x148: {  	_ =	shalt  }

</sc_bundles>
